<compile_context>
chip_gen: v7x
topology: tpu7x:2x2x1
jax: 0.10.2.dev20260603
libtpu: 0.0.44.dev20260713+nightly
codegen_flags: <defaults>
</compile_context>

<pallas_src>
import jax
import jax.numpy as jnp
from jax.experimental import pallas as pl
from jax.experimental.pallas import tpu as pltpu
from jax.experimental.pallas import tpu_sc as plsc
from jax import lax

NUM_EMBEDDINGS = 1000000
D = 64
BATCH = 16384
SEQ = 50
B_TOTAL = BATCH * SEQ

NC = 2
NS = 16
NW = NC * NS

B_PER_W = B_TOTAL // NW
CHUNK = 800
BPC = CHUNK // SEQ
N_CHUNKS = B_PER_W // CHUNK


def _gather_body(ids_hbm, table_hbm, out_hbm,
                 idx0, idx1, idx2, idx3, rows0, rows1,
                 si0, si1, si2, si3, sg0, sg1, so0, so1):
    idx = [idx0, idx1, idx2, idx3]
    sem_i = [si0, si1, si2, si3]
    rows = [rows0, rows1]
    sem_g = [sg0, sg1]
    sem_o = [so0, so1]

    wid = lax.axis_index("s") * NC + lax.axis_index("c")
    base = wid * B_PER_W
    base_b = wid * (B_PER_W // SEQ)

    def ids_at(g):
        return ids_hbm.at[pl.ds(base + g * CHUNK, CHUNK)]

    def write_out(g, rb):
        b0 = base_b + g * BPC
        for i in range(BPC):
            pltpu.async_copy(
                rows[rb].at[pl.ds(i * SEQ, SEQ)],
                out_hbm.at[b0 + i, pl.ds(0, SEQ), pl.ds(0, D)], sem_o[rb])

    def drain_out(rb):
        for _ in range(BPC):
            pltpu.make_async_copy(
                rows[rb].at[pl.ds(0, SEQ)],
                out_hbm.at[0, pl.ds(0, SEQ), pl.ds(0, D)], sem_o[rb]).wait()

    for b in range(4):
        pltpu.async_copy(ids_at(b), idx[b], sem_i[b])

    @pl.loop(0, N_CHUNKS, step=4)
    def _steps(g0):
        for b in range(4):
            g = g0 + b
            rb = b % 2
            pltpu.make_async_copy(ids_at(g), idx[b], sem_i[b]).wait()

            @pl.when(g >= 2)
            def _():
                drain_out(rb)

            pltpu.async_copy(table_hbm.at[idx[b]], rows[rb], sem_g[rb])

            @pl.when(g >= 1)
            def _():
                pb = (b + 1) % 2
                ib = (b + 3) % 4
                pltpu.make_async_copy(
                    table_hbm.at[idx[ib]], rows[pb], sem_g[pb]).wait()
                write_out(g - 1, pb)

                @pl.when(g + 3 < N_CHUNKS)
                def _():
                    pltpu.async_copy(ids_at(g + 3), idx[ib], sem_i[ib])

    last = N_CHUNKS - 1
    pltpu.make_async_copy(table_hbm.at[idx[3]], rows[1], sem_g[1]).wait()
    write_out(last, 1)
    drain_out(0)
    drain_out(1)


@jax.jit
def _embedding_gather(ids_flat, table):
    mesh = plsc.VectorSubcoreMesh(
        core_axis_name="c", subcore_axis_name="s", num_cores=NC, num_subcores=NS
    )
    return pl.kernel(
        _gather_body,
        out_type=jax.ShapeDtypeStruct((BATCH, 56, 128), jnp.float32),
        mesh=mesh,
        scratch_types=[
            pltpu.VMEM((CHUNK,), jnp.int32),
            pltpu.VMEM((CHUNK,), jnp.int32),
            pltpu.VMEM((CHUNK,), jnp.int32),
            pltpu.VMEM((CHUNK,), jnp.int32),
            pltpu.VMEM((CHUNK, D), jnp.float32),
            pltpu.VMEM((CHUNK, D), jnp.float32),
            pltpu.SemaphoreType.DMA,
            pltpu.SemaphoreType.DMA,
            pltpu.SemaphoreType.DMA,
            pltpu.SemaphoreType.DMA,
            pltpu.SemaphoreType.DMA,
            pltpu.SemaphoreType.DMA,
            pltpu.SemaphoreType.DMA,
            pltpu.SemaphoreType.DMA,
        ],
        compiler_params=pltpu.CompilerParams(use_tc_tiling_on_sc=False),
    )(ids_flat, table)


def kernel(input_ids, attention_mask, table):
    ids_flat = input_ids.reshape(-1).astype(jnp.int32)
    out6 = _embedding_gather(ids_flat, table)
    return out6[:, :SEQ, :D]

# --- scband reference (transcript-rebuilt; emitter-appended) ---
"""Pipeline reference for scband-embedding-model-38457137168986 (READ-ONLY COPY).

The authoritative reference and input builder live on the scoring server;
editing this copy changes nothing except your own understanding.
"""

import jax, jax.numpy as jnp
import numpy as np

NUM_EMBEDDINGS = 1000000
EMBEDDING_DIM = 64
BATCH = 16384
SEQ = 50

def setup_inputs(seed: int = 0) -> dict:
    key = jax.random.key(seed)
    k1, k2 = jax.random.split(key)
    input_ids = jax.random.randint(k1, (BATCH, SEQ), 0, NUM_EMBEDDINGS, dtype=jnp.int64 if jax.config.jax_enable_x64 else jnp.int32)
    attention_mask = jnp.ones((BATCH, SEQ), dtype=jnp.float32)
    table = jax.random.normal(k2, (NUM_EMBEDDINGS, EMBEDDING_DIM), dtype=jnp.float32)
    return {"input_ids": input_ids, "attention_mask": attention_mask, "table": table}

def reference(input_ids, attention_mask, table):
    # nn.Embedding forward: pure gather; attention_mask is ignored by the module
    return jnp.take(table, input_ids, axis=0)

if __name__ == "__main__":
    import jax
    _d = setup_inputs()
    print(jax.jit(kernel)(*tuple(_d.values())))

</pallas_src>

<mosaic_0001>
#map = affine_map<(d0, d1) -> (0)>
#map1 = affine_map<(d0, d1) -> (0, 0)>
#map2 = affine_map<(d0, d1) -> (0, 0, 0)>
module attributes {stable_mosaic.version = 14 : i64} {
  func.func @_gather_body(%arg0: i32, %arg1: i32, %arg2: memref<819200xi32, #tpu.memory_space<hbm>>, %arg3: memref<1000000x64xf32, #tpu.memory_space<hbm>>, %arg4: memref<16384x56x128xf32, #tpu.memory_space<hbm>>, %arg5: memref<800xi32, #tpu.memory_space<vmem>>, %arg6: memref<800xi32, #tpu.memory_space<vmem>>, %arg7: memref<800xi32, #tpu.memory_space<vmem>>, %arg8: memref<800xi32, #tpu.memory_space<vmem>>, %arg9: memref<800x64xf32, #tpu.memory_space<vmem>>, %arg10: memref<800x64xf32, #tpu.memory_space<vmem>>, %arg11: memref<!tpu.dma_semaphore, #tpu.memory_space<semaphore_mem>>, %arg12: memref<!tpu.dma_semaphore, #tpu.memory_space<semaphore_mem>>, %arg13: memref<!tpu.dma_semaphore, #tpu.memory_space<semaphore_mem>>, %arg14: memref<!tpu.dma_semaphore, #tpu.memory_space<semaphore_mem>>, %arg15: memref<!tpu.dma_semaphore, #tpu.memory_space<semaphore_mem>>, %arg16: memref<!tpu.dma_semaphore, #tpu.memory_space<semaphore_mem>>, %arg17: memref<!tpu.dma_semaphore, #tpu.memory_space<semaphore_mem>>, %arg18: memref<!tpu.dma_semaphore, #tpu.memory_space<semaphore_mem>>) attributes {dimension_semantics = [#tpu.dimension_semantics<core_parallel>, #tpu.dimension_semantics<subcore_parallel>], iteration_bounds = array<i64: 2, 16>, scalar_prefetch = 0 : i64, scratch_operands = 14 : i64, tpu.core_type = #tpu.core_type<sc_vector_subcore>, window_params = [{transform_indices = #map}, {transform_indices = #map1}, {transform_indices = #map2}]} {
    %mul3A = arith.constant 2 : i32
    %mul3A_0 = arith.muli %arg1, %mul3A : i32
    %add3A = arith.addi %mul3A_0, %arg0 : i32
    %mul3A_1 = arith.constant 25600 : i32
    %mul3A_2 = arith.muli %add3A, %mul3A_1 : i32
    %mul3A_3 = arith.constant 512 : i32
    %mul3A_4 = arith.muli %add3A, %mul3A_3 : i32
    %add3A_5 = arith.constant 0 : i32
    %add3A_6 = arith.addi %mul3A_2, %add3A_5 : i32
    %dma_start3A = tpu.memref_slice %arg2[%add3A_6] : memref<819200xi32, #tpu.memory_space<hbm>> -> memref<800xi32, #tpu.memory_space<hbm>>
    %dma_start3A_7 = tpu.memref_slice %arg2[%add3A_6] : memref<819200xi32, #tpu.memory_space<hbm>> -> memref<800xi32, #tpu.memory_space<hbm>>
    tpu.enqueue_dma source(%dma_start3A_7 : memref<800xi32, #tpu.memory_space<hbm>>) target(%arg5 : memref<800xi32, #tpu.memory_space<vmem>>) target_semaphore(%arg11 : memref<!tpu.dma_semaphore, #tpu.memory_space<semaphore_mem>>)
    %add3A_8 = arith.constant 800 : i32
    %add3A_9 = arith.addi %mul3A_2, %add3A_8 : i32
    %dma_start3A_10 = tpu.memref_slice %arg2[%add3A_9] : memref<819200xi32, #tpu.memory_space<hbm>> -> memref<800xi32, #tpu.memory_space<hbm>>
    %dma_start3A_11 = tpu.memref_slice %arg2[%add3A_9] : memref<819200xi32, #tpu.memory_space<hbm>> -> memref<800xi32, #tpu.memory_space<hbm>>
    tpu.enqueue_dma source(%dma_start3A_11 : memref<800xi32, #tpu.memory_space<hbm>>) target(%arg6 : memref<800xi32, #tpu.memory_space<vmem>>) target_semaphore(%arg12 : memref<!tpu.dma_semaphore, #tpu.memory_space<semaphore_mem>>)
    %add3A_12 = arith.constant 1600 : i32
    %add3A_13 = arith.addi %mul3A_2, %add3A_12 : i32
    %dma_start3A_14 = tpu.memref_slice %arg2[%add3A_13] : memref<819200xi32, #tpu.memory_space<hbm>> -> memref<800xi32, #tpu.memory_space<hbm>>
    %dma_start3A_15 = tpu.memref_slice %arg2[%add3A_13] : memref<819200xi32, #tpu.memory_space<hbm>> -> memref<800xi32, #tpu.memory_space<hbm>>
    tpu.enqueue_dma source(%dma_start3A_15 : memref<800xi32, #tpu.memory_space<hbm>>) target(%arg7 : memref<800xi32, #tpu.memory_space<vmem>>) target_semaphore(%arg13 : memref<!tpu.dma_semaphore, #tpu.memory_space<semaphore_mem>>)
    %add3A_16 = arith.constant 2400 : i32
    %add3A_17 = arith.addi %mul3A_2, %add3A_16 : i32
    %dma_start3A_18 = tpu.memref_slice %arg2[%add3A_17] : memref<819200xi32, #tpu.memory_space<hbm>> -> memref<800xi32, #tpu.memory_space<hbm>>
    %dma_start3A_19 = tpu.memref_slice %arg2[%add3A_17] : memref<819200xi32, #tpu.memory_space<hbm>> -> memref<800xi32, #tpu.memory_space<hbm>>
    tpu.enqueue_dma source(%dma_start3A_19 : memref<800xi32, #tpu.memory_space<hbm>>) target(%arg8 : memref<800xi32, #tpu.memory_space<vmem>>) target_semaphore(%arg14 : memref<!tpu.dma_semaphore, #tpu.memory_space<semaphore_mem>>)
    %scan3A = arith.constant 0 : i32
    %scan3A_20 = arith.constant 8 : i32
    %scan3A_21 = arith.addi %scan3A, %scan3A_20 : i32
    %scan3A_22 = arith.constant 1 : i32
    scf.for %scan3A_764 = %scan3A to %scan3A_21 step %scan3A_22  : i32 {
      %mul3A_765 = arith.constant 4 : i32
      %mul3A_766 = arith.muli %scan3A_764, %mul3A_765 : i32
      %add3A_767 = arith.constant 0 : i32
      %add3A_768 = arith.addi %add3A_767, %mul3A_766 : i32
      %add3A_769 = arith.constant 0 : i32
      %add3A_770 = arith.addi %add3A_768, %add3A_769 : i32
      %mul3A_771 = arith.constant 800 : i32
      %mul3A_772 = arith.muli %add3A_770, %mul3A_771 : i32
      %add3A_773 = arith.addi %mul3A_2, %mul3A_772 : i32
      %dma_wait3A_774 = tpu.memref_slice %arg2[%add3A_773] : memref<819200xi32, #tpu.memory_space<hbm>> -> memref<800xi32, #tpu.memory_space<hbm>>
      %dma_wait3A_775 = tpu.memref_slice %arg2[%add3A_773] : memref<819200xi32, #tpu.memory_space<hbm>> -> memref<800xi32, #tpu.memory_space<hbm>>
      tpu.wait_dma2 semaphore(%arg11 : memref<!tpu.dma_semaphore, #tpu.memory_space<semaphore_mem>>) src(%dma_wait3A_775 : memref<800xi32, #tpu.memory_space<hbm>>) dst(%arg5 : memref<800xi32, #tpu.memory_space<vmem>>)
      %ge3A = arith.constant 2 : i32
      %ge3A_776 = arith.cmpi sge, %add3A_770, %ge3A : i32
      %convert_element_type3A = arith.extui %ge3A_776 : i1 to i32
      %cond3A = arith.constant 0 : i32
      %cond3A_777 = arith.cmpi ne, %convert_element_type3A, %cond3A : i32
      scf.if %cond3A_777 {
        %dma_wait3A_846 = arith.constant 0 : i32
        %dma_wait3A_847 = arith.constant 0 : i32
        %dma_wait3A_848 = arith.constant 0 : i32
        %dma_wait3A_849 = tpu.memref_slice %arg9[%dma_wait3A_847, %dma_wait3A_848] : memref<800x64xf32, #tpu.memory_space<vmem>> -> memref<50x64xf32, #tpu.memory_space<vmem>>
        %dma_wait3A_850 = arith.constant 0 : i32
        %dma_wait3A_851 = arith.constant 0 : i32
        %dma_wait3A_852 = tpu.memref_slice %arg4[%dma_wait3A_846, %dma_wait3A_850, %dma_wait3A_851] : memref<16384x56x128xf32, #tpu.memory_space<hbm>> -> memref<1x50x64xf32, #tpu.memory_space<hbm>>
        %dma_wait3A_853 = tpu.memref_squeeze %dma_wait3A_852 : memref<1x50x64xf32, #tpu.memory_space<hbm>> -> memref<50x64xf32, #tpu.memory_space<hbm>>
        %dma_wait3A_854 = arith.constant 0 : i32
        %dma_wait3A_855 = arith.constant 0 : i32
        %dma_wait3A_856 = tpu.memref_slice %arg4[%dma_wait3A_846, %dma_wait3A_854, %dma_wait3A_855] : memref<16384x56x128xf32, #tpu.memory_space<hbm>> -> memref<1x50x64xf32, #tpu.memory_space<hbm>>
        %dma_wait3A_857 = tpu.memref_squeeze %dma_wait3A_856 : memref<1x50x64xf32, #tpu.memory_space<hbm>> -> memref<50x64xf32, #tpu.memory_space<hbm>>
        %dma_wait3A_858 = arith.constant 0 : i32
        %dma_wait3A_859 = arith.constant 0 : i32
        %dma_wait3A_860 = tpu.memref_slice %arg9[%dma_wait3A_858, %dma_wait3A_859] : memref<800x64xf32, #tpu.memory_space<vmem>> -> memref<50x64xf32, #tpu.memory_space<vmem>>
        tpu.wait_dma2 semaphore(%arg17 : memref<!tpu.dma_semaphore, #tpu.memory_space<semaphore_mem>>) src(%dma_wait3A_860 : memref<50x64xf32, #tpu.memory_space<vmem>>) dst(%dma_wait3A_857 : memref<50x64xf32, #tpu.memory_space<hbm>>)
        %dma_wait3A_861 = arith.constant 0 : i32
        %dma_wait3A_862 = arith.constant 0 : i32
        %dma_wait3A_863 = arith.constant 0 : i32
        %dma_wait3A_864 = tpu.memref_slice %arg9[%dma_wait3A_862, %dma_wait3A_863] : memref<800x64xf32, #tpu.memory_space<vmem>> -> memref<50x64xf32, #tpu.memory_space<vmem>>
        %dma_wait3A_865 = arith.constant 0 : i32
        %dma_wait3A_866 = arith.constant 0 : i32
        %dma_wait3A_867 = tpu.memref_slice %arg4[%dma_wait3A_861, %dma_wait3A_865, %dma_wait3A_866] : memref<16384x56x128xf32, #tpu.memory_space<hbm>> -> memref<1x50x64xf32, #tpu.memory_space<hbm>>
        %dma_wait3A_868 = tpu.memref_squeeze %dma_wait3A_867 : memref<1x50x64xf32, #tpu.memory_space<hbm>> -> memref<50x64xf32, #tpu.memory_space<hbm>>
        %dma_wait3A_869 = arith.constant 0 : i32
        %dma_wait3A_870 = arith.constant 0 : i32
        %dma_wait3A_871 = tpu.memref_slice %arg4[%dma_wait3A_861, %dma_wait3A_869, %dma_wait3A_870] : memref<16384x56x128xf32, #tpu.memory_space<hbm>> -> memref<1x50x64xf32, #tpu.memory_space<hbm>>
        %dma_wait3A_872 = tpu.memref_squeeze %dma_wait3A_871 : memref<1x50x64xf32, #tpu.memory_space<hbm>> -> memref<50x64xf32, #tpu.memory_space<hbm>>
        %dma_wait3A_873 = arith.constant 0 : i32
        %dma_wait3A_874 = arith.constant 0 : i32
        %dma_wait3A_875 = tpu.memref_slice %arg9[%dma_wait3A_873, %dma_wait3A_874] : memref<800x64xf32, #tpu.memory_space<vmem>> -> memref<50x64xf32, #tpu.memory_space<vmem>>
        tpu.wait_dma2 semaphore(%arg17 : memref<!tpu.dma_semaphore, #tpu.memory_space<semaphore_mem>>) src(%dma_wait3A_875 : memref<50x64xf32, #tpu.memory_space<vmem>>) dst(%dma_wait3A_872 : memref<50x64xf32, #tpu.memory_space<hbm>>)
        %dma_wait3A_876 = arith.constant 0 : i32
        %dma_wait3A_877 = arith.constant 0 : i32
        %dma_wait3A_878 = arith.constant 0 : i32
        %dma_wait3A_879 = tpu.memref_slice %arg9[%dma_wait3A_877, %dma_wait3A_878] : memref<800x64xf32, #tpu.memory_space<vmem>> -> memref<50x64xf32, #tpu.memory_space<vmem>>
        %dma_wait3A_880 = arith.constant 0 : i32
        %dma_wait3A_881 = arith.constant 0 : i32
        %dma_wait3A_882 = tpu.memref_slice %arg4[%dma_wait3A_876, %dma_wait3A_880, %dma_wait3A_881] : memref<16384x56x128xf32, #tpu.memory_space<hbm>> -> memref<1x50x64xf32, #tpu.memory_space<hbm>>
        %dma_wait3A_883 = tpu.memref_squeeze %dma_wait3A_882 : memref<1x50x64xf32, #tpu.memory_space<hbm>> -> memref<50x64xf32, #tpu.memory_space<hbm>>
        %dma_wait3A_884 = arith.constant 0 : i32
        %dma_wait3A_885 = arith.constant 0 : i32
        %dma_wait3A_886 = tpu.memref_slice %arg4[%dma_wait3A_876, %dma_wait3A_884, %dma_wait3A_885] : memref<16384x56x128xf32, #tpu.memory_space<hbm>> -> memref<1x50x64xf32, #tpu.memory_space<hbm>>
        %dma_wait3A_887 = tpu.memref_squeeze %dma_wait3A_886 : memref<1x50x64xf32, #tpu.memory_space<hbm>> -> memref<50x64xf32, #tpu.memory_space<hbm>>
        %dma_wait3A_888 = arith.constant 0 : i32
        %dma_wait3A_889 = arith.constant 0 : i32
        %dma_wait3A_890 = tpu.memref_slice %arg9[%dma_wait3A_888, %dma_wait3A_889] : memref<800x64xf32, #tpu.memory_space<vmem>> -> memref<50x64xf32, #tpu.memory_space<vmem>>
        tpu.wait_dma2 semaphore(%arg17 : memref<!tpu.dma_semaphore, #tpu.memory_space<semaphore_mem>>) src(%dma_wait3A_890 : memref<50x64xf32, #tpu.memory_space<vmem>>) dst(%dma_wait3A_887 : memref<50x64xf32, #tpu.memory_space<hbm>>)
        %dma_wait3A_891 = arith.constant 0 : i32
        %dma_wait3A_892 = arith.constant 0 : i32
        %dma_wait3A_893 = arith.constant 0 : i32
        %dma_wait3A_894 = tpu.memref_slice %arg9[%dma_wait3A_892, %dma_wait3A_893] : memref<800x64xf32, #tpu.memory_space<vmem>> -> memref<50x64xf32, #tpu.memory_space<vmem>>
        %dma_wait3A_895 = arith.constant 0 : i32
        %dma_wait3A_896 = arith.constant 0 : i32
        %dma_wait3A_897 = tpu.memref_slice %arg4[%dma_wait3A_891, %dma_wait3A_895, %dma_wait3A_896] : memref<16384x56x128xf32, #tpu.memory_space<hbm>> -> memref<1x50x64xf32, #tpu.memory_space<hbm>>
        %dma_wait3A_898 = tpu.memref_squeeze %dma_wait3A_897 : memref<1x50x64xf32, #tpu.memory_space<hbm>> -> memref<50x64xf32, #tpu.memory_space<hbm>>
        %dma_wait3A_899 = arith.constant 0 : i32
        %dma_wait3A_900 = arith.constant 0 : i32
        %dma_wait3A_901 = tpu.memref_slice %arg4[%dma_wait3A_891, %dma_wait3A_899, %dma_wait3A_900] : memref<16384x56x128xf32, #tpu.memory_space<hbm>> -> memref<1x50x64xf32, #tpu.memory_space<hbm>>
        %dma_wait3A_902 = tpu.memref_squeeze %dma_wait3A_901 : memref<1x50x64xf32, #tpu.memory_space<hbm>> -> memref<50x64xf32, #tpu.memory_space<hbm>>
        %dma_wait3A_903 = arith.constant 0 : i32
        %dma_wait3A_904 = arith.constant 0 : i32
        %dma_wait3A_905 = tpu.memref_slice %arg9[%dma_wait3A_903, %dma_wait3A_904] : memref<800x64xf32, #tpu.memory_space<vmem>> -> memref<50x64xf32, #tpu.memory_space<vmem>>
        tpu.wait_dma2 semaphore(%arg17 : memref<!tpu.dma_semaphore, #tpu.memory_space<semaphore_mem>>) src(%dma_wait3A_905 : memref<50x64xf32, #tpu.memory_space<vmem>>) dst(%dma_wait3A_902 : memref<50x64xf32, #tpu.memory_space<hbm>>)
        %dma_wait3A_906 = arith.constant 0 : i32
        %dma_wait3A_907 = arith.constant 0 : i32
        %dma_wait3A_908 = arith.constant 0 : i32
        %dma_wait3A_909 = tpu.memref_slice %arg9[%dma_wait3A_907, %dma_wait3A_908] : memref<800x64xf32, #tpu.memory_space<vmem>> -> memref<50x64xf32, #tpu.memory_space<vmem>>
        %dma_wait3A_910 = arith.constant 0 : i32
        %dma_wait3A_911 = arith.constant 0 : i32
        %dma_wait3A_912 = tpu.memref_slice %arg4[%dma_wait3A_906, %dma_wait3A_910, %dma_wait3A_911] : memref<16384x56x128xf32, #tpu.memory_space<hbm>> -> memref<1x50x64xf32, #tpu.memory_space<hbm>>
        %dma_wait3A_913 = tpu.memref_squeeze %dma_wait3A_912 : memref<1x50x64xf32, #tpu.memory_space<hbm>> -> memref<50x64xf32, #tpu.memory_space<hbm>>
        %dma_wait3A_914 = arith.constant 0 : i32
        %dma_wait3A_915 = arith.constant 0 : i32
        %dma_wait3A_916 = tpu.memref_slice %arg4[%dma_wait3A_906, %dma_wait3A_914, %dma_wait3A_915] : memref<16384x56x128xf32, #tpu.memory_space<hbm>> -> memref<1x50x64xf32, #tpu.memory_space<hbm>>
        %dma_wait3A_917 = tpu.memref_squeeze %dma_wait3A_916 : memref<1x50x64xf32, #tpu.memory_space<hbm>> -> memref<50x64xf32, #tpu.memory_space<hbm>>
        %dma_wait3A_918 = arith.constant 0 : i32
        %dma_wait3A_919 = arith.constant 0 : i32
        %dma_wait3A_920 = tpu.memref_slice %arg9[%dma_wait3A_918, %dma_wait3A_919] : memref<800x64xf32, #tpu.memory_space<vmem>> -> memref<50x64xf32, #tpu.memory_space<vmem>>
        tpu.wait_dma2 semaphore(%arg17 : memref<!tpu.dma_semaphore, #tpu.memory_space<semaphore_mem>>) src(%dma_wait3A_920 : memref<50x64xf32, #tpu.memory_space<vmem>>) dst(%dma_wait3A_917 : memref<50x64xf32, #tpu.memory_space<hbm>>)
        %dma_wait3A_921 = arith.constant 0 : i32
        %dma_wait3A_922 = arith.constant 0 : i32
        %dma_wait3A_923 = arith.constant 0 : i32
        %dma_wait3A_924 = tpu.memref_slice %arg9[%dma_wait3A_922, %dma_wait3A_923] : memref<800x64xf32, #tpu.memory_space<vmem>> -> memref<50x64xf32, #tpu.memory_space<vmem>>
        %dma_wait3A_925 = arith.constant 0 : i32
        %dma_wait3A_926 = arith.constant 0 : i32
        %dma_wait3A_927 = tpu.memref_slice %arg4[%dma_wait3A_921, %dma_wait3A_925, %dma_wait3A_926] : memref<16384x56x128xf32, #tpu.memory_space<hbm>> -> memref<1x50x64xf32, #tpu.memory_space<hbm>>
        %dma_wait3A_928 = tpu.memref_squeeze %dma_wait3A_927 : memref<1x50x64xf32, #tpu.memory_space<hbm>> -> memref<50x64xf32, #tpu.memory_space<hbm>>
        %dma_wait3A_929 = arith.constant 0 : i32
        %dma_wait3A_930 = arith.constant 0 : i32
        %dma_wait3A_931 = tpu.memref_slice %arg4[%dma_wait3A_921, %dma_wait3A_929, %dma_wait3A_930] : memref<16384x56x128xf32, #tpu.memory_space<hbm>> -> memref<1x50x64xf32, #tpu.memory_space<hbm>>
        %dma_wait3A_932 = tpu.memref_squeeze %dma_wait3A_931 : memref<1x50x64xf32, #tpu.memory_space<hbm>> -> memref<50x64xf32, #tpu.memory_space<hbm>>
        %dma_wait3A_933 = arith.constant 0 : i32
        %dma_wait3A_934 = arith.constant 0 : i32
        %dma_wait3A_935 = tpu.memref_slice %arg9[%dma_wait3A_933, %dma_wait3A_934] : memref<800x64xf32, #tpu.memory_space<vmem>> -> memref<50x64xf32, #tpu.memory_space<vmem>>
        tpu.wait_dma2 semaphore(%arg17 : memref<!tpu.dma_semaphore, #tpu.memory_space<semaphore_mem>>) src(%dma_wait3A_935 : memref<50x64xf32, #tpu.memory_space<vmem>>) dst(%dma_wait3A_932 : memref<50x64xf32, #tpu.memory_space<hbm>>)
        %dma_wait3A_936 = arith.constant 0 : i32
        %dma_wait3A_937 = arith.constant 0 : i32
        %dma_wait3A_938 = arith.constant 0 : i32
        %dma_wait3A_939 = tpu.memref_slice %arg9[%dma_wait3A_937, %dma_wait3A_938] : memref<800x64xf32, #tpu.memory_space<vmem>> -> memref<50x64xf32, #tpu.memory_space<vmem>>
        %dma_wait3A_940 = arith.constant 0 : i32
        %dma_wait3A_941 = arith.constant 0 : i32
        %dma_wait3A_942 = tpu.memref_slice %arg4[%dma_wait3A_936, %dma_wait3A_940, %dma_wait3A_941] : memref<16384x56x128xf32, #tpu.memory_space<hbm>> -> memref<1x50x64xf32, #tpu.memory_space<hbm>>
        %dma_wait3A_943 = tpu.memref_squeeze %dma_wait3A_942 : memref<1x50x64xf32, #tpu.memory_space<hbm>> -> memref<50x64xf32, #tpu.memory_space<hbm>>
        %dma_wait3A_944 = arith.constant 0 : i32
        %dma_wait3A_945 = arith.constant 0 : i32
        %dma_wait3A_946 = tpu.memref_slice %arg4[%dma_wait3A_936, %dma_wait3A_944, %dma_wait3A_945] : memref<16384x56x128xf32, #tpu.memory_space<hbm>> -> memref<1x50x64xf32, #tpu.memory_space<hbm>>
        %dma_wait3A_947 = tpu.memref_squeeze %dma_wait3A_946 : memref<1x50x64xf32, #tpu.memory_space<hbm>> -> memref<50x64xf32, #tpu.memory_space<hbm>>
        %dma_wait3A_948 = arith.constant 0 : i32
        %dma_wait3A_949 = arith.constant 0 : i32
        %dma_wait3A_950 = tpu.memref_slice %arg9[%dma_wait3A_948, %dma_wait3A_949] : memref<800x64xf32, #tpu.memory_space<vmem>> -> memref<50x64xf32, #tpu.memory_space<vmem>>
        tpu.wait_dma2 semaphore(%arg17 : memref<!tpu.dma_semaphore, #tpu.memory_space<semaphore_mem>>) src(%dma_wait3A_950 : memref<50x64xf32, #tpu.memory_space<vmem>>) dst(%dma_wait3A_947 : memref<50x64xf32, #tpu.memory_space<hbm>>)
        %dma_wait3A_951 = arith.constant 0 : i32
        %dma_wait3A_952 = arith.constant 0 : i32
        %dma_wait3A_953 = arith.constant 0 : i32
        %dma_wait3A_954 = tpu.memref_slice %arg9[%dma_wait3A_952, %dma_wait3A_953] : memref<800x64xf32, #tpu.memory_space<vmem>> -> memref<50x64xf32, #tpu.memory_space<vmem>>
        %dma_wait3A_955 = arith.constant 0 : i32
        %dma_wait3A_956 = arith.constant 0 : i32
        %dma_wait3A_957 = tpu.memref_slice %arg4[%dma_wait3A_951, %dma_wait3A_955, %dma_wait3A_956] : memref<16384x56x128xf32, #tpu.memory_space<hbm>> -> memref<1x50x64xf32, #tpu.memory_space<hbm>>
        %dma_wait3A_958 = tpu.memref_squeeze %dma_wait3A_957 : memref<1x50x64xf32, #tpu.memory_space<hbm>> -> memref<50x64xf32, #tpu.memory_space<hbm>>
        %dma_wait3A_959 = arith.constant 0 : i32
        %dma_wait3A_960 = arith.constant 0 : i32
        %dma_wait3A_961 = tpu.memref_slice %arg4[%dma_wait3A_951, %dma_wait3A_959, %dma_wait3A_960] : memref<16384x56x128xf32, #tpu.memory_space<hbm>> -> memref<1x50x64xf32, #tpu.memory_space<hbm>>
        %dma_wait3A_962 = tpu.memref_squeeze %dma_wait3A_961 : memref<1x50x64xf32, #tpu.memory_space<hbm>> -> memref<50x64xf32, #tpu.memory_space<hbm>>
        %dma_wait3A_963 = arith.constant 0 : i32
        %dma_wait3A_964 = arith.constant 0 : i32
        %dma_wait3A_965 = tpu.memref_slice %arg9[%dma_wait3A_963, %dma_wait3A_964] : memref<800x64xf32, #tpu.memory_space<vmem>> -> memref<50x64xf32, #tpu.memory_space<vmem>>
        tpu.wait_dma2 semaphore(%arg17 : memref<!tpu.dma_semaphore, #tpu.memory_space<semaphore_mem>>) src(%dma_wait3A_965 : memref<50x64xf32, #tpu.memory_space<vmem>>) dst(%dma_wait3A_962 : memref<50x64xf32, #tpu.memory_space<hbm>>)
        %dma_wait3A_966 = arith.constant 0 : i32
        %dma_wait3A_967 = arith.constant 0 : i32
        %dma_wait3A_968 = arith.constant 0 : i32
        %dma_wait3A_969 = tpu.memref_slice %arg9[%dma_wait3A_967, %dma_wait3A_968] : memref<800x64xf32, #tpu.memory_space<vmem>> -> memref<50x64xf32, #tpu.memory_space<vmem>>
        %dma_wait3A_970 = arith.constant 0 : i32
        %dma_wait3A_971 = arith.constant 0 : i32
        %dma_wait3A_972 = tpu.memref_slice %arg4[%dma_wait3A_966, %dma_wait3A_970, %dma_wait3A_971] : memref<16384x56x128xf32, #tpu.memory_space<hbm>> -> memref<1x50x64xf32, #tpu.memory_space<hbm>>
        %dma_wait3A_973 = tpu.memref_squeeze %dma_wait3A_972 : memref<1x50x64xf32, #tpu.memory_space<hbm>> -> memref<50x64xf32, #tpu.memory_space<hbm>>
        %dma_wait3A_974 = arith.constant 0 : i32
        %dma_wait3A_975 = arith.constant 0 : i32
        %dma_wait3A_976 = tpu.memref_slice %arg4[%dma_wait3A_966, %dma_wait3A_974, %dma_wait3A_975] : memref<16384x56x128xf32, #tpu.memory_space<hbm>> -> memref<1x50x64xf32, #tpu.memory_space<hbm>>
        %dma_wait3A_977 = tpu.memref_squeeze %dma_wait3A_976 : memref<1x50x64xf32, #tpu.memory_space<hbm>> -> memref<50x64xf32, #tpu.memory_space<hbm>>
        %dma_wait3A_978 = arith.constant 0 : i32
        %dma_wait3A_979 = arith.constant 0 : i32
        %dma_wait3A_980 = tpu.memref_slice %arg9[%dma_wait3A_978, %dma_wait3A_979] : memref<800x64xf32, #tpu.memory_space<vmem>> -> memref<50x64xf32, #tpu.memory_space<vmem>>
        tpu.wait_dma2 semaphore(%arg17 : memref<!tpu.dma_semaphore, #tpu.memory_space<semaphore_mem>>) src(%dma_wait3A_980 : memref<50x64xf32, #tpu.memory_space<vmem>>) dst(%dma_wait3A_977 : memref<50x64xf32, #tpu.memory_space<hbm>>)
        %dma_wait3A_981 = arith.constant 0 : i32
        %dma_wait3A_982 = arith.constant 0 : i32
        %dma_wait3A_983 = arith.constant 0 : i32
        %dma_wait3A_984 = tpu.memref_slice %arg9[%dma_wait3A_982, %dma_wait3A_983] : memref<800x64xf32, #tpu.memory_space<vmem>> -> memref<50x64xf32, #tpu.memory_space<vmem>>
        %dma_wait3A_985 = arith.constant 0 : i32
        %dma_wait3A_986 = arith.constant 0 : i32
        %dma_wait3A_987 = tpu.memref_slice %arg4[%dma_wait3A_981, %dma_wait3A_985, %dma_wait3A_986] : memref<16384x56x128xf32, #tpu.memory_space<hbm>> -> memref<1x50x64xf32, #tpu.memory_space<hbm>>
        %dma_wait3A_988 = tpu.memref_squeeze %dma_wait3A_987 : memref<1x50x64xf32, #tpu.memory_space<hbm>> -> memref<50x64xf32, #tpu.memory_space<hbm>>
        %dma_wait3A_989 = arith.constant 0 : i32
        %dma_wait3A_990 = arith.constant 0 : i32
        %dma_wait3A_991 = tpu.memref_slice %arg4[%dma_wait3A_981, %dma_wait3A_989, %dma_wait3A_990] : memref<16384x56x128xf32, #tpu.memory_space<hbm>> -> memref<1x50x64xf32, #tpu.memory_space<hbm>>
        %dma_wait3A_992 = tpu.memref_squeeze %dma_wait3A_991 : memref<1x50x64xf32, #tpu.memory_space<hbm>> -> memref<50x64xf32, #tpu.memory_space<hbm>>
        %dma_wait3A_993 = arith.constant 0 : i32
        %dma_wait3A_994 = arith.constant 0 : i32
        %dma_wait3A_995 = tpu.memref_slice %arg9[%dma_wait3A_993, %dma_wait3A_994] : memref<800x64xf32, #tpu.memory_space<vmem>> -> memref<50x64xf32, #tpu.memory_space<vmem>>
        tpu.wait_dma2 semaphore(%arg17 : memref<!tpu.dma_semaphore, #tpu.memory_space<semaphore_mem>>) src(%dma_wait3A_995 : memref<50x64xf32, #tpu.memory_space<vmem>>) dst(%dma_wait3A_992 : memref<50x64xf32, #tpu.memory_space<hbm>>)
        %dma_wait3A_996 = arith.constant 0 : i32
        %dma_wait3A_997 = arith.constant 0 : i32
        %dma_wait3A_998 = arith.constant 0 : i32
        %dma_wait3A_999 = tpu.memref_slice %arg9[%dma_wait3A_997, %dma_wait3A_998] : memref<800x64xf32, #tpu.memory_space<vmem>> -> memref<50x64xf32, #tpu.memory_space<vmem>>
        %dma_wait3A_1000 = arith.constant 0 : i32
        %dma_wait3A_1001 = arith.constant 0 : i32
        %dma_wait3A_1002 = tpu.memref_slice %arg4[%dma_wait3A_996, %dma_wait3A_1000, %dma_wait3A_1001] : memref<16384x56x128xf32, #tpu.memory_space<hbm>> -> memref<1x50x64xf32, #tpu.memory_space<hbm>>
        %dma_wait3A_1003 = tpu.memref_squeeze %dma_wait3A_1002 : memref<1x50x64xf32, #tpu.memory_space<hbm>> -> memref<50x64xf32, #tpu.memory_space<hbm>>
        %dma_wait3A_1004 = arith.constant 0 : i32
        %dma_wait3A_1005 = arith.constant 0 : i32
        %dma_wait3A_1006 = tpu.memref_slice %arg4[%dma_wait3A_996, %dma_wait3A_1004, %dma_wait3A_1005] : memref<16384x56x128xf32, #tpu.memory_space<hbm>> -> memref<1x50x64xf32, #tpu.memory_space<hbm>>
        %dma_wait3A_1007 = tpu.memref_squeeze %dma_wait3A_1006 : memref<1x50x64xf32, #tpu.memory_space<hbm>> -> memref<50x64xf32, #tpu.memory_space<hbm>>
        %dma_wait3A_1008 = arith.constant 0 : i32
        %dma_wait3A_1009 = arith.constant 0 : i32
        %dma_wait3A_1010 = tpu.memref_slice %arg9[%dma_wait3A_1008, %dma_wait3A_1009] : memref<800x64xf32, #tpu.memory_space<vmem>> -> memref<50x64xf32, #tpu.memory_space<vmem>>
        tpu.wait_dma2 semaphore(%arg17 : memref<!tpu.dma_semaphore, #tpu.memory_space<semaphore_mem>>) src(%dma_wait3A_1010 : memref<50x64xf32, #tpu.memory_space<vmem>>) dst(%dma_wait3A_1007 : memref<50x64xf32, #tpu.memory_space<hbm>>)
        %dma_wait3A_1011 = arith.constant 0 : i32
        %dma_wait3A_1012 = arith.constant 0 : i32
        %dma_wait3A_1013 = arith.constant 0 : i32
        %dma_wait3A_1014 = tpu.memref_slice %arg9[%dma_wait3A_1012, %dma_wait3A_1013] : memref<800x64xf32, #tpu.memory_space<vmem>> -> memref<50x64xf32, #tpu.memory_space<vmem>>
        %dma_wait3A_1015 = arith.constant 0 : i32
        %dma_wait3A_1016 = arith.constant 0 : i32
        %dma_wait3A_1017 = tpu.memref_slice %arg4[%dma_wait3A_1011, %dma_wait3A_1015, %dma_wait3A_1016] : memref<16384x56x128xf32, #tpu.memory_space<hbm>> -> memref<1x50x64xf32, #tpu.memory_space<hbm>>
        %dma_wait3A_1018 = tpu.memref_squeeze %dma_wait3A_1017 : memref<1x50x64xf32, #tpu.memory_space<hbm>> -> memref<50x64xf32, #tpu.memory_space<hbm>>
        %dma_wait3A_1019 = arith.constant 0 : i32
        %dma_wait3A_1020 = arith.constant 0 : i32
        %dma_wait3A_1021 = tpu.memref_slice %arg4[%dma_wait3A_1011, %dma_wait3A_1019, %dma_wait3A_1020] : memref<16384x56x128xf32, #tpu.memory_space<hbm>> -> memref<1x50x64xf32, #tpu.memory_space<hbm>>
        %dma_wait3A_1022 = tpu.memref_squeeze %dma_wait3A_1021 : memref<1x50x64xf32, #tpu.memory_space<hbm>> -> memref<50x64xf32, #tpu.memory_space<hbm>>
        %dma_wait3A_1023 = arith.constant 0 : i32
        %dma_wait3A_1024 = arith.constant 0 : i32
        %dma_wait3A_1025 = tpu.memref_slice %arg9[%dma_wait3A_1023, %dma_wait3A_1024] : memref<800x64xf32, #tpu.memory_space<vmem>> -> memref<50x64xf32, #tpu.memory_space<vmem>>
        tpu.wait_dma2 semaphore(%arg17 : memref<!tpu.dma_semaphore, #tpu.memory_space<semaphore_mem>>) src(%dma_wait3A_1025 : memref<50x64xf32, #tpu.memory_space<vmem>>) dst(%dma_wait3A_1022 : memref<50x64xf32, #tpu.memory_space<hbm>>)
        %dma_wait3A_1026 = arith.constant 0 : i32
        %dma_wait3A_1027 = arith.constant 0 : i32
        %dma_wait3A_1028 = arith.constant 0 : i32
        %dma_wait3A_1029 = tpu.memref_slice %arg9[%dma_wait3A_1027, %dma_wait3A_1028] : memref<800x64xf32, #tpu.memory_space<vmem>> -> memref<50x64xf32, #tpu.memory_space<vmem>>
        %dma_wait3A_1030 = arith.constant 0 : i32
        %dma_wait3A_1031 = arith.constant 0 : i32
        %dma_wait3A_1032 = tpu.memref_slice %arg4[%dma_wait3A_1026, %dma_wait3A_1030, %dma_wait3A_1031] : memref<16384x56x128xf32, #tpu.memory_space<hbm>> -> memref<1x50x64xf32, #tpu.memory_space<hbm>>
        %dma_wait3A_1033 = tpu.memref_squeeze %dma_wait3A_1032 : memref<1x50x64xf32, #tpu.memory_space<hbm>> -> memref<50x64xf32, #tpu.memory_space<hbm>>
        %dma_wait3A_1034 = arith.constant 0 : i32
        %dma_wait3A_1035 = arith.constant 0 : i32
        %dma_wait3A_1036 = tpu.memref_slice %arg4[%dma_wait3A_1026, %dma_wait3A_1034, %dma_wait3A_1035] : memref<16384x56x128xf32, #tpu.memory_space<hbm>> -> memref<1x50x64xf32, #tpu.memory_space<hbm>>
        %dma_wait3A_1037 = tpu.memref_squeeze %dma_wait3A_1036 : memref<1x50x64xf32, #tpu.memory_space<hbm>> -> memref<50x64xf32, #tpu.memory_space<hbm>>
        %dma_wait3A_1038 = arith.constant 0 : i32
        %dma_wait3A_1039 = arith.constant 0 : i32
        %dma_wait3A_1040 = tpu.memref_slice %arg9[%dma_wait3A_1038, %dma_wait3A_1039] : memref<800x64xf32, #tpu.memory_space<vmem>> -> memref<50x64xf32, #tpu.memory_space<vmem>>
        tpu.wait_dma2 semaphore(%arg17 : memref<!tpu.dma_semaphore, #tpu.memory_space<semaphore_mem>>) src(%dma_wait3A_1040 : memref<50x64xf32, #tpu.memory_space<vmem>>) dst(%dma_wait3A_1037 : memref<50x64xf32, #tpu.memory_space<hbm>>)
        %dma_wait3A_1041 = arith.constant 0 : i32
        %dma_wait3A_1042 = arith.constant 0 : i32
        %dma_wait3A_1043 = arith.constant 0 : i32
        %dma_wait3A_1044 = tpu.memref_slice %arg9[%dma_wait3A_1042, %dma_wait3A_1043] : memref<800x64xf32, #tpu.memory_space<vmem>> -> memref<50x64xf32, #tpu.memory_space<vmem>>
        %dma_wait3A_1045 = arith.constant 0 : i32
        %dma_wait3A_1046 = arith.constant 0 : i32
        %dma_wait3A_1047 = tpu.memref_slice %arg4[%dma_wait3A_1041, %dma_wait3A_1045, %dma_wait3A_1046] : memref<16384x56x128xf32, #tpu.memory_space<hbm>> -> memref<1x50x64xf32, #tpu.memory_space<hbm>>
        %dma_wait3A_1048 = tpu.memref_squeeze %dma_wait3A_1047 : memref<1x50x64xf32, #tpu.memory_space<hbm>> -> memref<50x64xf32, #tpu.memory_space<hbm>>
        %dma_wait3A_1049 = arith.constant 0 : i32
        %dma_wait3A_1050 = arith.constant 0 : i32
        %dma_wait3A_1051 = tpu.memref_slice %arg4[%dma_wait3A_1041, %dma_wait3A_1049, %dma_wait3A_1050] : memref<16384x56x128xf32, #tpu.memory_space<hbm>> -> memref<1x50x64xf32, #tpu.memory_space<hbm>>
        %dma_wait3A_1052 = tpu.memref_squeeze %dma_wait3A_1051 : memref<1x50x64xf32, #tpu.memory_space<hbm>> -> memref<50x64xf32, #tpu.memory_space<hbm>>
        %dma_wait3A_1053 = arith.constant 0 : i32
        %dma_wait3A_1054 = arith.constant 0 : i32
        %dma_wait3A_1055 = tpu.memref_slice %arg9[%dma_wait3A_1053, %dma_wait3A_1054] : memref<800x64xf32, #tpu.memory_space<vmem>> -> memref<50x64xf32, #tpu.memory_space<vmem>>
        tpu.wait_dma2 semaphore(%arg17 : memref<!tpu.dma_semaphore, #tpu.memory_space<semaphore_mem>>) src(%dma_wait3A_1055 : memref<50x64xf32, #tpu.memory_space<vmem>>) dst(%dma_wait3A_1052 : memref<50x64xf32, #tpu.memory_space<hbm>>)
        %dma_wait3A_1056 = arith.constant 0 : i32
        %dma_wait3A_1057 = arith.constant 0 : i32
        %dma_wait3A_1058 = arith.constant 0 : i32
        %dma_wait3A_1059 = tpu.memref_slice %arg9[%dma_wait3A_1057, %dma_wait3A_1058] : memref<800x64xf32, #tpu.memory_space<vmem>> -> memref<50x64xf32, #tpu.memory_space<vmem>>
        %dma_wait3A_1060 = arith.constant 0 : i32
        %dma_wait3A_1061 = arith.constant 0 : i32
        %dma_wait3A_1062 = tpu.memref_slice %arg4[%dma_wait3A_1056, %dma_wait3A_1060, %dma_wait3A_1061] : memref<16384x56x128xf32, #tpu.memory_space<hbm>> -> memref<1x50x64xf32, #tpu.memory_space<hbm>>
        %dma_wait3A_1063 = tpu.memref_squeeze %dma_wait3A_1062 : memref<1x50x64xf32, #tpu.memory_space<hbm>> -> memref<50x64xf32, #tpu.memory_space<hbm>>
        %dma_wait3A_1064 = arith.constant 0 : i32
        %dma_wait3A_1065 = arith.constant 0 : i32
        %dma_wait3A_1066 = tpu.memref_slice %arg4[%dma_wait3A_1056, %dma_wait3A_1064, %dma_wait3A_1065] : memref<16384x56x128xf32, #tpu.memory_space<hbm>> -> memref<1x50x64xf32, #tpu.memory_space<hbm>>
        %dma_wait3A_1067 = tpu.memref_squeeze %dma_wait3A_1066 : memref<1x50x64xf32, #tpu.memory_space<hbm>> -> memref<50x64xf32, #tpu.memory_space<hbm>>
        %dma_wait3A_1068 = arith.constant 0 : i32
        %dma_wait3A_1069 = arith.constant 0 : i32
        %dma_wait3A_1070 = tpu.memref_slice %arg9[%dma_wait3A_1068, %dma_wait3A_1069] : memref<800x64xf32, #tpu.memory_space<vmem>> -> memref<50x64xf32, #tpu.memory_space<vmem>>
        tpu.wait_dma2 semaphore(%arg17 : memref<!tpu.dma_semaphore, #tpu.memory_space<semaphore_mem>>) src(%dma_wait3A_1070 : memref<50x64xf32, #tpu.memory_space<vmem>>) dst(%dma_wait3A_1067 : memref<50x64xf32, #tpu.memory_space<hbm>>)
        %dma_wait3A_1071 = arith.constant 0 : i32
        %dma_wait3A_1072 = arith.constant 0 : i32
        %dma_wait3A_1073 = arith.constant 0 : i32
        %dma_wait3A_1074 = tpu.memref_slice %arg9[%dma_wait3A_1072, %dma_wait3A_1073] : memref<800x64xf32, #tpu.memory_space<vmem>> -> memref<50x64xf32, #tpu.memory_space<vmem>>
        %dma_wait3A_1075 = arith.constant 0 : i32
        %dma_wait3A_1076 = arith.constant 0 : i32
        %dma_wait3A_1077 = tpu.memref_slice %arg4[%dma_wait3A_1071, %dma_wait3A_1075, %dma_wait3A_1076] : memref<16384x56x128xf32, #tpu.memory_space<hbm>> -> memref<1x50x64xf32, #tpu.memory_space<hbm>>
        %dma_wait3A_1078 = tpu.memref_squeeze %dma_wait3A_1077 : memref<1x50x64xf32, #tpu.memory_space<hbm>> -> memref<50x64xf32, #tpu.memory_space<hbm>>
        %dma_wait3A_1079 = arith.constant 0 : i32
        %dma_wait3A_1080 = arith.constant 0 : i32
        %dma_wait3A_1081 = tpu.memref_slice %arg4[%dma_wait3A_1071, %dma_wait3A_1079, %dma_wait3A_1080] : memref<16384x56x128xf32, #tpu.memory_space<hbm>> -> memref<1x50x64xf32, #tpu.memory_space<hbm>>
        %dma_wait3A_1082 = tpu.memref_squeeze %dma_wait3A_1081 : memref<1x50x64xf32, #tpu.memory_space<hbm>> -> memref<50x64xf32, #tpu.memory_space<hbm>>
        %dma_wait3A_1083 = arith.constant 0 : i32
        %dma_wait3A_1084 = arith.constant 0 : i32
        %dma_wait3A_1085 = tpu.memref_slice %arg9[%dma_wait3A_1083, %dma_wait3A_1084] : memref<800x64xf32, #tpu.memory_space<vmem>> -> memref<50x64xf32, #tpu.memory_space<vmem>>
        tpu.wait_dma2 semaphore(%arg17 : memref<!tpu.dma_semaphore, #tpu.memory_space<semaphore_mem>>) src(%dma_wait3A_1085 : memref<50x64xf32, #tpu.memory_space<vmem>>) dst(%dma_wait3A_1082 : memref<50x64xf32, #tpu.memory_space<hbm>>)
      } else {
      }
      %dma_start3A_778 = arith.constant 0 : i32
      %dma_start3A_779 = arith.constant 0 : i32
      %dma_start3A_780 = tpu.memref_slice %arg3[%dma_start3A_778, %dma_start3A_779] : memref<1000000x64xf32, #tpu.memory_space<hbm>> -> memref<1000000x64xf32, #tpu.memory_space<hbm>>
      tpu.enqueue_indirect_dma source(%dma_start3A_780 : memref<1000000x64xf32, #tpu.memory_space<hbm>>) target(%arg9 : memref<800x64xf32, #tpu.memory_space<vmem>>) offsets(%arg5 : memref<800xi32, #tpu.memory_space<vmem>>) semaphore(%arg15 : memref<!tpu.dma_semaphore, #tpu.memory_space<semaphore_mem>>)
      %ge3A_781 = arith.constant 1 : i32
      %ge3A_782 = arith.cmpi sge, %add3A_770, %ge3A_781 : i32
      %convert_element_type3A_783 = arith.extui %ge3A_782 : i1 to i32
      %cond3A_784 = arith.constant 0 : i32
      %cond3A_785 = arith.cmpi ne, %convert_element_type3A_783, %cond3A_784 : i32
      scf.if %cond3A_785 {
        %dma_wait3A_846 = arith.constant 0 : i32
        %dma_wait3A_847 = arith.constant 0 : i32
        %dma_wait3A_848 = tpu.memref_slice %arg3[%dma_wait3A_846, %dma_wait3A_847] : memref<1000000x64xf32, #tpu.memory_space<hbm>> -> memref<1000000x64xf32, #tpu.memory_space<hbm>>
        tpu.wait_indirect_dma semaphore(%arg16 : memref<!tpu.dma_semaphore, #tpu.memory_space<semaphore_mem>>) src(%dma_wait3A_848 : memref<1000000x64xf32, #tpu.memory_space<hbm>>) dst(%arg10 : memref<800x64xf32, #tpu.memory_space<vmem>>)
        %sub3A = arith.constant 1 : i32
        %sub3A_849 = arith.subi %add3A_770, %sub3A : i32
        %mul3A_850 = arith.constant 16 : i32
        %mul3A_851 = arith.muli %sub3A_849, %mul3A_850 : i32
        %add3A_852 = arith.addi %mul3A_4, %mul3A_851 : i32
        %add3A_853 = arith.constant 0 : i32
        %add3A_854 = arith.addi %add3A_852, %add3A_853 : i32
        %dma_start3A_855 = arith.constant 0 : i32
        %dma_start3A_856 = arith.constant 0 : i32
        %dma_start3A_857 = tpu.memref_slice %arg10[%dma_start3A_855, %dma_start3A_856] : memref<800x64xf32, #tpu.memory_space<vmem>> -> memref<50x64xf32, #tpu.memory_space<vmem>>
        %dma_start3A_858 = arith.constant 0 : i32
        %dma_start3A_859 = arith.constant 0 : i32
        %dma_start3A_860 = tpu.memref_slice %arg4[%add3A_854, %dma_start3A_858, %dma_start3A_859] : memref<16384x56x128xf32, #tpu.memory_space<hbm>> -> memref<1x50x64xf32, #tpu.memory_space<hbm>>
        %dma_start3A_861 = tpu.memref_squeeze %dma_start3A_860 : memref<1x50x64xf32, #tpu.memory_space<hbm>> -> memref<50x64xf32, #tpu.memory_space<hbm>>
        %dma_start3A_862 = arith.constant 0 : i32
        %dma_start3A_863 = arith.constant 0 : i32
        %dma_start3A_864 = tpu.memref_slice %arg4[%add3A_854, %dma_start3A_862, %dma_start3A_863] : memref<16384x56x128xf32, #tpu.memory_space<hbm>> -> memref<1x50x64xf32, #tpu.memory_space<hbm>>
        %dma_start3A_865 = tpu.memref_squeeze %dma_start3A_864 : memref<1x50x64xf32, #tpu.memory_space<hbm>> -> memref<50x64xf32, #tpu.memory_space<hbm>>
        %dma_start3A_866 = arith.constant 0 : i32
        %dma_start3A_867 = arith.constant 0 : i32
        %dma_start3A_868 = tpu.memref_slice %arg10[%dma_start3A_866, %dma_start3A_867] : memref<800x64xf32, #tpu.memory_space<vmem>> -> memref<50x64xf32, #tpu.memory_space<vmem>>
        tpu.enqueue_dma source(%dma_start3A_868 : memref<50x64xf32, #tpu.memory_space<vmem>>) target(%dma_start3A_865 : memref<50x64xf32, #tpu.memory_space<hbm>>) target_semaphore(%arg18 : memref<!tpu.dma_semaphore, #tpu.memory_space<semaphore_mem>>)
        %add3A_869 = arith.constant 1 : i32
        %add3A_870 = arith.addi %add3A_852, %add3A_869 : i32
        %dma_start3A_871 = arith.constant 50 : i32
        %dma_start3A_872 = arith.constant 0 : i32
        %dma_start3A_873 = tpu.memref_slice %arg10[%dma_start3A_871, %dma_start3A_872] : memref<800x64xf32, #tpu.memory_space<vmem>> -> memref<50x64xf32, #tpu.memory_space<vmem>>
        %dma_start3A_874 = arith.constant 0 : i32
        %dma_start3A_875 = arith.constant 0 : i32
        %dma_start3A_876 = tpu.memref_slice %arg4[%add3A_870, %dma_start3A_874, %dma_start3A_875] : memref<16384x56x128xf32, #tpu.memory_space<hbm>> -> memref<1x50x64xf32, #tpu.memory_space<hbm>>
        %dma_start3A_877 = tpu.memref_squeeze %dma_start3A_876 : memref<1x50x64xf32, #tpu.memory_space<hbm>> -> memref<50x64xf32, #tpu.memory_space<hbm>>
        %dma_start3A_878 = arith.constant 0 : i32
        %dma_start3A_879 = arith.constant 0 : i32
        %dma_start3A_880 = tpu.memref_slice %arg4[%add3A_870, %dma_start3A_878, %dma_start3A_879] : memref<16384x56x128xf32, #tpu.memory_space<hbm>> -> memref<1x50x64xf32, #tpu.memory_space<hbm>>
        %dma_start3A_881 = tpu.memref_squeeze %dma_start3A_880 : memref<1x50x64xf32, #tpu.memory_space<hbm>> -> memref<50x64xf32, #tpu.memory_space<hbm>>
        %dma_start3A_882 = arith.constant 50 : i32
        %dma_start3A_883 = arith.constant 0 : i32
        %dma_start3A_884 = tpu.memref_slice %arg10[%dma_start3A_882, %dma_start3A_883] : memref<800x64xf32, #tpu.memory_space<vmem>> -> memref<50x64xf32, #tpu.memory_space<vmem>>
        tpu.enqueue_dma source(%dma_start3A_884 : memref<50x64xf32, #tpu.memory_space<vmem>>) target(%dma_start3A_881 : memref<50x64xf32, #tpu.memory_space<hbm>>) target_semaphore(%arg18 : memref<!tpu.dma_semaphore, #tpu.memory_space<semaphore_mem>>)
        %add3A_885 = arith.constant 2 : i32
        %add3A_886 = arith.addi %add3A_852, %add3A_885 : i32
        %dma_start3A_887 = arith.constant 100 : i32
        %dma_start3A_888 = arith.constant 0 : i32
        %dma_start3A_889 = tpu.memref_slice %arg10[%dma_start3A_887, %dma_start3A_888] : memref<800x64xf32, #tpu.memory_space<vmem>> -> memref<50x64xf32, #tpu.memory_space<vmem>>
        %dma_start3A_890 = arith.constant 0 : i32
        %dma_start3A_891 = arith.constant 0 : i32
        %dma_start3A_892 = tpu.memref_slice %arg4[%add3A_886, %dma_start3A_890, %dma_start3A_891] : memref<16384x56x128xf32, #tpu.memory_space<hbm>> -> memref<1x50x64xf32, #tpu.memory_space<hbm>>
        %dma_start3A_893 = tpu.memref_squeeze %dma_start3A_892 : memref<1x50x64xf32, #tpu.memory_space<hbm>> -> memref<50x64xf32, #tpu.memory_space<hbm>>
        %dma_start3A_894 = arith.constant 0 : i32
        %dma_start3A_895 = arith.constant 0 : i32
        %dma_start3A_896 = tpu.memref_slice %arg4[%add3A_886, %dma_start3A_894, %dma_start3A_895] : memref<16384x56x128xf32, #tpu.memory_space<hbm>> -> memref<1x50x64xf32, #tpu.memory_space<hbm>>
        %dma_start3A_897 = tpu.memref_squeeze %dma_start3A_896 : memref<1x50x64xf32, #tpu.memory_space<hbm>> -> memref<50x64xf32, #tpu.memory_space<hbm>>
        %dma_start3A_898 = arith.constant 100 : i32
        %dma_start3A_899 = arith.constant 0 : i32
        %dma_start3A_900 = tpu.memref_slice %arg10[%dma_start3A_898, %dma_start3A_899] : memref<800x64xf32, #tpu.memory_space<vmem>> -> memref<50x64xf32, #tpu.memory_space<vmem>>
        tpu.enqueue_dma source(%dma_start3A_900 : memref<50x64xf32, #tpu.memory_space<vmem>>) target(%dma_start3A_897 : memref<50x64xf32, #tpu.memory_space<hbm>>) target_semaphore(%arg18 : memref<!tpu.dma_semaphore, #tpu.memory_space<semaphore_mem>>)
        %add3A_901 = arith.constant 3 : i32
        %add3A_902 = arith.addi %add3A_852, %add3A_901 : i32
        %dma_start3A_903 = arith.constant 150 : i32
        %dma_start3A_904 = arith.constant 0 : i32
        %dma_start3A_905 = tpu.memref_slice %arg10[%dma_start3A_903, %dma_start3A_904] : memref<800x64xf32, #tpu.memory_space<vmem>> -> memref<50x64xf32, #tpu.memory_space<vmem>>
        %dma_start3A_906 = arith.constant 0 : i32
        %dma_start3A_907 = arith.constant 0 : i32
        %dma_start3A_908 = tpu.memref_slice %arg4[%add3A_902, %dma_start3A_906, %dma_start3A_907] : memref<16384x56x128xf32, #tpu.memory_space<hbm>> -> memref<1x50x64xf32, #tpu.memory_space<hbm>>
        %dma_start3A_909 = tpu.memref_squeeze %dma_start3A_908 : memref<1x50x64xf32, #tpu.memory_space<hbm>> -> memref<50x64xf32, #tpu.memory_space<hbm>>
        %dma_start3A_910 = arith.constant 0 : i32
        %dma_start3A_911 = arith.constant 0 : i32
        %dma_start3A_912 = tpu.memref_slice %arg4[%add3A_902, %dma_start3A_910, %dma_start3A_911] : memref<16384x56x128xf32, #tpu.memory_space<hbm>> -> memref<1x50x64xf32, #tpu.memory_space<hbm>>
        %dma_start3A_913 = tpu.memref_squeeze %dma_start3A_912 : memref<1x50x64xf32, #tpu.memory_space<hbm>> -> memref<50x64xf32, #tpu.memory_space<hbm>>
        %dma_start3A_914 = arith.constant 150 : i32
        %dma_start3A_915 = arith.constant 0 : i32
        %dma_start3A_916 = tpu.memref_slice %arg10[%dma_start3A_914, %dma_start3A_915] : memref<800x64xf32, #tpu.memory_space<vmem>> -> memref<50x64xf32, #tpu.memory_space<vmem>>
        tpu.enqueue_dma source(%dma_start3A_916 : memref<50x64xf32, #tpu.memory_space<vmem>>) target(%dma_start3A_913 : memref<50x64xf32, #tpu.memory_space<hbm>>) target_semaphore(%arg18 : memref<!tpu.dma_semaphore, #tpu.memory_space<semaphore_mem>>)
        %add3A_917 = arith.constant 4 : i32
        %add3A_918 = arith.addi %add3A_852, %add3A_917 : i32
        %dma_start3A_919 = arith.constant 200 : i32
        %dma_start3A_920 = arith.constant 0 : i32
        %dma_start3A_921 = tpu.memref_slice %arg10[%dma_start3A_919, %dma_start3A_920] : memref<800x64xf32, #tpu.memory_space<vmem>> -> memref<50x64xf32, #tpu.memory_space<vmem>>
        %dma_start3A_922 = arith.constant 0 : i32
        %dma_start3A_923 = arith.constant 0 : i32
        %dma_start3A_924 = tpu.memref_slice %arg4[%add3A_918, %dma_start3A_922, %dma_start3A_923] : memref<16384x56x128xf32, #tpu.memory_space<hbm>> -> memref<1x50x64xf32, #tpu.memory_space<hbm>>
        %dma_start3A_925 = tpu.memref_squeeze %dma_start3A_924 : memref<1x50x64xf32, #tpu.memory_space<hbm>> -> memref<50x64xf32, #tpu.memory_space<hbm>>
        %dma_start3A_926 = arith.constant 0 : i32
        %dma_start3A_927 = arith.constant 0 : i32
        %dma_start3A_928 = tpu.memref_slice %arg4[%add3A_918, %dma_start3A_926, %dma_start3A_927] : memref<16384x56x128xf32, #tpu.memory_space<hbm>> -> memref<1x50x64xf32, #tpu.memory_space<hbm>>
        %dma_start3A_929 = tpu.memref_squeeze %dma_start3A_928 : memref<1x50x64xf32, #tpu.memory_space<hbm>> -> memref<50x64xf32, #tpu.memory_space<hbm>>
        %dma_start3A_930 = arith.constant 200 : i32
        %dma_start3A_931 = arith.constant 0 : i32
        %dma_start3A_932 = tpu.memref_slice %arg10[%dma_start3A_930, %dma_start3A_931] : memref<800x64xf32, #tpu.memory_space<vmem>> -> memref<50x64xf32, #tpu.memory_space<vmem>>
        tpu.enqueue_dma source(%dma_start3A_932 : memref<50x64xf32, #tpu.memory_space<vmem>>) target(%dma_start3A_929 : memref<50x64xf32, #tpu.memory_space<hbm>>) target_semaphore(%arg18 : memref<!tpu.dma_semaphore, #tpu.memory_space<semaphore_mem>>)
        %add3A_933 = arith.constant 5 : i32
        %add3A_934 = arith.addi %add3A_852, %add3A_933 : i32
        %dma_start3A_935 = arith.constant 250 : i32
        %dma_start3A_936 = arith.constant 0 : i32
        %dma_start3A_937 = tpu.memref_slice %arg10[%dma_start3A_935, %dma_start3A_936] : memref<800x64xf32, #tpu.memory_space<vmem>> -> memref<50x64xf32, #tpu.memory_space<vmem>>
        %dma_start3A_938 = arith.constant 0 : i32
        %dma_start3A_939 = arith.constant 0 : i32
        %dma_start3A_940 = tpu.memref_slice %arg4[%add3A_934, %dma_start3A_938, %dma_start3A_939] : memref<16384x56x128xf32, #tpu.memory_space<hbm>> -> memref<1x50x64xf32, #tpu.memory_space<hbm>>
        %dma_start3A_941 = tpu.memref_squeeze %dma_start3A_940 : memref<1x50x64xf32, #tpu.memory_space<hbm>> -> memref<50x64xf32, #tpu.memory_space<hbm>>
        %dma_start3A_942 = arith.constant 0 : i32
        %dma_start3A_943 = arith.constant 0 : i32
        %dma_start3A_944 = tpu.memref_slice %arg4[%add3A_934, %dma_start3A_942, %dma_start3A_943] : memref<16384x56x128xf32, #tpu.memory_space<hbm>> -> memref<1x50x64xf32, #tpu.memory_space<hbm>>
        %dma_start3A_945 = tpu.memref_squeeze %dma_start3A_944 : memref<1x50x64xf32, #tpu.memory_space<hbm>> -> memref<50x64xf32, #tpu.memory_space<hbm>>
        %dma_start3A_946 = arith.constant 250 : i32
        %dma_start3A_947 = arith.constant 0 : i32
        %dma_start3A_948 = tpu.memref_slice %arg10[%dma_start3A_946, %dma_start3A_947] : memref<800x64xf32, #tpu.memory_space<vmem>> -> memref<50x64xf32, #tpu.memory_space<vmem>>
        tpu.enqueue_dma source(%dma_start3A_948 : memref<50x64xf32, #tpu.memory_space<vmem>>) target(%dma_start3A_945 : memref<50x64xf32, #tpu.memory_space<hbm>>) target_semaphore(%arg18 : memref<!tpu.dma_semaphore, #tpu.memory_space<semaphore_mem>>)
        %add3A_949 = arith.constant 6 : i32
        %add3A_950 = arith.addi %add3A_852, %add3A_949 : i32
        %dma_start3A_951 = arith.constant 300 : i32
        %dma_start3A_952 = arith.constant 0 : i32
        %dma_start3A_953 = tpu.memref_slice %arg10[%dma_start3A_951, %dma_start3A_952] : memref<800x64xf32, #tpu.memory_space<vmem>> -> memref<50x64xf32, #tpu.memory_space<vmem>>
        %dma_start3A_954 = arith.constant 0 : i32
        %dma_start3A_955 = arith.constant 0 : i32
        %dma_start3A_956 = tpu.memref_slice %arg4[%add3A_950, %dma_start3A_954, %dma_start3A_955] : memref<16384x56x128xf32, #tpu.memory_space<hbm>> -> memref<1x50x64xf32, #tpu.memory_space<hbm>>
        %dma_start3A_957 = tpu.memref_squeeze %dma_start3A_956 : memref<1x50x64xf32, #tpu.memory_space<hbm>> -> memref<50x64xf32, #tpu.memory_space<hbm>>
        %dma_start3A_958 = arith.constant 0 : i32
        %dma_start3A_959 = arith.constant 0 : i32
        %dma_start3A_960 = tpu.memref_slice %arg4[%add3A_950, %dma_start3A_958, %dma_start3A_959] : memref<16384x56x128xf32, #tpu.memory_space<hbm>> -> memref<1x50x64xf32, #tpu.memory_space<hbm>>
        %dma_start3A_961 = tpu.memref_squeeze %dma_start3A_960 : memref<1x50x64xf32, #tpu.memory_space<hbm>> -> memref<50x64xf32, #tpu.memory_space<hbm>>
        %dma_start3A_962 = arith.constant 300 : i32
        %dma_start3A_963 = arith.constant 0 : i32
        %dma_start3A_964 = tpu.memref_slice %arg10[%dma_start3A_962, %dma_start3A_963] : memref<800x64xf32, #tpu.memory_space<vmem>> -> memref<50x64xf32, #tpu.memory_space<vmem>>
        tpu.enqueue_dma source(%dma_start3A_964 : memref<50x64xf32, #tpu.memory_space<vmem>>) target(%dma_start3A_961 : memref<50x64xf32, #tpu.memory_space<hbm>>) target_semaphore(%arg18 : memref<!tpu.dma_semaphore, #tpu.memory_space<semaphore_mem>>)
        %add3A_965 = arith.constant 7 : i32
        %add3A_966 = arith.addi %add3A_852, %add3A_965 : i32
        %dma_start3A_967 = arith.constant 350 : i32
        %dma_start3A_968 = arith.constant 0 : i32
        %dma_start3A_969 = tpu.memref_slice %arg10[%dma_start3A_967, %dma_start3A_968] : memref<800x64xf32, #tpu.memory_space<vmem>> -> memref<50x64xf32, #tpu.memory_space<vmem>>
        %dma_start3A_970 = arith.constant 0 : i32
        %dma_start3A_971 = arith.constant 0 : i32
        %dma_start3A_972 = tpu.memref_slice %arg4[%add3A_966, %dma_start3A_970, %dma_start3A_971] : memref<16384x56x128xf32, #tpu.memory_space<hbm>> -> memref<1x50x64xf32, #tpu.memory_space<hbm>>
        %dma_start3A_973 = tpu.memref_squeeze %dma_start3A_972 : memref<1x50x64xf32, #tpu.memory_space<hbm>> -> memref<50x64xf32, #tpu.memory_space<hbm>>
        %dma_start3A_974 = arith.constant 0 : i32
        %dma_start3A_975 = arith.constant 0 : i32
        %dma_start3A_976 = tpu.memref_slice %arg4[%add3A_966, %dma_start3A_974, %dma_start3A_975] : memref<16384x56x128xf32, #tpu.memory_space<hbm>> -> memref<1x50x64xf32, #tpu.memory_space<hbm>>
        %dma_start3A_977 = tpu.memref_squeeze %dma_start3A_976 : memref<1x50x64xf32, #tpu.memory_space<hbm>> -> memref<50x64xf32, #tpu.memory_space<hbm>>
        %dma_start3A_978 = arith.constant 350 : i32
        %dma_start3A_979 = arith.constant 0 : i32
        %dma_start3A_980 = tpu.memref_slice %arg10[%dma_start3A_978, %dma_start3A_979] : memref<800x64xf32, #tpu.memory_space<vmem>> -> memref<50x64xf32, #tpu.memory_space<vmem>>
        tpu.enqueue_dma source(%dma_start3A_980 : memref<50x64xf32, #tpu.memory_space<vmem>>) target(%dma_start3A_977 : memref<50x64xf32, #tpu.memory_space<hbm>>) target_semaphore(%arg18 : memref<!tpu.dma_semaphore, #tpu.memory_space<semaphore_mem>>)
        %add3A_981 = arith.constant 8 : i32
        %add3A_982 = arith.addi %add3A_852, %add3A_981 : i32
        %dma_start3A_983 = arith.constant 400 : i32
        %dma_start3A_984 = arith.constant 0 : i32
        %dma_start3A_985 = tpu.memref_slice %arg10[%dma_start3A_983, %dma_start3A_984] : memref<800x64xf32, #tpu.memory_space<vmem>> -> memref<50x64xf32, #tpu.memory_space<vmem>>
        %dma_start3A_986 = arith.constant 0 : i32
        %dma_start3A_987 = arith.constant 0 : i32
        %dma_start3A_988 = tpu.memref_slice %arg4[%add3A_982, %dma_start3A_986, %dma_start3A_987] : memref<16384x56x128xf32, #tpu.memory_space<hbm>> -> memref<1x50x64xf32, #tpu.memory_space<hbm>>
        %dma_start3A_989 = tpu.memref_squeeze %dma_start3A_988 : memref<1x50x64xf32, #tpu.memory_space<hbm>> -> memref<50x64xf32, #tpu.memory_space<hbm>>
        %dma_start3A_990 = arith.constant 0 : i32
        %dma_start3A_991 = arith.constant 0 : i32
        %dma_start3A_992 = tpu.memref_slice %arg4[%add3A_982, %dma_start3A_990, %dma_start3A_991] : memref<16384x56x128xf32, #tpu.memory_space<hbm>> -> memref<1x50x64xf32, #tpu.memory_space<hbm>>
        %dma_start3A_993 = tpu.memref_squeeze %dma_start3A_992 : memref<1x50x64xf32, #tpu.memory_space<hbm>> -> memref<50x64xf32, #tpu.memory_space<hbm>>
        %dma_start3A_994 = arith.constant 400 : i32
        %dma_start3A_995 = arith.constant 0 : i32
        %dma_start3A_996 = tpu.memref_slice %arg10[%dma_start3A_994, %dma_start3A_995] : memref<800x64xf32, #tpu.memory_space<vmem>> -> memref<50x64xf32, #tpu.memory_space<vmem>>
        tpu.enqueue_dma source(%dma_start3A_996 : memref<50x64xf32, #tpu.memory_space<vmem>>) target(%dma_start3A_993 : memref<50x64xf32, #tpu.memory_space<hbm>>) target_semaphore(%arg18 : memref<!tpu.dma_semaphore, #tpu.memory_space<semaphore_mem>>)
        %add3A_997 = arith.constant 9 : i32
        %add3A_998 = arith.addi %add3A_852, %add3A_997 : i32
        %dma_start3A_999 = arith.constant 450 : i32
        %dma_start3A_1000 = arith.constant 0 : i32
        %dma_start3A_1001 = tpu.memref_slice %arg10[%dma_start3A_999, %dma_start3A_1000] : memref<800x64xf32, #tpu.memory_space<vmem>> -> memref<50x64xf32, #tpu.memory_space<vmem>>
        %dma_start3A_1002 = arith.constant 0 : i32
        %dma_start3A_1003 = arith.constant 0 : i32
        %dma_start3A_1004 = tpu.memref_slice %arg4[%add3A_998, %dma_start3A_1002, %dma_start3A_1003] : memref<16384x56x128xf32, #tpu.memory_space<hbm>> -> memref<1x50x64xf32, #tpu.memory_space<hbm>>
        %dma_start3A_1005 = tpu.memref_squeeze %dma_start3A_1004 : memref<1x50x64xf32, #tpu.memory_space<hbm>> -> memref<50x64xf32, #tpu.memory_space<hbm>>
        %dma_start3A_1006 = arith.constant 0 : i32
        %dma_start3A_1007 = arith.constant 0 : i32
        %dma_start3A_1008 = tpu.memref_slice %arg4[%add3A_998, %dma_start3A_1006, %dma_start3A_1007] : memref<16384x56x128xf32, #tpu.memory_space<hbm>> -> memref<1x50x64xf32, #tpu.memory_space<hbm>>
        %dma_start3A_1009 = tpu.memref_squeeze %dma_start3A_1008 : memref<1x50x64xf32, #tpu.memory_space<hbm>> -> memref<50x64xf32, #tpu.memory_space<hbm>>
        %dma_start3A_1010 = arith.constant 450 : i32
        %dma_start3A_1011 = arith.constant 0 : i32
        %dma_start3A_1012 = tpu.memref_slice %arg10[%dma_start3A_1010, %dma_start3A_1011] : memref<800x64xf32, #tpu.memory_space<vmem>> -> memref<50x64xf32, #tpu.memory_space<vmem>>
        tpu.enqueue_dma source(%dma_start3A_1012 : memref<50x64xf32, #tpu.memory_space<vmem>>) target(%dma_start3A_1009 : memref<50x64xf32, #tpu.memory_space<hbm>>) target_semaphore(%arg18 : memref<!tpu.dma_semaphore, #tpu.memory_space<semaphore_mem>>)
        %add3A_1013 = arith.constant 10 : i32
        %add3A_1014 = arith.addi %add3A_852, %add3A_1013 : i32
        %dma_start3A_1015 = arith.constant 500 : i32
        %dma_start3A_1016 = arith.constant 0 : i32
        %dma_start3A_1017 = tpu.memref_slice %arg10[%dma_start3A_1015, %dma_start3A_1016] : memref<800x64xf32, #tpu.memory_space<vmem>> -> memref<50x64xf32, #tpu.memory_space<vmem>>
        %dma_start3A_1018 = arith.constant 0 : i32
        %dma_start3A_1019 = arith.constant 0 : i32
        %dma_start3A_1020 = tpu.memref_slice %arg4[%add3A_1014, %dma_start3A_1018, %dma_start3A_1019] : memref<16384x56x128xf32, #tpu.memory_space<hbm>> -> memref<1x50x64xf32, #tpu.memory_space<hbm>>
        %dma_start3A_1021 = tpu.memref_squeeze %dma_start3A_1020 : memref<1x50x64xf32, #tpu.memory_space<hbm>> -> memref<50x64xf32, #tpu.memory_space<hbm>>
        %dma_start3A_1022 = arith.constant 0 : i32
        %dma_start3A_1023 = arith.constant 0 : i32
        %dma_start3A_1024 = tpu.memref_slice %arg4[%add3A_1014, %dma_start3A_1022, %dma_start3A_1023] : memref<16384x56x128xf32, #tpu.memory_space<hbm>> -> memref<1x50x64xf32, #tpu.memory_space<hbm>>
        %dma_start3A_1025 = tpu.memref_squeeze %dma_start3A_1024 : memref<1x50x64xf32, #tpu.memory_space<hbm>> -> memref<50x64xf32, #tpu.memory_space<hbm>>
        %dma_start3A_1026 = arith.constant 500 : i32
        %dma_start3A_1027 = arith.constant 0 : i32
        %dma_start3A_1028 = tpu.memref_slice %arg10[%dma_start3A_1026, %dma_start3A_1027] : memref<800x64xf32, #tpu.memory_space<vmem>> -> memref<50x64xf32, #tpu.memory_space<vmem>>
        tpu.enqueue_dma source(%dma_start3A_1028 : memref<50x64xf32, #tpu.memory_space<vmem>>) target(%dma_start3A_1025 : memref<50x64xf32, #tpu.memory_space<hbm>>) target_semaphore(%arg18 : memref<!tpu.dma_semaphore, #tpu.memory_space<semaphore_mem>>)
        %add3A_1029 = arith.constant 11 : i32
        %add3A_1030 = arith.addi %add3A_852, %add3A_1029 : i32
        %dma_start3A_1031 = arith.constant 550 : i32
        %dma_start3A_1032 = arith.constant 0 : i32
        %dma_start3A_1033 = tpu.memref_slice %arg10[%dma_start3A_1031, %dma_start3A_1032] : memref<800x64xf32, #tpu.memory_space<vmem>> -> memref<50x64xf32, #tpu.memory_space<vmem>>
        %dma_start3A_1034 = arith.constant 0 : i32
        %dma_start3A_1035 = arith.constant 0 : i32
        %dma_start3A_1036 = tpu.memref_slice %arg4[%add3A_1030, %dma_start3A_1034, %dma_start3A_1035] : memref<16384x56x128xf32, #tpu.memory_space<hbm>> -> memref<1x50x64xf32, #tpu.memory_space<hbm>>
        %dma_start3A_1037 = tpu.memref_squeeze %dma_start3A_1036 : memref<1x50x64xf32, #tpu.memory_space<hbm>> -> memref<50x64xf32, #tpu.memory_space<hbm>>
        %dma_start3A_1038 = arith.constant 0 : i32
        %dma_start3A_1039 = arith.constant 0 : i32
        %dma_start3A_1040 = tpu.memref_slice %arg4[%add3A_1030, %dma_start3A_1038, %dma_start3A_1039] : memref<16384x56x128xf32, #tpu.memory_space<hbm>> -> memref<1x50x64xf32, #tpu.memory_space<hbm>>
        %dma_start3A_1041 = tpu.memref_squeeze %dma_start3A_1040 : memref<1x50x64xf32, #tpu.memory_space<hbm>> -> memref<50x64xf32, #tpu.memory_space<hbm>>
        %dma_start3A_1042 = arith.constant 550 : i32
        %dma_start3A_1043 = arith.constant 0 : i32
        %dma_start3A_1044 = tpu.memref_slice %arg10[%dma_start3A_1042, %dma_start3A_1043] : memref<800x64xf32, #tpu.memory_space<vmem>> -> memref<50x64xf32, #tpu.memory_space<vmem>>
        tpu.enqueue_dma source(%dma_start3A_1044 : memref<50x64xf32, #tpu.memory_space<vmem>>) target(%dma_start3A_1041 : memref<50x64xf32, #tpu.memory_space<hbm>>) target_semaphore(%arg18 : memref<!tpu.dma_semaphore, #tpu.memory_space<semaphore_mem>>)
        %add3A_1045 = arith.constant 12 : i32
        %add3A_1046 = arith.addi %add3A_852, %add3A_1045 : i32
        %dma_start3A_1047 = arith.constant 600 : i32
        %dma_start3A_1048 = arith.constant 0 : i32
        %dma_start3A_1049 = tpu.memref_slice %arg10[%dma_start3A_1047, %dma_start3A_1048] : memref<800x64xf32, #tpu.memory_space<vmem>> -> memref<50x64xf32, #tpu.memory_space<vmem>>
        %dma_start3A_1050 = arith.constant 0 : i32
        %dma_start3A_1051 = arith.constant 0 : i32
        %dma_start3A_1052 = tpu.memref_slice %arg4[%add3A_1046, %dma_start3A_1050, %dma_start3A_1051] : memref<16384x56x128xf32, #tpu.memory_space<hbm>> -> memref<1x50x64xf32, #tpu.memory_space<hbm>>
        %dma_start3A_1053 = tpu.memref_squeeze %dma_start3A_1052 : memref<1x50x64xf32, #tpu.memory_space<hbm>> -> memref<50x64xf32, #tpu.memory_space<hbm>>
        %dma_start3A_1054 = arith.constant 0 : i32
        %dma_start3A_1055 = arith.constant 0 : i32
        %dma_start3A_1056 = tpu.memref_slice %arg4[%add3A_1046, %dma_start3A_1054, %dma_start3A_1055] : memref<16384x56x128xf32, #tpu.memory_space<hbm>> -> memref<1x50x64xf32, #tpu.memory_space<hbm>>
        %dma_start3A_1057 = tpu.memref_squeeze %dma_start3A_1056 : memref<1x50x64xf32, #tpu.memory_space<hbm>> -> memref<50x64xf32, #tpu.memory_space<hbm>>
        %dma_start3A_1058 = arith.constant 600 : i32
        %dma_start3A_1059 = arith.constant 0 : i32
        %dma_start3A_1060 = tpu.memref_slice %arg10[%dma_start3A_1058, %dma_start3A_1059] : memref<800x64xf32, #tpu.memory_space<vmem>> -> memref<50x64xf32, #tpu.memory_space<vmem>>
        tpu.enqueue_dma source(%dma_start3A_1060 : memref<50x64xf32, #tpu.memory_space<vmem>>) target(%dma_start3A_1057 : memref<50x64xf32, #tpu.memory_space<hbm>>) target_semaphore(%arg18 : memref<!tpu.dma_semaphore, #tpu.memory_space<semaphore_mem>>)
        %add3A_1061 = arith.constant 13 : i32
        %add3A_1062 = arith.addi %add3A_852, %add3A_1061 : i32
        %dma_start3A_1063 = arith.constant 650 : i32
        %dma_start3A_1064 = arith.constant 0 : i32
        %dma_start3A_1065 = tpu.memref_slice %arg10[%dma_start3A_1063, %dma_start3A_1064] : memref<800x64xf32, #tpu.memory_space<vmem>> -> memref<50x64xf32, #tpu.memory_space<vmem>>
        %dma_start3A_1066 = arith.constant 0 : i32
        %dma_start3A_1067 = arith.constant 0 : i32
        %dma_start3A_1068 = tpu.memref_slice %arg4[%add3A_1062, %dma_start3A_1066, %dma_start3A_1067] : memref<16384x56x128xf32, #tpu.memory_space<hbm>> -> memref<1x50x64xf32, #tpu.memory_space<hbm>>
        %dma_start3A_1069 = tpu.memref_squeeze %dma_start3A_1068 : memref<1x50x64xf32, #tpu.memory_space<hbm>> -> memref<50x64xf32, #tpu.memory_space<hbm>>
        %dma_start3A_1070 = arith.constant 0 : i32
        %dma_start3A_1071 = arith.constant 0 : i32
        %dma_start3A_1072 = tpu.memref_slice %arg4[%add3A_1062, %dma_start3A_1070, %dma_start3A_1071] : memref<16384x56x128xf32, #tpu.memory_space<hbm>> -> memref<1x50x64xf32, #tpu.memory_space<hbm>>
        %dma_start3A_1073 = tpu.memref_squeeze %dma_start3A_1072 : memref<1x50x64xf32, #tpu.memory_space<hbm>> -> memref<50x64xf32, #tpu.memory_space<hbm>>
        %dma_start3A_1074 = arith.constant 650 : i32
        %dma_start3A_1075 = arith.constant 0 : i32
        %dma_start3A_1076 = tpu.memref_slice %arg10[%dma_start3A_1074, %dma_start3A_1075] : memref<800x64xf32, #tpu.memory_space<vmem>> -> memref<50x64xf32, #tpu.memory_space<vmem>>
        tpu.enqueue_dma source(%dma_start3A_1076 : memref<50x64xf32, #tpu.memory_space<vmem>>) target(%dma_start3A_1073 : memref<50x64xf32, #tpu.memory_space<hbm>>) target_semaphore(%arg18 : memref<!tpu.dma_semaphore, #tpu.memory_space<semaphore_mem>>)
        %add3A_1077 = arith.constant 14 : i32
        %add3A_1078 = arith.addi %add3A_852, %add3A_1077 : i32
        %dma_start3A_1079 = arith.constant 700 : i32
        %dma_start3A_1080 = arith.constant 0 : i32
        %dma_start3A_1081 = tpu.memref_slice %arg10[%dma_start3A_1079, %dma_start3A_1080] : memref<800x64xf32, #tpu.memory_space<vmem>> -> memref<50x64xf32, #tpu.memory_space<vmem>>
        %dma_start3A_1082 = arith.constant 0 : i32
        %dma_start3A_1083 = arith.constant 0 : i32
        %dma_start3A_1084 = tpu.memref_slice %arg4[%add3A_1078, %dma_start3A_1082, %dma_start3A_1083] : memref<16384x56x128xf32, #tpu.memory_space<hbm>> -> memref<1x50x64xf32, #tpu.memory_space<hbm>>
        %dma_start3A_1085 = tpu.memref_squeeze %dma_start3A_1084 : memref<1x50x64xf32, #tpu.memory_space<hbm>> -> memref<50x64xf32, #tpu.memory_space<hbm>>
        %dma_start3A_1086 = arith.constant 0 : i32
        %dma_start3A_1087 = arith.constant 0 : i32
        %dma_start3A_1088 = tpu.memref_slice %arg4[%add3A_1078, %dma_start3A_1086, %dma_start3A_1087] : memref<16384x56x128xf32, #tpu.memory_space<hbm>> -> memref<1x50x64xf32, #tpu.memory_space<hbm>>
        %dma_start3A_1089 = tpu.memref_squeeze %dma_start3A_1088 : memref<1x50x64xf32, #tpu.memory_space<hbm>> -> memref<50x64xf32, #tpu.memory_space<hbm>>
        %dma_start3A_1090 = arith.constant 700 : i32
        %dma_start3A_1091 = arith.constant 0 : i32
        %dma_start3A_1092 = tpu.memref_slice %arg10[%dma_start3A_1090, %dma_start3A_1091] : memref<800x64xf32, #tpu.memory_space<vmem>> -> memref<50x64xf32, #tpu.memory_space<vmem>>
        tpu.enqueue_dma source(%dma_start3A_1092 : memref<50x64xf32, #tpu.memory_space<vmem>>) target(%dma_start3A_1089 : memref<50x64xf32, #tpu.memory_space<hbm>>) target_semaphore(%arg18 : memref<!tpu.dma_semaphore, #tpu.memory_space<semaphore_mem>>)
        %add3A_1093 = arith.constant 15 : i32
        %add3A_1094 = arith.addi %add3A_852, %add3A_1093 : i32
        %dma_start3A_1095 = arith.constant 750 : i32
        %dma_start3A_1096 = arith.constant 0 : i32
        %dma_start3A_1097 = tpu.memref_slice %arg10[%dma_start3A_1095, %dma_start3A_1096] : memref<800x64xf32, #tpu.memory_space<vmem>> -> memref<50x64xf32, #tpu.memory_space<vmem>>
        %dma_start3A_1098 = arith.constant 0 : i32
        %dma_start3A_1099 = arith.constant 0 : i32
        %dma_start3A_1100 = tpu.memref_slice %arg4[%add3A_1094, %dma_start3A_1098, %dma_start3A_1099] : memref<16384x56x128xf32, #tpu.memory_space<hbm>> -> memref<1x50x64xf32, #tpu.memory_space<hbm>>
        %dma_start3A_1101 = tpu.memref_squeeze %dma_start3A_1100 : memref<1x50x64xf32, #tpu.memory_space<hbm>> -> memref<50x64xf32, #tpu.memory_space<hbm>>
        %dma_start3A_1102 = arith.constant 0 : i32
        %dma_start3A_1103 = arith.constant 0 : i32
        %dma_start3A_1104 = tpu.memref_slice %arg4[%add3A_1094, %dma_start3A_1102, %dma_start3A_1103] : memref<16384x56x128xf32, #tpu.memory_space<hbm>> -> memref<1x50x64xf32, #tpu.memory_space<hbm>>
        %dma_start3A_1105 = tpu.memref_squeeze %dma_start3A_1104 : memref<1x50x64xf32, #tpu.memory_space<hbm>> -> memref<50x64xf32, #tpu.memory_space<hbm>>
        %dma_start3A_1106 = arith.constant 750 : i32
        %dma_start3A_1107 = arith.constant 0 : i32
        %dma_start3A_1108 = tpu.memref_slice %arg10[%dma_start3A_1106, %dma_start3A_1107] : memref<800x64xf32, #tpu.memory_space<vmem>> -> memref<50x64xf32, #tpu.memory_space<vmem>>
        tpu.enqueue_dma source(%dma_start3A_1108 : memref<50x64xf32, #tpu.memory_space<vmem>>) target(%dma_start3A_1105 : memref<50x64xf32, #tpu.memory_space<hbm>>) target_semaphore(%arg18 : memref<!tpu.dma_semaphore, #tpu.memory_space<semaphore_mem>>)
        %add3A_1109 = arith.constant 3 : i32
        %add3A_1110 = arith.addi %add3A_770, %add3A_1109 : i32
        %lt3A = arith.constant 32 : i32
        %lt3A_1111 = arith.cmpi slt, %add3A_1110, %lt3A : i32
        %convert_element_type3A_1112 = arith.extui %lt3A_1111 : i1 to i32
        %cond3A_1113 = arith.constant 0 : i32
        %cond3A_1114 = arith.cmpi ne, %convert_element_type3A_1112, %cond3A_1113 : i32
        scf.if %cond3A_1114 {
          %add3A_1115 = arith.constant 3 : i32
          %add3A_1116 = arith.addi %add3A_770, %add3A_1115 : i32
          %mul3A_1117 = arith.constant 800 : i32
          %mul3A_1118 = arith.muli %add3A_1116, %mul3A_1117 : i32
          %add3A_1119 = arith.addi %mul3A_2, %mul3A_1118 : i32
          %dma_start3A_1120 = tpu.memref_slice %arg2[%add3A_1119] : memref<819200xi32, #tpu.memory_space<hbm>> -> memref<800xi32, #tpu.memory_space<hbm>>
          %dma_start3A_1121 = tpu.memref_slice %arg2[%add3A_1119] : memref<819200xi32, #tpu.memory_space<hbm>> -> memref<800xi32, #tpu.memory_space<hbm>>
          tpu.enqueue_dma source(%dma_start3A_1121 : memref<800xi32, #tpu.memory_space<hbm>>) target(%arg8 : memref<800xi32, #tpu.memory_space<vmem>>) target_semaphore(%arg14 : memref<!tpu.dma_semaphore, #tpu.memory_space<semaphore_mem>>)
        } else {
        }
      } else {
      }
      %add3A_786 = arith.constant 1 : i32
      %add3A_787 = arith.addi %add3A_768, %add3A_786 : i32
      %mul3A_788 = arith.constant 800 : i32
      %mul3A_789 = arith.muli %add3A_787, %mul3A_788 : i32
      %add3A_790 = arith.addi %mul3A_2, %mul3A_789 : i32
      %dma_wait3A_791 = tpu.memref_slice %arg2[%add3A_790] : memref<819200xi32, #tpu.memory_space<hbm>> -> memref<800xi32, #tpu.memory_space<hbm>>
      %dma_wait3A_792 = tpu.memref_slice %arg2[%add3A_790] : memref<819200xi32, #tpu.memory_space<hbm>> -> memref<800xi32, #tpu.memory_space<hbm>>
      tpu.wait_dma2 semaphore(%arg12 : memref<!tpu.dma_semaphore, #tpu.memory_space<semaphore_mem>>) src(%dma_wait3A_792 : memref<800xi32, #tpu.memory_space<hbm>>) dst(%arg6 : memref<800xi32, #tpu.memory_space<vmem>>)
      %ge3A_793 = arith.constant 2 : i32
      %ge3A_794 = arith.cmpi sge, %add3A_787, %ge3A_793 : i32
      %convert_element_type3A_795 = arith.extui %ge3A_794 : i1 to i32
      %cond3A_796 = arith.constant 0 : i32
      %cond3A_797 = arith.cmpi ne, %convert_element_type3A_795, %cond3A_796 : i32
      scf.if %cond3A_797 {
        %dma_wait3A_846 = arith.constant 0 : i32
        %dma_wait3A_847 = arith.constant 0 : i32
        %dma_wait3A_848 = arith.constant 0 : i32
        %dma_wait3A_849 = tpu.memref_slice %arg10[%dma_wait3A_847, %dma_wait3A_848] : memref<800x64xf32, #tpu.memory_space<vmem>> -> memref<50x64xf32, #tpu.memory_space<vmem>>
        %dma_wait3A_850 = arith.constant 0 : i32
        %dma_wait3A_851 = arith.constant 0 : i32
        %dma_wait3A_852 = tpu.memref_slice %arg4[%dma_wait3A_846, %dma_wait3A_850, %dma_wait3A_851] : memref<16384x56x128xf32, #tpu.memory_space<hbm>> -> memref<1x50x64xf32, #tpu.memory_space<hbm>>
        %dma_wait3A_853 = tpu.memref_squeeze %dma_wait3A_852 : memref<1x50x64xf32, #tpu.memory_space<hbm>> -> memref<50x64xf32, #tpu.memory_space<hbm>>
        %dma_wait3A_854 = arith.constant 0 : i32
        %dma_wait3A_855 = arith.constant 0 : i32
        %dma_wait3A_856 = tpu.memref_slice %arg4[%dma_wait3A_846, %dma_wait3A_854, %dma_wait3A_855] : memref<16384x56x128xf32, #tpu.memory_space<hbm>> -> memref<1x50x64xf32, #tpu.memory_space<hbm>>
        %dma_wait3A_857 = tpu.memref_squeeze %dma_wait3A_856 : memref<1x50x64xf32, #tpu.memory_space<hbm>> -> memref<50x64xf32, #tpu.memory_space<hbm>>
        %dma_wait3A_858 = arith.constant 0 : i32
        %dma_wait3A_859 = arith.constant 0 : i32
        %dma_wait3A_860 = tpu.memref_slice %arg10[%dma_wait3A_858, %dma_wait3A_859] : memref<800x64xf32, #tpu.memory_space<vmem>> -> memref<50x64xf32, #tpu.memory_space<vmem>>
        tpu.wait_dma2 semaphore(%arg18 : memref<!tpu.dma_semaphore, #tpu.memory_space<semaphore_mem>>) src(%dma_wait3A_860 : memref<50x64xf32, #tpu.memory_space<vmem>>) dst(%dma_wait3A_857 : memref<50x64xf32, #tpu.memory_space<hbm>>)
        %dma_wait3A_861 = arith.constant 0 : i32
        %dma_wait3A_862 = arith.constant 0 : i32
        %dma_wait3A_863 = arith.constant 0 : i32
        %dma_wait3A_864 = tpu.memref_slice %arg10[%dma_wait3A_862, %dma_wait3A_863] : memref<800x64xf32, #tpu.memory_space<vmem>> -> memref<50x64xf32, #tpu.memory_space<vmem>>
        %dma_wait3A_865 = arith.constant 0 : i32
        %dma_wait3A_866 = arith.constant 0 : i32
        %dma_wait3A_867 = tpu.memref_slice %arg4[%dma_wait3A_861, %dma_wait3A_865, %dma_wait3A_866] : memref<16384x56x128xf32, #tpu.memory_space<hbm>> -> memref<1x50x64xf32, #tpu.memory_space<hbm>>
        %dma_wait3A_868 = tpu.memref_squeeze %dma_wait3A_867 : memref<1x50x64xf32, #tpu.memory_space<hbm>> -> memref<50x64xf32, #tpu.memory_space<hbm>>
        %dma_wait3A_869 = arith.constant 0 : i32
        %dma_wait3A_870 = arith.constant 0 : i32
        %dma_wait3A_871 = tpu.memref_slice %arg4[%dma_wait3A_861, %dma_wait3A_869, %dma_wait3A_870] : memref<16384x56x128xf32, #tpu.memory_space<hbm>> -> memref<1x50x64xf32, #tpu.memory_space<hbm>>
        %dma_wait3A_872 = tpu.memref_squeeze %dma_wait3A_871 : memref<1x50x64xf32, #tpu.memory_space<hbm>> -> memref<50x64xf32, #tpu.memory_space<hbm>>
        %dma_wait3A_873 = arith.constant 0 : i32
        %dma_wait3A_874 = arith.constant 0 : i32
        %dma_wait3A_875 = tpu.memref_slice %arg10[%dma_wait3A_873, %dma_wait3A_874] : memref<800x64xf32, #tpu.memory_space<vmem>> -> memref<50x64xf32, #tpu.memory_space<vmem>>
        tpu.wait_dma2 semaphore(%arg18 : memref<!tpu.dma_semaphore, #tpu.memory_space<semaphore_mem>>) src(%dma_wait3A_875 : memref<50x64xf32, #tpu.memory_space<vmem>>) dst(%dma_wait3A_872 : memref<50x64xf32, #tpu.memory_space<hbm>>)
        %dma_wait3A_876 = arith.constant 0 : i32
        %dma_wait3A_877 = arith.constant 0 : i32
        %dma_wait3A_878 = arith.constant 0 : i32
        %dma_wait3A_879 = tpu.memref_slice %arg10[%dma_wait3A_877, %dma_wait3A_878] : memref<800x64xf32, #tpu.memory_space<vmem>> -> memref<50x64xf32, #tpu.memory_space<vmem>>
        %dma_wait3A_880 = arith.constant 0 : i32
        %dma_wait3A_881 = arith.constant 0 : i32
        %dma_wait3A_882 = tpu.memref_slice %arg4[%dma_wait3A_876, %dma_wait3A_880, %dma_wait3A_881] : memref<16384x56x128xf32, #tpu.memory_space<hbm>> -> memref<1x50x64xf32, #tpu.memory_space<hbm>>
        %dma_wait3A_883 = tpu.memref_squeeze %dma_wait3A_882 : memref<1x50x64xf32, #tpu.memory_space<hbm>> -> memref<50x64xf32, #tpu.memory_space<hbm>>
        %dma_wait3A_884 = arith.constant 0 : i32
        %dma_wait3A_885 = arith.constant 0 : i32
        %dma_wait3A_886 = tpu.memref_slice %arg4[%dma_wait3A_876, %dma_wait3A_884, %dma_wait3A_885] : memref<16384x56x128xf32, #tpu.memory_space<hbm>> -> memref<1x50x64xf32, #tpu.memory_space<hbm>>
        %dma_wait3A_887 = tpu.memref_squeeze %dma_wait3A_886 : memref<1x50x64xf32, #tpu.memory_space<hbm>> -> memref<50x64xf32, #tpu.memory_space<hbm>>
        %dma_wait3A_888 = arith.constant 0 : i32
        %dma_wait3A_889 = arith.constant 0 : i32
        %dma_wait3A_890 = tpu.memref_slice %arg10[%dma_wait3A_888, %dma_wait3A_889] : memref<800x64xf32, #tpu.memory_space<vmem>> -> memref<50x64xf32, #tpu.memory_space<vmem>>
        tpu.wait_dma2 semaphore(%arg18 : memref<!tpu.dma_semaphore, #tpu.memory_space<semaphore_mem>>) src(%dma_wait3A_890 : memref<50x64xf32, #tpu.memory_space<vmem>>) dst(%dma_wait3A_887 : memref<50x64xf32, #tpu.memory_space<hbm>>)
        %dma_wait3A_891 = arith.constant 0 : i32
        %dma_wait3A_892 = arith.constant 0 : i32
        %dma_wait3A_893 = arith.constant 0 : i32
        %dma_wait3A_894 = tpu.memref_slice %arg10[%dma_wait3A_892, %dma_wait3A_893] : memref<800x64xf32, #tpu.memory_space<vmem>> -> memref<50x64xf32, #tpu.memory_space<vmem>>
        %dma_wait3A_895 = arith.constant 0 : i32
        %dma_wait3A_896 = arith.constant 0 : i32
        %dma_wait3A_897 = tpu.memref_slice %arg4[%dma_wait3A_891, %dma_wait3A_895, %dma_wait3A_896] : memref<16384x56x128xf32, #tpu.memory_space<hbm>> -> memref<1x50x64xf32, #tpu.memory_space<hbm>>
        %dma_wait3A_898 = tpu.memref_squeeze %dma_wait3A_897 : memref<1x50x64xf32, #tpu.memory_space<hbm>> -> memref<50x64xf32, #tpu.memory_space<hbm>>
        %dma_wait3A_899 = arith.constant 0 : i32
        %dma_wait3A_900 = arith.constant 0 : i32
        %dma_wait3A_901 = tpu.memref_slice %arg4[%dma_wait3A_891, %dma_wait3A_899, %dma_wait3A_900] : memref<16384x56x128xf32, #tpu.memory_space<hbm>> -> memref<1x50x64xf32, #tpu.memory_space<hbm>>
        %dma_wait3A_902 = tpu.memref_squeeze %dma_wait3A_901 : memref<1x50x64xf32, #tpu.memory_space<hbm>> -> memref<50x64xf32, #tpu.memory_space<hbm>>
        %dma_wait3A_903 = arith.constant 0 : i32
        %dma_wait3A_904 = arith.constant 0 : i32
        %dma_wait3A_905 = tpu.memref_slice %arg10[%dma_wait3A_903, %dma_wait3A_904] : memref<800x64xf32, #tpu.memory_space<vmem>> -> memref<50x64xf32, #tpu.memory_space<vmem>>
        tpu.wait_dma2 semaphore(%arg18 : memref<!tpu.dma_semaphore, #tpu.memory_space<semaphore_mem>>) src(%dma_wait3A_905 : memref<50x64xf32, #tpu.memory_space<vmem>>) dst(%dma_wait3A_902 : memref<50x64xf32, #tpu.memory_space<hbm>>)
        %dma_wait3A_906 = arith.constant 0 : i32
        %dma_wait3A_907 = arith.constant 0 : i32
        %dma_wait3A_908 = arith.constant 0 : i32
        %dma_wait3A_909 = tpu.memref_slice %arg10[%dma_wait3A_907, %dma_wait3A_908] : memref<800x64xf32, #tpu.memory_space<vmem>> -> memref<50x64xf32, #tpu.memory_space<vmem>>
        %dma_wait3A_910 = arith.constant 0 : i32
        %dma_wait3A_911 = arith.constant 0 : i32
        %dma_wait3A_912 = tpu.memref_slice %arg4[%dma_wait3A_906, %dma_wait3A_910, %dma_wait3A_911] : memref<16384x56x128xf32, #tpu.memory_space<hbm>> -> memref<1x50x64xf32, #tpu.memory_space<hbm>>
        %dma_wait3A_913 = tpu.memref_squeeze %dma_wait3A_912 : memref<1x50x64xf32, #tpu.memory_space<hbm>> -> memref<50x64xf32, #tpu.memory_space<hbm>>
        %dma_wait3A_914 = arith.constant 0 : i32
        %dma_wait3A_915 = arith.constant 0 : i32
        %dma_wait3A_916 = tpu.memref_slice %arg4[%dma_wait3A_906, %dma_wait3A_914, %dma_wait3A_915] : memref<16384x56x128xf32, #tpu.memory_space<hbm>> -> memref<1x50x64xf32, #tpu.memory_space<hbm>>
        %dma_wait3A_917 = tpu.memref_squeeze %dma_wait3A_916 : memref<1x50x64xf32, #tpu.memory_space<hbm>> -> memref<50x64xf32, #tpu.memory_space<hbm>>
        %dma_wait3A_918 = arith.constant 0 : i32
        %dma_wait3A_919 = arith.constant 0 : i32
        %dma_wait3A_920 = tpu.memref_slice %arg10[%dma_wait3A_918, %dma_wait3A_919] : memref<800x64xf32, #tpu.memory_space<vmem>> -> memref<50x64xf32, #tpu.memory_space<vmem>>
        tpu.wait_dma2 semaphore(%arg18 : memref<!tpu.dma_semaphore, #tpu.memory_space<semaphore_mem>>) src(%dma_wait3A_920 : memref<50x64xf32, #tpu.memory_space<vmem>>) dst(%dma_wait3A_917 : memref<50x64xf32, #tpu.memory_space<hbm>>)
        %dma_wait3A_921 = arith.constant 0 : i32
        %dma_wait3A_922 = arith.constant 0 : i32
        %dma_wait3A_923 = arith.constant 0 : i32
        %dma_wait3A_924 = tpu.memref_slice %arg10[%dma_wait3A_922, %dma_wait3A_923] : memref<800x64xf32, #tpu.memory_space<vmem>> -> memref<50x64xf32, #tpu.memory_space<vmem>>
        %dma_wait3A_925 = arith.constant 0 : i32
        %dma_wait3A_926 = arith.constant 0 : i32
        %dma_wait3A_927 = tpu.memref_slice %arg4[%dma_wait3A_921, %dma_wait3A_925, %dma_wait3A_926] : memref<16384x56x128xf32, #tpu.memory_space<hbm>> -> memref<1x50x64xf32, #tpu.memory_space<hbm>>
        %dma_wait3A_928 = tpu.memref_squeeze %dma_wait3A_927 : memref<1x50x64xf32, #tpu.memory_space<hbm>> -> memref<50x64xf32, #tpu.memory_space<hbm>>
        %dma_wait3A_929 = arith.constant 0 : i32
        %dma_wait3A_930 = arith.constant 0 : i32
        %dma_wait3A_931 = tpu.memref_slice %arg4[%dma_wait3A_921, %dma_wait3A_929, %dma_wait3A_930] : memref<16384x56x128xf32, #tpu.memory_space<hbm>> -> memref<1x50x64xf32, #tpu.memory_space<hbm>>
        %dma_wait3A_932 = tpu.memref_squeeze %dma_wait3A_931 : memref<1x50x64xf32, #tpu.memory_space<hbm>> -> memref<50x64xf32, #tpu.memory_space<hbm>>
        %dma_wait3A_933 = arith.constant 0 : i32
        %dma_wait3A_934 = arith.constant 0 : i32
        %dma_wait3A_935 = tpu.memref_slice %arg10[%dma_wait3A_933, %dma_wait3A_934] : memref<800x64xf32, #tpu.memory_space<vmem>> -> memref<50x64xf32, #tpu.memory_space<vmem>>
        tpu.wait_dma2 semaphore(%arg18 : memref<!tpu.dma_semaphore, #tpu.memory_space<semaphore_mem>>) src(%dma_wait3A_935 : memref<50x64xf32, #tpu.memory_space<vmem>>) dst(%dma_wait3A_932 : memref<50x64xf32, #tpu.memory_space<hbm>>)
        %dma_wait3A_936 = arith.constant 0 : i32
        %dma_wait3A_937 = arith.constant 0 : i32
        %dma_wait3A_938 = arith.constant 0 : i32
        %dma_wait3A_939 = tpu.memref_slice %arg10[%dma_wait3A_937, %dma_wait3A_938] : memref<800x64xf32, #tpu.memory_space<vmem>> -> memref<50x64xf32, #tpu.memory_space<vmem>>
        %dma_wait3A_940 = arith.constant 0 : i32
        %dma_wait3A_941 = arith.constant 0 : i32
        %dma_wait3A_942 = tpu.memref_slice %arg4[%dma_wait3A_936, %dma_wait3A_940, %dma_wait3A_941] : memref<16384x56x128xf32, #tpu.memory_space<hbm>> -> memref<1x50x64xf32, #tpu.memory_space<hbm>>
        %dma_wait3A_943 = tpu.memref_squeeze %dma_wait3A_942 : memref<1x50x64xf32, #tpu.memory_space<hbm>> -> memref<50x64xf32, #tpu.memory_space<hbm>>
        %dma_wait3A_944 = arith.constant 0 : i32
        %dma_wait3A_945 = arith.constant 0 : i32
        %dma_wait3A_946 = tpu.memref_slice %arg4[%dma_wait3A_936, %dma_wait3A_944, %dma_wait3A_945] : memref<16384x56x128xf32, #tpu.memory_space<hbm>> -> memref<1x50x64xf32, #tpu.memory_space<hbm>>
        %dma_wait3A_947 = tpu.memref_squeeze %dma_wait3A_946 : memref<1x50x64xf32, #tpu.memory_space<hbm>> -> memref<50x64xf32, #tpu.memory_space<hbm>>
        %dma_wait3A_948 = arith.constant 0 : i32
        %dma_wait3A_949 = arith.constant 0 : i32
        %dma_wait3A_950 = tpu.memref_slice %arg10[%dma_wait3A_948, %dma_wait3A_949] : memref<800x64xf32, #tpu.memory_space<vmem>> -> memref<50x64xf32, #tpu.memory_space<vmem>>
        tpu.wait_dma2 semaphore(%arg18 : memref<!tpu.dma_semaphore, #tpu.memory_space<semaphore_mem>>) src(%dma_wait3A_950 : memref<50x64xf32, #tpu.memory_space<vmem>>) dst(%dma_wait3A_947 : memref<50x64xf32, #tpu.memory_space<hbm>>)
        %dma_wait3A_951 = arith.constant 0 : i32
        %dma_wait3A_952 = arith.constant 0 : i32
        %dma_wait3A_953 = arith.constant 0 : i32
        %dma_wait3A_954 = tpu.memref_slice %arg10[%dma_wait3A_952, %dma_wait3A_953] : memref<800x64xf32, #tpu.memory_space<vmem>> -> memref<50x64xf32, #tpu.memory_space<vmem>>
        %dma_wait3A_955 = arith.constant 0 : i32
        %dma_wait3A_956 = arith.constant 0 : i32
        %dma_wait3A_957 = tpu.memref_slice %arg4[%dma_wait3A_951, %dma_wait3A_955, %dma_wait3A_956] : memref<16384x56x128xf32, #tpu.memory_space<hbm>> -> memref<1x50x64xf32, #tpu.memory_space<hbm>>
        %dma_wait3A_958 = tpu.memref_squeeze %dma_wait3A_957 : memref<1x50x64xf32, #tpu.memory_space<hbm>> -> memref<50x64xf32, #tpu.memory_space<hbm>>
        %dma_wait3A_959 = arith.constant 0 : i32
        %dma_wait3A_960 = arith.constant 0 : i32
        %dma_wait3A_961 = tpu.memref_slice %arg4[%dma_wait3A_951, %dma_wait3A_959, %dma_wait3A_960] : memref<16384x56x128xf32, #tpu.memory_space<hbm>> -> memref<1x50x64xf32, #tpu.memory_space<hbm>>
        %dma_wait3A_962 = tpu.memref_squeeze %dma_wait3A_961 : memref<1x50x64xf32, #tpu.memory_space<hbm>> -> memref<50x64xf32, #tpu.memory_space<hbm>>
        %dma_wait3A_963 = arith.constant 0 : i32
        %dma_wait3A_964 = arith.constant 0 : i32
        %dma_wait3A_965 = tpu.memref_slice %arg10[%dma_wait3A_963, %dma_wait3A_964] : memref<800x64xf32, #tpu.memory_space<vmem>> -> memref<50x64xf32, #tpu.memory_space<vmem>>
        tpu.wait_dma2 semaphore(%arg18 : memref<!tpu.dma_semaphore, #tpu.memory_space<semaphore_mem>>) src(%dma_wait3A_965 : memref<50x64xf32, #tpu.memory_space<vmem>>) dst(%dma_wait3A_962 : memref<50x64xf32, #tpu.memory_space<hbm>>)
        %dma_wait3A_966 = arith.constant 0 : i32
        %dma_wait3A_967 = arith.constant 0 : i32
        %dma_wait3A_968 = arith.constant 0 : i32
        %dma_wait3A_969 = tpu.memref_slice %arg10[%dma_wait3A_967, %dma_wait3A_968] : memref<800x64xf32, #tpu.memory_space<vmem>> -> memref<50x64xf32, #tpu.memory_space<vmem>>
        %dma_wait3A_970 = arith.constant 0 : i32
        %dma_wait3A_971 = arith.constant 0 : i32
        %dma_wait3A_972 = tpu.memref_slice %arg4[%dma_wait3A_966, %dma_wait3A_970, %dma_wait3A_971] : memref<16384x56x128xf32, #tpu.memory_space<hbm>> -> memref<1x50x64xf32, #tpu.memory_space<hbm>>
        %dma_wait3A_973 = tpu.memref_squeeze %dma_wait3A_972 : memref<1x50x64xf32, #tpu.memory_space<hbm>> -> memref<50x64xf32, #tpu.memory_space<hbm>>
        %dma_wait3A_974 = arith.constant 0 : i32
        %dma_wait3A_975 = arith.constant 0 : i32
        %dma_wait3A_976 = tpu.memref_slice %arg4[%dma_wait3A_966, %dma_wait3A_974, %dma_wait3A_975] : memref<16384x56x128xf32, #tpu.memory_space<hbm>> -> memref<1x50x64xf32, #tpu.memory_space<hbm>>
        %dma_wait3A_977 = tpu.memref_squeeze %dma_wait3A_976 : memref<1x50x64xf32, #tpu.memory_space<hbm>> -> memref<50x64xf32, #tpu.memory_space<hbm>>
        %dma_wait3A_978 = arith.constant 0 : i32
        %dma_wait3A_979 = arith.constant 0 : i32
        %dma_wait3A_980 = tpu.memref_slice %arg10[%dma_wait3A_978, %dma_wait3A_979] : memref<800x64xf32, #tpu.memory_space<vmem>> -> memref<50x64xf32, #tpu.memory_space<vmem>>
        tpu.wait_dma2 semaphore(%arg18 : memref<!tpu.dma_semaphore, #tpu.memory_space<semaphore_mem>>) src(%dma_wait3A_980 : memref<50x64xf32, #tpu.memory_space<vmem>>) dst(%dma_wait3A_977 : memref<50x64xf32, #tpu.memory_space<hbm>>)
        %dma_wait3A_981 = arith.constant 0 : i32
        %dma_wait3A_982 = arith.constant 0 : i32
        %dma_wait3A_983 = arith.constant 0 : i32
        %dma_wait3A_984 = tpu.memref_slice %arg10[%dma_wait3A_982, %dma_wait3A_983] : memref<800x64xf32, #tpu.memory_space<vmem>> -> memref<50x64xf32, #tpu.memory_space<vmem>>
        %dma_wait3A_985 = arith.constant 0 : i32
        %dma_wait3A_986 = arith.constant 0 : i32
        %dma_wait3A_987 = tpu.memref_slice %arg4[%dma_wait3A_981, %dma_wait3A_985, %dma_wait3A_986] : memref<16384x56x128xf32, #tpu.memory_space<hbm>> -> memref<1x50x64xf32, #tpu.memory_space<hbm>>
        %dma_wait3A_988 = tpu.memref_squeeze %dma_wait3A_987 : memref<1x50x64xf32, #tpu.memory_space<hbm>> -> memref<50x64xf32, #tpu.memory_space<hbm>>
        %dma_wait3A_989 = arith.constant 0 : i32
        %dma_wait3A_990 = arith.constant 0 : i32
        %dma_wait3A_991 = tpu.memref_slice %arg4[%dma_wait3A_981, %dma_wait3A_989, %dma_wait3A_990] : memref<16384x56x128xf32, #tpu.memory_space<hbm>> -> memref<1x50x64xf32, #tpu.memory_space<hbm>>
        %dma_wait3A_992 = tpu.memref_squeeze %dma_wait3A_991 : memref<1x50x64xf32, #tpu.memory_space<hbm>> -> memref<50x64xf32, #tpu.memory_space<hbm>>
        %dma_wait3A_993 = arith.constant 0 : i32
        %dma_wait3A_994 = arith.constant 0 : i32
        %dma_wait3A_995 = tpu.memref_slice %arg10[%dma_wait3A_993, %dma_wait3A_994] : memref<800x64xf32, #tpu.memory_space<vmem>> -> memref<50x64xf32, #tpu.memory_space<vmem>>
        tpu.wait_dma2 semaphore(%arg18 : memref<!tpu.dma_semaphore, #tpu.memory_space<semaphore_mem>>) src(%dma_wait3A_995 : memref<50x64xf32, #tpu.memory_space<vmem>>) dst(%dma_wait3A_992 : memref<50x64xf32, #tpu.memory_space<hbm>>)
        %dma_wait3A_996 = arith.constant 0 : i32
        %dma_wait3A_997 = arith.constant 0 : i32
        %dma_wait3A_998 = arith.constant 0 : i32
        %dma_wait3A_999 = tpu.memref_slice %arg10[%dma_wait3A_997, %dma_wait3A_998] : memref<800x64xf32, #tpu.memory_space<vmem>> -> memref<50x64xf32, #tpu.memory_space<vmem>>
        %dma_wait3A_1000 = arith.constant 0 : i32
        %dma_wait3A_1001 = arith.constant 0 : i32
        %dma_wait3A_1002 = tpu.memref_slice %arg4[%dma_wait3A_996, %dma_wait3A_1000, %dma_wait3A_1001] : memref<16384x56x128xf32, #tpu.memory_space<hbm>> -> memref<1x50x64xf32, #tpu.memory_space<hbm>>
        %dma_wait3A_1003 = tpu.memref_squeeze %dma_wait3A_1002 : memref<1x50x64xf32, #tpu.memory_space<hbm>> -> memref<50x64xf32, #tpu.memory_space<hbm>>
        %dma_wait3A_1004 = arith.constant 0 : i32
        %dma_wait3A_1005 = arith.constant 0 : i32
        %dma_wait3A_1006 = tpu.memref_slice %arg4[%dma_wait3A_996, %dma_wait3A_1004, %dma_wait3A_1005] : memref<16384x56x128xf32, #tpu.memory_space<hbm>> -> memref<1x50x64xf32, #tpu.memory_space<hbm>>
        %dma_wait3A_1007 = tpu.memref_squeeze %dma_wait3A_1006 : memref<1x50x64xf32, #tpu.memory_space<hbm>> -> memref<50x64xf32, #tpu.memory_space<hbm>>
        %dma_wait3A_1008 = arith.constant 0 : i32
        %dma_wait3A_1009 = arith.constant 0 : i32
        %dma_wait3A_1010 = tpu.memref_slice %arg10[%dma_wait3A_1008, %dma_wait3A_1009] : memref<800x64xf32, #tpu.memory_space<vmem>> -> memref<50x64xf32, #tpu.memory_space<vmem>>
        tpu.wait_dma2 semaphore(%arg18 : memref<!tpu.dma_semaphore, #tpu.memory_space<semaphore_mem>>) src(%dma_wait3A_1010 : memref<50x64xf32, #tpu.memory_space<vmem>>) dst(%dma_wait3A_1007 : memref<50x64xf32, #tpu.memory_space<hbm>>)
        %dma_wait3A_1011 = arith.constant 0 : i32
        %dma_wait3A_1012 = arith.constant 0 : i32
        %dma_wait3A_1013 = arith.constant 0 : i32
        %dma_wait3A_1014 = tpu.memref_slice %arg10[%dma_wait3A_1012, %dma_wait3A_1013] : memref<800x64xf32, #tpu.memory_space<vmem>> -> memref<50x64xf32, #tpu.memory_space<vmem>>
        %dma_wait3A_1015 = arith.constant 0 : i32
        %dma_wait3A_1016 = arith.constant 0 : i32
        %dma_wait3A_1017 = tpu.memref_slice %arg4[%dma_wait3A_1011, %dma_wait3A_1015, %dma_wait3A_1016] : memref<16384x56x128xf32, #tpu.memory_space<hbm>> -> memref<1x50x64xf32, #tpu.memory_space<hbm>>
        %dma_wait3A_1018 = tpu.memref_squeeze %dma_wait3A_1017 : memref<1x50x64xf32, #tpu.memory_space<hbm>> -> memref<50x64xf32, #tpu.memory_space<hbm>>
        %dma_wait3A_1019 = arith.constant 0 : i32
        %dma_wait3A_1020 = arith.constant 0 : i32
        %dma_wait3A_1021 = tpu.memref_slice %arg4[%dma_wait3A_1011, %dma_wait3A_1019, %dma_wait3A_1020] : memref<16384x56x128xf32, #tpu.memory_space<hbm>> -> memref<1x50x64xf32, #tpu.memory_space<hbm>>
        %dma_wait3A_1022 = tpu.memref_squeeze %dma_wait3A_1021 : memref<1x50x64xf32, #tpu.memory_space<hbm>> -> memref<50x64xf32, #tpu.memory_space<hbm>>
        %dma_wait3A_1023 = arith.constant 0 : i32
        %dma_wait3A_1024 = arith.constant 0 : i32
        %dma_wait3A_1025 = tpu.memref_slice %arg10[%dma_wait3A_1023, %dma_wait3A_1024] : memref<800x64xf32, #tpu.memory_space<vmem>> -> memref<50x64xf32, #tpu.memory_space<vmem>>
        tpu.wait_dma2 semaphore(%arg18 : memref<!tpu.dma_semaphore, #tpu.memory_space<semaphore_mem>>) src(%dma_wait3A_1025 : memref<50x64xf32, #tpu.memory_space<vmem>>) dst(%dma_wait3A_1022 : memref<50x64xf32, #tpu.memory_space<hbm>>)
        %dma_wait3A_1026 = arith.constant 0 : i32
        %dma_wait3A_1027 = arith.constant 0 : i32
        %dma_wait3A_1028 = arith.constant 0 : i32
        %dma_wait3A_1029 = tpu.memref_slice %arg10[%dma_wait3A_1027, %dma_wait3A_1028] : memref<800x64xf32, #tpu.memory_space<vmem>> -> memref<50x64xf32, #tpu.memory_space<vmem>>
        %dma_wait3A_1030 = arith.constant 0 : i32
        %dma_wait3A_1031 = arith.constant 0 : i32
        %dma_wait3A_1032 = tpu.memref_slice %arg4[%dma_wait3A_1026, %dma_wait3A_1030, %dma_wait3A_1031] : memref<16384x56x128xf32, #tpu.memory_space<hbm>> -> memref<1x50x64xf32, #tpu.memory_space<hbm>>
        %dma_wait3A_1033 = tpu.memref_squeeze %dma_wait3A_1032 : memref<1x50x64xf32, #tpu.memory_space<hbm>> -> memref<50x64xf32, #tpu.memory_space<hbm>>
        %dma_wait3A_1034 = arith.constant 0 : i32
        %dma_wait3A_1035 = arith.constant 0 : i32
        %dma_wait3A_1036 = tpu.memref_slice %arg4[%dma_wait3A_1026, %dma_wait3A_1034, %dma_wait3A_1035] : memref<16384x56x128xf32, #tpu.memory_space<hbm>> -> memref<1x50x64xf32, #tpu.memory_space<hbm>>
        %dma_wait3A_1037 = tpu.memref_squeeze %dma_wait3A_1036 : memref<1x50x64xf32, #tpu.memory_space<hbm>> -> memref<50x64xf32, #tpu.memory_space<hbm>>
        %dma_wait3A_1038 = arith.constant 0 : i32
        %dma_wait3A_1039 = arith.constant 0 : i32
        %dma_wait3A_1040 = tpu.memref_slice %arg10[%dma_wait3A_1038, %dma_wait3A_1039] : memref<800x64xf32, #tpu.memory_space<vmem>> -> memref<50x64xf32, #tpu.memory_space<vmem>>
        tpu.wait_dma2 semaphore(%arg18 : memref<!tpu.dma_semaphore, #tpu.memory_space<semaphore_mem>>) src(%dma_wait3A_1040 : memref<50x64xf32, #tpu.memory_space<vmem>>) dst(%dma_wait3A_1037 : memref<50x64xf32, #tpu.memory_space<hbm>>)
        %dma_wait3A_1041 = arith.constant 0 : i32
        %dma_wait3A_1042 = arith.constant 0 : i32
        %dma_wait3A_1043 = arith.constant 0 : i32
        %dma_wait3A_1044 = tpu.memref_slice %arg10[%dma_wait3A_1042, %dma_wait3A_1043] : memref<800x64xf32, #tpu.memory_space<vmem>> -> memref<50x64xf32, #tpu.memory_space<vmem>>
        %dma_wait3A_1045 = arith.constant 0 : i32
        %dma_wait3A_1046 = arith.constant 0 : i32
        %dma_wait3A_1047 = tpu.memref_slice %arg4[%dma_wait3A_1041, %dma_wait3A_1045, %dma_wait3A_1046] : memref<16384x56x128xf32, #tpu.memory_space<hbm>> -> memref<1x50x64xf32, #tpu.memory_space<hbm>>
        %dma_wait3A_1048 = tpu.memref_squeeze %dma_wait3A_1047 : memref<1x50x64xf32, #tpu.memory_space<hbm>> -> memref<50x64xf32, #tpu.memory_space<hbm>>
        %dma_wait3A_1049 = arith.constant 0 : i32
        %dma_wait3A_1050 = arith.constant 0 : i32
        %dma_wait3A_1051 = tpu.memref_slice %arg4[%dma_wait3A_1041, %dma_wait3A_1049, %dma_wait3A_1050] : memref<16384x56x128xf32, #tpu.memory_space<hbm>> -> memref<1x50x64xf32, #tpu.memory_space<hbm>>
        %dma_wait3A_1052 = tpu.memref_squeeze %dma_wait3A_1051 : memref<1x50x64xf32, #tpu.memory_space<hbm>> -> memref<50x64xf32, #tpu.memory_space<hbm>>
        %dma_wait3A_1053 = arith.constant 0 : i32
        %dma_wait3A_1054 = arith.constant 0 : i32
        %dma_wait3A_1055 = tpu.memref_slice %arg10[%dma_wait3A_1053, %dma_wait3A_1054] : memref<800x64xf32, #tpu.memory_space<vmem>> -> memref<50x64xf32, #tpu.memory_space<vmem>>
        tpu.wait_dma2 semaphore(%arg18 : memref<!tpu.dma_semaphore, #tpu.memory_space<semaphore_mem>>) src(%dma_wait3A_1055 : memref<50x64xf32, #tpu.memory_space<vmem>>) dst(%dma_wait3A_1052 : memref<50x64xf32, #tpu.memory_space<hbm>>)
        %dma_wait3A_1056 = arith.constant 0 : i32
        %dma_wait3A_1057 = arith.constant 0 : i32
        %dma_wait3A_1058 = arith.constant 0 : i32
        %dma_wait3A_1059 = tpu.memref_slice %arg10[%dma_wait3A_1057, %dma_wait3A_1058] : memref<800x64xf32, #tpu.memory_space<vmem>> -> memref<50x64xf32, #tpu.memory_space<vmem>>
        %dma_wait3A_1060 = arith.constant 0 : i32
        %dma_wait3A_1061 = arith.constant 0 : i32
        %dma_wait3A_1062 = tpu.memref_slice %arg4[%dma_wait3A_1056, %dma_wait3A_1060, %dma_wait3A_1061] : memref<16384x56x128xf32, #tpu.memory_space<hbm>> -> memref<1x50x64xf32, #tpu.memory_space<hbm>>
        %dma_wait3A_1063 = tpu.memref_squeeze %dma_wait3A_1062 : memref<1x50x64xf32, #tpu.memory_space<hbm>> -> memref<50x64xf32, #tpu.memory_space<hbm>>
        %dma_wait3A_1064 = arith.constant 0 : i32
        %dma_wait3A_1065 = arith.constant 0 : i32
        %dma_wait3A_1066 = tpu.memref_slice %arg4[%dma_wait3A_1056, %dma_wait3A_1064, %dma_wait3A_1065] : memref<16384x56x128xf32, #tpu.memory_space<hbm>> -> memref<1x50x64xf32, #tpu.memory_space<hbm>>
        %dma_wait3A_1067 = tpu.memref_squeeze %dma_wait3A_1066 : memref<1x50x64xf32, #tpu.memory_space<hbm>> -> memref<50x64xf32, #tpu.memory_space<hbm>>
        %dma_wait3A_1068 = arith.constant 0 : i32
        %dma_wait3A_1069 = arith.constant 0 : i32
        %dma_wait3A_1070 = tpu.memref_slice %arg10[%dma_wait3A_1068, %dma_wait3A_1069] : memref<800x64xf32, #tpu.memory_space<vmem>> -> memref<50x64xf32, #tpu.memory_space<vmem>>
        tpu.wait_dma2 semaphore(%arg18 : memref<!tpu.dma_semaphore, #tpu.memory_space<semaphore_mem>>) src(%dma_wait3A_1070 : memref<50x64xf32, #tpu.memory_space<vmem>>) dst(%dma_wait3A_1067 : memref<50x64xf32, #tpu.memory_space<hbm>>)
        %dma_wait3A_1071 = arith.constant 0 : i32
        %dma_wait3A_1072 = arith.constant 0 : i32
        %dma_wait3A_1073 = arith.constant 0 : i32
        %dma_wait3A_1074 = tpu.memref_slice %arg10[%dma_wait3A_1072, %dma_wait3A_1073] : memref<800x64xf32, #tpu.memory_space<vmem>> -> memref<50x64xf32, #tpu.memory_space<vmem>>
        %dma_wait3A_1075 = arith.constant 0 : i32
        %dma_wait3A_1076 = arith.constant 0 : i32
        %dma_wait3A_1077 = tpu.memref_slice %arg4[%dma_wait3A_1071, %dma_wait3A_1075, %dma_wait3A_1076] : memref<16384x56x128xf32, #tpu.memory_space<hbm>> -> memref<1x50x64xf32, #tpu.memory_space<hbm>>
        %dma_wait3A_1078 = tpu.memref_squeeze %dma_wait3A_1077 : memref<1x50x64xf32, #tpu.memory_space<hbm>> -> memref<50x64xf32, #tpu.memory_space<hbm>>
        %dma_wait3A_1079 = arith.constant 0 : i32
        %dma_wait3A_1080 = arith.constant 0 : i32
        %dma_wait3A_1081 = tpu.memref_slice %arg4[%dma_wait3A_1071, %dma_wait3A_1079, %dma_wait3A_1080] : memref<16384x56x128xf32, #tpu.memory_space<hbm>> -> memref<1x50x64xf32, #tpu.memory_space<hbm>>
        %dma_wait3A_1082 = tpu.memref_squeeze %dma_wait3A_1081 : memref<1x50x64xf32, #tpu.memory_space<hbm>> -> memref<50x64xf32, #tpu.memory_space<hbm>>
        %dma_wait3A_1083 = arith.constant 0 : i32
        %dma_wait3A_1084 = arith.constant 0 : i32
        %dma_wait3A_1085 = tpu.memref_slice %arg10[%dma_wait3A_1083, %dma_wait3A_1084] : memref<800x64xf32, #tpu.memory_space<vmem>> -> memref<50x64xf32, #tpu.memory_space<vmem>>
        tpu.wait_dma2 semaphore(%arg18 : memref<!tpu.dma_semaphore, #tpu.memory_space<semaphore_mem>>) src(%dma_wait3A_1085 : memref<50x64xf32, #tpu.memory_space<vmem>>) dst(%dma_wait3A_1082 : memref<50x64xf32, #tpu.memory_space<hbm>>)
      } else {
      }
      %dma_start3A_798 = arith.constant 0 : i32
      %dma_start3A_799 = arith.constant 0 : i32
      %dma_start3A_800 = tpu.memref_slice %arg3[%dma_start3A_798, %dma_start3A_799] : memref<1000000x64xf32, #tpu.memory_space<hbm>> -> memref<1000000x64xf32, #tpu.memory_space<hbm>>
      tpu.enqueue_indirect_dma source(%dma_start3A_800 : memref<1000000x64xf32, #tpu.memory_space<hbm>>) target(%arg10 : memref<800x64xf32, #tpu.memory_space<vmem>>) offsets(%arg6 : memref<800xi32, #tpu.memory_space<vmem>>) semaphore(%arg16 : memref<!tpu.dma_semaphore, #tpu.memory_space<semaphore_mem>>)
      %ge3A_801 = arith.constant 1 : i32
      %ge3A_802 = arith.cmpi sge, %add3A_787, %ge3A_801 : i32
      %convert_element_type3A_803 = arith.extui %ge3A_802 : i1 to i32
      %cond3A_804 = arith.constant 0 : i32
      %cond3A_805 = arith.cmpi ne, %convert_element_type3A_803, %cond3A_804 : i32
      scf.if %cond3A_805 {
        %dma_wait3A_846 = arith.constant 0 : i32
        %dma_wait3A_847 = arith.constant 0 : i32
        %dma_wait3A_848 = tpu.memref_slice %arg3[%dma_wait3A_846, %dma_wait3A_847] : memref<1000000x64xf32, #tpu.memory_space<hbm>> -> memref<1000000x64xf32, #tpu.memory_space<hbm>>
        tpu.wait_indirect_dma semaphore(%arg15 : memref<!tpu.dma_semaphore, #tpu.memory_space<semaphore_mem>>) src(%dma_wait3A_848 : memref<1000000x64xf32, #tpu.memory_space<hbm>>) dst(%arg9 : memref<800x64xf32, #tpu.memory_space<vmem>>)
        %sub3A = arith.constant 1 : i32
        %sub3A_849 = arith.subi %add3A_787, %sub3A : i32
        %mul3A_850 = arith.constant 16 : i32
        %mul3A_851 = arith.muli %sub3A_849, %mul3A_850 : i32
        %add3A_852 = arith.addi %mul3A_4, %mul3A_851 : i32
        %add3A_853 = arith.constant 0 : i32
        %add3A_854 = arith.addi %add3A_852, %add3A_853 : i32
        %dma_start3A_855 = arith.constant 0 : i32
        %dma_start3A_856 = arith.constant 0 : i32
        %dma_start3A_857 = tpu.memref_slice %arg9[%dma_start3A_855, %dma_start3A_856] : memref<800x64xf32, #tpu.memory_space<vmem>> -> memref<50x64xf32, #tpu.memory_space<vmem>>
        %dma_start3A_858 = arith.constant 0 : i32
        %dma_start3A_859 = arith.constant 0 : i32
        %dma_start3A_860 = tpu.memref_slice %arg4[%add3A_854, %dma_start3A_858, %dma_start3A_859] : memref<16384x56x128xf32, #tpu.memory_space<hbm>> -> memref<1x50x64xf32, #tpu.memory_space<hbm>>
        %dma_start3A_861 = tpu.memref_squeeze %dma_start3A_860 : memref<1x50x64xf32, #tpu.memory_space<hbm>> -> memref<50x64xf32, #tpu.memory_space<hbm>>
        %dma_start3A_862 = arith.constant 0 : i32
        %dma_start3A_863 = arith.constant 0 : i32
        %dma_start3A_864 = tpu.memref_slice %arg4[%add3A_854, %dma_start3A_862, %dma_start3A_863] : memref<16384x56x128xf32, #tpu.memory_space<hbm>> -> memref<1x50x64xf32, #tpu.memory_space<hbm>>
        %dma_start3A_865 = tpu.memref_squeeze %dma_start3A_864 : memref<1x50x64xf32, #tpu.memory_space<hbm>> -> memref<50x64xf32, #tpu.memory_space<hbm>>
        %dma_start3A_866 = arith.constant 0 : i32
        %dma_start3A_867 = arith.constant 0 : i32
        %dma_start3A_868 = tpu.memref_slice %arg9[%dma_start3A_866, %dma_start3A_867] : memref<800x64xf32, #tpu.memory_space<vmem>> -> memref<50x64xf32, #tpu.memory_space<vmem>>
        tpu.enqueue_dma source(%dma_start3A_868 : memref<50x64xf32, #tpu.memory_space<vmem>>) target(%dma_start3A_865 : memref<50x64xf32, #tpu.memory_space<hbm>>) target_semaphore(%arg17 : memref<!tpu.dma_semaphore, #tpu.memory_space<semaphore_mem>>)
        %add3A_869 = arith.constant 1 : i32
        %add3A_870 = arith.addi %add3A_852, %add3A_869 : i32
        %dma_start3A_871 = arith.constant 50 : i32
        %dma_start3A_872 = arith.constant 0 : i32
        %dma_start3A_873 = tpu.memref_slice %arg9[%dma_start3A_871, %dma_start3A_872] : memref<800x64xf32, #tpu.memory_space<vmem>> -> memref<50x64xf32, #tpu.memory_space<vmem>>
        %dma_start3A_874 = arith.constant 0 : i32
        %dma_start3A_875 = arith.constant 0 : i32
        %dma_start3A_876 = tpu.memref_slice %arg4[%add3A_870, %dma_start3A_874, %dma_start3A_875] : memref<16384x56x128xf32, #tpu.memory_space<hbm>> -> memref<1x50x64xf32, #tpu.memory_space<hbm>>
        %dma_start3A_877 = tpu.memref_squeeze %dma_start3A_876 : memref<1x50x64xf32, #tpu.memory_space<hbm>> -> memref<50x64xf32, #tpu.memory_space<hbm>>
        %dma_start3A_878 = arith.constant 0 : i32
        %dma_start3A_879 = arith.constant 0 : i32
        %dma_start3A_880 = tpu.memref_slice %arg4[%add3A_870, %dma_start3A_878, %dma_start3A_879] : memref<16384x56x128xf32, #tpu.memory_space<hbm>> -> memref<1x50x64xf32, #tpu.memory_space<hbm>>
        %dma_start3A_881 = tpu.memref_squeeze %dma_start3A_880 : memref<1x50x64xf32, #tpu.memory_space<hbm>> -> memref<50x64xf32, #tpu.memory_space<hbm>>
        %dma_start3A_882 = arith.constant 50 : i32
        %dma_start3A_883 = arith.constant 0 : i32
        %dma_start3A_884 = tpu.memref_slice %arg9[%dma_start3A_882, %dma_start3A_883] : memref<800x64xf32, #tpu.memory_space<vmem>> -> memref<50x64xf32, #tpu.memory_space<vmem>>
        tpu.enqueue_dma source(%dma_start3A_884 : memref<50x64xf32, #tpu.memory_space<vmem>>) target(%dma_start3A_881 : memref<50x64xf32, #tpu.memory_space<hbm>>) target_semaphore(%arg17 : memref<!tpu.dma_semaphore, #tpu.memory_space<semaphore_mem>>)
        %add3A_885 = arith.constant 2 : i32
        %add3A_886 = arith.addi %add3A_852, %add3A_885 : i32
        %dma_start3A_887 = arith.constant 100 : i32
        %dma_start3A_888 = arith.constant 0 : i32
        %dma_start3A_889 = tpu.memref_slice %arg9[%dma_start3A_887, %dma_start3A_888] : memref<800x64xf32, #tpu.memory_space<vmem>> -> memref<50x64xf32, #tpu.memory_space<vmem>>
        %dma_start3A_890 = arith.constant 0 : i32
        %dma_start3A_891 = arith.constant 0 : i32
        %dma_start3A_892 = tpu.memref_slice %arg4[%add3A_886, %dma_start3A_890, %dma_start3A_891] : memref<16384x56x128xf32, #tpu.memory_space<hbm>> -> memref<1x50x64xf32, #tpu.memory_space<hbm>>
        %dma_start3A_893 = tpu.memref_squeeze %dma_start3A_892 : memref<1x50x64xf32, #tpu.memory_space<hbm>> -> memref<50x64xf32, #tpu.memory_space<hbm>>
        %dma_start3A_894 = arith.constant 0 : i32
        %dma_start3A_895 = arith.constant 0 : i32
        %dma_start3A_896 = tpu.memref_slice %arg4[%add3A_886, %dma_start3A_894, %dma_start3A_895] : memref<16384x56x128xf32, #tpu.memory_space<hbm>> -> memref<1x50x64xf32, #tpu.memory_space<hbm>>
        %dma_start3A_897 = tpu.memref_squeeze %dma_start3A_896 : memref<1x50x64xf32, #tpu.memory_space<hbm>> -> memref<50x64xf32, #tpu.memory_space<hbm>>
        %dma_start3A_898 = arith.constant 100 : i32
        %dma_start3A_899 = arith.constant 0 : i32
        %dma_start3A_900 = tpu.memref_slice %arg9[%dma_start3A_898, %dma_start3A_899] : memref<800x64xf32, #tpu.memory_space<vmem>> -> memref<50x64xf32, #tpu.memory_space<vmem>>
        tpu.enqueue_dma source(%dma_start3A_900 : memref<50x64xf32, #tpu.memory_space<vmem>>) target(%dma_start3A_897 : memref<50x64xf32, #tpu.memory_space<hbm>>) target_semaphore(%arg17 : memref<!tpu.dma_semaphore, #tpu.memory_space<semaphore_mem>>)
        %add3A_901 = arith.constant 3 : i32
        %add3A_902 = arith.addi %add3A_852, %add3A_901 : i32
        %dma_start3A_903 = arith.constant 150 : i32
        %dma_start3A_904 = arith.constant 0 : i32
        %dma_start3A_905 = tpu.memref_slice %arg9[%dma_start3A_903, %dma_start3A_904] : memref<800x64xf32, #tpu.memory_space<vmem>> -> memref<50x64xf32, #tpu.memory_space<vmem>>
        %dma_start3A_906 = arith.constant 0 : i32
        %dma_start3A_907 = arith.constant 0 : i32
        %dma_start3A_908 = tpu.memref_slice %arg4[%add3A_902, %dma_start3A_906, %dma_start3A_907] : memref<16384x56x128xf32, #tpu.memory_space<hbm>> -> memref<1x50x64xf32, #tpu.memory_space<hbm>>
        %dma_start3A_909 = tpu.memref_squeeze %dma_start3A_908 : memref<1x50x64xf32, #tpu.memory_space<hbm>> -> memref<50x64xf32, #tpu.memory_space<hbm>>
        %dma_start3A_910 = arith.constant 0 : i32
        %dma_start3A_911 = arith.constant 0 : i32
        %dma_start3A_912 = tpu.memref_slice %arg4[%add3A_902, %dma_start3A_910, %dma_start3A_911] : memref<16384x56x128xf32, #tpu.memory_space<hbm>> -> memref<1x50x64xf32, #tpu.memory_space<hbm>>
        %dma_start3A_913 = tpu.memref_squeeze %dma_start3A_912 : memref<1x50x64xf32, #tpu.memory_space<hbm>> -> memref<50x64xf32, #tpu.memory_space<hbm>>
        %dma_start3A_914 = arith.constant 150 : i32
        %dma_start3A_915 = arith.constant 0 : i32
        %dma_start3A_916 = tpu.memref_slice %arg9[%dma_start3A_914, %dma_start3A_915] : memref<800x64xf32, #tpu.memory_space<vmem>> -> memref<50x64xf32, #tpu.memory_space<vmem>>
        tpu.enqueue_dma source(%dma_start3A_916 : memref<50x64xf32, #tpu.memory_space<vmem>>) target(%dma_start3A_913 : memref<50x64xf32, #tpu.memory_space<hbm>>) target_semaphore(%arg17 : memref<!tpu.dma_semaphore, #tpu.memory_space<semaphore_mem>>)
        %add3A_917 = arith.constant 4 : i32
        %add3A_918 = arith.addi %add3A_852, %add3A_917 : i32
        %dma_start3A_919 = arith.constant 200 : i32
        %dma_start3A_920 = arith.constant 0 : i32
        %dma_start3A_921 = tpu.memref_slice %arg9[%dma_start3A_919, %dma_start3A_920] : memref<800x64xf32, #tpu.memory_space<vmem>> -> memref<50x64xf32, #tpu.memory_space<vmem>>
        %dma_start3A_922 = arith.constant 0 : i32
        %dma_start3A_923 = arith.constant 0 : i32
        %dma_start3A_924 = tpu.memref_slice %arg4[%add3A_918, %dma_start3A_922, %dma_start3A_923] : memref<16384x56x128xf32, #tpu.memory_space<hbm>> -> memref<1x50x64xf32, #tpu.memory_space<hbm>>
        %dma_start3A_925 = tpu.memref_squeeze %dma_start3A_924 : memref<1x50x64xf32, #tpu.memory_space<hbm>> -> memref<50x64xf32, #tpu.memory_space<hbm>>
        %dma_start3A_926 = arith.constant 0 : i32
        %dma_start3A_927 = arith.constant 0 : i32
        %dma_start3A_928 = tpu.memref_slice %arg4[%add3A_918, %dma_start3A_926, %dma_start3A_927] : memref<16384x56x128xf32, #tpu.memory_space<hbm>> -> memref<1x50x64xf32, #tpu.memory_space<hbm>>
        %dma_start3A_929 = tpu.memref_squeeze %dma_start3A_928 : memref<1x50x64xf32, #tpu.memory_space<hbm>> -> memref<50x64xf32, #tpu.memory_space<hbm>>
        %dma_start3A_930 = arith.constant 200 : i32
        %dma_start3A_931 = arith.constant 0 : i32
        %dma_start3A_932 = tpu.memref_slice %arg9[%dma_start3A_930, %dma_start3A_931] : memref<800x64xf32, #tpu.memory_space<vmem>> -> memref<50x64xf32, #tpu.memory_space<vmem>>
        tpu.enqueue_dma source(%dma_start3A_932 : memref<50x64xf32, #tpu.memory_space<vmem>>) target(%dma_start3A_929 : memref<50x64xf32, #tpu.memory_space<hbm>>) target_semaphore(%arg17 : memref<!tpu.dma_semaphore, #tpu.memory_space<semaphore_mem>>)
        %add3A_933 = arith.constant 5 : i32
        %add3A_934 = arith.addi %add3A_852, %add3A_933 : i32
        %dma_start3A_935 = arith.constant 250 : i32
        %dma_start3A_936 = arith.constant 0 : i32
        %dma_start3A_937 = tpu.memref_slice %arg9[%dma_start3A_935, %dma_start3A_936] : memref<800x64xf32, #tpu.memory_space<vmem>> -> memref<50x64xf32, #tpu.memory_space<vmem>>
        %dma_start3A_938 = arith.constant 0 : i32
        %dma_start3A_939 = arith.constant 0 : i32
        %dma_start3A_940 = tpu.memref_slice %arg4[%add3A_934, %dma_start3A_938, %dma_start3A_939] : memref<16384x56x128xf32, #tpu.memory_space<hbm>> -> memref<1x50x64xf32, #tpu.memory_space<hbm>>
        %dma_start3A_941 = tpu.memref_squeeze %dma_start3A_940 : memref<1x50x64xf32, #tpu.memory_space<hbm>> -> memref<50x64xf32, #tpu.memory_space<hbm>>
        %dma_start3A_942 = arith.constant 0 : i32
        %dma_start3A_943 = arith.constant 0 : i32
        %dma_start3A_944 = tpu.memref_slice %arg4[%add3A_934, %dma_start3A_942, %dma_start3A_943] : memref<16384x56x128xf32, #tpu.memory_space<hbm>> -> memref<1x50x64xf32, #tpu.memory_space<hbm>>
        %dma_start3A_945 = tpu.memref_squeeze %dma_start3A_944 : memref<1x50x64xf32, #tpu.memory_space<hbm>> -> memref<50x64xf32, #tpu.memory_space<hbm>>
        %dma_start3A_946 = arith.constant 250 : i32
        %dma_start3A_947 = arith.constant 0 : i32
        %dma_start3A_948 = tpu.memref_slice %arg9[%dma_start3A_946, %dma_start3A_947] : memref<800x64xf32, #tpu.memory_space<vmem>> -> memref<50x64xf32, #tpu.memory_space<vmem>>
        tpu.enqueue_dma source(%dma_start3A_948 : memref<50x64xf32, #tpu.memory_space<vmem>>) target(%dma_start3A_945 : memref<50x64xf32, #tpu.memory_space<hbm>>) target_semaphore(%arg17 : memref<!tpu.dma_semaphore, #tpu.memory_space<semaphore_mem>>)
        %add3A_949 = arith.constant 6 : i32
        %add3A_950 = arith.addi %add3A_852, %add3A_949 : i32
        %dma_start3A_951 = arith.constant 300 : i32
        %dma_start3A_952 = arith.constant 0 : i32
        %dma_start3A_953 = tpu.memref_slice %arg9[%dma_start3A_951, %dma_start3A_952] : memref<800x64xf32, #tpu.memory_space<vmem>> -> memref<50x64xf32, #tpu.memory_space<vmem>>
        %dma_start3A_954 = arith.constant 0 : i32
        %dma_start3A_955 = arith.constant 0 : i32
        %dma_start3A_956 = tpu.memref_slice %arg4[%add3A_950, %dma_start3A_954, %dma_start3A_955] : memref<16384x56x128xf32, #tpu.memory_space<hbm>> -> memref<1x50x64xf32, #tpu.memory_space<hbm>>
        %dma_start3A_957 = tpu.memref_squeeze %dma_start3A_956 : memref<1x50x64xf32, #tpu.memory_space<hbm>> -> memref<50x64xf32, #tpu.memory_space<hbm>>
        %dma_start3A_958 = arith.constant 0 : i32
        %dma_start3A_959 = arith.constant 0 : i32
        %dma_start3A_960 = tpu.memref_slice %arg4[%add3A_950, %dma_start3A_958, %dma_start3A_959] : memref<16384x56x128xf32, #tpu.memory_space<hbm>> -> memref<1x50x64xf32, #tpu.memory_space<hbm>>
        %dma_start3A_961 = tpu.memref_squeeze %dma_start3A_960 : memref<1x50x64xf32, #tpu.memory_space<hbm>> -> memref<50x64xf32, #tpu.memory_space<hbm>>
        %dma_start3A_962 = arith.constant 300 : i32
        %dma_start3A_963 = arith.constant 0 : i32
        %dma_start3A_964 = tpu.memref_slice %arg9[%dma_start3A_962, %dma_start3A_963] : memref<800x64xf32, #tpu.memory_space<vmem>> -> memref<50x64xf32, #tpu.memory_space<vmem>>
        tpu.enqueue_dma source(%dma_start3A_964 : memref<50x64xf32, #tpu.memory_space<vmem>>) target(%dma_start3A_961 : memref<50x64xf32, #tpu.memory_space<hbm>>) target_semaphore(%arg17 : memref<!tpu.dma_semaphore, #tpu.memory_space<semaphore_mem>>)
        %add3A_965 = arith.constant 7 : i32
        %add3A_966 = arith.addi %add3A_852, %add3A_965 : i32
        %dma_start3A_967 = arith.constant 350 : i32
        %dma_start3A_968 = arith.constant 0 : i32
        %dma_start3A_969 = tpu.memref_slice %arg9[%dma_start3A_967, %dma_start3A_968] : memref<800x64xf32, #tpu.memory_space<vmem>> -> memref<50x64xf32, #tpu.memory_space<vmem>>
        %dma_start3A_970 = arith.constant 0 : i32
        %dma_start3A_971 = arith.constant 0 : i32
        %dma_start3A_972 = tpu.memref_slice %arg4[%add3A_966, %dma_start3A_970, %dma_start3A_971] : memref<16384x56x128xf32, #tpu.memory_space<hbm>> -> memref<1x50x64xf32, #tpu.memory_space<hbm>>
        %dma_start3A_973 = tpu.memref_squeeze %dma_start3A_972 : memref<1x50x64xf32, #tpu.memory_space<hbm>> -> memref<50x64xf32, #tpu.memory_space<hbm>>
        %dma_start3A_974 = arith.constant 0 : i32
        %dma_start3A_975 = arith.constant 0 : i32
        %dma_start3A_976 = tpu.memref_slice %arg4[%add3A_966, %dma_start3A_974, %dma_start3A_975] : memref<16384x56x128xf32, #tpu.memory_space<hbm>> -> memref<1x50x64xf32, #tpu.memory_space<hbm>>
        %dma_start3A_977 = tpu.memref_squeeze %dma_start3A_976 : memref<1x50x64xf32, #tpu.memory_space<hbm>> -> memref<50x64xf32, #tpu.memory_space<hbm>>
        %dma_start3A_978 = arith.constant 350 : i32
        %dma_start3A_979 = arith.constant 0 : i32
        %dma_start3A_980 = tpu.memref_slice %arg9[%dma_start3A_978, %dma_start3A_979] : memref<800x64xf32, #tpu.memory_space<vmem>> -> memref<50x64xf32, #tpu.memory_space<vmem>>
        tpu.enqueue_dma source(%dma_start3A_980 : memref<50x64xf32, #tpu.memory_space<vmem>>) target(%dma_start3A_977 : memref<50x64xf32, #tpu.memory_space<hbm>>) target_semaphore(%arg17 : memref<!tpu.dma_semaphore, #tpu.memory_space<semaphore_mem>>)
        %add3A_981 = arith.constant 8 : i32
        %add3A_982 = arith.addi %add3A_852, %add3A_981 : i32
        %dma_start3A_983 = arith.constant 400 : i32
        %dma_start3A_984 = arith.constant 0 : i32
        %dma_start3A_985 = tpu.memref_slice %arg9[%dma_start3A_983, %dma_start3A_984] : memref<800x64xf32, #tpu.memory_space<vmem>> -> memref<50x64xf32, #tpu.memory_space<vmem>>
        %dma_start3A_986 = arith.constant 0 : i32
        %dma_start3A_987 = arith.constant 0 : i32
        %dma_start3A_988 = tpu.memref_slice %arg4[%add3A_982, %dma_start3A_986, %dma_start3A_987] : memref<16384x56x128xf32, #tpu.memory_space<hbm>> -> memref<1x50x64xf32, #tpu.memory_space<hbm>>
        %dma_start3A_989 = tpu.memref_squeeze %dma_start3A_988 : memref<1x50x64xf32, #tpu.memory_space<hbm>> -> memref<50x64xf32, #tpu.memory_space<hbm>>
        %dma_start3A_990 = arith.constant 0 : i32
        %dma_start3A_991 = arith.constant 0 : i32
        %dma_start3A_992 = tpu.memref_slice %arg4[%add3A_982, %dma_start3A_990, %dma_start3A_991] : memref<16384x56x128xf32, #tpu.memory_space<hbm>> -> memref<1x50x64xf32, #tpu.memory_space<hbm>>
        %dma_start3A_993 = tpu.memref_squeeze %dma_start3A_992 : memref<1x50x64xf32, #tpu.memory_space<hbm>> -> memref<50x64xf32, #tpu.memory_space<hbm>>
        %dma_start3A_994 = arith.constant 400 : i32
        %dma_start3A_995 = arith.constant 0 : i32
        %dma_start3A_996 = tpu.memref_slice %arg9[%dma_start3A_994, %dma_start3A_995] : memref<800x64xf32, #tpu.memory_space<vmem>> -> memref<50x64xf32, #tpu.memory_space<vmem>>
        tpu.enqueue_dma source(%dma_start3A_996 : memref<50x64xf32, #tpu.memory_space<vmem>>) target(%dma_start3A_993 : memref<50x64xf32, #tpu.memory_space<hbm>>) target_semaphore(%arg17 : memref<!tpu.dma_semaphore, #tpu.memory_space<semaphore_mem>>)
        %add3A_997 = arith.constant 9 : i32
        %add3A_998 = arith.addi %add3A_852, %add3A_997 : i32
        %dma_start3A_999 = arith.constant 450 : i32
        %dma_start3A_1000 = arith.constant 0 : i32
        %dma_start3A_1001 = tpu.memref_slice %arg9[%dma_start3A_999, %dma_start3A_1000] : memref<800x64xf32, #tpu.memory_space<vmem>> -> memref<50x64xf32, #tpu.memory_space<vmem>>
        %dma_start3A_1002 = arith.constant 0 : i32
        %dma_start3A_1003 = arith.constant 0 : i32
        %dma_start3A_1004 = tpu.memref_slice %arg4[%add3A_998, %dma_start3A_1002, %dma_start3A_1003] : memref<16384x56x128xf32, #tpu.memory_space<hbm>> -> memref<1x50x64xf32, #tpu.memory_space<hbm>>
        %dma_start3A_1005 = tpu.memref_squeeze %dma_start3A_1004 : memref<1x50x64xf32, #tpu.memory_space<hbm>> -> memref<50x64xf32, #tpu.memory_space<hbm>>
        %dma_start3A_1006 = arith.constant 0 : i32
        %dma_start3A_1007 = arith.constant 0 : i32
        %dma_start3A_1008 = tpu.memref_slice %arg4[%add3A_998, %dma_start3A_1006, %dma_start3A_1007] : memref<16384x56x128xf32, #tpu.memory_space<hbm>> -> memref<1x50x64xf32, #tpu.memory_space<hbm>>
        %dma_start3A_1009 = tpu.memref_squeeze %dma_start3A_1008 : memref<1x50x64xf32, #tpu.memory_space<hbm>> -> memref<50x64xf32, #tpu.memory_space<hbm>>
        %dma_start3A_1010 = arith.constant 450 : i32
        %dma_start3A_1011 = arith.constant 0 : i32
        %dma_start3A_1012 = tpu.memref_slice %arg9[%dma_start3A_1010, %dma_start3A_1011] : memref<800x64xf32, #tpu.memory_space<vmem>> -> memref<50x64xf32, #tpu.memory_space<vmem>>
        tpu.enqueue_dma source(%dma_start3A_1012 : memref<50x64xf32, #tpu.memory_space<vmem>>) target(%dma_start3A_1009 : memref<50x64xf32, #tpu.memory_space<hbm>>) target_semaphore(%arg17 : memref<!tpu.dma_semaphore, #tpu.memory_space<semaphore_mem>>)
        %add3A_1013 = arith.constant 10 : i32
        %add3A_1014 = arith.addi %add3A_852, %add3A_1013 : i32
        %dma_start3A_1015 = arith.constant 500 : i32
        %dma_start3A_1016 = arith.constant 0 : i32
        %dma_start3A_1017 = tpu.memref_slice %arg9[%dma_start3A_1015, %dma_start3A_1016] : memref<800x64xf32, #tpu.memory_space<vmem>> -> memref<50x64xf32, #tpu.memory_space<vmem>>
        %dma_start3A_1018 = arith.constant 0 : i32
        %dma_start3A_1019 = arith.constant 0 : i32
        %dma_start3A_1020 = tpu.memref_slice %arg4[%add3A_1014, %dma_start3A_1018, %dma_start3A_1019] : memref<16384x56x128xf32, #tpu.memory_space<hbm>> -> memref<1x50x64xf32, #tpu.memory_space<hbm>>
        %dma_start3A_1021 = tpu.memref_squeeze %dma_start3A_1020 : memref<1x50x64xf32, #tpu.memory_space<hbm>> -> memref<50x64xf32, #tpu.memory_space<hbm>>
        %dma_start3A_1022 = arith.constant 0 : i32
        %dma_start3A_1023 = arith.constant 0 : i32
        %dma_start3A_1024 = tpu.memref_slice %arg4[%add3A_1014, %dma_start3A_1022, %dma_start3A_1023] : memref<16384x56x128xf32, #tpu.memory_space<hbm>> -> memref<1x50x64xf32, #tpu.memory_space<hbm>>
        %dma_start3A_1025 = tpu.memref_squeeze %dma_start3A_1024 : memref<1x50x64xf32, #tpu.memory_space<hbm>> -> memref<50x64xf32, #tpu.memory_space<hbm>>
        %dma_start3A_1026 = arith.constant 500 : i32
        %dma_start3A_1027 = arith.constant 0 : i32
        %dma_start3A_1028 = tpu.memref_slice %arg9[%dma_start3A_1026, %dma_start3A_1027] : memref<800x64xf32, #tpu.memory_space<vmem>> -> memref<50x64xf32, #tpu.memory_space<vmem>>
        tpu.enqueue_dma source(%dma_start3A_1028 : memref<50x64xf32, #tpu.memory_space<vmem>>) target(%dma_start3A_1025 : memref<50x64xf32, #tpu.memory_space<hbm>>) target_semaphore(%arg17 : memref<!tpu.dma_semaphore, #tpu.memory_space<semaphore_mem>>)
        %add3A_1029 = arith.constant 11 : i32
        %add3A_1030 = arith.addi %add3A_852, %add3A_1029 : i32
        %dma_start3A_1031 = arith.constant 550 : i32
        %dma_start3A_1032 = arith.constant 0 : i32
        %dma_start3A_1033 = tpu.memref_slice %arg9[%dma_start3A_1031, %dma_start3A_1032] : memref<800x64xf32, #tpu.memory_space<vmem>> -> memref<50x64xf32, #tpu.memory_space<vmem>>
        %dma_start3A_1034 = arith.constant 0 : i32
        %dma_start3A_1035 = arith.constant 0 : i32
        %dma_start3A_1036 = tpu.memref_slice %arg4[%add3A_1030, %dma_start3A_1034, %dma_start3A_1035] : memref<16384x56x128xf32, #tpu.memory_space<hbm>> -> memref<1x50x64xf32, #tpu.memory_space<hbm>>
        %dma_start3A_1037 = tpu.memref_squeeze %dma_start3A_1036 : memref<1x50x64xf32, #tpu.memory_space<hbm>> -> memref<50x64xf32, #tpu.memory_space<hbm>>
        %dma_start3A_1038 = arith.constant 0 : i32
        %dma_start3A_1039 = arith.constant 0 : i32
        %dma_start3A_1040 = tpu.memref_slice %arg4[%add3A_1030, %dma_start3A_1038, %dma_start3A_1039] : memref<16384x56x128xf32, #tpu.memory_space<hbm>> -> memref<1x50x64xf32, #tpu.memory_space<hbm>>
        %dma_start3A_1041 = tpu.memref_squeeze %dma_start3A_1040 : memref<1x50x64xf32, #tpu.memory_space<hbm>> -> memref<50x64xf32, #tpu.memory_space<hbm>>
        %dma_start3A_1042 = arith.constant 550 : i32
        %dma_start3A_1043 = arith.constant 0 : i32
        %dma_start3A_1044 = tpu.memref_slice %arg9[%dma_start3A_1042, %dma_start3A_1043] : memref<800x64xf32, #tpu.memory_space<vmem>> -> memref<50x64xf32, #tpu.memory_space<vmem>>
        tpu.enqueue_dma source(%dma_start3A_1044 : memref<50x64xf32, #tpu.memory_space<vmem>>) target(%dma_start3A_1041 : memref<50x64xf32, #tpu.memory_space<hbm>>) target_semaphore(%arg17 : memref<!tpu.dma_semaphore, #tpu.memory_space<semaphore_mem>>)
        %add3A_1045 = arith.constant 12 : i32
        %add3A_1046 = arith.addi %add3A_852, %add3A_1045 : i32
        %dma_start3A_1047 = arith.constant 600 : i32
        %dma_start3A_1048 = arith.constant 0 : i32
        %dma_start3A_1049 = tpu.memref_slice %arg9[%dma_start3A_1047, %dma_start3A_1048] : memref<800x64xf32, #tpu.memory_space<vmem>> -> memref<50x64xf32, #tpu.memory_space<vmem>>
        %dma_start3A_1050 = arith.constant 0 : i32
        %dma_start3A_1051 = arith.constant 0 : i32
        %dma_start3A_1052 = tpu.memref_slice %arg4[%add3A_1046, %dma_start3A_1050, %dma_start3A_1051] : memref<16384x56x128xf32, #tpu.memory_space<hbm>> -> memref<1x50x64xf32, #tpu.memory_space<hbm>>
        %dma_start3A_1053 = tpu.memref_squeeze %dma_start3A_1052 : memref<1x50x64xf32, #tpu.memory_space<hbm>> -> memref<50x64xf32, #tpu.memory_space<hbm>>
        %dma_start3A_1054 = arith.constant 0 : i32
        %dma_start3A_1055 = arith.constant 0 : i32
        %dma_start3A_1056 = tpu.memref_slice %arg4[%add3A_1046, %dma_start3A_1054, %dma_start3A_1055] : memref<16384x56x128xf32, #tpu.memory_space<hbm>> -> memref<1x50x64xf32, #tpu.memory_space<hbm>>
        %dma_start3A_1057 = tpu.memref_squeeze %dma_start3A_1056 : memref<1x50x64xf32, #tpu.memory_space<hbm>> -> memref<50x64xf32, #tpu.memory_space<hbm>>
        %dma_start3A_1058 = arith.constant 600 : i32
        %dma_start3A_1059 = arith.constant 0 : i32
        %dma_start3A_1060 = tpu.memref_slice %arg9[%dma_start3A_1058, %dma_start3A_1059] : memref<800x64xf32, #tpu.memory_space<vmem>> -> memref<50x64xf32, #tpu.memory_space<vmem>>
        tpu.enqueue_dma source(%dma_start3A_1060 : memref<50x64xf32, #tpu.memory_space<vmem>>) target(%dma_start3A_1057 : memref<50x64xf32, #tpu.memory_space<hbm>>) target_semaphore(%arg17 : memref<!tpu.dma_semaphore, #tpu.memory_space<semaphore_mem>>)
        %add3A_1061 = arith.constant 13 : i32
        %add3A_1062 = arith.addi %add3A_852, %add3A_1061 : i32
        %dma_start3A_1063 = arith.constant 650 : i32
        %dma_start3A_1064 = arith.constant 0 : i32
        %dma_start3A_1065 = tpu.memref_slice %arg9[%dma_start3A_1063, %dma_start3A_1064] : memref<800x64xf32, #tpu.memory_space<vmem>> -> memref<50x64xf32, #tpu.memory_space<vmem>>
        %dma_start3A_1066 = arith.constant 0 : i32
        %dma_start3A_1067 = arith.constant 0 : i32
        %dma_start3A_1068 = tpu.memref_slice %arg4[%add3A_1062, %dma_start3A_1066, %dma_start3A_1067] : memref<16384x56x128xf32, #tpu.memory_space<hbm>> -> memref<1x50x64xf32, #tpu.memory_space<hbm>>
        %dma_start3A_1069 = tpu.memref_squeeze %dma_start3A_1068 : memref<1x50x64xf32, #tpu.memory_space<hbm>> -> memref<50x64xf32, #tpu.memory_space<hbm>>
        %dma_start3A_1070 = arith.constant 0 : i32
        %dma_start3A_1071 = arith.constant 0 : i32
        %dma_start3A_1072 = tpu.memref_slice %arg4[%add3A_1062, %dma_start3A_1070, %dma_start3A_1071] : memref<16384x56x128xf32, #tpu.memory_space<hbm>> -> memref<1x50x64xf32, #tpu.memory_space<hbm>>
        %dma_start3A_1073 = tpu.memref_squeeze %dma_start3A_1072 : memref<1x50x64xf32, #tpu.memory_space<hbm>> -> memref<50x64xf32, #tpu.memory_space<hbm>>
        %dma_start3A_1074 = arith.constant 650 : i32
        %dma_start3A_1075 = arith.constant 0 : i32
        %dma_start3A_1076 = tpu.memref_slice %arg9[%dma_start3A_1074, %dma_start3A_1075] : memref<800x64xf32, #tpu.memory_space<vmem>> -> memref<50x64xf32, #tpu.memory_space<vmem>>
        tpu.enqueue_dma source(%dma_start3A_1076 : memref<50x64xf32, #tpu.memory_space<vmem>>) target(%dma_start3A_1073 : memref<50x64xf32, #tpu.memory_space<hbm>>) target_semaphore(%arg17 : memref<!tpu.dma_semaphore, #tpu.memory_space<semaphore_mem>>)
        %add3A_1077 = arith.constant 14 : i32
        %add3A_1078 = arith.addi %add3A_852, %add3A_1077 : i32
        %dma_start3A_1079 = arith.constant 700 : i32
        %dma_start3A_1080 = arith.constant 0 : i32
        %dma_start3A_1081 = tpu.memref_slice %arg9[%dma_start3A_1079, %dma_start3A_1080] : memref<800x64xf32, #tpu.memory_space<vmem>> -> memref<50x64xf32, #tpu.memory_space<vmem>>
        %dma_start3A_1082 = arith.constant 0 : i32
        %dma_start3A_1083 = arith.constant 0 : i32
        %dma_start3A_1084 = tpu.memref_slice %arg4[%add3A_1078, %dma_start3A_1082, %dma_start3A_1083] : memref<16384x56x128xf32, #tpu.memory_space<hbm>> -> memref<1x50x64xf32, #tpu.memory_space<hbm>>
        %dma_start3A_1085 = tpu.memref_squeeze %dma_start3A_1084 : memref<1x50x64xf32, #tpu.memory_space<hbm>> -> memref<50x64xf32, #tpu.memory_space<hbm>>
        %dma_start3A_1086 = arith.constant 0 : i32
        %dma_start3A_1087 = arith.constant 0 : i32
        %dma_start3A_1088 = tpu.memref_slice %arg4[%add3A_1078, %dma_start3A_1086, %dma_start3A_1087] : memref<16384x56x128xf32, #tpu.memory_space<hbm>> -> memref<1x50x64xf32, #tpu.memory_space<hbm>>
        %dma_start3A_1089 = tpu.memref_squeeze %dma_start3A_1088 : memref<1x50x64xf32, #tpu.memory_space<hbm>> -> memref<50x64xf32, #tpu.memory_space<hbm>>
        %dma_start3A_1090 = arith.constant 700 : i32
        %dma_start3A_1091 = arith.constant 0 : i32
        %dma_start3A_1092 = tpu.memref_slice %arg9[%dma_start3A_1090, %dma_start3A_1091] : memref<800x64xf32, #tpu.memory_space<vmem>> -> memref<50x64xf32, #tpu.memory_space<vmem>>
        tpu.enqueue_dma source(%dma_start3A_1092 : memref<50x64xf32, #tpu.memory_space<vmem>>) target(%dma_start3A_1089 : memref<50x64xf32, #tpu.memory_space<hbm>>) target_semaphore(%arg17 : memref<!tpu.dma_semaphore, #tpu.memory_space<semaphore_mem>>)
        %add3A_1093 = arith.constant 15 : i32
        %add3A_1094 = arith.addi %add3A_852, %add3A_1093 : i32
        %dma_start3A_1095 = arith.constant 750 : i32
        %dma_start3A_1096 = arith.constant 0 : i32
        %dma_start3A_1097 = tpu.memref_slice %arg9[%dma_start3A_1095, %dma_start3A_1096] : memref<800x64xf32, #tpu.memory_space<vmem>> -> memref<50x64xf32, #tpu.memory_space<vmem>>
        %dma_start3A_1098 = arith.constant 0 : i32
        %dma_start3A_1099 = arith.constant 0 : i32
        %dma_start3A_1100 = tpu.memref_slice %arg4[%add3A_1094, %dma_start3A_1098, %dma_start3A_1099] : memref<16384x56x128xf32, #tpu.memory_space<hbm>> -> memref<1x50x64xf32, #tpu.memory_space<hbm>>
        %dma_start3A_1101 = tpu.memref_squeeze %dma_start3A_1100 : memref<1x50x64xf32, #tpu.memory_space<hbm>> -> memref<50x64xf32, #tpu.memory_space<hbm>>
        %dma_start3A_1102 = arith.constant 0 : i32
        %dma_start3A_1103 = arith.constant 0 : i32
        %dma_start3A_1104 = tpu.memref_slice %arg4[%add3A_1094, %dma_start3A_1102, %dma_start3A_1103] : memref<16384x56x128xf32, #tpu.memory_space<hbm>> -> memref<1x50x64xf32, #tpu.memory_space<hbm>>
        %dma_start3A_1105 = tpu.memref_squeeze %dma_start3A_1104 : memref<1x50x64xf32, #tpu.memory_space<hbm>> -> memref<50x64xf32, #tpu.memory_space<hbm>>
        %dma_start3A_1106 = arith.constant 750 : i32
        %dma_start3A_1107 = arith.constant 0 : i32
        %dma_start3A_1108 = tpu.memref_slice %arg9[%dma_start3A_1106, %dma_start3A_1107] : memref<800x64xf32, #tpu.memory_space<vmem>> -> memref<50x64xf32, #tpu.memory_space<vmem>>
        tpu.enqueue_dma source(%dma_start3A_1108 : memref<50x64xf32, #tpu.memory_space<vmem>>) target(%dma_start3A_1105 : memref<50x64xf32, #tpu.memory_space<hbm>>) target_semaphore(%arg17 : memref<!tpu.dma_semaphore, #tpu.memory_space<semaphore_mem>>)
        %add3A_1109 = arith.constant 3 : i32
        %add3A_1110 = arith.addi %add3A_787, %add3A_1109 : i32
        %lt3A = arith.constant 32 : i32
        %lt3A_1111 = arith.cmpi slt, %add3A_1110, %lt3A : i32
        %convert_element_type3A_1112 = arith.extui %lt3A_1111 : i1 to i32
        %cond3A_1113 = arith.constant 0 : i32
        %cond3A_1114 = arith.cmpi ne, %convert_element_type3A_1112, %cond3A_1113 : i32
        scf.if %cond3A_1114 {
          %add3A_1115 = arith.constant 3 : i32
          %add3A_1116 = arith.addi %add3A_787, %add3A_1115 : i32
          %mul3A_1117 = arith.constant 800 : i32
          %mul3A_1118 = arith.muli %add3A_1116, %mul3A_1117 : i32
          %add3A_1119 = arith.addi %mul3A_2, %mul3A_1118 : i32
          %dma_start3A_1120 = tpu.memref_slice %arg2[%add3A_1119] : memref<819200xi32, #tpu.memory_space<hbm>> -> memref<800xi32, #tpu.memory_space<hbm>>
          %dma_start3A_1121 = tpu.memref_slice %arg2[%add3A_1119] : memref<819200xi32, #tpu.memory_space<hbm>> -> memref<800xi32, #tpu.memory_space<hbm>>
          tpu.enqueue_dma source(%dma_start3A_1121 : memref<800xi32, #tpu.memory_space<hbm>>) target(%arg5 : memref<800xi32, #tpu.memory_space<vmem>>) target_semaphore(%arg11 : memref<!tpu.dma_semaphore, #tpu.memory_space<semaphore_mem>>)
        } else {
        }
      } else {
      }
      %add3A_806 = arith.constant 2 : i32
      %add3A_807 = arith.addi %add3A_768, %add3A_806 : i32
      %mul3A_808 = arith.constant 800 : i32
      %mul3A_809 = arith.muli %add3A_807, %mul3A_808 : i32
      %add3A_810 = arith.addi %mul3A_2, %mul3A_809 : i32
      %dma_wait3A_811 = tpu.memref_slice %arg2[%add3A_810] : memref<819200xi32, #tpu.memory_space<hbm>> -> memref<800xi32, #tpu.memory_space<hbm>>
      %dma_wait3A_812 = tpu.memref_slice %arg2[%add3A_810] : memref<819200xi32, #tpu.memory_space<hbm>> -> memref<800xi32, #tpu.memory_space<hbm>>
      tpu.wait_dma2 semaphore(%arg13 : memref<!tpu.dma_semaphore, #tpu.memory_space<semaphore_mem>>) src(%dma_wait3A_812 : memref<800xi32, #tpu.memory_space<hbm>>) dst(%arg7 : memref<800xi32, #tpu.memory_space<vmem>>)
      %ge3A_813 = arith.constant 2 : i32
      %ge3A_814 = arith.cmpi sge, %add3A_807, %ge3A_813 : i32
      %convert_element_type3A_815 = arith.extui %ge3A_814 : i1 to i32
      %cond3A_816 = arith.constant 0 : i32
      %cond3A_817 = arith.cmpi ne, %convert_element_type3A_815, %cond3A_816 : i32
      scf.if %cond3A_817 {
        %dma_wait3A_846 = arith.constant 0 : i32
        %dma_wait3A_847 = arith.constant 0 : i32
        %dma_wait3A_848 = arith.constant 0 : i32
        %dma_wait3A_849 = tpu.memref_slice %arg9[%dma_wait3A_847, %dma_wait3A_848] : memref<800x64xf32, #tpu.memory_space<vmem>> -> memref<50x64xf32, #tpu.memory_space<vmem>>
        %dma_wait3A_850 = arith.constant 0 : i32
        %dma_wait3A_851 = arith.constant 0 : i32
        %dma_wait3A_852 = tpu.memref_slice %arg4[%dma_wait3A_846, %dma_wait3A_850, %dma_wait3A_851] : memref<16384x56x128xf32, #tpu.memory_space<hbm>> -> memref<1x50x64xf32, #tpu.memory_space<hbm>>
        %dma_wait3A_853 = tpu.memref_squeeze %dma_wait3A_852 : memref<1x50x64xf32, #tpu.memory_space<hbm>> -> memref<50x64xf32, #tpu.memory_space<hbm>>
        %dma_wait3A_854 = arith.constant 0 : i32
        %dma_wait3A_855 = arith.constant 0 : i32
        %dma_wait3A_856 = tpu.memref_slice %arg4[%dma_wait3A_846, %dma_wait3A_854, %dma_wait3A_855] : memref<16384x56x128xf32, #tpu.memory_space<hbm>> -> memref<1x50x64xf32, #tpu.memory_space<hbm>>
        %dma_wait3A_857 = tpu.memref_squeeze %dma_wait3A_856 : memref<1x50x64xf32, #tpu.memory_space<hbm>> -> memref<50x64xf32, #tpu.memory_space<hbm>>
        %dma_wait3A_858 = arith.constant 0 : i32
        %dma_wait3A_859 = arith.constant 0 : i32
        %dma_wait3A_860 = tpu.memref_slice %arg9[%dma_wait3A_858, %dma_wait3A_859] : memref<800x64xf32, #tpu.memory_space<vmem>> -> memref<50x64xf32, #tpu.memory_space<vmem>>
        tpu.wait_dma2 semaphore(%arg17 : memref<!tpu.dma_semaphore, #tpu.memory_space<semaphore_mem>>) src(%dma_wait3A_860 : memref<50x64xf32, #tpu.memory_space<vmem>>) dst(%dma_wait3A_857 : memref<50x64xf32, #tpu.memory_space<hbm>>)
        %dma_wait3A_861 = arith.constant 0 : i32
        %dma_wait3A_862 = arith.constant 0 : i32
        %dma_wait3A_863 = arith.constant 0 : i32
        %dma_wait3A_864 = tpu.memref_slice %arg9[%dma_wait3A_862, %dma_wait3A_863] : memref<800x64xf32, #tpu.memory_space<vmem>> -> memref<50x64xf32, #tpu.memory_space<vmem>>
        %dma_wait3A_865 = arith.constant 0 : i32
        %dma_wait3A_866 = arith.constant 0 : i32
        %dma_wait3A_867 = tpu.memref_slice %arg4[%dma_wait3A_861, %dma_wait3A_865, %dma_wait3A_866] : memref<16384x56x128xf32, #tpu.memory_space<hbm>> -> memref<1x50x64xf32, #tpu.memory_space<hbm>>
        %dma_wait3A_868 = tpu.memref_squeeze %dma_wait3A_867 : memref<1x50x64xf32, #tpu.memory_space<hbm>> -> memref<50x64xf32, #tpu.memory_space<hbm>>
        %dma_wait3A_869 = arith.constant 0 : i32
        %dma_wait3A_870 = arith.constant 0 : i32
        %dma_wait3A_871 = tpu.memref_slice %arg4[%dma_wait3A_861, %dma_wait3A_869, %dma_wait3A_870] : memref<16384x56x128xf32, #tpu.memory_space<hbm>> -> memref<1x50x64xf32, #tpu.memory_space<hbm>>
        %dma_wait3A_872 = tpu.memref_squeeze %dma_wait3A_871 : memref<1x50x64xf32, #tpu.memory_space<hbm>> -> memref<50x64xf32, #tpu.memory_space<hbm>>
        %dma_wait3A_873 = arith.constant 0 : i32
        %dma_wait3A_874 = arith.constant 0 : i32
        %dma_wait3A_875 = tpu.memref_slice %arg9[%dma_wait3A_873, %dma_wait3A_874] : memref<800x64xf32, #tpu.memory_space<vmem>> -> memref<50x64xf32, #tpu.memory_space<vmem>>
        tpu.wait_dma2 semaphore(%arg17 : memref<!tpu.dma_semaphore, #tpu.memory_space<semaphore_mem>>) src(%dma_wait3A_875 : memref<50x64xf32, #tpu.memory_space<vmem>>) dst(%dma_wait3A_872 : memref<50x64xf32, #tpu.memory_space<hbm>>)
        %dma_wait3A_876 = arith.constant 0 : i32
        %dma_wait3A_877 = arith.constant 0 : i32
        %dma_wait3A_878 = arith.constant 0 : i32
        %dma_wait3A_879 = tpu.memref_slice %arg9[%dma_wait3A_877, %dma_wait3A_878] : memref<800x64xf32, #tpu.memory_space<vmem>> -> memref<50x64xf32, #tpu.memory_space<vmem>>
        %dma_wait3A_880 = arith.constant 0 : i32
        %dma_wait3A_881 = arith.constant 0 : i32
        %dma_wait3A_882 = tpu.memref_slice %arg4[%dma_wait3A_876, %dma_wait3A_880, %dma_wait3A_881] : memref<16384x56x128xf32, #tpu.memory_space<hbm>> -> memref<1x50x64xf32, #tpu.memory_space<hbm>>
        %dma_wait3A_883 = tpu.memref_squeeze %dma_wait3A_882 : memref<1x50x64xf32, #tpu.memory_space<hbm>> -> memref<50x64xf32, #tpu.memory_space<hbm>>
        %dma_wait3A_884 = arith.constant 0 : i32
        %dma_wait3A_885 = arith.constant 0 : i32
        %dma_wait3A_886 = tpu.memref_slice %arg4[%dma_wait3A_876, %dma_wait3A_884, %dma_wait3A_885] : memref<16384x56x128xf32, #tpu.memory_space<hbm>> -> memref<1x50x64xf32, #tpu.memory_space<hbm>>
        %dma_wait3A_887 = tpu.memref_squeeze %dma_wait3A_886 : memref<1x50x64xf32, #tpu.memory_space<hbm>> -> memref<50x64xf32, #tpu.memory_space<hbm>>
        %dma_wait3A_888 = arith.constant 0 : i32
        %dma_wait3A_889 = arith.constant 0 : i32
        %dma_wait3A_890 = tpu.memref_slice %arg9[%dma_wait3A_888, %dma_wait3A_889] : memref<800x64xf32, #tpu.memory_space<vmem>> -> memref<50x64xf32, #tpu.memory_space<vmem>>
        tpu.wait_dma2 semaphore(%arg17 : memref<!tpu.dma_semaphore, #tpu.memory_space<semaphore_mem>>) src(%dma_wait3A_890 : memref<50x64xf32, #tpu.memory_space<vmem>>) dst(%dma_wait3A_887 : memref<50x64xf32, #tpu.memory_space<hbm>>)
        %dma_wait3A_891 = arith.constant 0 : i32
        %dma_wait3A_892 = arith.constant 0 : i32
        %dma_wait3A_893 = arith.constant 0 : i32
        %dma_wait3A_894 = tpu.memref_slice %arg9[%dma_wait3A_892, %dma_wait3A_893] : memref<800x64xf32, #tpu.memory_space<vmem>> -> memref<50x64xf32, #tpu.memory_space<vmem>>
        %dma_wait3A_895 = arith.constant 0 : i32
        %dma_wait3A_896 = arith.constant 0 : i32
        %dma_wait3A_897 = tpu.memref_slice %arg4[%dma_wait3A_891, %dma_wait3A_895, %dma_wait3A_896] : memref<16384x56x128xf32, #tpu.memory_space<hbm>> -> memref<1x50x64xf32, #tpu.memory_space<hbm>>
        %dma_wait3A_898 = tpu.memref_squeeze %dma_wait3A_897 : memref<1x50x64xf32, #tpu.memory_space<hbm>> -> memref<50x64xf32, #tpu.memory_space<hbm>>
        %dma_wait3A_899 = arith.constant 0 : i32
        %dma_wait3A_900 = arith.constant 0 : i32
        %dma_wait3A_901 = tpu.memref_slice %arg4[%dma_wait3A_891, %dma_wait3A_899, %dma_wait3A_900] : memref<16384x56x128xf32, #tpu.memory_space<hbm>> -> memref<1x50x64xf32, #tpu.memory_space<hbm>>
        %dma_wait3A_902 = tpu.memref_squeeze %dma_wait3A_901 : memref<1x50x64xf32, #tpu.memory_space<hbm>> -> memref<50x64xf32, #tpu.memory_space<hbm>>
        %dma_wait3A_903 = arith.constant 0 : i32
        %dma_wait3A_904 = arith.constant 0 : i32
        %dma_wait3A_905 = tpu.memref_slice %arg9[%dma_wait3A_903, %dma_wait3A_904] : memref<800x64xf32, #tpu.memory_space<vmem>> -> memref<50x64xf32, #tpu.memory_space<vmem>>
        tpu.wait_dma2 semaphore(%arg17 : memref<!tpu.dma_semaphore, #tpu.memory_space<semaphore_mem>>) src(%dma_wait3A_905 : memref<50x64xf32, #tpu.memory_space<vmem>>) dst(%dma_wait3A_902 : memref<50x64xf32, #tpu.memory_space<hbm>>)
        %dma_wait3A_906 = arith.constant 0 : i32
        %dma_wait3A_907 = arith.constant 0 : i32
        %dma_wait3A_908 = arith.constant 0 : i32
        %dma_wait3A_909 = tpu.memref_slice %arg9[%dma_wait3A_907, %dma_wait3A_908] : memref<800x64xf32, #tpu.memory_space<vmem>> -> memref<50x64xf32, #tpu.memory_space<vmem>>
        %dma_wait3A_910 = arith.constant 0 : i32
        %dma_wait3A_911 = arith.constant 0 : i32
        %dma_wait3A_912 = tpu.memref_slice %arg4[%dma_wait3A_906, %dma_wait3A_910, %dma_wait3A_911] : memref<16384x56x128xf32, #tpu.memory_space<hbm>> -> memref<1x50x64xf32, #tpu.memory_space<hbm>>
        %dma_wait3A_913 = tpu.memref_squeeze %dma_wait3A_912 : memref<1x50x64xf32, #tpu.memory_space<hbm>> -> memref<50x64xf32, #tpu.memory_space<hbm>>
        %dma_wait3A_914 = arith.constant 0 : i32
        %dma_wait3A_915 = arith.constant 0 : i32
        %dma_wait3A_916 = tpu.memref_slice %arg4[%dma_wait3A_906, %dma_wait3A_914, %dma_wait3A_915] : memref<16384x56x128xf32, #tpu.memory_space<hbm>> -> memref<1x50x64xf32, #tpu.memory_space<hbm>>
        %dma_wait3A_917 = tpu.memref_squeeze %dma_wait3A_916 : memref<1x50x64xf32, #tpu.memory_space<hbm>> -> memref<50x64xf32, #tpu.memory_space<hbm>>
        %dma_wait3A_918 = arith.constant 0 : i32
        %dma_wait3A_919 = arith.constant 0 : i32
        %dma_wait3A_920 = tpu.memref_slice %arg9[%dma_wait3A_918, %dma_wait3A_919] : memref<800x64xf32, #tpu.memory_space<vmem>> -> memref<50x64xf32, #tpu.memory_space<vmem>>
        tpu.wait_dma2 semaphore(%arg17 : memref<!tpu.dma_semaphore, #tpu.memory_space<semaphore_mem>>) src(%dma_wait3A_920 : memref<50x64xf32, #tpu.memory_space<vmem>>) dst(%dma_wait3A_917 : memref<50x64xf32, #tpu.memory_space<hbm>>)
        %dma_wait3A_921 = arith.constant 0 : i32
        %dma_wait3A_922 = arith.constant 0 : i32
        %dma_wait3A_923 = arith.constant 0 : i32
        %dma_wait3A_924 = tpu.memref_slice %arg9[%dma_wait3A_922, %dma_wait3A_923] : memref<800x64xf32, #tpu.memory_space<vmem>> -> memref<50x64xf32, #tpu.memory_space<vmem>>
        %dma_wait3A_925 = arith.constant 0 : i32
        %dma_wait3A_926 = arith.constant 0 : i32
        %dma_wait3A_927 = tpu.memref_slice %arg4[%dma_wait3A_921, %dma_wait3A_925, %dma_wait3A_926] : memref<16384x56x128xf32, #tpu.memory_space<hbm>> -> memref<1x50x64xf32, #tpu.memory_space<hbm>>
        %dma_wait3A_928 = tpu.memref_squeeze %dma_wait3A_927 : memref<1x50x64xf32, #tpu.memory_space<hbm>> -> memref<50x64xf32, #tpu.memory_space<hbm>>
        %dma_wait3A_929 = arith.constant 0 : i32
        %dma_wait3A_930 = arith.constant 0 : i32
        %dma_wait3A_931 = tpu.memref_slice %arg4[%dma_wait3A_921, %dma_wait3A_929, %dma_wait3A_930] : memref<16384x56x128xf32, #tpu.memory_space<hbm>> -> memref<1x50x64xf32, #tpu.memory_space<hbm>>
        %dma_wait3A_932 = tpu.memref_squeeze %dma_wait3A_931 : memref<1x50x64xf32, #tpu.memory_space<hbm>> -> memref<50x64xf32, #tpu.memory_space<hbm>>
        %dma_wait3A_933 = arith.constant 0 : i32
        %dma_wait3A_934 = arith.constant 0 : i32
        %dma_wait3A_935 = tpu.memref_slice %arg9[%dma_wait3A_933, %dma_wait3A_934] : memref<800x64xf32, #tpu.memory_space<vmem>> -> memref<50x64xf32, #tpu.memory_space<vmem>>
        tpu.wait_dma2 semaphore(%arg17 : memref<!tpu.dma_semaphore, #tpu.memory_space<semaphore_mem>>) src(%dma_wait3A_935 : memref<50x64xf32, #tpu.memory_space<vmem>>) dst(%dma_wait3A_932 : memref<50x64xf32, #tpu.memory_space<hbm>>)
        %dma_wait3A_936 = arith.constant 0 : i32
        %dma_wait3A_937 = arith.constant 0 : i32
        %dma_wait3A_938 = arith.constant 0 : i32
        %dma_wait3A_939 = tpu.memref_slice %arg9[%dma_wait3A_937, %dma_wait3A_938] : memref<800x64xf32, #tpu.memory_space<vmem>> -> memref<50x64xf32, #tpu.memory_space<vmem>>
        %dma_wait3A_940 = arith.constant 0 : i32
        %dma_wait3A_941 = arith.constant 0 : i32
        %dma_wait3A_942 = tpu.memref_slice %arg4[%dma_wait3A_936, %dma_wait3A_940, %dma_wait3A_941] : memref<16384x56x128xf32, #tpu.memory_space<hbm>> -> memref<1x50x64xf32, #tpu.memory_space<hbm>>
        %dma_wait3A_943 = tpu.memref_squeeze %dma_wait3A_942 : memref<1x50x64xf32, #tpu.memory_space<hbm>> -> memref<50x64xf32, #tpu.memory_space<hbm>>
        %dma_wait3A_944 = arith.constant 0 : i32
        %dma_wait3A_945 = arith.constant 0 : i32
        %dma_wait3A_946 = tpu.memref_slice %arg4[%dma_wait3A_936, %dma_wait3A_944, %dma_wait3A_945] : memref<16384x56x128xf32, #tpu.memory_space<hbm>> -> memref<1x50x64xf32, #tpu.memory_space<hbm>>
        %dma_wait3A_947 = tpu.memref_squeeze %dma_wait3A_946 : memref<1x50x64xf32, #tpu.memory_space<hbm>> -> memref<50x64xf32, #tpu.memory_space<hbm>>
        %dma_wait3A_948 = arith.constant 0 : i32
        %dma_wait3A_949 = arith.constant 0 : i32
        %dma_wait3A_950 = tpu.memref_slice %arg9[%dma_wait3A_948, %dma_wait3A_949] : memref<800x64xf32, #tpu.memory_space<vmem>> -> memref<50x64xf32, #tpu.memory_space<vmem>>
        tpu.wait_dma2 semaphore(%arg17 : memref<!tpu.dma_semaphore, #tpu.memory_space<semaphore_mem>>) src(%dma_wait3A_950 : memref<50x64xf32, #tpu.memory_space<vmem>>) dst(%dma_wait3A_947 : memref<50x64xf32, #tpu.memory_space<hbm>>)
        %dma_wait3A_951 = arith.constant 0 : i32
        %dma_wait3A_952 = arith.constant 0 : i32
        %dma_wait3A_953 = arith.constant 0 : i32
        %dma_wait3A_954 = tpu.memref_slice %arg9[%dma_wait3A_952, %dma_wait3A_953] : memref<800x64xf32, #tpu.memory_space<vmem>> -> memref<50x64xf32, #tpu.memory_space<vmem>>
        %dma_wait3A_955 = arith.constant 0 : i32
        %dma_wait3A_956 = arith.constant 0 : i32
        %dma_wait3A_957 = tpu.memref_slice %arg4[%dma_wait3A_951, %dma_wait3A_955, %dma_wait3A_956] : memref<16384x56x128xf32, #tpu.memory_space<hbm>> -> memref<1x50x64xf32, #tpu.memory_space<hbm>>
        %dma_wait3A_958 = tpu.memref_squeeze %dma_wait3A_957 : memref<1x50x64xf32, #tpu.memory_space<hbm>> -> memref<50x64xf32, #tpu.memory_space<hbm>>
        %dma_wait3A_959 = arith.constant 0 : i32
        %dma_wait3A_960 = arith.constant 0 : i32
        %dma_wait3A_961 = tpu.memref_slice %arg4[%dma_wait3A_951, %dma_wait3A_959, %dma_wait3A_960] : memref<16384x56x128xf32, #tpu.memory_space<hbm>> -> memref<1x50x64xf32, #tpu.memory_space<hbm>>
        %dma_wait3A_962 = tpu.memref_squeeze %dma_wait3A_961 : memref<1x50x64xf32, #tpu.memory_space<hbm>> -> memref<50x64xf32, #tpu.memory_space<hbm>>
        %dma_wait3A_963 = arith.constant 0 : i32
        %dma_wait3A_964 = arith.constant 0 : i32
        %dma_wait3A_965 = tpu.memref_slice %arg9[%dma_wait3A_963, %dma_wait3A_964] : memref<800x64xf32, #tpu.memory_space<vmem>> -> memref<50x64xf32, #tpu.memory_space<vmem>>
        tpu.wait_dma2 semaphore(%arg17 : memref<!tpu.dma_semaphore, #tpu.memory_space<semaphore_mem>>) src(%dma_wait3A_965 : memref<50x64xf32, #tpu.memory_space<vmem>>) dst(%dma_wait3A_962 : memref<50x64xf32, #tpu.memory_space<hbm>>)
        %dma_wait3A_966 = arith.constant 0 : i32
        %dma_wait3A_967 = arith.constant 0 : i32
        %dma_wait3A_968 = arith.constant 0 : i32
        %dma_wait3A_969 = tpu.memref_slice %arg9[%dma_wait3A_967, %dma_wait3A_968] : memref<800x64xf32, #tpu.memory_space<vmem>> -> memref<50x64xf32, #tpu.memory_space<vmem>>
        %dma_wait3A_970 = arith.constant 0 : i32
        %dma_wait3A_971 = arith.constant 0 : i32
        %dma_wait3A_972 = tpu.memref_slice %arg4[%dma_wait3A_966, %dma_wait3A_970, %dma_wait3A_971] : memref<16384x56x128xf32, #tpu.memory_space<hbm>> -> memref<1x50x64xf32, #tpu.memory_space<hbm>>
        %dma_wait3A_973 = tpu.memref_squeeze %dma_wait3A_972 : memref<1x50x64xf32, #tpu.memory_space<hbm>> -> memref<50x64xf32, #tpu.memory_space<hbm>>
        %dma_wait3A_974 = arith.constant 0 : i32
        %dma_wait3A_975 = arith.constant 0 : i32
        %dma_wait3A_976 = tpu.memref_slice %arg4[%dma_wait3A_966, %dma_wait3A_974, %dma_wait3A_975] : memref<16384x56x128xf32, #tpu.memory_space<hbm>> -> memref<1x50x64xf32, #tpu.memory_space<hbm>>
        %dma_wait3A_977 = tpu.memref_squeeze %dma_wait3A_976 : memref<1x50x64xf32, #tpu.memory_space<hbm>> -> memref<50x64xf32, #tpu.memory_space<hbm>>
        %dma_wait3A_978 = arith.constant 0 : i32
        %dma_wait3A_979 = arith.constant 0 : i32
        %dma_wait3A_980 = tpu.memref_slice %arg9[%dma_wait3A_978, %dma_wait3A_979] : memref<800x64xf32, #tpu.memory_space<vmem>> -> memref<50x64xf32, #tpu.memory_space<vmem>>
        tpu.wait_dma2 semaphore(%arg17 : memref<!tpu.dma_semaphore, #tpu.memory_space<semaphore_mem>>) src(%dma_wait3A_980 : memref<50x64xf32, #tpu.memory_space<vmem>>) dst(%dma_wait3A_977 : memref<50x64xf32, #tpu.memory_space<hbm>>)
        %dma_wait3A_981 = arith.constant 0 : i32
        %dma_wait3A_982 = arith.constant 0 : i32
        %dma_wait3A_983 = arith.constant 0 : i32
        %dma_wait3A_984 = tpu.memref_slice %arg9[%dma_wait3A_982, %dma_wait3A_983] : memref<800x64xf32, #tpu.memory_space<vmem>> -> memref<50x64xf32, #tpu.memory_space<vmem>>
        %dma_wait3A_985 = arith.constant 0 : i32
        %dma_wait3A_986 = arith.constant 0 : i32
        %dma_wait3A_987 = tpu.memref_slice %arg4[%dma_wait3A_981, %dma_wait3A_985, %dma_wait3A_986] : memref<16384x56x128xf32, #tpu.memory_space<hbm>> -> memref<1x50x64xf32, #tpu.memory_space<hbm>>
        %dma_wait3A_988 = tpu.memref_squeeze %dma_wait3A_987 : memref<1x50x64xf32, #tpu.memory_space<hbm>> -> memref<50x64xf32, #tpu.memory_space<hbm>>
        %dma_wait3A_989 = arith.constant 0 : i32
        %dma_wait3A_990 = arith.constant 0 : i32
        %dma_wait3A_991 = tpu.memref_slice %arg4[%dma_wait3A_981, %dma_wait3A_989, %dma_wait3A_990] : memref<16384x56x128xf32, #tpu.memory_space<hbm>> -> memref<1x50x64xf32, #tpu.memory_space<hbm>>
        %dma_wait3A_992 = tpu.memref_squeeze %dma_wait3A_991 : memref<1x50x64xf32, #tpu.memory_space<hbm>> -> memref<50x64xf32, #tpu.memory_space<hbm>>
        %dma_wait3A_993 = arith.constant 0 : i32
        %dma_wait3A_994 = arith.constant 0 : i32
        %dma_wait3A_995 = tpu.memref_slice %arg9[%dma_wait3A_993, %dma_wait3A_994] : memref<800x64xf32, #tpu.memory_space<vmem>> -> memref<50x64xf32, #tpu.memory_space<vmem>>
        tpu.wait_dma2 semaphore(%arg17 : memref<!tpu.dma_semaphore, #tpu.memory_space<semaphore_mem>>) src(%dma_wait3A_995 : memref<50x64xf32, #tpu.memory_space<vmem>>) dst(%dma_wait3A_992 : memref<50x64xf32, #tpu.memory_space<hbm>>)
        %dma_wait3A_996 = arith.constant 0 : i32
        %dma_wait3A_997 = arith.constant 0 : i32
        %dma_wait3A_998 = arith.constant 0 : i32
        %dma_wait3A_999 = tpu.memref_slice %arg9[%dma_wait3A_997, %dma_wait3A_998] : memref<800x64xf32, #tpu.memory_space<vmem>> -> memref<50x64xf32, #tpu.memory_space<vmem>>
        %dma_wait3A_1000 = arith.constant 0 : i32
        %dma_wait3A_1001 = arith.constant 0 : i32
        %dma_wait3A_1002 = tpu.memref_slice %arg4[%dma_wait3A_996, %dma_wait3A_1000, %dma_wait3A_1001] : memref<16384x56x128xf32, #tpu.memory_space<hbm>> -> memref<1x50x64xf32, #tpu.memory_space<hbm>>
        %dma_wait3A_1003 = tpu.memref_squeeze %dma_wait3A_1002 : memref<1x50x64xf32, #tpu.memory_space<hbm>> -> memref<50x64xf32, #tpu.memory_space<hbm>>
        %dma_wait3A_1004 = arith.constant 0 : i32
        %dma_wait3A_1005 = arith.constant 0 : i32
        %dma_wait3A_1006 = tpu.memref_slice %arg4[%dma_wait3A_996, %dma_wait3A_1004, %dma_wait3A_1005] : memref<16384x56x128xf32, #tpu.memory_space<hbm>> -> memref<1x50x64xf32, #tpu.memory_space<hbm>>
        %dma_wait3A_1007 = tpu.memref_squeeze %dma_wait3A_1006 : memref<1x50x64xf32, #tpu.memory_space<hbm>> -> memref<50x64xf32, #tpu.memory_space<hbm>>
        %dma_wait3A_1008 = arith.constant 0 : i32
        %dma_wait3A_1009 = arith.constant 0 : i32
        %dma_wait3A_1010 = tpu.memref_slice %arg9[%dma_wait3A_1008, %dma_wait3A_1009] : memref<800x64xf32, #tpu.memory_space<vmem>> -> memref<50x64xf32, #tpu.memory_space<vmem>>
        tpu.wait_dma2 semaphore(%arg17 : memref<!tpu.dma_semaphore, #tpu.memory_space<semaphore_mem>>) src(%dma_wait3A_1010 : memref<50x64xf32, #tpu.memory_space<vmem>>) dst(%dma_wait3A_1007 : memref<50x64xf32, #tpu.memory_space<hbm>>)
        %dma_wait3A_1011 = arith.constant 0 : i32
        %dma_wait3A_1012 = arith.constant 0 : i32
        %dma_wait3A_1013 = arith.constant 0 : i32
        %dma_wait3A_1014 = tpu.memref_slice %arg9[%dma_wait3A_1012, %dma_wait3A_1013] : memref<800x64xf32, #tpu.memory_space<vmem>> -> memref<50x64xf32, #tpu.memory_space<vmem>>
        %dma_wait3A_1015 = arith.constant 0 : i32
        %dma_wait3A_1016 = arith.constant 0 : i32
        %dma_wait3A_1017 = tpu.memref_slice %arg4[%dma_wait3A_1011, %dma_wait3A_1015, %dma_wait3A_1016] : memref<16384x56x128xf32, #tpu.memory_space<hbm>> -> memref<1x50x64xf32, #tpu.memory_space<hbm>>
        %dma_wait3A_1018 = tpu.memref_squeeze %dma_wait3A_1017 : memref<1x50x64xf32, #tpu.memory_space<hbm>> -> memref<50x64xf32, #tpu.memory_space<hbm>>
        %dma_wait3A_1019 = arith.constant 0 : i32
        %dma_wait3A_1020 = arith.constant 0 : i32
        %dma_wait3A_1021 = tpu.memref_slice %arg4[%dma_wait3A_1011, %dma_wait3A_1019, %dma_wait3A_1020] : memref<16384x56x128xf32, #tpu.memory_space<hbm>> -> memref<1x50x64xf32, #tpu.memory_space<hbm>>
        %dma_wait3A_1022 = tpu.memref_squeeze %dma_wait3A_1021 : memref<1x50x64xf32, #tpu.memory_space<hbm>> -> memref<50x64xf32, #tpu.memory_space<hbm>>
        %dma_wait3A_1023 = arith.constant 0 : i32
        %dma_wait3A_1024 = arith.constant 0 : i32
        %dma_wait3A_1025 = tpu.memref_slice %arg9[%dma_wait3A_1023, %dma_wait3A_1024] : memref<800x64xf32, #tpu.memory_space<vmem>> -> memref<50x64xf32, #tpu.memory_space<vmem>>
        tpu.wait_dma2 semaphore(%arg17 : memref<!tpu.dma_semaphore, #tpu.memory_space<semaphore_mem>>) src(%dma_wait3A_1025 : memref<50x64xf32, #tpu.memory_space<vmem>>) dst(%dma_wait3A_1022 : memref<50x64xf32, #tpu.memory_space<hbm>>)
        %dma_wait3A_1026 = arith.constant 0 : i32
        %dma_wait3A_1027 = arith.constant 0 : i32
        %dma_wait3A_1028 = arith.constant 0 : i32
        %dma_wait3A_1029 = tpu.memref_slice %arg9[%dma_wait3A_1027, %dma_wait3A_1028] : memref<800x64xf32, #tpu.memory_space<vmem>> -> memref<50x64xf32, #tpu.memory_space<vmem>>
        %dma_wait3A_1030 = arith.constant 0 : i32
        %dma_wait3A_1031 = arith.constant 0 : i32
        %dma_wait3A_1032 = tpu.memref_slice %arg4[%dma_wait3A_1026, %dma_wait3A_1030, %dma_wait3A_1031] : memref<16384x56x128xf32, #tpu.memory_space<hbm>> -> memref<1x50x64xf32, #tpu.memory_space<hbm>>
        %dma_wait3A_1033 = tpu.memref_squeeze %dma_wait3A_1032 : memref<1x50x64xf32, #tpu.memory_space<hbm>> -> memref<50x64xf32, #tpu.memory_space<hbm>>
        %dma_wait3A_1034 = arith.constant 0 : i32
        %dma_wait3A_1035 = arith.constant 0 : i32
        %dma_wait3A_1036 = tpu.memref_slice %arg4[%dma_wait3A_1026, %dma_wait3A_1034, %dma_wait3A_1035] : memref<16384x56x128xf32, #tpu.memory_space<hbm>> -> memref<1x50x64xf32, #tpu.memory_space<hbm>>
        %dma_wait3A_1037 = tpu.memref_squeeze %dma_wait3A_1036 : memref<1x50x64xf32, #tpu.memory_space<hbm>> -> memref<50x64xf32, #tpu.memory_space<hbm>>
        %dma_wait3A_1038 = arith.constant 0 : i32
        %dma_wait3A_1039 = arith.constant 0 : i32
        %dma_wait3A_1040 = tpu.memref_slice %arg9[%dma_wait3A_1038, %dma_wait3A_1039] : memref<800x64xf32, #tpu.memory_space<vmem>> -> memref<50x64xf32, #tpu.memory_space<vmem>>
        tpu.wait_dma2 semaphore(%arg17 : memref<!tpu.dma_semaphore, #tpu.memory_space<semaphore_mem>>) src(%dma_wait3A_1040 : memref<50x64xf32, #tpu.memory_space<vmem>>) dst(%dma_wait3A_1037 : memref<50x64xf32, #tpu.memory_space<hbm>>)
        %dma_wait3A_1041 = arith.constant 0 : i32
        %dma_wait3A_1042 = arith.constant 0 : i32
        %dma_wait3A_1043 = arith.constant 0 : i32
        %dma_wait3A_1044 = tpu.memref_slice %arg9[%dma_wait3A_1042, %dma_wait3A_1043] : memref<800x64xf32, #tpu.memory_space<vmem>> -> memref<50x64xf32, #tpu.memory_space<vmem>>
        %dma_wait3A_1045 = arith.constant 0 : i32
        %dma_wait3A_1046 = arith.constant 0 : i32
        %dma_wait3A_1047 = tpu.memref_slice %arg4[%dma_wait3A_1041, %dma_wait3A_1045, %dma_wait3A_1046] : memref<16384x56x128xf32, #tpu.memory_space<hbm>> -> memref<1x50x64xf32, #tpu.memory_space<hbm>>
        %dma_wait3A_1048 = tpu.memref_squeeze %dma_wait3A_1047 : memref<1x50x64xf32, #tpu.memory_space<hbm>> -> memref<50x64xf32, #tpu.memory_space<hbm>>
        %dma_wait3A_1049 = arith.constant 0 : i32
        %dma_wait3A_1050 = arith.constant 0 : i32
        %dma_wait3A_1051 = tpu.memref_slice %arg4[%dma_wait3A_1041, %dma_wait3A_1049, %dma_wait3A_1050] : memref<16384x56x128xf32, #tpu.memory_space<hbm>> -> memref<1x50x64xf32, #tpu.memory_space<hbm>>
        %dma_wait3A_1052 = tpu.memref_squeeze %dma_wait3A_1051 : memref<1x50x64xf32, #tpu.memory_space<hbm>> -> memref<50x64xf32, #tpu.memory_space<hbm>>
        %dma_wait3A_1053 = arith.constant 0 : i32
        %dma_wait3A_1054 = arith.constant 0 : i32
        %dma_wait3A_1055 = tpu.memref_slice %arg9[%dma_wait3A_1053, %dma_wait3A_1054] : memref<800x64xf32, #tpu.memory_space<vmem>> -> memref<50x64xf32, #tpu.memory_space<vmem>>
        tpu.wait_dma2 semaphore(%arg17 : memref<!tpu.dma_semaphore, #tpu.memory_space<semaphore_mem>>) src(%dma_wait3A_1055 : memref<50x64xf32, #tpu.memory_space<vmem>>) dst(%dma_wait3A_1052 : memref<50x64xf32, #tpu.memory_space<hbm>>)
        %dma_wait3A_1056 = arith.constant 0 : i32
        %dma_wait3A_1057 = arith.constant 0 : i32
        %dma_wait3A_1058 = arith.constant 0 : i32
        %dma_wait3A_1059 = tpu.memref_slice %arg9[%dma_wait3A_1057, %dma_wait3A_1058] : memref<800x64xf32, #tpu.memory_space<vmem>> -> memref<50x64xf32, #tpu.memory_space<vmem>>
        %dma_wait3A_1060 = arith.constant 0 : i32
        %dma_wait3A_1061 = arith.constant 0 : i32
        %dma_wait3A_1062 = tpu.memref_slice %arg4[%dma_wait3A_1056, %dma_wait3A_1060, %dma_wait3A_1061] : memref<16384x56x128xf32, #tpu.memory_space<hbm>> -> memref<1x50x64xf32, #tpu.memory_space<hbm>>
        %dma_wait3A_1063 = tpu.memref_squeeze %dma_wait3A_1062 : memref<1x50x64xf32, #tpu.memory_space<hbm>> -> memref<50x64xf32, #tpu.memory_space<hbm>>
        %dma_wait3A_1064 = arith.constant 0 : i32
        %dma_wait3A_1065 = arith.constant 0 : i32
        %dma_wait3A_1066 = tpu.memref_slice %arg4[%dma_wait3A_1056, %dma_wait3A_1064, %dma_wait3A_1065] : memref<16384x56x128xf32, #tpu.memory_space<hbm>> -> memref<1x50x64xf32, #tpu.memory_space<hbm>>
        %dma_wait3A_1067 = tpu.memref_squeeze %dma_wait3A_1066 : memref<1x50x64xf32, #tpu.memory_space<hbm>> -> memref<50x64xf32, #tpu.memory_space<hbm>>
        %dma_wait3A_1068 = arith.constant 0 : i32
        %dma_wait3A_1069 = arith.constant 0 : i32
        %dma_wait3A_1070 = tpu.memref_slice %arg9[%dma_wait3A_1068, %dma_wait3A_1069] : memref<800x64xf32, #tpu.memory_space<vmem>> -> memref<50x64xf32, #tpu.memory_space<vmem>>
        tpu.wait_dma2 semaphore(%arg17 : memref<!tpu.dma_semaphore, #tpu.memory_space<semaphore_mem>>) src(%dma_wait3A_1070 : memref<50x64xf32, #tpu.memory_space<vmem>>) dst(%dma_wait3A_1067 : memref<50x64xf32, #tpu.memory_space<hbm>>)
        %dma_wait3A_1071 = arith.constant 0 : i32
        %dma_wait3A_1072 = arith.constant 0 : i32
        %dma_wait3A_1073 = arith.constant 0 : i32
        %dma_wait3A_1074 = tpu.memref_slice %arg9[%dma_wait3A_1072, %dma_wait3A_1073] : memref<800x64xf32, #tpu.memory_space<vmem>> -> memref<50x64xf32, #tpu.memory_space<vmem>>
        %dma_wait3A_1075 = arith.constant 0 : i32
        %dma_wait3A_1076 = arith.constant 0 : i32
        %dma_wait3A_1077 = tpu.memref_slice %arg4[%dma_wait3A_1071, %dma_wait3A_1075, %dma_wait3A_1076] : memref<16384x56x128xf32, #tpu.memory_space<hbm>> -> memref<1x50x64xf32, #tpu.memory_space<hbm>>
        %dma_wait3A_1078 = tpu.memref_squeeze %dma_wait3A_1077 : memref<1x50x64xf32, #tpu.memory_space<hbm>> -> memref<50x64xf32, #tpu.memory_space<hbm>>
        %dma_wait3A_1079 = arith.constant 0 : i32
        %dma_wait3A_1080 = arith.constant 0 : i32
        %dma_wait3A_1081 = tpu.memref_slice %arg4[%dma_wait3A_1071, %dma_wait3A_1079, %dma_wait3A_1080] : memref<16384x56x128xf32, #tpu.memory_space<hbm>> -> memref<1x50x64xf32, #tpu.memory_space<hbm>>
        %dma_wait3A_1082 = tpu.memref_squeeze %dma_wait3A_1081 : memref<1x50x64xf32, #tpu.memory_space<hbm>> -> memref<50x64xf32, #tpu.memory_space<hbm>>
        %dma_wait3A_1083 = arith.constant 0 : i32
        %dma_wait3A_1084 = arith.constant 0 : i32
        %dma_wait3A_1085 = tpu.memref_slice %arg9[%dma_wait3A_1083, %dma_wait3A_1084] : memref<800x64xf32, #tpu.memory_space<vmem>> -> memref<50x64xf32, #tpu.memory_space<vmem>>
        tpu.wait_dma2 semaphore(%arg17 : memref<!tpu.dma_semaphore, #tpu.memory_space<semaphore_mem>>) src(%dma_wait3A_1085 : memref<50x64xf32, #tpu.memory_space<vmem>>) dst(%dma_wait3A_1082 : memref<50x64xf32, #tpu.memory_space<hbm>>)
      } else {
      }
      %dma_start3A_818 = arith.constant 0 : i32
      %dma_start3A_819 = arith.constant 0 : i32
      %dma_start3A_820 = tpu.memref_slice %arg3[%dma_start3A_818, %dma_start3A_819] : memref<1000000x64xf32, #tpu.memory_space<hbm>> -> memref<1000000x64xf32, #tpu.memory_space<hbm>>
      tpu.enqueue_indirect_dma source(%dma_start3A_820 : memref<1000000x64xf32, #tpu.memory_space<hbm>>) target(%arg9 : memref<800x64xf32, #tpu.memory_space<vmem>>) offsets(%arg7 : memref<800xi32, #tpu.memory_space<vmem>>) semaphore(%arg15 : memref<!tpu.dma_semaphore, #tpu.memory_space<semaphore_mem>>)
      %ge3A_821 = arith.constant 1 : i32
      %ge3A_822 = arith.cmpi sge, %add3A_807, %ge3A_821 : i32
      %convert_element_type3A_823 = arith.extui %ge3A_822 : i1 to i32
      %cond3A_824 = arith.constant 0 : i32
      %cond3A_825 = arith.cmpi ne, %convert_element_type3A_823, %cond3A_824 : i32
      scf.if %cond3A_825 {
        %dma_wait3A_846 = arith.constant 0 : i32
        %dma_wait3A_847 = arith.constant 0 : i32
        %dma_wait3A_848 = tpu.memref_slice %arg3[%dma_wait3A_846, %dma_wait3A_847] : memref<1000000x64xf32, #tpu.memory_space<hbm>> -> memref<1000000x64xf32, #tpu.memory_space<hbm>>
        tpu.wait_indirect_dma semaphore(%arg16 : memref<!tpu.dma_semaphore, #tpu.memory_space<semaphore_mem>>) src(%dma_wait3A_848 : memref<1000000x64xf32, #tpu.memory_space<hbm>>) dst(%arg10 : memref<800x64xf32, #tpu.memory_space<vmem>>)
        %sub3A = arith.constant 1 : i32
        %sub3A_849 = arith.subi %add3A_807, %sub3A : i32
        %mul3A_850 = arith.constant 16 : i32
        %mul3A_851 = arith.muli %sub3A_849, %mul3A_850 : i32
        %add3A_852 = arith.addi %mul3A_4, %mul3A_851 : i32
        %add3A_853 = arith.constant 0 : i32
        %add3A_854 = arith.addi %add3A_852, %add3A_853 : i32
        %dma_start3A_855 = arith.constant 0 : i32
        %dma_start3A_856 = arith.constant 0 : i32
        %dma_start3A_857 = tpu.memref_slice %arg10[%dma_start3A_855, %dma_start3A_856] : memref<800x64xf32, #tpu.memory_space<vmem>> -> memref<50x64xf32, #tpu.memory_space<vmem>>
        %dma_start3A_858 = arith.constant 0 : i32
        %dma_start3A_859 = arith.constant 0 : i32
        %dma_start3A_860 = tpu.memref_slice %arg4[%add3A_854, %dma_start3A_858, %dma_start3A_859] : memref<16384x56x128xf32, #tpu.memory_space<hbm>> -> memref<1x50x64xf32, #tpu.memory_space<hbm>>
        %dma_start3A_861 = tpu.memref_squeeze %dma_start3A_860 : memref<1x50x64xf32, #tpu.memory_space<hbm>> -> memref<50x64xf32, #tpu.memory_space<hbm>>
        %dma_start3A_862 = arith.constant 0 : i32
        %dma_start3A_863 = arith.constant 0 : i32
        %dma_start3A_864 = tpu.memref_slice %arg4[%add3A_854, %dma_start3A_862, %dma_start3A_863] : memref<16384x56x128xf32, #tpu.memory_space<hbm>> -> memref<1x50x64xf32, #tpu.memory_space<hbm>>
        %dma_start3A_865 = tpu.memref_squeeze %dma_start3A_864 : memref<1x50x64xf32, #tpu.memory_space<hbm>> -> memref<50x64xf32, #tpu.memory_space<hbm>>
        %dma_start3A_866 = arith.constant 0 : i32
        %dma_start3A_867 = arith.constant 0 : i32
        %dma_start3A_868 = tpu.memref_slice %arg10[%dma_start3A_866, %dma_start3A_867] : memref<800x64xf32, #tpu.memory_space<vmem>> -> memref<50x64xf32, #tpu.memory_space<vmem>>
        tpu.enqueue_dma source(%dma_start3A_868 : memref<50x64xf32, #tpu.memory_space<vmem>>) target(%dma_start3A_865 : memref<50x64xf32, #tpu.memory_space<hbm>>) target_semaphore(%arg18 : memref<!tpu.dma_semaphore, #tpu.memory_space<semaphore_mem>>)
        %add3A_869 = arith.constant 1 : i32
        %add3A_870 = arith.addi %add3A_852, %add3A_869 : i32
        %dma_start3A_871 = arith.constant 50 : i32
        %dma_start3A_872 = arith.constant 0 : i32
        %dma_start3A_873 = tpu.memref_slice %arg10[%dma_start3A_871, %dma_start3A_872] : memref<800x64xf32, #tpu.memory_space<vmem>> -> memref<50x64xf32, #tpu.memory_space<vmem>>
        %dma_start3A_874 = arith.constant 0 : i32
        %dma_start3A_875 = arith.constant 0 : i32
        %dma_start3A_876 = tpu.memref_slice %arg4[%add3A_870, %dma_start3A_874, %dma_start3A_875] : memref<16384x56x128xf32, #tpu.memory_space<hbm>> -> memref<1x50x64xf32, #tpu.memory_space<hbm>>
        %dma_start3A_877 = tpu.memref_squeeze %dma_start3A_876 : memref<1x50x64xf32, #tpu.memory_space<hbm>> -> memref<50x64xf32, #tpu.memory_space<hbm>>
        %dma_start3A_878 = arith.constant 0 : i32
        %dma_start3A_879 = arith.constant 0 : i32
        %dma_start3A_880 = tpu.memref_slice %arg4[%add3A_870, %dma_start3A_878, %dma_start3A_879] : memref<16384x56x128xf32, #tpu.memory_space<hbm>> -> memref<1x50x64xf32, #tpu.memory_space<hbm>>
        %dma_start3A_881 = tpu.memref_squeeze %dma_start3A_880 : memref<1x50x64xf32, #tpu.memory_space<hbm>> -> memref<50x64xf32, #tpu.memory_space<hbm>>
        %dma_start3A_882 = arith.constant 50 : i32
        %dma_start3A_883 = arith.constant 0 : i32
        %dma_start3A_884 = tpu.memref_slice %arg10[%dma_start3A_882, %dma_start3A_883] : memref<800x64xf32, #tpu.memory_space<vmem>> -> memref<50x64xf32, #tpu.memory_space<vmem>>
        tpu.enqueue_dma source(%dma_start3A_884 : memref<50x64xf32, #tpu.memory_space<vmem>>) target(%dma_start3A_881 : memref<50x64xf32, #tpu.memory_space<hbm>>) target_semaphore(%arg18 : memref<!tpu.dma_semaphore, #tpu.memory_space<semaphore_mem>>)
        %add3A_885 = arith.constant 2 : i32
        %add3A_886 = arith.addi %add3A_852, %add3A_885 : i32
        %dma_start3A_887 = arith.constant 100 : i32
        %dma_start3A_888 = arith.constant 0 : i32
        %dma_start3A_889 = tpu.memref_slice %arg10[%dma_start3A_887, %dma_start3A_888] : memref<800x64xf32, #tpu.memory_space<vmem>> -> memref<50x64xf32, #tpu.memory_space<vmem>>
        %dma_start3A_890 = arith.constant 0 : i32
        %dma_start3A_891 = arith.constant 0 : i32
        %dma_start3A_892 = tpu.memref_slice %arg4[%add3A_886, %dma_start3A_890, %dma_start3A_891] : memref<16384x56x128xf32, #tpu.memory_space<hbm>> -> memref<1x50x64xf32, #tpu.memory_space<hbm>>
        %dma_start3A_893 = tpu.memref_squeeze %dma_start3A_892 : memref<1x50x64xf32, #tpu.memory_space<hbm>> -> memref<50x64xf32, #tpu.memory_space<hbm>>
        %dma_start3A_894 = arith.constant 0 : i32
        %dma_start3A_895 = arith.constant 0 : i32
        %dma_start3A_896 = tpu.memref_slice %arg4[%add3A_886, %dma_start3A_894, %dma_start3A_895] : memref<16384x56x128xf32, #tpu.memory_space<hbm>> -> memref<1x50x64xf32, #tpu.memory_space<hbm>>
        %dma_start3A_897 = tpu.memref_squeeze %dma_start3A_896 : memref<1x50x64xf32, #tpu.memory_space<hbm>> -> memref<50x64xf32, #tpu.memory_space<hbm>>
        %dma_start3A_898 = arith.constant 100 : i32
        %dma_start3A_899 = arith.constant 0 : i32
        %dma_start3A_900 = tpu.memref_slice %arg10[%dma_start3A_898, %dma_start3A_899] : memref<800x64xf32, #tpu.memory_space<vmem>> -> memref<50x64xf32, #tpu.memory_space<vmem>>
        tpu.enqueue_dma source(%dma_start3A_900 : memref<50x64xf32, #tpu.memory_space<vmem>>) target(%dma_start3A_897 : memref<50x64xf32, #tpu.memory_space<hbm>>) target_semaphore(%arg18 : memref<!tpu.dma_semaphore, #tpu.memory_space<semaphore_mem>>)
        %add3A_901 = arith.constant 3 : i32
        %add3A_902 = arith.addi %add3A_852, %add3A_901 : i32
        %dma_start3A_903 = arith.constant 150 : i32
        %dma_start3A_904 = arith.constant 0 : i32
        %dma_start3A_905 = tpu.memref_slice %arg10[%dma_start3A_903, %dma_start3A_904] : memref<800x64xf32, #tpu.memory_space<vmem>> -> memref<50x64xf32, #tpu.memory_space<vmem>>
        %dma_start3A_906 = arith.constant 0 : i32
        %dma_start3A_907 = arith.constant 0 : i32
        %dma_start3A_908 = tpu.memref_slice %arg4[%add3A_902, %dma_start3A_906, %dma_start3A_907] : memref<16384x56x128xf32, #tpu.memory_space<hbm>> -> memref<1x50x64xf32, #tpu.memory_space<hbm>>
        %dma_start3A_909 = tpu.memref_squeeze %dma_start3A_908 : memref<1x50x64xf32, #tpu.memory_space<hbm>> -> memref<50x64xf32, #tpu.memory_space<hbm>>
        %dma_start3A_910 = arith.constant 0 : i32
        %dma_start3A_911 = arith.constant 0 : i32
        %dma_start3A_912 = tpu.memref_slice %arg4[%add3A_902, %dma_start3A_910, %dma_start3A_911] : memref<16384x56x128xf32, #tpu.memory_space<hbm>> -> memref<1x50x64xf32, #tpu.memory_space<hbm>>
        %dma_start3A_913 = tpu.memref_squeeze %dma_start3A_912 : memref<1x50x64xf32, #tpu.memory_space<hbm>> -> memref<50x64xf32, #tpu.memory_space<hbm>>
        %dma_start3A_914 = arith.constant 150 : i32
        %dma_start3A_915 = arith.constant 0 : i32
        %dma_start3A_916 = tpu.memref_slice %arg10[%dma_start3A_914, %dma_start3A_915] : memref<800x64xf32, #tpu.memory_space<vmem>> -> memref<50x64xf32, #tpu.memory_space<vmem>>
        tpu.enqueue_dma source(%dma_start3A_916 : memref<50x64xf32, #tpu.memory_space<vmem>>) target(%dma_start3A_913 : memref<50x64xf32, #tpu.memory_space<hbm>>) target_semaphore(%arg18 : memref<!tpu.dma_semaphore, #tpu.memory_space<semaphore_mem>>)
        %add3A_917 = arith.constant 4 : i32
        %add3A_918 = arith.addi %add3A_852, %add3A_917 : i32
        %dma_start3A_919 = arith.constant 200 : i32
        %dma_start3A_920 = arith.constant 0 : i32
        %dma_start3A_921 = tpu.memref_slice %arg10[%dma_start3A_919, %dma_start3A_920] : memref<800x64xf32, #tpu.memory_space<vmem>> -> memref<50x64xf32, #tpu.memory_space<vmem>>
        %dma_start3A_922 = arith.constant 0 : i32
        %dma_start3A_923 = arith.constant 0 : i32
        %dma_start3A_924 = tpu.memref_slice %arg4[%add3A_918, %dma_start3A_922, %dma_start3A_923] : memref<16384x56x128xf32, #tpu.memory_space<hbm>> -> memref<1x50x64xf32, #tpu.memory_space<hbm>>
        %dma_start3A_925 = tpu.memref_squeeze %dma_start3A_924 : memref<1x50x64xf32, #tpu.memory_space<hbm>> -> memref<50x64xf32, #tpu.memory_space<hbm>>
        %dma_start3A_926 = arith.constant 0 : i32
        %dma_start3A_927 = arith.constant 0 : i32
        %dma_start3A_928 = tpu.memref_slice %arg4[%add3A_918, %dma_start3A_926, %dma_start3A_927] : memref<16384x56x128xf32, #tpu.memory_space<hbm>> -> memref<1x50x64xf32, #tpu.memory_space<hbm>>
        %dma_start3A_929 = tpu.memref_squeeze %dma_start3A_928 : memref<1x50x64xf32, #tpu.memory_space<hbm>> -> memref<50x64xf32, #tpu.memory_space<hbm>>
        %dma_start3A_930 = arith.constant 200 : i32
        %dma_start3A_931 = arith.constant 0 : i32
        %dma_start3A_932 = tpu.memref_slice %arg10[%dma_start3A_930, %dma_start3A_931] : memref<800x64xf32, #tpu.memory_space<vmem>> -> memref<50x64xf32, #tpu.memory_space<vmem>>
        tpu.enqueue_dma source(%dma_start3A_932 : memref<50x64xf32, #tpu.memory_space<vmem>>) target(%dma_start3A_929 : memref<50x64xf32, #tpu.memory_space<hbm>>) target_semaphore(%arg18 : memref<!tpu.dma_semaphore, #tpu.memory_space<semaphore_mem>>)
        %add3A_933 = arith.constant 5 : i32
        %add3A_934 = arith.addi %add3A_852, %add3A_933 : i32
        %dma_start3A_935 = arith.constant 250 : i32
        %dma_start3A_936 = arith.constant 0 : i32
        %dma_start3A_937 = tpu.memref_slice %arg10[%dma_start3A_935, %dma_start3A_936] : memref<800x64xf32, #tpu.memory_space<vmem>> -> memref<50x64xf32, #tpu.memory_space<vmem>>
        %dma_start3A_938 = arith.constant 0 : i32
        %dma_start3A_939 = arith.constant 0 : i32
        %dma_start3A_940 = tpu.memref_slice %arg4[%add3A_934, %dma_start3A_938, %dma_start3A_939] : memref<16384x56x128xf32, #tpu.memory_space<hbm>> -> memref<1x50x64xf32, #tpu.memory_space<hbm>>
        %dma_start3A_941 = tpu.memref_squeeze %dma_start3A_940 : memref<1x50x64xf32, #tpu.memory_space<hbm>> -> memref<50x64xf32, #tpu.memory_space<hbm>>
        %dma_start3A_942 = arith.constant 0 : i32
        %dma_start3A_943 = arith.constant 0 : i32
        %dma_start3A_944 = tpu.memref_slice %arg4[%add3A_934, %dma_start3A_942, %dma_start3A_943] : memref<16384x56x128xf32, #tpu.memory_space<hbm>> -> memref<1x50x64xf32, #tpu.memory_space<hbm>>
        %dma_start3A_945 = tpu.memref_squeeze %dma_start3A_944 : memref<1x50x64xf32, #tpu.memory_space<hbm>> -> memref<50x64xf32, #tpu.memory_space<hbm>>
        %dma_start3A_946 = arith.constant 250 : i32
        %dma_start3A_947 = arith.constant 0 : i32
        %dma_start3A_948 = tpu.memref_slice %arg10[%dma_start3A_946, %dma_start3A_947] : memref<800x64xf32, #tpu.memory_space<vmem>> -> memref<50x64xf32, #tpu.memory_space<vmem>>
        tpu.enqueue_dma source(%dma_start3A_948 : memref<50x64xf32, #tpu.memory_space<vmem>>) target(%dma_start3A_945 : memref<50x64xf32, #tpu.memory_space<hbm>>) target_semaphore(%arg18 : memref<!tpu.dma_semaphore, #tpu.memory_space<semaphore_mem>>)
        %add3A_949 = arith.constant 6 : i32
        %add3A_950 = arith.addi %add3A_852, %add3A_949 : i32
        %dma_start3A_951 = arith.constant 300 : i32
        %dma_start3A_952 = arith.constant 0 : i32
        %dma_start3A_953 = tpu.memref_slice %arg10[%dma_start3A_951, %dma_start3A_952] : memref<800x64xf32, #tpu.memory_space<vmem>> -> memref<50x64xf32, #tpu.memory_space<vmem>>
        %dma_start3A_954 = arith.constant 0 : i32
        %dma_start3A_955 = arith.constant 0 : i32
        %dma_start3A_956 = tpu.memref_slice %arg4[%add3A_950, %dma_start3A_954, %dma_start3A_955] : memref<16384x56x128xf32, #tpu.memory_space<hbm>> -> memref<1x50x64xf32, #tpu.memory_space<hbm>>
        %dma_start3A_957 = tpu.memref_squeeze %dma_start3A_956 : memref<1x50x64xf32, #tpu.memory_space<hbm>> -> memref<50x64xf32, #tpu.memory_space<hbm>>
        %dma_start3A_958 = arith.constant 0 : i32
        %dma_start3A_959 = arith.constant 0 : i32
        %dma_start3A_960 = tpu.memref_slice %arg4[%add3A_950, %dma_start3A_958, %dma_start3A_959] : memref<16384x56x128xf32, #tpu.memory_space<hbm>> -> memref<1x50x64xf32, #tpu.memory_space<hbm>>
        %dma_start3A_961 = tpu.memref_squeeze %dma_start3A_960 : memref<1x50x64xf32, #tpu.memory_space<hbm>> -> memref<50x64xf32, #tpu.memory_space<hbm>>
        %dma_start3A_962 = arith.constant 300 : i32
        %dma_start3A_963 = arith.constant 0 : i32
        %dma_start3A_964 = tpu.memref_slice %arg10[%dma_start3A_962, %dma_start3A_963] : memref<800x64xf32, #tpu.memory_space<vmem>> -> memref<50x64xf32, #tpu.memory_space<vmem>>
        tpu.enqueue_dma source(%dma_start3A_964 : memref<50x64xf32, #tpu.memory_space<vmem>>) target(%dma_start3A_961 : memref<50x64xf32, #tpu.memory_space<hbm>>) target_semaphore(%arg18 : memref<!tpu.dma_semaphore, #tpu.memory_space<semaphore_mem>>)
        %add3A_965 = arith.constant 7 : i32
        %add3A_966 = arith.addi %add3A_852, %add3A_965 : i32
        %dma_start3A_967 = arith.constant 350 : i32
        %dma_start3A_968 = arith.constant 0 : i32
        %dma_start3A_969 = tpu.memref_slice %arg10[%dma_start3A_967, %dma_start3A_968] : memref<800x64xf32, #tpu.memory_space<vmem>> -> memref<50x64xf32, #tpu.memory_space<vmem>>
        %dma_start3A_970 = arith.constant 0 : i32
        %dma_start3A_971 = arith.constant 0 : i32
        %dma_start3A_972 = tpu.memref_slice %arg4[%add3A_966, %dma_start3A_970, %dma_start3A_971] : memref<16384x56x128xf32, #tpu.memory_space<hbm>> -> memref<1x50x64xf32, #tpu.memory_space<hbm>>
        %dma_start3A_973 = tpu.memref_squeeze %dma_start3A_972 : memref<1x50x64xf32, #tpu.memory_space<hbm>> -> memref<50x64xf32, #tpu.memory_space<hbm>>
        %dma_start3A_974 = arith.constant 0 : i32
        %dma_start3A_975 = arith.constant 0 : i32
        %dma_start3A_976 = tpu.memref_slice %arg4[%add3A_966, %dma_start3A_974, %dma_start3A_975] : memref<16384x56x128xf32, #tpu.memory_space<hbm>> -> memref<1x50x64xf32, #tpu.memory_space<hbm>>
        %dma_start3A_977 = tpu.memref_squeeze %dma_start3A_976 : memref<1x50x64xf32, #tpu.memory_space<hbm>> -> memref<50x64xf32, #tpu.memory_space<hbm>>
        %dma_start3A_978 = arith.constant 350 : i32
        %dma_start3A_979 = arith.constant 0 : i32
        %dma_start3A_980 = tpu.memref_slice %arg10[%dma_start3A_978, %dma_start3A_979] : memref<800x64xf32, #tpu.memory_space<vmem>> -> memref<50x64xf32, #tpu.memory_space<vmem>>
        tpu.enqueue_dma source(%dma_start3A_980 : memref<50x64xf32, #tpu.memory_space<vmem>>) target(%dma_start3A_977 : memref<50x64xf32, #tpu.memory_space<hbm>>) target_semaphore(%arg18 : memref<!tpu.dma_semaphore, #tpu.memory_space<semaphore_mem>>)
        %add3A_981 = arith.constant 8 : i32
        %add3A_982 = arith.addi %add3A_852, %add3A_981 : i32
        %dma_start3A_983 = arith.constant 400 : i32
        %dma_start3A_984 = arith.constant 0 : i32
        %dma_start3A_985 = tpu.memref_slice %arg10[%dma_start3A_983, %dma_start3A_984] : memref<800x64xf32, #tpu.memory_space<vmem>> -> memref<50x64xf32, #tpu.memory_space<vmem>>
        %dma_start3A_986 = arith.constant 0 : i32
        %dma_start3A_987 = arith.constant 0 : i32
        %dma_start3A_988 = tpu.memref_slice %arg4[%add3A_982, %dma_start3A_986, %dma_start3A_987] : memref<16384x56x128xf32, #tpu.memory_space<hbm>> -> memref<1x50x64xf32, #tpu.memory_space<hbm>>
        %dma_start3A_989 = tpu.memref_squeeze %dma_start3A_988 : memref<1x50x64xf32, #tpu.memory_space<hbm>> -> memref<50x64xf32, #tpu.memory_space<hbm>>
        %dma_start3A_990 = arith.constant 0 : i32
        %dma_start3A_991 = arith.constant 0 : i32
        %dma_start3A_992 = tpu.memref_slice %arg4[%add3A_982, %dma_start3A_990, %dma_start3A_991] : memref<16384x56x128xf32, #tpu.memory_space<hbm>> -> memref<1x50x64xf32, #tpu.memory_space<hbm>>
        %dma_start3A_993 = tpu.memref_squeeze %dma_start3A_992 : memref<1x50x64xf32, #tpu.memory_space<hbm>> -> memref<50x64xf32, #tpu.memory_space<hbm>>
        %dma_start3A_994 = arith.constant 400 : i32
        %dma_start3A_995 = arith.constant 0 : i32
        %dma_start3A_996 = tpu.memref_slice %arg10[%dma_start3A_994, %dma_start3A_995] : memref<800x64xf32, #tpu.memory_space<vmem>> -> memref<50x64xf32, #tpu.memory_space<vmem>>
        tpu.enqueue_dma source(%dma_start3A_996 : memref<50x64xf32, #tpu.memory_space<vmem>>) target(%dma_start3A_993 : memref<50x64xf32, #tpu.memory_space<hbm>>) target_semaphore(%arg18 : memref<!tpu.dma_semaphore, #tpu.memory_space<semaphore_mem>>)
        %add3A_997 = arith.constant 9 : i32
        %add3A_998 = arith.addi %add3A_852, %add3A_997 : i32
        %dma_start3A_999 = arith.constant 450 : i32
        %dma_start3A_1000 = arith.constant 0 : i32
        %dma_start3A_1001 = tpu.memref_slice %arg10[%dma_start3A_999, %dma_start3A_1000] : memref<800x64xf32, #tpu.memory_space<vmem>> -> memref<50x64xf32, #tpu.memory_space<vmem>>
        %dma_start3A_1002 = arith.constant 0 : i32
        %dma_start3A_1003 = arith.constant 0 : i32
        %dma_start3A_1004 = tpu.memref_slice %arg4[%add3A_998, %dma_start3A_1002, %dma_start3A_1003] : memref<16384x56x128xf32, #tpu.memory_space<hbm>> -> memref<1x50x64xf32, #tpu.memory_space<hbm>>
        %dma_start3A_1005 = tpu.memref_squeeze %dma_start3A_1004 : memref<1x50x64xf32, #tpu.memory_space<hbm>> -> memref<50x64xf32, #tpu.memory_space<hbm>>
        %dma_start3A_1006 = arith.constant 0 : i32
        %dma_start3A_1007 = arith.constant 0 : i32
        %dma_start3A_1008 = tpu.memref_slice %arg4[%add3A_998, %dma_start3A_1006, %dma_start3A_1007] : memref<16384x56x128xf32, #tpu.memory_space<hbm>> -> memref<1x50x64xf32, #tpu.memory_space<hbm>>
        %dma_start3A_1009 = tpu.memref_squeeze %dma_start3A_1008 : memref<1x50x64xf32, #tpu.memory_space<hbm>> -> memref<50x64xf32, #tpu.memory_space<hbm>>
        %dma_start3A_1010 = arith.constant 450 : i32
        %dma_start3A_1011 = arith.constant 0 : i32
        %dma_start3A_1012 = tpu.memref_slice %arg10[%dma_start3A_1010, %dma_start3A_1011] : memref<800x64xf32, #tpu.memory_space<vmem>> -> memref<50x64xf32, #tpu.memory_space<vmem>>
        tpu.enqueue_dma source(%dma_start3A_1012 : memref<50x64xf32, #tpu.memory_space<vmem>>) target(%dma_start3A_1009 : memref<50x64xf32, #tpu.memory_space<hbm>>) target_semaphore(%arg18 : memref<!tpu.dma_semaphore, #tpu.memory_space<semaphore_mem>>)
        %add3A_1013 = arith.constant 10 : i32
        %add3A_1014 = arith.addi %add3A_852, %add3A_1013 : i32
        %dma_start3A_1015 = arith.constant 500 : i32
        %dma_start3A_1016 = arith.constant 0 : i32
        %dma_start3A_1017 = tpu.memref_slice %arg10[%dma_start3A_1015, %dma_start3A_1016] : memref<800x64xf32, #tpu.memory_space<vmem>> -> memref<50x64xf32, #tpu.memory_space<vmem>>
        %dma_start3A_1018 = arith.constant 0 : i32
        %dma_start3A_1019 = arith.constant 0 : i32
        %dma_start3A_1020 = tpu.memref_slice %arg4[%add3A_1014, %dma_start3A_1018, %dma_start3A_1019] : memref<16384x56x128xf32, #tpu.memory_space<hbm>> -> memref<1x50x64xf32, #tpu.memory_space<hbm>>
        %dma_start3A_1021 = tpu.memref_squeeze %dma_start3A_1020 : memref<1x50x64xf32, #tpu.memory_space<hbm>> -> memref<50x64xf32, #tpu.memory_space<hbm>>
        %dma_start3A_1022 = arith.constant 0 : i32
        %dma_start3A_1023 = arith.constant 0 : i32
        %dma_start3A_1024 = tpu.memref_slice %arg4[%add3A_1014, %dma_start3A_1022, %dma_start3A_1023] : memref<16384x56x128xf32, #tpu.memory_space<hbm>> -> memref<1x50x64xf32, #tpu.memory_space<hbm>>
        %dma_start3A_1025 = tpu.memref_squeeze %dma_start3A_1024 : memref<1x50x64xf32, #tpu.memory_space<hbm>> -> memref<50x64xf32, #tpu.memory_space<hbm>>
        %dma_start3A_1026 = arith.constant 500 : i32
        %dma_start3A_1027 = arith.constant 0 : i32
        %dma_start3A_1028 = tpu.memref_slice %arg10[%dma_start3A_1026, %dma_start3A_1027] : memref<800x64xf32, #tpu.memory_space<vmem>> -> memref<50x64xf32, #tpu.memory_space<vmem>>
        tpu.enqueue_dma source(%dma_start3A_1028 : memref<50x64xf32, #tpu.memory_space<vmem>>) target(%dma_start3A_1025 : memref<50x64xf32, #tpu.memory_space<hbm>>) target_semaphore(%arg18 : memref<!tpu.dma_semaphore, #tpu.memory_space<semaphore_mem>>)
        %add3A_1029 = arith.constant 11 : i32
        %add3A_1030 = arith.addi %add3A_852, %add3A_1029 : i32
        %dma_start3A_1031 = arith.constant 550 : i32
        %dma_start3A_1032 = arith.constant 0 : i32
        %dma_start3A_1033 = tpu.memref_slice %arg10[%dma_start3A_1031, %dma_start3A_1032] : memref<800x64xf32, #tpu.memory_space<vmem>> -> memref<50x64xf32, #tpu.memory_space<vmem>>
        %dma_start3A_1034 = arith.constant 0 : i32
        %dma_start3A_1035 = arith.constant 0 : i32
        %dma_start3A_1036 = tpu.memref_slice %arg4[%add3A_1030, %dma_start3A_1034, %dma_start3A_1035] : memref<16384x56x128xf32, #tpu.memory_space<hbm>> -> memref<1x50x64xf32, #tpu.memory_space<hbm>>
        %dma_start3A_1037 = tpu.memref_squeeze %dma_start3A_1036 : memref<1x50x64xf32, #tpu.memory_space<hbm>> -> memref<50x64xf32, #tpu.memory_space<hbm>>
        %dma_start3A_1038 = arith.constant 0 : i32
        %dma_start3A_1039 = arith.constant 0 : i32
        %dma_start3A_1040 = tpu.memref_slice %arg4[%add3A_1030, %dma_start3A_1038, %dma_start3A_1039] : memref<16384x56x128xf32, #tpu.memory_space<hbm>> -> memref<1x50x64xf32, #tpu.memory_space<hbm>>
        %dma_start3A_1041 = tpu.memref_squeeze %dma_start3A_1040 : memref<1x50x64xf32, #tpu.memory_space<hbm>> -> memref<50x64xf32, #tpu.memory_space<hbm>>
        %dma_start3A_1042 = arith.constant 550 : i32
        %dma_start3A_1043 = arith.constant 0 : i32
        %dma_start3A_1044 = tpu.memref_slice %arg10[%dma_start3A_1042, %dma_start3A_1043] : memref<800x64xf32, #tpu.memory_space<vmem>> -> memref<50x64xf32, #tpu.memory_space<vmem>>
        tpu.enqueue_dma source(%dma_start3A_1044 : memref<50x64xf32, #tpu.memory_space<vmem>>) target(%dma_start3A_1041 : memref<50x64xf32, #tpu.memory_space<hbm>>) target_semaphore(%arg18 : memref<!tpu.dma_semaphore, #tpu.memory_space<semaphore_mem>>)
        %add3A_1045 = arith.constant 12 : i32
        %add3A_1046 = arith.addi %add3A_852, %add3A_1045 : i32
        %dma_start3A_1047 = arith.constant 600 : i32
        %dma_start3A_1048 = arith.constant 0 : i32
        %dma_start3A_1049 = tpu.memref_slice %arg10[%dma_start3A_1047, %dma_start3A_1048] : memref<800x64xf32, #tpu.memory_space<vmem>> -> memref<50x64xf32, #tpu.memory_space<vmem>>
        %dma_start3A_1050 = arith.constant 0 : i32
        %dma_start3A_1051 = arith.constant 0 : i32
        %dma_start3A_1052 = tpu.memref_slice %arg4[%add3A_1046, %dma_start3A_1050, %dma_start3A_1051] : memref<16384x56x128xf32, #tpu.memory_space<hbm>> -> memref<1x50x64xf32, #tpu.memory_space<hbm>>
        %dma_start3A_1053 = tpu.memref_squeeze %dma_start3A_1052 : memref<1x50x64xf32, #tpu.memory_space<hbm>> -> memref<50x64xf32, #tpu.memory_space<hbm>>
        %dma_start3A_1054 = arith.constant 0 : i32
        %dma_start3A_1055 = arith.constant 0 : i32
        %dma_start3A_1056 = tpu.memref_slice %arg4[%add3A_1046, %dma_start3A_1054, %dma_start3A_1055] : memref<16384x56x128xf32, #tpu.memory_space<hbm>> -> memref<1x50x64xf32, #tpu.memory_space<hbm>>
        %dma_start3A_1057 = tpu.memref_squeeze %dma_start3A_1056 : memref<1x50x64xf32, #tpu.memory_space<hbm>> -> memref<50x64xf32, #tpu.memory_space<hbm>>
        %dma_start3A_1058 = arith.constant 600 : i32
        %dma_start3A_1059 = arith.constant 0 : i32
        %dma_start3A_1060 = tpu.memref_slice %arg10[%dma_start3A_1058, %dma_start3A_1059] : memref<800x64xf32, #tpu.memory_space<vmem>> -> memref<50x64xf32, #tpu.memory_space<vmem>>
        tpu.enqueue_dma source(%dma_start3A_1060 : memref<50x64xf32, #tpu.memory_space<vmem>>) target(%dma_start3A_1057 : memref<50x64xf32, #tpu.memory_space<hbm>>) target_semaphore(%arg18 : memref<!tpu.dma_semaphore, #tpu.memory_space<semaphore_mem>>)
        %add3A_1061 = arith.constant 13 : i32
        %add3A_1062 = arith.addi %add3A_852, %add3A_1061 : i32
        %dma_start3A_1063 = arith.constant 650 : i32
        %dma_start3A_1064 = arith.constant 0 : i32
        %dma_start3A_1065 = tpu.memref_slice %arg10[%dma_start3A_1063, %dma_start3A_1064] : memref<800x64xf32, #tpu.memory_space<vmem>> -> memref<50x64xf32, #tpu.memory_space<vmem>>
        %dma_start3A_1066 = arith.constant 0 : i32
        %dma_start3A_1067 = arith.constant 0 : i32
        %dma_start3A_1068 = tpu.memref_slice %arg4[%add3A_1062, %dma_start3A_1066, %dma_start3A_1067] : memref<16384x56x128xf32, #tpu.memory_space<hbm>> -> memref<1x50x64xf32, #tpu.memory_space<hbm>>
        %dma_start3A_1069 = tpu.memref_squeeze %dma_start3A_1068 : memref<1x50x64xf32, #tpu.memory_space<hbm>> -> memref<50x64xf32, #tpu.memory_space<hbm>>
        %dma_start3A_1070 = arith.constant 0 : i32
        %dma_start3A_1071 = arith.constant 0 : i32
        %dma_start3A_1072 = tpu.memref_slice %arg4[%add3A_1062, %dma_start3A_1070, %dma_start3A_1071] : memref<16384x56x128xf32, #tpu.memory_space<hbm>> -> memref<1x50x64xf32, #tpu.memory_space<hbm>>
        %dma_start3A_1073 = tpu.memref_squeeze %dma_start3A_1072 : memref<1x50x64xf32, #tpu.memory_space<hbm>> -> memref<50x64xf32, #tpu.memory_space<hbm>>
        %dma_start3A_1074 = arith.constant 650 : i32
        %dma_start3A_1075 = arith.constant 0 : i32
        %dma_start3A_1076 = tpu.memref_slice %arg10[%dma_start3A_1074, %dma_start3A_1075] : memref<800x64xf32, #tpu.memory_space<vmem>> -> memref<50x64xf32, #tpu.memory_space<vmem>>
        tpu.enqueue_dma source(%dma_start3A_1076 : memref<50x64xf32, #tpu.memory_space<vmem>>) target(%dma_start3A_1073 : memref<50x64xf32, #tpu.memory_space<hbm>>) target_semaphore(%arg18 : memref<!tpu.dma_semaphore, #tpu.memory_space<semaphore_mem>>)
        %add3A_1077 = arith.constant 14 : i32
        %add3A_1078 = arith.addi %add3A_852, %add3A_1077 : i32
        %dma_start3A_1079 = arith.constant 700 : i32
        %dma_start3A_1080 = arith.constant 0 : i32
        %dma_start3A_1081 = tpu.memref_slice %arg10[%dma_start3A_1079, %dma_start3A_1080] : memref<800x64xf32, #tpu.memory_space<vmem>> -> memref<50x64xf32, #tpu.memory_space<vmem>>
        %dma_start3A_1082 = arith.constant 0 : i32
        %dma_start3A_1083 = arith.constant 0 : i32
        %dma_start3A_1084 = tpu.memref_slice %arg4[%add3A_1078, %dma_start3A_1082, %dma_start3A_1083] : memref<16384x56x128xf32, #tpu.memory_space<hbm>> -> memref<1x50x64xf32, #tpu.memory_space<hbm>>
        %dma_start3A_1085 = tpu.memref_squeeze %dma_start3A_1084 : memref<1x50x64xf32, #tpu.memory_space<hbm>> -> memref<50x64xf32, #tpu.memory_space<hbm>>
        %dma_start3A_1086 = arith.constant 0 : i32
        %dma_start3A_1087 = arith.constant 0 : i32
        %dma_start3A_1088 = tpu.memref_slice %arg4[%add3A_1078, %dma_start3A_1086, %dma_start3A_1087] : memref<16384x56x128xf32, #tpu.memory_space<hbm>> -> memref<1x50x64xf32, #tpu.memory_space<hbm>>
        %dma_start3A_1089 = tpu.memref_squeeze %dma_start3A_1088 : memref<1x50x64xf32, #tpu.memory_space<hbm>> -> memref<50x64xf32, #tpu.memory_space<hbm>>
        %dma_start3A_1090 = arith.constant 700 : i32
        %dma_start3A_1091 = arith.constant 0 : i32
        %dma_start3A_1092 = tpu.memref_slice %arg10[%dma_start3A_1090, %dma_start3A_1091] : memref<800x64xf32, #tpu.memory_space<vmem>> -> memref<50x64xf32, #tpu.memory_space<vmem>>
        tpu.enqueue_dma source(%dma_start3A_1092 : memref<50x64xf32, #tpu.memory_space<vmem>>) target(%dma_start3A_1089 : memref<50x64xf32, #tpu.memory_space<hbm>>) target_semaphore(%arg18 : memref<!tpu.dma_semaphore, #tpu.memory_space<semaphore_mem>>)
        %add3A_1093 = arith.constant 15 : i32
        %add3A_1094 = arith.addi %add3A_852, %add3A_1093 : i32
        %dma_start3A_1095 = arith.constant 750 : i32
        %dma_start3A_1096 = arith.constant 0 : i32
        %dma_start3A_1097 = tpu.memref_slice %arg10[%dma_start3A_1095, %dma_start3A_1096] : memref<800x64xf32, #tpu.memory_space<vmem>> -> memref<50x64xf32, #tpu.memory_space<vmem>>
        %dma_start3A_1098 = arith.constant 0 : i32
        %dma_start3A_1099 = arith.constant 0 : i32
        %dma_start3A_1100 = tpu.memref_slice %arg4[%add3A_1094, %dma_start3A_1098, %dma_start3A_1099] : memref<16384x56x128xf32, #tpu.memory_space<hbm>> -> memref<1x50x64xf32, #tpu.memory_space<hbm>>
        %dma_start3A_1101 = tpu.memref_squeeze %dma_start3A_1100 : memref<1x50x64xf32, #tpu.memory_space<hbm>> -> memref<50x64xf32, #tpu.memory_space<hbm>>
        %dma_start3A_1102 = arith.constant 0 : i32
        %dma_start3A_1103 = arith.constant 0 : i32
        %dma_start3A_1104 = tpu.memref_slice %arg4[%add3A_1094, %dma_start3A_1102, %dma_start3A_1103] : memref<16384x56x128xf32, #tpu.memory_space<hbm>> -> memref<1x50x64xf32, #tpu.memory_space<hbm>>
        %dma_start3A_1105 = tpu.memref_squeeze %dma_start3A_1104 : memref<1x50x64xf32, #tpu.memory_space<hbm>> -> memref<50x64xf32, #tpu.memory_space<hbm>>
        %dma_start3A_1106 = arith.constant 750 : i32
        %dma_start3A_1107 = arith.constant 0 : i32
        %dma_start3A_1108 = tpu.memref_slice %arg10[%dma_start3A_1106, %dma_start3A_1107] : memref<800x64xf32, #tpu.memory_space<vmem>> -> memref<50x64xf32, #tpu.memory_space<vmem>>
        tpu.enqueue_dma source(%dma_start3A_1108 : memref<50x64xf32, #tpu.memory_space<vmem>>) target(%dma_start3A_1105 : memref<50x64xf32, #tpu.memory_space<hbm>>) target_semaphore(%arg18 : memref<!tpu.dma_semaphore, #tpu.memory_space<semaphore_mem>>)
        %add3A_1109 = arith.constant 3 : i32
        %add3A_1110 = arith.addi %add3A_807, %add3A_1109 : i32
        %lt3A = arith.constant 32 : i32
        %lt3A_1111 = arith.cmpi slt, %add3A_1110, %lt3A : i32
        %convert_element_type3A_1112 = arith.extui %lt3A_1111 : i1 to i32
        %cond3A_1113 = arith.constant 0 : i32
        %cond3A_1114 = arith.cmpi ne, %convert_element_type3A_1112, %cond3A_1113 : i32
        scf.if %cond3A_1114 {
          %add3A_1115 = arith.constant 3 : i32
          %add3A_1116 = arith.addi %add3A_807, %add3A_1115 : i32
          %mul3A_1117 = arith.constant 800 : i32
          %mul3A_1118 = arith.muli %add3A_1116, %mul3A_1117 : i32
          %add3A_1119 = arith.addi %mul3A_2, %mul3A_1118 : i32
          %dma_start3A_1120 = tpu.memref_slice %arg2[%add3A_1119] : memref<819200xi32, #tpu.memory_space<hbm>> -> memref<800xi32, #tpu.memory_space<hbm>>
          %dma_start3A_1121 = tpu.memref_slice %arg2[%add3A_1119] : memref<819200xi32, #tpu.memory_space<hbm>> -> memref<800xi32, #tpu.memory_space<hbm>>
          tpu.enqueue_dma source(%dma_start3A_1121 : memref<800xi32, #tpu.memory_space<hbm>>) target(%arg6 : memref<800xi32, #tpu.memory_space<vmem>>) target_semaphore(%arg12 : memref<!tpu.dma_semaphore, #tpu.memory_space<semaphore_mem>>)
        } else {
        }
      } else {
      }
      %add3A_826 = arith.constant 3 : i32
      %add3A_827 = arith.addi %add3A_768, %add3A_826 : i32
      %mul3A_828 = arith.constant 800 : i32
      %mul3A_829 = arith.muli %add3A_827, %mul3A_828 : i32
      %add3A_830 = arith.addi %mul3A_2, %mul3A_829 : i32
      %dma_wait3A_831 = tpu.memref_slice %arg2[%add3A_830] : memref<819200xi32, #tpu.memory_space<hbm>> -> memref<800xi32, #tpu.memory_space<hbm>>
      %dma_wait3A_832 = tpu.memref_slice %arg2[%add3A_830] : memref<819200xi32, #tpu.memory_space<hbm>> -> memref<800xi32, #tpu.memory_space<hbm>>
      tpu.wait_dma2 semaphore(%arg14 : memref<!tpu.dma_semaphore, #tpu.memory_space<semaphore_mem>>) src(%dma_wait3A_832 : memref<800xi32, #tpu.memory_space<hbm>>) dst(%arg8 : memref<800xi32, #tpu.memory_space<vmem>>)
      %ge3A_833 = arith.constant 2 : i32
      %ge3A_834 = arith.cmpi sge, %add3A_827, %ge3A_833 : i32
      %convert_element_type3A_835 = arith.extui %ge3A_834 : i1 to i32
      %cond3A_836 = arith.constant 0 : i32
      %cond3A_837 = arith.cmpi ne, %convert_element_type3A_835, %cond3A_836 : i32
      scf.if %cond3A_837 {
        %dma_wait3A_846 = arith.constant 0 : i32
        %dma_wait3A_847 = arith.constant 0 : i32
        %dma_wait3A_848 = arith.constant 0 : i32
        %dma_wait3A_849 = tpu.memref_slice %arg10[%dma_wait3A_847, %dma_wait3A_848] : memref<800x64xf32, #tpu.memory_space<vmem>> -> memref<50x64xf32, #tpu.memory_space<vmem>>
        %dma_wait3A_850 = arith.constant 0 : i32
        %dma_wait3A_851 = arith.constant 0 : i32
        %dma_wait3A_852 = tpu.memref_slice %arg4[%dma_wait3A_846, %dma_wait3A_850, %dma_wait3A_851] : memref<16384x56x128xf32, #tpu.memory_space<hbm>> -> memref<1x50x64xf32, #tpu.memory_space<hbm>>
        %dma_wait3A_853 = tpu.memref_squeeze %dma_wait3A_852 : memref<1x50x64xf32, #tpu.memory_space<hbm>> -> memref<50x64xf32, #tpu.memory_space<hbm>>
        %dma_wait3A_854 = arith.constant 0 : i32
        %dma_wait3A_855 = arith.constant 0 : i32
        %dma_wait3A_856 = tpu.memref_slice %arg4[%dma_wait3A_846, %dma_wait3A_854, %dma_wait3A_855] : memref<16384x56x128xf32, #tpu.memory_space<hbm>> -> memref<1x50x64xf32, #tpu.memory_space<hbm>>
        %dma_wait3A_857 = tpu.memref_squeeze %dma_wait3A_856 : memref<1x50x64xf32, #tpu.memory_space<hbm>> -> memref<50x64xf32, #tpu.memory_space<hbm>>
        %dma_wait3A_858 = arith.constant 0 : i32
        %dma_wait3A_859 = arith.constant 0 : i32
        %dma_wait3A_860 = tpu.memref_slice %arg10[%dma_wait3A_858, %dma_wait3A_859] : memref<800x64xf32, #tpu.memory_space<vmem>> -> memref<50x64xf32, #tpu.memory_space<vmem>>
        tpu.wait_dma2 semaphore(%arg18 : memref<!tpu.dma_semaphore, #tpu.memory_space<semaphore_mem>>) src(%dma_wait3A_860 : memref<50x64xf32, #tpu.memory_space<vmem>>) dst(%dma_wait3A_857 : memref<50x64xf32, #tpu.memory_space<hbm>>)
        %dma_wait3A_861 = arith.constant 0 : i32
        %dma_wait3A_862 = arith.constant 0 : i32
        %dma_wait3A_863 = arith.constant 0 : i32
        %dma_wait3A_864 = tpu.memref_slice %arg10[%dma_wait3A_862, %dma_wait3A_863] : memref<800x64xf32, #tpu.memory_space<vmem>> -> memref<50x64xf32, #tpu.memory_space<vmem>>
        %dma_wait3A_865 = arith.constant 0 : i32
        %dma_wait3A_866 = arith.constant 0 : i32
        %dma_wait3A_867 = tpu.memref_slice %arg4[%dma_wait3A_861, %dma_wait3A_865, %dma_wait3A_866] : memref<16384x56x128xf32, #tpu.memory_space<hbm>> -> memref<1x50x64xf32, #tpu.memory_space<hbm>>
        %dma_wait3A_868 = tpu.memref_squeeze %dma_wait3A_867 : memref<1x50x64xf32, #tpu.memory_space<hbm>> -> memref<50x64xf32, #tpu.memory_space<hbm>>
        %dma_wait3A_869 = arith.constant 0 : i32
        %dma_wait3A_870 = arith.constant 0 : i32
        %dma_wait3A_871 = tpu.memref_slice %arg4[%dma_wait3A_861, %dma_wait3A_869, %dma_wait3A_870] : memref<16384x56x128xf32, #tpu.memory_space<hbm>> -> memref<1x50x64xf32, #tpu.memory_space<hbm>>
        %dma_wait3A_872 = tpu.memref_squeeze %dma_wait3A_871 : memref<1x50x64xf32, #tpu.memory_space<hbm>> -> memref<50x64xf32, #tpu.memory_space<hbm>>
        %dma_wait3A_873 = arith.constant 0 : i32
        %dma_wait3A_874 = arith.constant 0 : i32
        %dma_wait3A_875 = tpu.memref_slice %arg10[%dma_wait3A_873, %dma_wait3A_874] : memref<800x64xf32, #tpu.memory_space<vmem>> -> memref<50x64xf32, #tpu.memory_space<vmem>>
        tpu.wait_dma2 semaphore(%arg18 : memref<!tpu.dma_semaphore, #tpu.memory_space<semaphore_mem>>) src(%dma_wait3A_875 : memref<50x64xf32, #tpu.memory_space<vmem>>) dst(%dma_wait3A_872 : memref<50x64xf32, #tpu.memory_space<hbm>>)
        %dma_wait3A_876 = arith.constant 0 : i32
        %dma_wait3A_877 = arith.constant 0 : i32
        %dma_wait3A_878 = arith.constant 0 : i32
        %dma_wait3A_879 = tpu.memref_slice %arg10[%dma_wait3A_877, %dma_wait3A_878] : memref<800x64xf32, #tpu.memory_space<vmem>> -> memref<50x64xf32, #tpu.memory_space<vmem>>
        %dma_wait3A_880 = arith.constant 0 : i32
        %dma_wait3A_881 = arith.constant 0 : i32
        %dma_wait3A_882 = tpu.memref_slice %arg4[%dma_wait3A_876, %dma_wait3A_880, %dma_wait3A_881] : memref<16384x56x128xf32, #tpu.memory_space<hbm>> -> memref<1x50x64xf32, #tpu.memory_space<hbm>>
        %dma_wait3A_883 = tpu.memref_squeeze %dma_wait3A_882 : memref<1x50x64xf32, #tpu.memory_space<hbm>> -> memref<50x64xf32, #tpu.memory_space<hbm>>
        %dma_wait3A_884 = arith.constant 0 : i32
        %dma_wait3A_885 = arith.constant 0 : i32
        %dma_wait3A_886 = tpu.memref_slice %arg4[%dma_wait3A_876, %dma_wait3A_884, %dma_wait3A_885] : memref<16384x56x128xf32, #tpu.memory_space<hbm>> -> memref<1x50x64xf32, #tpu.memory_space<hbm>>
        %dma_wait3A_887 = tpu.memref_squeeze %dma_wait3A_886 : memref<1x50x64xf32, #tpu.memory_space<hbm>> -> memref<50x64xf32, #tpu.memory_space<hbm>>
        %dma_wait3A_888 = arith.constant 0 : i32
        %dma_wait3A_889 = arith.constant 0 : i32
        %dma_wait3A_890 = tpu.memref_slice %arg10[%dma_wait3A_888, %dma_wait3A_889] : memref<800x64xf32, #tpu.memory_space<vmem>> -> memref<50x64xf32, #tpu.memory_space<vmem>>
        tpu.wait_dma2 semaphore(%arg18 : memref<!tpu.dma_semaphore, #tpu.memory_space<semaphore_mem>>) src(%dma_wait3A_890 : memref<50x64xf32, #tpu.memory_space<vmem>>) dst(%dma_wait3A_887 : memref<50x64xf32, #tpu.memory_space<hbm>>)
        %dma_wait3A_891 = arith.constant 0 : i32
        %dma_wait3A_892 = arith.constant 0 : i32
        %dma_wait3A_893 = arith.constant 0 : i32
        %dma_wait3A_894 = tpu.memref_slice %arg10[%dma_wait3A_892, %dma_wait3A_893] : memref<800x64xf32, #tpu.memory_space<vmem>> -> memref<50x64xf32, #tpu.memory_space<vmem>>
        %dma_wait3A_895 = arith.constant 0 : i32
        %dma_wait3A_896 = arith.constant 0 : i32
        %dma_wait3A_897 = tpu.memref_slice %arg4[%dma_wait3A_891, %dma_wait3A_895, %dma_wait3A_896] : memref<16384x56x128xf32, #tpu.memory_space<hbm>> -> memref<1x50x64xf32, #tpu.memory_space<hbm>>
        %dma_wait3A_898 = tpu.memref_squeeze %dma_wait3A_897 : memref<1x50x64xf32, #tpu.memory_space<hbm>> -> memref<50x64xf32, #tpu.memory_space<hbm>>
        %dma_wait3A_899 = arith.constant 0 : i32
        %dma_wait3A_900 = arith.constant 0 : i32
        %dma_wait3A_901 = tpu.memref_slice %arg4[%dma_wait3A_891, %dma_wait3A_899, %dma_wait3A_900] : memref<16384x56x128xf32, #tpu.memory_space<hbm>> -> memref<1x50x64xf32, #tpu.memory_space<hbm>>
        %dma_wait3A_902 = tpu.memref_squeeze %dma_wait3A_901 : memref<1x50x64xf32, #tpu.memory_space<hbm>> -> memref<50x64xf32, #tpu.memory_space<hbm>>
        %dma_wait3A_903 = arith.constant 0 : i32
        %dma_wait3A_904 = arith.constant 0 : i32
        %dma_wait3A_905 = tpu.memref_slice %arg10[%dma_wait3A_903, %dma_wait3A_904] : memref<800x64xf32, #tpu.memory_space<vmem>> -> memref<50x64xf32, #tpu.memory_space<vmem>>
        tpu.wait_dma2 semaphore(%arg18 : memref<!tpu.dma_semaphore, #tpu.memory_space<semaphore_mem>>) src(%dma_wait3A_905 : memref<50x64xf32, #tpu.memory_space<vmem>>) dst(%dma_wait3A_902 : memref<50x64xf32, #tpu.memory_space<hbm>>)
        %dma_wait3A_906 = arith.constant 0 : i32
        %dma_wait3A_907 = arith.constant 0 : i32
        %dma_wait3A_908 = arith.constant 0 : i32
        %dma_wait3A_909 = tpu.memref_slice %arg10[%dma_wait3A_907, %dma_wait3A_908] : memref<800x64xf32, #tpu.memory_space<vmem>> -> memref<50x64xf32, #tpu.memory_space<vmem>>
        %dma_wait3A_910 = arith.constant 0 : i32
        %dma_wait3A_911 = arith.constant 0 : i32
        %dma_wait3A_912 = tpu.memref_slice %arg4[%dma_wait3A_906, %dma_wait3A_910, %dma_wait3A_911] : memref<16384x56x128xf32, #tpu.memory_space<hbm>> -> memref<1x50x64xf32, #tpu.memory_space<hbm>>
        %dma_wait3A_913 = tpu.memref_squeeze %dma_wait3A_912 : memref<1x50x64xf32, #tpu.memory_space<hbm>> -> memref<50x64xf32, #tpu.memory_space<hbm>>
        %dma_wait3A_914 = arith.constant 0 : i32
        %dma_wait3A_915 = arith.constant 0 : i32
        %dma_wait3A_916 = tpu.memref_slice %arg4[%dma_wait3A_906, %dma_wait3A_914, %dma_wait3A_915] : memref<16384x56x128xf32, #tpu.memory_space<hbm>> -> memref<1x50x64xf32, #tpu.memory_space<hbm>>
        %dma_wait3A_917 = tpu.memref_squeeze %dma_wait3A_916 : memref<1x50x64xf32, #tpu.memory_space<hbm>> -> memref<50x64xf32, #tpu.memory_space<hbm>>
        %dma_wait3A_918 = arith.constant 0 : i32
        %dma_wait3A_919 = arith.constant 0 : i32
        %dma_wait3A_920 = tpu.memref_slice %arg10[%dma_wait3A_918, %dma_wait3A_919] : memref<800x64xf32, #tpu.memory_space<vmem>> -> memref<50x64xf32, #tpu.memory_space<vmem>>
        tpu.wait_dma2 semaphore(%arg18 : memref<!tpu.dma_semaphore, #tpu.memory_space<semaphore_mem>>) src(%dma_wait3A_920 : memref<50x64xf32, #tpu.memory_space<vmem>>) dst(%dma_wait3A_917 : memref<50x64xf32, #tpu.memory_space<hbm>>)
        %dma_wait3A_921 = arith.constant 0 : i32
        %dma_wait3A_922 = arith.constant 0 : i32
        %dma_wait3A_923 = arith.constant 0 : i32
        %dma_wait3A_924 = tpu.memref_slice %arg10[%dma_wait3A_922, %dma_wait3A_923] : memref<800x64xf32, #tpu.memory_space<vmem>> -> memref<50x64xf32, #tpu.memory_space<vmem>>
        %dma_wait3A_925 = arith.constant 0 : i32
        %dma_wait3A_926 = arith.constant 0 : i32
        %dma_wait3A_927 = tpu.memref_slice %arg4[%dma_wait3A_921, %dma_wait3A_925, %dma_wait3A_926] : memref<16384x56x128xf32, #tpu.memory_space<hbm>> -> memref<1x50x64xf32, #tpu.memory_space<hbm>>
        %dma_wait3A_928 = tpu.memref_squeeze %dma_wait3A_927 : memref<1x50x64xf32, #tpu.memory_space<hbm>> -> memref<50x64xf32, #tpu.memory_space<hbm>>
        %dma_wait3A_929 = arith.constant 0 : i32
        %dma_wait3A_930 = arith.constant 0 : i32
        %dma_wait3A_931 = tpu.memref_slice %arg4[%dma_wait3A_921, %dma_wait3A_929, %dma_wait3A_930] : memref<16384x56x128xf32, #tpu.memory_space<hbm>> -> memref<1x50x64xf32, #tpu.memory_space<hbm>>
        %dma_wait3A_932 = tpu.memref_squeeze %dma_wait3A_931 : memref<1x50x64xf32, #tpu.memory_space<hbm>> -> memref<50x64xf32, #tpu.memory_space<hbm>>
        %dma_wait3A_933 = arith.constant 0 : i32
        %dma_wait3A_934 = arith.constant 0 : i32
        %dma_wait3A_935 = tpu.memref_slice %arg10[%dma_wait3A_933, %dma_wait3A_934] : memref<800x64xf32, #tpu.memory_space<vmem>> -> memref<50x64xf32, #tpu.memory_space<vmem>>
        tpu.wait_dma2 semaphore(%arg18 : memref<!tpu.dma_semaphore, #tpu.memory_space<semaphore_mem>>) src(%dma_wait3A_935 : memref<50x64xf32, #tpu.memory_space<vmem>>) dst(%dma_wait3A_932 : memref<50x64xf32, #tpu.memory_space<hbm>>)
        %dma_wait3A_936 = arith.constant 0 : i32
        %dma_wait3A_937 = arith.constant 0 : i32
        %dma_wait3A_938 = arith.constant 0 : i32
        %dma_wait3A_939 = tpu.memref_slice %arg10[%dma_wait3A_937, %dma_wait3A_938] : memref<800x64xf32, #tpu.memory_space<vmem>> -> memref<50x64xf32, #tpu.memory_space<vmem>>
        %dma_wait3A_940 = arith.constant 0 : i32
        %dma_wait3A_941 = arith.constant 0 : i32
        %dma_wait3A_942 = tpu.memref_slice %arg4[%dma_wait3A_936, %dma_wait3A_940, %dma_wait3A_941] : memref<16384x56x128xf32, #tpu.memory_space<hbm>> -> memref<1x50x64xf32, #tpu.memory_space<hbm>>
        %dma_wait3A_943 = tpu.memref_squeeze %dma_wait3A_942 : memref<1x50x64xf32, #tpu.memory_space<hbm>> -> memref<50x64xf32, #tpu.memory_space<hbm>>
        %dma_wait3A_944 = arith.constant 0 : i32
        %dma_wait3A_945 = arith.constant 0 : i32
        %dma_wait3A_946 = tpu.memref_slice %arg4[%dma_wait3A_936, %dma_wait3A_944, %dma_wait3A_945] : memref<16384x56x128xf32, #tpu.memory_space<hbm>> -> memref<1x50x64xf32, #tpu.memory_space<hbm>>
        %dma_wait3A_947 = tpu.memref_squeeze %dma_wait3A_946 : memref<1x50x64xf32, #tpu.memory_space<hbm>> -> memref<50x64xf32, #tpu.memory_space<hbm>>
        %dma_wait3A_948 = arith.constant 0 : i32
        %dma_wait3A_949 = arith.constant 0 : i32
        %dma_wait3A_950 = tpu.memref_slice %arg10[%dma_wait3A_948, %dma_wait3A_949] : memref<800x64xf32, #tpu.memory_space<vmem>> -> memref<50x64xf32, #tpu.memory_space<vmem>>
        tpu.wait_dma2 semaphore(%arg18 : memref<!tpu.dma_semaphore, #tpu.memory_space<semaphore_mem>>) src(%dma_wait3A_950 : memref<50x64xf32, #tpu.memory_space<vmem>>) dst(%dma_wait3A_947 : memref<50x64xf32, #tpu.memory_space<hbm>>)
        %dma_wait3A_951 = arith.constant 0 : i32
        %dma_wait3A_952 = arith.constant 0 : i32
        %dma_wait3A_953 = arith.constant 0 : i32
        %dma_wait3A_954 = tpu.memref_slice %arg10[%dma_wait3A_952, %dma_wait3A_953] : memref<800x64xf32, #tpu.memory_space<vmem>> -> memref<50x64xf32, #tpu.memory_space<vmem>>
        %dma_wait3A_955 = arith.constant 0 : i32
        %dma_wait3A_956 = arith.constant 0 : i32
        %dma_wait3A_957 = tpu.memref_slice %arg4[%dma_wait3A_951, %dma_wait3A_955, %dma_wait3A_956] : memref<16384x56x128xf32, #tpu.memory_space<hbm>> -> memref<1x50x64xf32, #tpu.memory_space<hbm>>
        %dma_wait3A_958 = tpu.memref_squeeze %dma_wait3A_957 : memref<1x50x64xf32, #tpu.memory_space<hbm>> -> memref<50x64xf32, #tpu.memory_space<hbm>>
        %dma_wait3A_959 = arith.constant 0 : i32
        %dma_wait3A_960 = arith.constant 0 : i32
        %dma_wait3A_961 = tpu.memref_slice %arg4[%dma_wait3A_951, %dma_wait3A_959, %dma_wait3A_960] : memref<16384x56x128xf32, #tpu.memory_space<hbm>> -> memref<1x50x64xf32, #tpu.memory_space<hbm>>
        %dma_wait3A_962 = tpu.memref_squeeze %dma_wait3A_961 : memref<1x50x64xf32, #tpu.memory_space<hbm>> -> memref<50x64xf32, #tpu.memory_space<hbm>>
        %dma_wait3A_963 = arith.constant 0 : i32
        %dma_wait3A_964 = arith.constant 0 : i32
        %dma_wait3A_965 = tpu.memref_slice %arg10[%dma_wait3A_963, %dma_wait3A_964] : memref<800x64xf32, #tpu.memory_space<vmem>> -> memref<50x64xf32, #tpu.memory_space<vmem>>
        tpu.wait_dma2 semaphore(%arg18 : memref<!tpu.dma_semaphore, #tpu.memory_space<semaphore_mem>>) src(%dma_wait3A_965 : memref<50x64xf32, #tpu.memory_space<vmem>>) dst(%dma_wait3A_962 : memref<50x64xf32, #tpu.memory_space<hbm>>)
        %dma_wait3A_966 = arith.constant 0 : i32
        %dma_wait3A_967 = arith.constant 0 : i32
        %dma_wait3A_968 = arith.constant 0 : i32
        %dma_wait3A_969 = tpu.memref_slice %arg10[%dma_wait3A_967, %dma_wait3A_968] : memref<800x64xf32, #tpu.memory_space<vmem>> -> memref<50x64xf32, #tpu.memory_space<vmem>>
        %dma_wait3A_970 = arith.constant 0 : i32
        %dma_wait3A_971 = arith.constant 0 : i32
        %dma_wait3A_972 = tpu.memref_slice %arg4[%dma_wait3A_966, %dma_wait3A_970, %dma_wait3A_971] : memref<16384x56x128xf32, #tpu.memory_space<hbm>> -> memref<1x50x64xf32, #tpu.memory_space<hbm>>
        %dma_wait3A_973 = tpu.memref_squeeze %dma_wait3A_972 : memref<1x50x64xf32, #tpu.memory_space<hbm>> -> memref<50x64xf32, #tpu.memory_space<hbm>>
        %dma_wait3A_974 = arith.constant 0 : i32
        %dma_wait3A_975 = arith.constant 0 : i32
        %dma_wait3A_976 = tpu.memref_slice %arg4[%dma_wait3A_966, %dma_wait3A_974, %dma_wait3A_975] : memref<16384x56x128xf32, #tpu.memory_space<hbm>> -> memref<1x50x64xf32, #tpu.memory_space<hbm>>
        %dma_wait3A_977 = tpu.memref_squeeze %dma_wait3A_976 : memref<1x50x64xf32, #tpu.memory_space<hbm>> -> memref<50x64xf32, #tpu.memory_space<hbm>>
        %dma_wait3A_978 = arith.constant 0 : i32
        %dma_wait3A_979 = arith.constant 0 : i32
        %dma_wait3A_980 = tpu.memref_slice %arg10[%dma_wait3A_978, %dma_wait3A_979] : memref<800x64xf32, #tpu.memory_space<vmem>> -> memref<50x64xf32, #tpu.memory_space<vmem>>
        tpu.wait_dma2 semaphore(%arg18 : memref<!tpu.dma_semaphore, #tpu.memory_space<semaphore_mem>>) src(%dma_wait3A_980 : memref<50x64xf32, #tpu.memory_space<vmem>>) dst(%dma_wait3A_977 : memref<50x64xf32, #tpu.memory_space<hbm>>)
        %dma_wait3A_981 = arith.constant 0 : i32
        %dma_wait3A_982 = arith.constant 0 : i32
        %dma_wait3A_983 = arith.constant 0 : i32
        %dma_wait3A_984 = tpu.memref_slice %arg10[%dma_wait3A_982, %dma_wait3A_983] : memref<800x64xf32, #tpu.memory_space<vmem>> -> memref<50x64xf32, #tpu.memory_space<vmem>>
        %dma_wait3A_985 = arith.constant 0 : i32
        %dma_wait3A_986 = arith.constant 0 : i32
        %dma_wait3A_987 = tpu.memref_slice %arg4[%dma_wait3A_981, %dma_wait3A_985, %dma_wait3A_986] : memref<16384x56x128xf32, #tpu.memory_space<hbm>> -> memref<1x50x64xf32, #tpu.memory_space<hbm>>
        %dma_wait3A_988 = tpu.memref_squeeze %dma_wait3A_987 : memref<1x50x64xf32, #tpu.memory_space<hbm>> -> memref<50x64xf32, #tpu.memory_space<hbm>>
        %dma_wait3A_989 = arith.constant 0 : i32
        %dma_wait3A_990 = arith.constant 0 : i32
        %dma_wait3A_991 = tpu.memref_slice %arg4[%dma_wait3A_981, %dma_wait3A_989, %dma_wait3A_990] : memref<16384x56x128xf32, #tpu.memory_space<hbm>> -> memref<1x50x64xf32, #tpu.memory_space<hbm>>
        %dma_wait3A_992 = tpu.memref_squeeze %dma_wait3A_991 : memref<1x50x64xf32, #tpu.memory_space<hbm>> -> memref<50x64xf32, #tpu.memory_space<hbm>>
        %dma_wait3A_993 = arith.constant 0 : i32
        %dma_wait3A_994 = arith.constant 0 : i32
        %dma_wait3A_995 = tpu.memref_slice %arg10[%dma_wait3A_993, %dma_wait3A_994] : memref<800x64xf32, #tpu.memory_space<vmem>> -> memref<50x64xf32, #tpu.memory_space<vmem>>
        tpu.wait_dma2 semaphore(%arg18 : memref<!tpu.dma_semaphore, #tpu.memory_space<semaphore_mem>>) src(%dma_wait3A_995 : memref<50x64xf32, #tpu.memory_space<vmem>>) dst(%dma_wait3A_992 : memref<50x64xf32, #tpu.memory_space<hbm>>)
        %dma_wait3A_996 = arith.constant 0 : i32
        %dma_wait3A_997 = arith.constant 0 : i32
        %dma_wait3A_998 = arith.constant 0 : i32
        %dma_wait3A_999 = tpu.memref_slice %arg10[%dma_wait3A_997, %dma_wait3A_998] : memref<800x64xf32, #tpu.memory_space<vmem>> -> memref<50x64xf32, #tpu.memory_space<vmem>>
        %dma_wait3A_1000 = arith.constant 0 : i32
        %dma_wait3A_1001 = arith.constant 0 : i32
        %dma_wait3A_1002 = tpu.memref_slice %arg4[%dma_wait3A_996, %dma_wait3A_1000, %dma_wait3A_1001] : memref<16384x56x128xf32, #tpu.memory_space<hbm>> -> memref<1x50x64xf32, #tpu.memory_space<hbm>>
        %dma_wait3A_1003 = tpu.memref_squeeze %dma_wait3A_1002 : memref<1x50x64xf32, #tpu.memory_space<hbm>> -> memref<50x64xf32, #tpu.memory_space<hbm>>
        %dma_wait3A_1004 = arith.constant 0 : i32
        %dma_wait3A_1005 = arith.constant 0 : i32
        %dma_wait3A_1006 = tpu.memref_slice %arg4[%dma_wait3A_996, %dma_wait3A_1004, %dma_wait3A_1005] : memref<16384x56x128xf32, #tpu.memory_space<hbm>> -> memref<1x50x64xf32, #tpu.memory_space<hbm>>
        %dma_wait3A_1007 = tpu.memref_squeeze %dma_wait3A_1006 : memref<1x50x64xf32, #tpu.memory_space<hbm>> -> memref<50x64xf32, #tpu.memory_space<hbm>>
        %dma_wait3A_1008 = arith.constant 0 : i32
        %dma_wait3A_1009 = arith.constant 0 : i32
        %dma_wait3A_1010 = tpu.memref_slice %arg10[%dma_wait3A_1008, %dma_wait3A_1009] : memref<800x64xf32, #tpu.memory_space<vmem>> -> memref<50x64xf32, #tpu.memory_space<vmem>>
        tpu.wait_dma2 semaphore(%arg18 : memref<!tpu.dma_semaphore, #tpu.memory_space<semaphore_mem>>) src(%dma_wait3A_1010 : memref<50x64xf32, #tpu.memory_space<vmem>>) dst(%dma_wait3A_1007 : memref<50x64xf32, #tpu.memory_space<hbm>>)
        %dma_wait3A_1011 = arith.constant 0 : i32
        %dma_wait3A_1012 = arith.constant 0 : i32
        %dma_wait3A_1013 = arith.constant 0 : i32
        %dma_wait3A_1014 = tpu.memref_slice %arg10[%dma_wait3A_1012, %dma_wait3A_1013] : memref<800x64xf32, #tpu.memory_space<vmem>> -> memref<50x64xf32, #tpu.memory_space<vmem>>
        %dma_wait3A_1015 = arith.constant 0 : i32
        %dma_wait3A_1016 = arith.constant 0 : i32
        %dma_wait3A_1017 = tpu.memref_slice %arg4[%dma_wait3A_1011, %dma_wait3A_1015, %dma_wait3A_1016] : memref<16384x56x128xf32, #tpu.memory_space<hbm>> -> memref<1x50x64xf32, #tpu.memory_space<hbm>>
        %dma_wait3A_1018 = tpu.memref_squeeze %dma_wait3A_1017 : memref<1x50x64xf32, #tpu.memory_space<hbm>> -> memref<50x64xf32, #tpu.memory_space<hbm>>
        %dma_wait3A_1019 = arith.constant 0 : i32
        %dma_wait3A_1020 = arith.constant 0 : i32
        %dma_wait3A_1021 = tpu.memref_slice %arg4[%dma_wait3A_1011, %dma_wait3A_1019, %dma_wait3A_1020] : memref<16384x56x128xf32, #tpu.memory_space<hbm>> -> memref<1x50x64xf32, #tpu.memory_space<hbm>>
        %dma_wait3A_1022 = tpu.memref_squeeze %dma_wait3A_1021 : memref<1x50x64xf32, #tpu.memory_space<hbm>> -> memref<50x64xf32, #tpu.memory_space<hbm>>
        %dma_wait3A_1023 = arith.constant 0 : i32
        %dma_wait3A_1024 = arith.constant 0 : i32
        %dma_wait3A_1025 = tpu.memref_slice %arg10[%dma_wait3A_1023, %dma_wait3A_1024] : memref<800x64xf32, #tpu.memory_space<vmem>> -> memref<50x64xf32, #tpu.memory_space<vmem>>
        tpu.wait_dma2 semaphore(%arg18 : memref<!tpu.dma_semaphore, #tpu.memory_space<semaphore_mem>>) src(%dma_wait3A_1025 : memref<50x64xf32, #tpu.memory_space<vmem>>) dst(%dma_wait3A_1022 : memref<50x64xf32, #tpu.memory_space<hbm>>)
        %dma_wait3A_1026 = arith.constant 0 : i32
        %dma_wait3A_1027 = arith.constant 0 : i32
        %dma_wait3A_1028 = arith.constant 0 : i32
        %dma_wait3A_1029 = tpu.memref_slice %arg10[%dma_wait3A_1027, %dma_wait3A_1028] : memref<800x64xf32, #tpu.memory_space<vmem>> -> memref<50x64xf32, #tpu.memory_space<vmem>>
        %dma_wait3A_1030 = arith.constant 0 : i32
        %dma_wait3A_1031 = arith.constant 0 : i32
        %dma_wait3A_1032 = tpu.memref_slice %arg4[%dma_wait3A_1026, %dma_wait3A_1030, %dma_wait3A_1031] : memref<16384x56x128xf32, #tpu.memory_space<hbm>> -> memref<1x50x64xf32, #tpu.memory_space<hbm>>
        %dma_wait3A_1033 = tpu.memref_squeeze %dma_wait3A_1032 : memref<1x50x64xf32, #tpu.memory_space<hbm>> -> memref<50x64xf32, #tpu.memory_space<hbm>>
        %dma_wait3A_1034 = arith.constant 0 : i32
        %dma_wait3A_1035 = arith.constant 0 : i32
        %dma_wait3A_1036 = tpu.memref_slice %arg4[%dma_wait3A_1026, %dma_wait3A_1034, %dma_wait3A_1035] : memref<16384x56x128xf32, #tpu.memory_space<hbm>> -> memref<1x50x64xf32, #tpu.memory_space<hbm>>
        %dma_wait3A_1037 = tpu.memref_squeeze %dma_wait3A_1036 : memref<1x50x64xf32, #tpu.memory_space<hbm>> -> memref<50x64xf32, #tpu.memory_space<hbm>>
        %dma_wait3A_1038 = arith.constant 0 : i32
        %dma_wait3A_1039 = arith.constant 0 : i32
        %dma_wait3A_1040 = tpu.memref_slice %arg10[%dma_wait3A_1038, %dma_wait3A_1039] : memref<800x64xf32, #tpu.memory_space<vmem>> -> memref<50x64xf32, #tpu.memory_space<vmem>>
        tpu.wait_dma2 semaphore(%arg18 : memref<!tpu.dma_semaphore, #tpu.memory_space<semaphore_mem>>) src(%dma_wait3A_1040 : memref<50x64xf32, #tpu.memory_space<vmem>>) dst(%dma_wait3A_1037 : memref<50x64xf32, #tpu.memory_space<hbm>>)
        %dma_wait3A_1041 = arith.constant 0 : i32
        %dma_wait3A_1042 = arith.constant 0 : i32
        %dma_wait3A_1043 = arith.constant 0 : i32
        %dma_wait3A_1044 = tpu.memref_slice %arg10[%dma_wait3A_1042, %dma_wait3A_1043] : memref<800x64xf32, #tpu.memory_space<vmem>> -> memref<50x64xf32, #tpu.memory_space<vmem>>
        %dma_wait3A_1045 = arith.constant 0 : i32
        %dma_wait3A_1046 = arith.constant 0 : i32
        %dma_wait3A_1047 = tpu.memref_slice %arg4[%dma_wait3A_1041, %dma_wait3A_1045, %dma_wait3A_1046] : memref<16384x56x128xf32, #tpu.memory_space<hbm>> -> memref<1x50x64xf32, #tpu.memory_space<hbm>>
        %dma_wait3A_1048 = tpu.memref_squeeze %dma_wait3A_1047 : memref<1x50x64xf32, #tpu.memory_space<hbm>> -> memref<50x64xf32, #tpu.memory_space<hbm>>
        %dma_wait3A_1049 = arith.constant 0 : i32
        %dma_wait3A_1050 = arith.constant 0 : i32
        %dma_wait3A_1051 = tpu.memref_slice %arg4[%dma_wait3A_1041, %dma_wait3A_1049, %dma_wait3A_1050] : memref<16384x56x128xf32, #tpu.memory_space<hbm>> -> memref<1x50x64xf32, #tpu.memory_space<hbm>>
        %dma_wait3A_1052 = tpu.memref_squeeze %dma_wait3A_1051 : memref<1x50x64xf32, #tpu.memory_space<hbm>> -> memref<50x64xf32, #tpu.memory_space<hbm>>
        %dma_wait3A_1053 = arith.constant 0 : i32
        %dma_wait3A_1054 = arith.constant 0 : i32
        %dma_wait3A_1055 = tpu.memref_slice %arg10[%dma_wait3A_1053, %dma_wait3A_1054] : memref<800x64xf32, #tpu.memory_space<vmem>> -> memref<50x64xf32, #tpu.memory_space<vmem>>
        tpu.wait_dma2 semaphore(%arg18 : memref<!tpu.dma_semaphore, #tpu.memory_space<semaphore_mem>>) src(%dma_wait3A_1055 : memref<50x64xf32, #tpu.memory_space<vmem>>) dst(%dma_wait3A_1052 : memref<50x64xf32, #tpu.memory_space<hbm>>)
        %dma_wait3A_1056 = arith.constant 0 : i32
        %dma_wait3A_1057 = arith.constant 0 : i32
        %dma_wait3A_1058 = arith.constant 0 : i32
        %dma_wait3A_1059 = tpu.memref_slice %arg10[%dma_wait3A_1057, %dma_wait3A_1058] : memref<800x64xf32, #tpu.memory_space<vmem>> -> memref<50x64xf32, #tpu.memory_space<vmem>>
        %dma_wait3A_1060 = arith.constant 0 : i32
        %dma_wait3A_1061 = arith.constant 0 : i32
        %dma_wait3A_1062 = tpu.memref_slice %arg4[%dma_wait3A_1056, %dma_wait3A_1060, %dma_wait3A_1061] : memref<16384x56x128xf32, #tpu.memory_space<hbm>> -> memref<1x50x64xf32, #tpu.memory_space<hbm>>
        %dma_wait3A_1063 = tpu.memref_squeeze %dma_wait3A_1062 : memref<1x50x64xf32, #tpu.memory_space<hbm>> -> memref<50x64xf32, #tpu.memory_space<hbm>>
        %dma_wait3A_1064 = arith.constant 0 : i32
        %dma_wait3A_1065 = arith.constant 0 : i32
        %dma_wait3A_1066 = tpu.memref_slice %arg4[%dma_wait3A_1056, %dma_wait3A_1064, %dma_wait3A_1065] : memref<16384x56x128xf32, #tpu.memory_space<hbm>> -> memref<1x50x64xf32, #tpu.memory_space<hbm>>
        %dma_wait3A_1067 = tpu.memref_squeeze %dma_wait3A_1066 : memref<1x50x64xf32, #tpu.memory_space<hbm>> -> memref<50x64xf32, #tpu.memory_space<hbm>>
        %dma_wait3A_1068 = arith.constant 0 : i32
        %dma_wait3A_1069 = arith.constant 0 : i32
        %dma_wait3A_1070 = tpu.memref_slice %arg10[%dma_wait3A_1068, %dma_wait3A_1069] : memref<800x64xf32, #tpu.memory_space<vmem>> -> memref<50x64xf32, #tpu.memory_space<vmem>>
        tpu.wait_dma2 semaphore(%arg18 : memref<!tpu.dma_semaphore, #tpu.memory_space<semaphore_mem>>) src(%dma_wait3A_1070 : memref<50x64xf32, #tpu.memory_space<vmem>>) dst(%dma_wait3A_1067 : memref<50x64xf32, #tpu.memory_space<hbm>>)
        %dma_wait3A_1071 = arith.constant 0 : i32
        %dma_wait3A_1072 = arith.constant 0 : i32
        %dma_wait3A_1073 = arith.constant 0 : i32
        %dma_wait3A_1074 = tpu.memref_slice %arg10[%dma_wait3A_1072, %dma_wait3A_1073] : memref<800x64xf32, #tpu.memory_space<vmem>> -> memref<50x64xf32, #tpu.memory_space<vmem>>
        %dma_wait3A_1075 = arith.constant 0 : i32
        %dma_wait3A_1076 = arith.constant 0 : i32
        %dma_wait3A_1077 = tpu.memref_slice %arg4[%dma_wait3A_1071, %dma_wait3A_1075, %dma_wait3A_1076] : memref<16384x56x128xf32, #tpu.memory_space<hbm>> -> memref<1x50x64xf32, #tpu.memory_space<hbm>>
        %dma_wait3A_1078 = tpu.memref_squeeze %dma_wait3A_1077 : memref<1x50x64xf32, #tpu.memory_space<hbm>> -> memref<50x64xf32, #tpu.memory_space<hbm>>
        %dma_wait3A_1079 = arith.constant 0 : i32
        %dma_wait3A_1080 = arith.constant 0 : i32
        %dma_wait3A_1081 = tpu.memref_slice %arg4[%dma_wait3A_1071, %dma_wait3A_1079, %dma_wait3A_1080] : memref<16384x56x128xf32, #tpu.memory_space<hbm>> -> memref<1x50x64xf32, #tpu.memory_space<hbm>>
        %dma_wait3A_1082 = tpu.memref_squeeze %dma_wait3A_1081 : memref<1x50x64xf32, #tpu.memory_space<hbm>> -> memref<50x64xf32, #tpu.memory_space<hbm>>
        %dma_wait3A_1083 = arith.constant 0 : i32
        %dma_wait3A_1084 = arith.constant 0 : i32
        %dma_wait3A_1085 = tpu.memref_slice %arg10[%dma_wait3A_1083, %dma_wait3A_1084] : memref<800x64xf32, #tpu.memory_space<vmem>> -> memref<50x64xf32, #tpu.memory_space<vmem>>
        tpu.wait_dma2 semaphore(%arg18 : memref<!tpu.dma_semaphore, #tpu.memory_space<semaphore_mem>>) src(%dma_wait3A_1085 : memref<50x64xf32, #tpu.memory_space<vmem>>) dst(%dma_wait3A_1082 : memref<50x64xf32, #tpu.memory_space<hbm>>)
      } else {
      }
      %dma_start3A_838 = arith.constant 0 : i32
      %dma_start3A_839 = arith.constant 0 : i32
      %dma_start3A_840 = tpu.memref_slice %arg3[%dma_start3A_838, %dma_start3A_839] : memref<1000000x64xf32, #tpu.memory_space<hbm>> -> memref<1000000x64xf32, #tpu.memory_space<hbm>>
      tpu.enqueue_indirect_dma source(%dma_start3A_840 : memref<1000000x64xf32, #tpu.memory_space<hbm>>) target(%arg10 : memref<800x64xf32, #tpu.memory_space<vmem>>) offsets(%arg8 : memref<800xi32, #tpu.memory_space<vmem>>) semaphore(%arg16 : memref<!tpu.dma_semaphore, #tpu.memory_space<semaphore_mem>>)
      %ge3A_841 = arith.constant 1 : i32
      %ge3A_842 = arith.cmpi sge, %add3A_827, %ge3A_841 : i32
      %convert_element_type3A_843 = arith.extui %ge3A_842 : i1 to i32
      %cond3A_844 = arith.constant 0 : i32
      %cond3A_845 = arith.cmpi ne, %convert_element_type3A_843, %cond3A_844 : i32
      scf.if %cond3A_845 {
        %dma_wait3A_846 = arith.constant 0 : i32
        %dma_wait3A_847 = arith.constant 0 : i32
        %dma_wait3A_848 = tpu.memref_slice %arg3[%dma_wait3A_846, %dma_wait3A_847] : memref<1000000x64xf32, #tpu.memory_space<hbm>> -> memref<1000000x64xf32, #tpu.memory_space<hbm>>
        tpu.wait_indirect_dma semaphore(%arg15 : memref<!tpu.dma_semaphore, #tpu.memory_space<semaphore_mem>>) src(%dma_wait3A_848 : memref<1000000x64xf32, #tpu.memory_space<hbm>>) dst(%arg9 : memref<800x64xf32, #tpu.memory_space<vmem>>)
        %sub3A = arith.constant 1 : i32
        %sub3A_849 = arith.subi %add3A_827, %sub3A : i32
        %mul3A_850 = arith.constant 16 : i32
        %mul3A_851 = arith.muli %sub3A_849, %mul3A_850 : i32
        %add3A_852 = arith.addi %mul3A_4, %mul3A_851 : i32
        %add3A_853 = arith.constant 0 : i32
        %add3A_854 = arith.addi %add3A_852, %add3A_853 : i32
        %dma_start3A_855 = arith.constant 0 : i32
        %dma_start3A_856 = arith.constant 0 : i32
        %dma_start3A_857 = tpu.memref_slice %arg9[%dma_start3A_855, %dma_start3A_856] : memref<800x64xf32, #tpu.memory_space<vmem>> -> memref<50x64xf32, #tpu.memory_space<vmem>>
        %dma_start3A_858 = arith.constant 0 : i32
        %dma_start3A_859 = arith.constant 0 : i32
        %dma_start3A_860 = tpu.memref_slice %arg4[%add3A_854, %dma_start3A_858, %dma_start3A_859] : memref<16384x56x128xf32, #tpu.memory_space<hbm>> -> memref<1x50x64xf32, #tpu.memory_space<hbm>>
        %dma_start3A_861 = tpu.memref_squeeze %dma_start3A_860 : memref<1x50x64xf32, #tpu.memory_space<hbm>> -> memref<50x64xf32, #tpu.memory_space<hbm>>
        %dma_start3A_862 = arith.constant 0 : i32
        %dma_start3A_863 = arith.constant 0 : i32
        %dma_start3A_864 = tpu.memref_slice %arg4[%add3A_854, %dma_start3A_862, %dma_start3A_863] : memref<16384x56x128xf32, #tpu.memory_space<hbm>> -> memref<1x50x64xf32, #tpu.memory_space<hbm>>
        %dma_start3A_865 = tpu.memref_squeeze %dma_start3A_864 : memref<1x50x64xf32, #tpu.memory_space<hbm>> -> memref<50x64xf32, #tpu.memory_space<hbm>>
        %dma_start3A_866 = arith.constant 0 : i32
        %dma_start3A_867 = arith.constant 0 : i32
        %dma_start3A_868 = tpu.memref_slice %arg9[%dma_start3A_866, %dma_start3A_867] : memref<800x64xf32, #tpu.memory_space<vmem>> -> memref<50x64xf32, #tpu.memory_space<vmem>>
        tpu.enqueue_dma source(%dma_start3A_868 : memref<50x64xf32, #tpu.memory_space<vmem>>) target(%dma_start3A_865 : memref<50x64xf32, #tpu.memory_space<hbm>>) target_semaphore(%arg17 : memref<!tpu.dma_semaphore, #tpu.memory_space<semaphore_mem>>)
        %add3A_869 = arith.constant 1 : i32
        %add3A_870 = arith.addi %add3A_852, %add3A_869 : i32
        %dma_start3A_871 = arith.constant 50 : i32
        %dma_start3A_872 = arith.constant 0 : i32
        %dma_start3A_873 = tpu.memref_slice %arg9[%dma_start3A_871, %dma_start3A_872] : memref<800x64xf32, #tpu.memory_space<vmem>> -> memref<50x64xf32, #tpu.memory_space<vmem>>
        %dma_start3A_874 = arith.constant 0 : i32
        %dma_start3A_875 = arith.constant 0 : i32
        %dma_start3A_876 = tpu.memref_slice %arg4[%add3A_870, %dma_start3A_874, %dma_start3A_875] : memref<16384x56x128xf32, #tpu.memory_space<hbm>> -> memref<1x50x64xf32, #tpu.memory_space<hbm>>
        %dma_start3A_877 = tpu.memref_squeeze %dma_start3A_876 : memref<1x50x64xf32, #tpu.memory_space<hbm>> -> memref<50x64xf32, #tpu.memory_space<hbm>>
        %dma_start3A_878 = arith.constant 0 : i32
        %dma_start3A_879 = arith.constant 0 : i32
        %dma_start3A_880 = tpu.memref_slice %arg4[%add3A_870, %dma_start3A_878, %dma_start3A_879] : memref<16384x56x128xf32, #tpu.memory_space<hbm>> -> memref<1x50x64xf32, #tpu.memory_space<hbm>>
        %dma_start3A_881 = tpu.memref_squeeze %dma_start3A_880 : memref<1x50x64xf32, #tpu.memory_space<hbm>> -> memref<50x64xf32, #tpu.memory_space<hbm>>
        %dma_start3A_882 = arith.constant 50 : i32
        %dma_start3A_883 = arith.constant 0 : i32
        %dma_start3A_884 = tpu.memref_slice %arg9[%dma_start3A_882, %dma_start3A_883] : memref<800x64xf32, #tpu.memory_space<vmem>> -> memref<50x64xf32, #tpu.memory_space<vmem>>
        tpu.enqueue_dma source(%dma_start3A_884 : memref<50x64xf32, #tpu.memory_space<vmem>>) target(%dma_start3A_881 : memref<50x64xf32, #tpu.memory_space<hbm>>) target_semaphore(%arg17 : memref<!tpu.dma_semaphore, #tpu.memory_space<semaphore_mem>>)
        %add3A_885 = arith.constant 2 : i32
        %add3A_886 = arith.addi %add3A_852, %add3A_885 : i32
        %dma_start3A_887 = arith.constant 100 : i32
        %dma_start3A_888 = arith.constant 0 : i32
        %dma_start3A_889 = tpu.memref_slice %arg9[%dma_start3A_887, %dma_start3A_888] : memref<800x64xf32, #tpu.memory_space<vmem>> -> memref<50x64xf32, #tpu.memory_space<vmem>>
        %dma_start3A_890 = arith.constant 0 : i32
        %dma_start3A_891 = arith.constant 0 : i32
        %dma_start3A_892 = tpu.memref_slice %arg4[%add3A_886, %dma_start3A_890, %dma_start3A_891] : memref<16384x56x128xf32, #tpu.memory_space<hbm>> -> memref<1x50x64xf32, #tpu.memory_space<hbm>>
        %dma_start3A_893 = tpu.memref_squeeze %dma_start3A_892 : memref<1x50x64xf32, #tpu.memory_space<hbm>> -> memref<50x64xf32, #tpu.memory_space<hbm>>
        %dma_start3A_894 = arith.constant 0 : i32
        %dma_start3A_895 = arith.constant 0 : i32
        %dma_start3A_896 = tpu.memref_slice %arg4[%add3A_886, %dma_start3A_894, %dma_start3A_895] : memref<16384x56x128xf32, #tpu.memory_space<hbm>> -> memref<1x50x64xf32, #tpu.memory_space<hbm>>
        %dma_start3A_897 = tpu.memref_squeeze %dma_start3A_896 : memref<1x50x64xf32, #tpu.memory_space<hbm>> -> memref<50x64xf32, #tpu.memory_space<hbm>>
        %dma_start3A_898 = arith.constant 100 : i32
        %dma_start3A_899 = arith.constant 0 : i32
        %dma_start3A_900 = tpu.memref_slice %arg9[%dma_start3A_898, %dma_start3A_899] : memref<800x64xf32, #tpu.memory_space<vmem>> -> memref<50x64xf32, #tpu.memory_space<vmem>>
        tpu.enqueue_dma source(%dma_start3A_900 : memref<50x64xf32, #tpu.memory_space<vmem>>) target(%dma_start3A_897 : memref<50x64xf32, #tpu.memory_space<hbm>>) target_semaphore(%arg17 : memref<!tpu.dma_semaphore, #tpu.memory_space<semaphore_mem>>)
        %add3A_901 = arith.constant 3 : i32
        %add3A_902 = arith.addi %add3A_852, %add3A_901 : i32
        %dma_start3A_903 = arith.constant 150 : i32
        %dma_start3A_904 = arith.constant 0 : i32
        %dma_start3A_905 = tpu.memref_slice %arg9[%dma_start3A_903, %dma_start3A_904] : memref<800x64xf32, #tpu.memory_space<vmem>> -> memref<50x64xf32, #tpu.memory_space<vmem>>
        %dma_start3A_906 = arith.constant 0 : i32
        %dma_start3A_907 = arith.constant 0 : i32
        %dma_start3A_908 = tpu.memref_slice %arg4[%add3A_902, %dma_start3A_906, %dma_start3A_907] : memref<16384x56x128xf32, #tpu.memory_space<hbm>> -> memref<1x50x64xf32, #tpu.memory_space<hbm>>
        %dma_start3A_909 = tpu.memref_squeeze %dma_start3A_908 : memref<1x50x64xf32, #tpu.memory_space<hbm>> -> memref<50x64xf32, #tpu.memory_space<hbm>>
        %dma_start3A_910 = arith.constant 0 : i32
        %dma_start3A_911 = arith.constant 0 : i32
        %dma_start3A_912 = tpu.memref_slice %arg4[%add3A_902, %dma_start3A_910, %dma_start3A_911] : memref<16384x56x128xf32, #tpu.memory_space<hbm>> -> memref<1x50x64xf32, #tpu.memory_space<hbm>>
        %dma_start3A_913 = tpu.memref_squeeze %dma_start3A_912 : memref<1x50x64xf32, #tpu.memory_space<hbm>> -> memref<50x64xf32, #tpu.memory_space<hbm>>
        %dma_start3A_914 = arith.constant 150 : i32
        %dma_start3A_915 = arith.constant 0 : i32
        %dma_start3A_916 = tpu.memref_slice %arg9[%dma_start3A_914, %dma_start3A_915] : memref<800x64xf32, #tpu.memory_space<vmem>> -> memref<50x64xf32, #tpu.memory_space<vmem>>
        tpu.enqueue_dma source(%dma_start3A_916 : memref<50x64xf32, #tpu.memory_space<vmem>>) target(%dma_start3A_913 : memref<50x64xf32, #tpu.memory_space<hbm>>) target_semaphore(%arg17 : memref<!tpu.dma_semaphore, #tpu.memory_space<semaphore_mem>>)
        %add3A_917 = arith.constant 4 : i32
        %add3A_918 = arith.addi %add3A_852, %add3A_917 : i32
        %dma_start3A_919 = arith.constant 200 : i32
        %dma_start3A_920 = arith.constant 0 : i32
        %dma_start3A_921 = tpu.memref_slice %arg9[%dma_start3A_919, %dma_start3A_920] : memref<800x64xf32, #tpu.memory_space<vmem>> -> memref<50x64xf32, #tpu.memory_space<vmem>>
        %dma_start3A_922 = arith.constant 0 : i32
        %dma_start3A_923 = arith.constant 0 : i32
        %dma_start3A_924 = tpu.memref_slice %arg4[%add3A_918, %dma_start3A_922, %dma_start3A_923] : memref<16384x56x128xf32, #tpu.memory_space<hbm>> -> memref<1x50x64xf32, #tpu.memory_space<hbm>>
        %dma_start3A_925 = tpu.memref_squeeze %dma_start3A_924 : memref<1x50x64xf32, #tpu.memory_space<hbm>> -> memref<50x64xf32, #tpu.memory_space<hbm>>
        %dma_start3A_926 = arith.constant 0 : i32
        %dma_start3A_927 = arith.constant 0 : i32
        %dma_start3A_928 = tpu.memref_slice %arg4[%add3A_918, %dma_start3A_926, %dma_start3A_927] : memref<16384x56x128xf32, #tpu.memory_space<hbm>> -> memref<1x50x64xf32, #tpu.memory_space<hbm>>
        %dma_start3A_929 = tpu.memref_squeeze %dma_start3A_928 : memref<1x50x64xf32, #tpu.memory_space<hbm>> -> memref<50x64xf32, #tpu.memory_space<hbm>>
        %dma_start3A_930 = arith.constant 200 : i32
        %dma_start3A_931 = arith.constant 0 : i32
        %dma_start3A_932 = tpu.memref_slice %arg9[%dma_start3A_930, %dma_start3A_931] : memref<800x64xf32, #tpu.memory_space<vmem>> -> memref<50x64xf32, #tpu.memory_space<vmem>>
        tpu.enqueue_dma source(%dma_start3A_932 : memref<50x64xf32, #tpu.memory_space<vmem>>) target(%dma_start3A_929 : memref<50x64xf32, #tpu.memory_space<hbm>>) target_semaphore(%arg17 : memref<!tpu.dma_semaphore, #tpu.memory_space<semaphore_mem>>)
        %add3A_933 = arith.constant 5 : i32
        %add3A_934 = arith.addi %add3A_852, %add3A_933 : i32
        %dma_start3A_935 = arith.constant 250 : i32
        %dma_start3A_936 = arith.constant 0 : i32
        %dma_start3A_937 = tpu.memref_slice %arg9[%dma_start3A_935, %dma_start3A_936] : memref<800x64xf32, #tpu.memory_space<vmem>> -> memref<50x64xf32, #tpu.memory_space<vmem>>
        %dma_start3A_938 = arith.constant 0 : i32
        %dma_start3A_939 = arith.constant 0 : i32
        %dma_start3A_940 = tpu.memref_slice %arg4[%add3A_934, %dma_start3A_938, %dma_start3A_939] : memref<16384x56x128xf32, #tpu.memory_space<hbm>> -> memref<1x50x64xf32, #tpu.memory_space<hbm>>
        %dma_start3A_941 = tpu.memref_squeeze %dma_start3A_940 : memref<1x50x64xf32, #tpu.memory_space<hbm>> -> memref<50x64xf32, #tpu.memory_space<hbm>>
        %dma_start3A_942 = arith.constant 0 : i32
        %dma_start3A_943 = arith.constant 0 : i32
        %dma_start3A_944 = tpu.memref_slice %arg4[%add3A_934, %dma_start3A_942, %dma_start3A_943] : memref<16384x56x128xf32, #tpu.memory_space<hbm>> -> memref<1x50x64xf32, #tpu.memory_space<hbm>>
        %dma_start3A_945 = tpu.memref_squeeze %dma_start3A_944 : memref<1x50x64xf32, #tpu.memory_space<hbm>> -> memref<50x64xf32, #tpu.memory_space<hbm>>
        %dma_start3A_946 = arith.constant 250 : i32
        %dma_start3A_947 = arith.constant 0 : i32
        %dma_start3A_948 = tpu.memref_slice %arg9[%dma_start3A_946, %dma_start3A_947] : memref<800x64xf32, #tpu.memory_space<vmem>> -> memref<50x64xf32, #tpu.memory_space<vmem>>
        tpu.enqueue_dma source(%dma_start3A_948 : memref<50x64xf32, #tpu.memory_space<vmem>>) target(%dma_start3A_945 : memref<50x64xf32, #tpu.memory_space<hbm>>) target_semaphore(%arg17 : memref<!tpu.dma_semaphore, #tpu.memory_space<semaphore_mem>>)
        %add3A_949 = arith.constant 6 : i32
        %add3A_950 = arith.addi %add3A_852, %add3A_949 : i32
        %dma_start3A_951 = arith.constant 300 : i32
        %dma_start3A_952 = arith.constant 0 : i32
        %dma_start3A_953 = tpu.memref_slice %arg9[%dma_start3A_951, %dma_start3A_952] : memref<800x64xf32, #tpu.memory_space<vmem>> -> memref<50x64xf32, #tpu.memory_space<vmem>>
        %dma_start3A_954 = arith.constant 0 : i32
        %dma_start3A_955 = arith.constant 0 : i32
        %dma_start3A_956 = tpu.memref_slice %arg4[%add3A_950, %dma_start3A_954, %dma_start3A_955] : memref<16384x56x128xf32, #tpu.memory_space<hbm>> -> memref<1x50x64xf32, #tpu.memory_space<hbm>>
        %dma_start3A_957 = tpu.memref_squeeze %dma_start3A_956 : memref<1x50x64xf32, #tpu.memory_space<hbm>> -> memref<50x64xf32, #tpu.memory_space<hbm>>
        %dma_start3A_958 = arith.constant 0 : i32
        %dma_start3A_959 = arith.constant 0 : i32
        %dma_start3A_960 = tpu.memref_slice %arg4[%add3A_950, %dma_start3A_958, %dma_start3A_959] : memref<16384x56x128xf32, #tpu.memory_space<hbm>> -> memref<1x50x64xf32, #tpu.memory_space<hbm>>
        %dma_start3A_961 = tpu.memref_squeeze %dma_start3A_960 : memref<1x50x64xf32, #tpu.memory_space<hbm>> -> memref<50x64xf32, #tpu.memory_space<hbm>>
        %dma_start3A_962 = arith.constant 300 : i32
        %dma_start3A_963 = arith.constant 0 : i32
        %dma_start3A_964 = tpu.memref_slice %arg9[%dma_start3A_962, %dma_start3A_963] : memref<800x64xf32, #tpu.memory_space<vmem>> -> memref<50x64xf32, #tpu.memory_space<vmem>>
        tpu.enqueue_dma source(%dma_start3A_964 : memref<50x64xf32, #tpu.memory_space<vmem>>) target(%dma_start3A_961 : memref<50x64xf32, #tpu.memory_space<hbm>>) target_semaphore(%arg17 : memref<!tpu.dma_semaphore, #tpu.memory_space<semaphore_mem>>)
        %add3A_965 = arith.constant 7 : i32
        %add3A_966 = arith.addi %add3A_852, %add3A_965 : i32
        %dma_start3A_967 = arith.constant 350 : i32
        %dma_start3A_968 = arith.constant 0 : i32
        %dma_start3A_969 = tpu.memref_slice %arg9[%dma_start3A_967, %dma_start3A_968] : memref<800x64xf32, #tpu.memory_space<vmem>> -> memref<50x64xf32, #tpu.memory_space<vmem>>
        %dma_start3A_970 = arith.constant 0 : i32
        %dma_start3A_971 = arith.constant 0 : i32
        %dma_start3A_972 = tpu.memref_slice %arg4[%add3A_966, %dma_start3A_970, %dma_start3A_971] : memref<16384x56x128xf32, #tpu.memory_space<hbm>> -> memref<1x50x64xf32, #tpu.memory_space<hbm>>
        %dma_start3A_973 = tpu.memref_squeeze %dma_start3A_972 : memref<1x50x64xf32, #tpu.memory_space<hbm>> -> memref<50x64xf32, #tpu.memory_space<hbm>>
        %dma_start3A_974 = arith.constant 0 : i32
        %dma_start3A_975 = arith.constant 0 : i32
        %dma_start3A_976 = tpu.memref_slice %arg4[%add3A_966, %dma_start3A_974, %dma_start3A_975] : memref<16384x56x128xf32, #tpu.memory_space<hbm>> -> memref<1x50x64xf32, #tpu.memory_space<hbm>>
        %dma_start3A_977 = tpu.memref_squeeze %dma_start3A_976 : memref<1x50x64xf32, #tpu.memory_space<hbm>> -> memref<50x64xf32, #tpu.memory_space<hbm>>
        %dma_start3A_978 = arith.constant 350 : i32
        %dma_start3A_979 = arith.constant 0 : i32
        %dma_start3A_980 = tpu.memref_slice %arg9[%dma_start3A_978, %dma_start3A_979] : memref<800x64xf32, #tpu.memory_space<vmem>> -> memref<50x64xf32, #tpu.memory_space<vmem>>
        tpu.enqueue_dma source(%dma_start3A_980 : memref<50x64xf32, #tpu.memory_space<vmem>>) target(%dma_start3A_977 : memref<50x64xf32, #tpu.memory_space<hbm>>) target_semaphore(%arg17 : memref<!tpu.dma_semaphore, #tpu.memory_space<semaphore_mem>>)
        %add3A_981 = arith.constant 8 : i32
        %add3A_982 = arith.addi %add3A_852, %add3A_981 : i32
        %dma_start3A_983 = arith.constant 400 : i32
        %dma_start3A_984 = arith.constant 0 : i32
        %dma_start3A_985 = tpu.memref_slice %arg9[%dma_start3A_983, %dma_start3A_984] : memref<800x64xf32, #tpu.memory_space<vmem>> -> memref<50x64xf32, #tpu.memory_space<vmem>>
        %dma_start3A_986 = arith.constant 0 : i32
        %dma_start3A_987 = arith.constant 0 : i32
        %dma_start3A_988 = tpu.memref_slice %arg4[%add3A_982, %dma_start3A_986, %dma_start3A_987] : memref<16384x56x128xf32, #tpu.memory_space<hbm>> -> memref<1x50x64xf32, #tpu.memory_space<hbm>>
        %dma_start3A_989 = tpu.memref_squeeze %dma_start3A_988 : memref<1x50x64xf32, #tpu.memory_space<hbm>> -> memref<50x64xf32, #tpu.memory_space<hbm>>
        %dma_start3A_990 = arith.constant 0 : i32
        %dma_start3A_991 = arith.constant 0 : i32
        %dma_start3A_992 = tpu.memref_slice %arg4[%add3A_982, %dma_start3A_990, %dma_start3A_991] : memref<16384x56x128xf32, #tpu.memory_space<hbm>> -> memref<1x50x64xf32, #tpu.memory_space<hbm>>
        %dma_start3A_993 = tpu.memref_squeeze %dma_start3A_992 : memref<1x50x64xf32, #tpu.memory_space<hbm>> -> memref<50x64xf32, #tpu.memory_space<hbm>>
        %dma_start3A_994 = arith.constant 400 : i32
        %dma_start3A_995 = arith.constant 0 : i32
        %dma_start3A_996 = tpu.memref_slice %arg9[%dma_start3A_994, %dma_start3A_995] : memref<800x64xf32, #tpu.memory_space<vmem>> -> memref<50x64xf32, #tpu.memory_space<vmem>>
        tpu.enqueue_dma source(%dma_start3A_996 : memref<50x64xf32, #tpu.memory_space<vmem>>) target(%dma_start3A_993 : memref<50x64xf32, #tpu.memory_space<hbm>>) target_semaphore(%arg17 : memref<!tpu.dma_semaphore, #tpu.memory_space<semaphore_mem>>)
        %add3A_997 = arith.constant 9 : i32
        %add3A_998 = arith.addi %add3A_852, %add3A_997 : i32
        %dma_start3A_999 = arith.constant 450 : i32
        %dma_start3A_1000 = arith.constant 0 : i32
        %dma_start3A_1001 = tpu.memref_slice %arg9[%dma_start3A_999, %dma_start3A_1000] : memref<800x64xf32, #tpu.memory_space<vmem>> -> memref<50x64xf32, #tpu.memory_space<vmem>>
        %dma_start3A_1002 = arith.constant 0 : i32
        %dma_start3A_1003 = arith.constant 0 : i32
        %dma_start3A_1004 = tpu.memref_slice %arg4[%add3A_998, %dma_start3A_1002, %dma_start3A_1003] : memref<16384x56x128xf32, #tpu.memory_space<hbm>> -> memref<1x50x64xf32, #tpu.memory_space<hbm>>
        %dma_start3A_1005 = tpu.memref_squeeze %dma_start3A_1004 : memref<1x50x64xf32, #tpu.memory_space<hbm>> -> memref<50x64xf32, #tpu.memory_space<hbm>>
        %dma_start3A_1006 = arith.constant 0 : i32
        %dma_start3A_1007 = arith.constant 0 : i32
        %dma_start3A_1008 = tpu.memref_slice %arg4[%add3A_998, %dma_start3A_1006, %dma_start3A_1007] : memref<16384x56x128xf32, #tpu.memory_space<hbm>> -> memref<1x50x64xf32, #tpu.memory_space<hbm>>
        %dma_start3A_1009 = tpu.memref_squeeze %dma_start3A_1008 : memref<1x50x64xf32, #tpu.memory_space<hbm>> -> memref<50x64xf32, #tpu.memory_space<hbm>>
        %dma_start3A_1010 = arith.constant 450 : i32
        %dma_start3A_1011 = arith.constant 0 : i32
        %dma_start3A_1012 = tpu.memref_slice %arg9[%dma_start3A_1010, %dma_start3A_1011] : memref<800x64xf32, #tpu.memory_space<vmem>> -> memref<50x64xf32, #tpu.memory_space<vmem>>
        tpu.enqueue_dma source(%dma_start3A_1012 : memref<50x64xf32, #tpu.memory_space<vmem>>) target(%dma_start3A_1009 : memref<50x64xf32, #tpu.memory_space<hbm>>) target_semaphore(%arg17 : memref<!tpu.dma_semaphore, #tpu.memory_space<semaphore_mem>>)
        %add3A_1013 = arith.constant 10 : i32
        %add3A_1014 = arith.addi %add3A_852, %add3A_1013 : i32
        %dma_start3A_1015 = arith.constant 500 : i32
        %dma_start3A_1016 = arith.constant 0 : i32
        %dma_start3A_1017 = tpu.memref_slice %arg9[%dma_start3A_1015, %dma_start3A_1016] : memref<800x64xf32, #tpu.memory_space<vmem>> -> memref<50x64xf32, #tpu.memory_space<vmem>>
        %dma_start3A_1018 = arith.constant 0 : i32
        %dma_start3A_1019 = arith.constant 0 : i32
        %dma_start3A_1020 = tpu.memref_slice %arg4[%add3A_1014, %dma_start3A_1018, %dma_start3A_1019] : memref<16384x56x128xf32, #tpu.memory_space<hbm>> -> memref<1x50x64xf32, #tpu.memory_space<hbm>>
        %dma_start3A_1021 = tpu.memref_squeeze %dma_start3A_1020 : memref<1x50x64xf32, #tpu.memory_space<hbm>> -> memref<50x64xf32, #tpu.memory_space<hbm>>
        %dma_start3A_1022 = arith.constant 0 : i32
        %dma_start3A_1023 = arith.constant 0 : i32
        %dma_start3A_1024 = tpu.memref_slice %arg4[%add3A_1014, %dma_start3A_1022, %dma_start3A_1023] : memref<16384x56x128xf32, #tpu.memory_space<hbm>> -> memref<1x50x64xf32, #tpu.memory_space<hbm>>
        %dma_start3A_1025 = tpu.memref_squeeze %dma_start3A_1024 : memref<1x50x64xf32, #tpu.memory_space<hbm>> -> memref<50x64xf32, #tpu.memory_space<hbm>>
        %dma_start3A_1026 = arith.constant 500 : i32
        %dma_start3A_1027 = arith.constant 0 : i32
        %dma_start3A_1028 = tpu.memref_slice %arg9[%dma_start3A_1026, %dma_start3A_1027] : memref<800x64xf32, #tpu.memory_space<vmem>> -> memref<50x64xf32, #tpu.memory_space<vmem>>
        tpu.enqueue_dma source(%dma_start3A_1028 : memref<50x64xf32, #tpu.memory_space<vmem>>) target(%dma_start3A_1025 : memref<50x64xf32, #tpu.memory_space<hbm>>) target_semaphore(%arg17 : memref<!tpu.dma_semaphore, #tpu.memory_space<semaphore_mem>>)
        %add3A_1029 = arith.constant 11 : i32
        %add3A_1030 = arith.addi %add3A_852, %add3A_1029 : i32
        %dma_start3A_1031 = arith.constant 550 : i32
        %dma_start3A_1032 = arith.constant 0 : i32
        %dma_start3A_1033 = tpu.memref_slice %arg9[%dma_start3A_1031, %dma_start3A_1032] : memref<800x64xf32, #tpu.memory_space<vmem>> -> memref<50x64xf32, #tpu.memory_space<vmem>>
        %dma_start3A_1034 = arith.constant 0 : i32
        %dma_start3A_1035 = arith.constant 0 : i32
        %dma_start3A_1036 = tpu.memref_slice %arg4[%add3A_1030, %dma_start3A_1034, %dma_start3A_1035] : memref<16384x56x128xf32, #tpu.memory_space<hbm>> -> memref<1x50x64xf32, #tpu.memory_space<hbm>>
        %dma_start3A_1037 = tpu.memref_squeeze %dma_start3A_1036 : memref<1x50x64xf32, #tpu.memory_space<hbm>> -> memref<50x64xf32, #tpu.memory_space<hbm>>
        %dma_start3A_1038 = arith.constant 0 : i32
        %dma_start3A_1039 = arith.constant 0 : i32
        %dma_start3A_1040 = tpu.memref_slice %arg4[%add3A_1030, %dma_start3A_1038, %dma_start3A_1039] : memref<16384x56x128xf32, #tpu.memory_space<hbm>> -> memref<1x50x64xf32, #tpu.memory_space<hbm>>
        %dma_start3A_1041 = tpu.memref_squeeze %dma_start3A_1040 : memref<1x50x64xf32, #tpu.memory_space<hbm>> -> memref<50x64xf32, #tpu.memory_space<hbm>>
        %dma_start3A_1042 = arith.constant 550 : i32
        %dma_start3A_1043 = arith.constant 0 : i32
        %dma_start3A_1044 = tpu.memref_slice %arg9[%dma_start3A_1042, %dma_start3A_1043] : memref<800x64xf32, #tpu.memory_space<vmem>> -> memref<50x64xf32, #tpu.memory_space<vmem>>
        tpu.enqueue_dma source(%dma_start3A_1044 : memref<50x64xf32, #tpu.memory_space<vmem>>) target(%dma_start3A_1041 : memref<50x64xf32, #tpu.memory_space<hbm>>) target_semaphore(%arg17 : memref<!tpu.dma_semaphore, #tpu.memory_space<semaphore_mem>>)
        %add3A_1045 = arith.constant 12 : i32
        %add3A_1046 = arith.addi %add3A_852, %add3A_1045 : i32
        %dma_start3A_1047 = arith.constant 600 : i32
        %dma_start3A_1048 = arith.constant 0 : i32
        %dma_start3A_1049 = tpu.memref_slice %arg9[%dma_start3A_1047, %dma_start3A_1048] : memref<800x64xf32, #tpu.memory_space<vmem>> -> memref<50x64xf32, #tpu.memory_space<vmem>>
        %dma_start3A_1050 = arith.constant 0 : i32
        %dma_start3A_1051 = arith.constant 0 : i32
        %dma_start3A_1052 = tpu.memref_slice %arg4[%add3A_1046, %dma_start3A_1050, %dma_start3A_1051] : memref<16384x56x128xf32, #tpu.memory_space<hbm>> -> memref<1x50x64xf32, #tpu.memory_space<hbm>>
        %dma_start3A_1053 = tpu.memref_squeeze %dma_start3A_1052 : memref<1x50x64xf32, #tpu.memory_space<hbm>> -> memref<50x64xf32, #tpu.memory_space<hbm>>
        %dma_start3A_1054 = arith.constant 0 : i32
        %dma_start3A_1055 = arith.constant 0 : i32
        %dma_start3A_1056 = tpu.memref_slice %arg4[%add3A_1046, %dma_start3A_1054, %dma_start3A_1055] : memref<16384x56x128xf32, #tpu.memory_space<hbm>> -> memref<1x50x64xf32, #tpu.memory_space<hbm>>
        %dma_start3A_1057 = tpu.memref_squeeze %dma_start3A_1056 : memref<1x50x64xf32, #tpu.memory_space<hbm>> -> memref<50x64xf32, #tpu.memory_space<hbm>>
        %dma_start3A_1058 = arith.constant 600 : i32
        %dma_start3A_1059 = arith.constant 0 : i32
        %dma_start3A_1060 = tpu.memref_slice %arg9[%dma_start3A_1058, %dma_start3A_1059] : memref<800x64xf32, #tpu.memory_space<vmem>> -> memref<50x64xf32, #tpu.memory_space<vmem>>
        tpu.enqueue_dma source(%dma_start3A_1060 : memref<50x64xf32, #tpu.memory_space<vmem>>) target(%dma_start3A_1057 : memref<50x64xf32, #tpu.memory_space<hbm>>) target_semaphore(%arg17 : memref<!tpu.dma_semaphore, #tpu.memory_space<semaphore_mem>>)
        %add3A_1061 = arith.constant 13 : i32
        %add3A_1062 = arith.addi %add3A_852, %add3A_1061 : i32
        %dma_start3A_1063 = arith.constant 650 : i32
        %dma_start3A_1064 = arith.constant 0 : i32
        %dma_start3A_1065 = tpu.memref_slice %arg9[%dma_start3A_1063, %dma_start3A_1064] : memref<800x64xf32, #tpu.memory_space<vmem>> -> memref<50x64xf32, #tpu.memory_space<vmem>>
        %dma_start3A_1066 = arith.constant 0 : i32
        %dma_start3A_1067 = arith.constant 0 : i32
        %dma_start3A_1068 = tpu.memref_slice %arg4[%add3A_1062, %dma_start3A_1066, %dma_start3A_1067] : memref<16384x56x128xf32, #tpu.memory_space<hbm>> -> memref<1x50x64xf32, #tpu.memory_space<hbm>>
        %dma_start3A_1069 = tpu.memref_squeeze %dma_start3A_1068 : memref<1x50x64xf32, #tpu.memory_space<hbm>> -> memref<50x64xf32, #tpu.memory_space<hbm>>
        %dma_start3A_1070 = arith.constant 0 : i32
        %dma_start3A_1071 = arith.constant 0 : i32
        %dma_start3A_1072 = tpu.memref_slice %arg4[%add3A_1062, %dma_start3A_1070, %dma_start3A_1071] : memref<16384x56x128xf32, #tpu.memory_space<hbm>> -> memref<1x50x64xf32, #tpu.memory_space<hbm>>
        %dma_start3A_1073 = tpu.memref_squeeze %dma_start3A_1072 : memref<1x50x64xf32, #tpu.memory_space<hbm>> -> memref<50x64xf32, #tpu.memory_space<hbm>>
        %dma_start3A_1074 = arith.constant 650 : i32
        %dma_start3A_1075 = arith.constant 0 : i32
        %dma_start3A_1076 = tpu.memref_slice %arg9[%dma_start3A_1074, %dma_start3A_1075] : memref<800x64xf32, #tpu.memory_space<vmem>> -> memref<50x64xf32, #tpu.memory_space<vmem>>
        tpu.enqueue_dma source(%dma_start3A_1076 : memref<50x64xf32, #tpu.memory_space<vmem>>) target(%dma_start3A_1073 : memref<50x64xf32, #tpu.memory_space<hbm>>) target_semaphore(%arg17 : memref<!tpu.dma_semaphore, #tpu.memory_space<semaphore_mem>>)
        %add3A_1077 = arith.constant 14 : i32
        %add3A_1078 = arith.addi %add3A_852, %add3A_1077 : i32
        %dma_start3A_1079 = arith.constant 700 : i32
        %dma_start3A_1080 = arith.constant 0 : i32
        %dma_start3A_1081 = tpu.memref_slice %arg9[%dma_start3A_1079, %dma_start3A_1080] : memref<800x64xf32, #tpu.memory_space<vmem>> -> memref<50x64xf32, #tpu.memory_space<vmem>>
        %dma_start3A_1082 = arith.constant 0 : i32
        %dma_start3A_1083 = arith.constant 0 : i32
        %dma_start3A_1084 = tpu.memref_slice %arg4[%add3A_1078, %dma_start3A_1082, %dma_start3A_1083] : memref<16384x56x128xf32, #tpu.memory_space<hbm>> -> memref<1x50x64xf32, #tpu.memory_space<hbm>>
        %dma_start3A_1085 = tpu.memref_squeeze %dma_start3A_1084 : memref<1x50x64xf32, #tpu.memory_space<hbm>> -> memref<50x64xf32, #tpu.memory_space<hbm>>
        %dma_start3A_1086 = arith.constant 0 : i32
        %dma_start3A_1087 = arith.constant 0 : i32
        %dma_start3A_1088 = tpu.memref_slice %arg4[%add3A_1078, %dma_start3A_1086, %dma_start3A_1087] : memref<16384x56x128xf32, #tpu.memory_space<hbm>> -> memref<1x50x64xf32, #tpu.memory_space<hbm>>
        %dma_start3A_1089 = tpu.memref_squeeze %dma_start3A_1088 : memref<1x50x64xf32, #tpu.memory_space<hbm>> -> memref<50x64xf32, #tpu.memory_space<hbm>>
        %dma_start3A_1090 = arith.constant 700 : i32
        %dma_start3A_1091 = arith.constant 0 : i32
        %dma_start3A_1092 = tpu.memref_slice %arg9[%dma_start3A_1090, %dma_start3A_1091] : memref<800x64xf32, #tpu.memory_space<vmem>> -> memref<50x64xf32, #tpu.memory_space<vmem>>
        tpu.enqueue_dma source(%dma_start3A_1092 : memref<50x64xf32, #tpu.memory_space<vmem>>) target(%dma_start3A_1089 : memref<50x64xf32, #tpu.memory_space<hbm>>) target_semaphore(%arg17 : memref<!tpu.dma_semaphore, #tpu.memory_space<semaphore_mem>>)
        %add3A_1093 = arith.constant 15 : i32
        %add3A_1094 = arith.addi %add3A_852, %add3A_1093 : i32
        %dma_start3A_1095 = arith.constant 750 : i32
        %dma_start3A_1096 = arith.constant 0 : i32
        %dma_start3A_1097 = tpu.memref_slice %arg9[%dma_start3A_1095, %dma_start3A_1096] : memref<800x64xf32, #tpu.memory_space<vmem>> -> memref<50x64xf32, #tpu.memory_space<vmem>>
        %dma_start3A_1098 = arith.constant 0 : i32
        %dma_start3A_1099 = arith.constant 0 : i32
        %dma_start3A_1100 = tpu.memref_slice %arg4[%add3A_1094, %dma_start3A_1098, %dma_start3A_1099] : memref<16384x56x128xf32, #tpu.memory_space<hbm>> -> memref<1x50x64xf32, #tpu.memory_space<hbm>>
        %dma_start3A_1101 = tpu.memref_squeeze %dma_start3A_1100 : memref<1x50x64xf32, #tpu.memory_space<hbm>> -> memref<50x64xf32, #tpu.memory_space<hbm>>
        %dma_start3A_1102 = arith.constant 0 : i32
        %dma_start3A_1103 = arith.constant 0 : i32
        %dma_start3A_1104 = tpu.memref_slice %arg4[%add3A_1094, %dma_start3A_1102, %dma_start3A_1103] : memref<16384x56x128xf32, #tpu.memory_space<hbm>> -> memref<1x50x64xf32, #tpu.memory_space<hbm>>
        %dma_start3A_1105 = tpu.memref_squeeze %dma_start3A_1104 : memref<1x50x64xf32, #tpu.memory_space<hbm>> -> memref<50x64xf32, #tpu.memory_space<hbm>>
        %dma_start3A_1106 = arith.constant 750 : i32
        %dma_start3A_1107 = arith.constant 0 : i32
        %dma_start3A_1108 = tpu.memref_slice %arg9[%dma_start3A_1106, %dma_start3A_1107] : memref<800x64xf32, #tpu.memory_space<vmem>> -> memref<50x64xf32, #tpu.memory_space<vmem>>
        tpu.enqueue_dma source(%dma_start3A_1108 : memref<50x64xf32, #tpu.memory_space<vmem>>) target(%dma_start3A_1105 : memref<50x64xf32, #tpu.memory_space<hbm>>) target_semaphore(%arg17 : memref<!tpu.dma_semaphore, #tpu.memory_space<semaphore_mem>>)
        %add3A_1109 = arith.constant 3 : i32
        %add3A_1110 = arith.addi %add3A_827, %add3A_1109 : i32
        %lt3A = arith.constant 32 : i32
        %lt3A_1111 = arith.cmpi slt, %add3A_1110, %lt3A : i32
        %convert_element_type3A_1112 = arith.extui %lt3A_1111 : i1 to i32
        %cond3A_1113 = arith.constant 0 : i32
        %cond3A_1114 = arith.cmpi ne, %convert_element_type3A_1112, %cond3A_1113 : i32
        scf.if %cond3A_1114 {
          %add3A_1115 = arith.constant 3 : i32
          %add3A_1116 = arith.addi %add3A_827, %add3A_1115 : i32
          %mul3A_1117 = arith.constant 800 : i32
          %mul3A_1118 = arith.muli %add3A_1116, %mul3A_1117 : i32
          %add3A_1119 = arith.addi %mul3A_2, %mul3A_1118 : i32
          %dma_start3A_1120 = tpu.memref_slice %arg2[%add3A_1119] : memref<819200xi32, #tpu.memory_space<hbm>> -> memref<800xi32, #tpu.memory_space<hbm>>
          %dma_start3A_1121 = tpu.memref_slice %arg2[%add3A_1119] : memref<819200xi32, #tpu.memory_space<hbm>> -> memref<800xi32, #tpu.memory_space<hbm>>
          tpu.enqueue_dma source(%dma_start3A_1121 : memref<800xi32, #tpu.memory_space<hbm>>) target(%arg7 : memref<800xi32, #tpu.memory_space<vmem>>) target_semaphore(%arg13 : memref<!tpu.dma_semaphore, #tpu.memory_space<semaphore_mem>>)
        } else {
        }
      } else {
      }
    }
    %scan3A_23 = arith.constant 8 : i32
    %dma_wait3A = arith.constant 0 : i32
    %dma_wait3A_24 = arith.constant 0 : i32
    %dma_wait3A_25 = tpu.memref_slice %arg3[%dma_wait3A, %dma_wait3A_24] : memref<1000000x64xf32, #tpu.memory_space<hbm>> -> memref<1000000x64xf32, #tpu.memory_space<hbm>>
    tpu.wait_indirect_dma semaphore(%arg16 : memref<!tpu.dma_semaphore, #tpu.memory_space<semaphore_mem>>) src(%dma_wait3A_25 : memref<1000000x64xf32, #tpu.memory_space<hbm>>) dst(%arg10 : memref<800x64xf32, #tpu.memory_space<vmem>>)
    %add3A_26 = arith.constant 496 : i32
    %add3A_27 = arith.addi %mul3A_4, %add3A_26 : i32
    %add3A_28 = arith.constant 0 : i32
    %add3A_29 = arith.addi %add3A_27, %add3A_28 : i32
    %dma_start3A_30 = arith.constant 0 : i32
    %dma_start3A_31 = arith.constant 0 : i32
    %dma_start3A_32 = tpu.memref_slice %arg10[%dma_start3A_30, %dma_start3A_31] : memref<800x64xf32, #tpu.memory_space<vmem>> -> memref<50x64xf32, #tpu.memory_space<vmem>>
    %dma_start3A_33 = arith.constant 0 : i32
    %dma_start3A_34 = arith.constant 0 : i32
    %dma_start3A_35 = tpu.memref_slice %arg4[%add3A_29, %dma_start3A_33, %dma_start3A_34] : memref<16384x56x128xf32, #tpu.memory_space<hbm>> -> memref<1x50x64xf32, #tpu.memory_space<hbm>>
    %dma_start3A_36 = tpu.memref_squeeze %dma_start3A_35 : memref<1x50x64xf32, #tpu.memory_space<hbm>> -> memref<50x64xf32, #tpu.memory_space<hbm>>
    %dma_start3A_37 = arith.constant 0 : i32
    %dma_start3A_38 = arith.constant 0 : i32
    %dma_start3A_39 = tpu.memref_slice %arg4[%add3A_29, %dma_start3A_37, %dma_start3A_38] : memref<16384x56x128xf32, #tpu.memory_space<hbm>> -> memref<1x50x64xf32, #tpu.memory_space<hbm>>
    %dma_start3A_40 = tpu.memref_squeeze %dma_start3A_39 : memref<1x50x64xf32, #tpu.memory_space<hbm>> -> memref<50x64xf32, #tpu.memory_space<hbm>>
    %dma_start3A_41 = arith.constant 0 : i32
    %dma_start3A_42 = arith.constant 0 : i32
    %dma_start3A_43 = tpu.memref_slice %arg10[%dma_start3A_41, %dma_start3A_42] : memref<800x64xf32, #tpu.memory_space<vmem>> -> memref<50x64xf32, #tpu.memory_space<vmem>>
    tpu.enqueue_dma source(%dma_start3A_43 : memref<50x64xf32, #tpu.memory_space<vmem>>) target(%dma_start3A_40 : memref<50x64xf32, #tpu.memory_space<hbm>>) target_semaphore(%arg18 : memref<!tpu.dma_semaphore, #tpu.memory_space<semaphore_mem>>)
    %add3A_44 = arith.constant 1 : i32
    %add3A_45 = arith.addi %add3A_27, %add3A_44 : i32
    %dma_start3A_46 = arith.constant 50 : i32
    %dma_start3A_47 = arith.constant 0 : i32
    %dma_start3A_48 = tpu.memref_slice %arg10[%dma_start3A_46, %dma_start3A_47] : memref<800x64xf32, #tpu.memory_space<vmem>> -> memref<50x64xf32, #tpu.memory_space<vmem>>
    %dma_start3A_49 = arith.constant 0 : i32
    %dma_start3A_50 = arith.constant 0 : i32
    %dma_start3A_51 = tpu.memref_slice %arg4[%add3A_45, %dma_start3A_49, %dma_start3A_50] : memref<16384x56x128xf32, #tpu.memory_space<hbm>> -> memref<1x50x64xf32, #tpu.memory_space<hbm>>
    %dma_start3A_52 = tpu.memref_squeeze %dma_start3A_51 : memref<1x50x64xf32, #tpu.memory_space<hbm>> -> memref<50x64xf32, #tpu.memory_space<hbm>>
    %dma_start3A_53 = arith.constant 0 : i32
    %dma_start3A_54 = arith.constant 0 : i32
    %dma_start3A_55 = tpu.memref_slice %arg4[%add3A_45, %dma_start3A_53, %dma_start3A_54] : memref<16384x56x128xf32, #tpu.memory_space<hbm>> -> memref<1x50x64xf32, #tpu.memory_space<hbm>>
    %dma_start3A_56 = tpu.memref_squeeze %dma_start3A_55 : memref<1x50x64xf32, #tpu.memory_space<hbm>> -> memref<50x64xf32, #tpu.memory_space<hbm>>
    %dma_start3A_57 = arith.constant 50 : i32
    %dma_start3A_58 = arith.constant 0 : i32
    %dma_start3A_59 = tpu.memref_slice %arg10[%dma_start3A_57, %dma_start3A_58] : memref<800x64xf32, #tpu.memory_space<vmem>> -> memref<50x64xf32, #tpu.memory_space<vmem>>
    tpu.enqueue_dma source(%dma_start3A_59 : memref<50x64xf32, #tpu.memory_space<vmem>>) target(%dma_start3A_56 : memref<50x64xf32, #tpu.memory_space<hbm>>) target_semaphore(%arg18 : memref<!tpu.dma_semaphore, #tpu.memory_space<semaphore_mem>>)
    %add3A_60 = arith.constant 2 : i32
    %add3A_61 = arith.addi %add3A_27, %add3A_60 : i32
    %dma_start3A_62 = arith.constant 100 : i32
    %dma_start3A_63 = arith.constant 0 : i32
    %dma_start3A_64 = tpu.memref_slice %arg10[%dma_start3A_62, %dma_start3A_63] : memref<800x64xf32, #tpu.memory_space<vmem>> -> memref<50x64xf32, #tpu.memory_space<vmem>>
    %dma_start3A_65 = arith.constant 0 : i32
    %dma_start3A_66 = arith.constant 0 : i32
    %dma_start3A_67 = tpu.memref_slice %arg4[%add3A_61, %dma_start3A_65, %dma_start3A_66] : memref<16384x56x128xf32, #tpu.memory_space<hbm>> -> memref<1x50x64xf32, #tpu.memory_space<hbm>>
    %dma_start3A_68 = tpu.memref_squeeze %dma_start3A_67 : memref<1x50x64xf32, #tpu.memory_space<hbm>> -> memref<50x64xf32, #tpu.memory_space<hbm>>
    %dma_start3A_69 = arith.constant 0 : i32
    %dma_start3A_70 = arith.constant 0 : i32
    %dma_start3A_71 = tpu.memref_slice %arg4[%add3A_61, %dma_start3A_69, %dma_start3A_70] : memref<16384x56x128xf32, #tpu.memory_space<hbm>> -> memref<1x50x64xf32, #tpu.memory_space<hbm>>
    %dma_start3A_72 = tpu.memref_squeeze %dma_start3A_71 : memref<1x50x64xf32, #tpu.memory_space<hbm>> -> memref<50x64xf32, #tpu.memory_space<hbm>>
    %dma_start3A_73 = arith.constant 100 : i32
    %dma_start3A_74 = arith.constant 0 : i32
    %dma_start3A_75 = tpu.memref_slice %arg10[%dma_start3A_73, %dma_start3A_74] : memref<800x64xf32, #tpu.memory_space<vmem>> -> memref<50x64xf32, #tpu.memory_space<vmem>>
    tpu.enqueue_dma source(%dma_start3A_75 : memref<50x64xf32, #tpu.memory_space<vmem>>) target(%dma_start3A_72 : memref<50x64xf32, #tpu.memory_space<hbm>>) target_semaphore(%arg18 : memref<!tpu.dma_semaphore, #tpu.memory_space<semaphore_mem>>)
    %add3A_76 = arith.constant 3 : i32
    %add3A_77 = arith.addi %add3A_27, %add3A_76 : i32
    %dma_start3A_78 = arith.constant 150 : i32
    %dma_start3A_79 = arith.constant 0 : i32
    %dma_start3A_80 = tpu.memref_slice %arg10[%dma_start3A_78, %dma_start3A_79] : memref<800x64xf32, #tpu.memory_space<vmem>> -> memref<50x64xf32, #tpu.memory_space<vmem>>
    %dma_start3A_81 = arith.constant 0 : i32
    %dma_start3A_82 = arith.constant 0 : i32
    %dma_start3A_83 = tpu.memref_slice %arg4[%add3A_77, %dma_start3A_81, %dma_start3A_82] : memref<16384x56x128xf32, #tpu.memory_space<hbm>> -> memref<1x50x64xf32, #tpu.memory_space<hbm>>
    %dma_start3A_84 = tpu.memref_squeeze %dma_start3A_83 : memref<1x50x64xf32, #tpu.memory_space<hbm>> -> memref<50x64xf32, #tpu.memory_space<hbm>>
    %dma_start3A_85 = arith.constant 0 : i32
    %dma_start3A_86 = arith.constant 0 : i32
    %dma_start3A_87 = tpu.memref_slice %arg4[%add3A_77, %dma_start3A_85, %dma_start3A_86] : memref<16384x56x128xf32, #tpu.memory_space<hbm>> -> memref<1x50x64xf32, #tpu.memory_space<hbm>>
    %dma_start3A_88 = tpu.memref_squeeze %dma_start3A_87 : memref<1x50x64xf32, #tpu.memory_space<hbm>> -> memref<50x64xf32, #tpu.memory_space<hbm>>
    %dma_start3A_89 = arith.constant 150 : i32
    %dma_start3A_90 = arith.constant 0 : i32
    %dma_start3A_91 = tpu.memref_slice %arg10[%dma_start3A_89, %dma_start3A_90] : memref<800x64xf32, #tpu.memory_space<vmem>> -> memref<50x64xf32, #tpu.memory_space<vmem>>
    tpu.enqueue_dma source(%dma_start3A_91 : memref<50x64xf32, #tpu.memory_space<vmem>>) target(%dma_start3A_88 : memref<50x64xf32, #tpu.memory_space<hbm>>) target_semaphore(%arg18 : memref<!tpu.dma_semaphore, #tpu.memory_space<semaphore_mem>>)
    %add3A_92 = arith.constant 4 : i32
    %add3A_93 = arith.addi %add3A_27, %add3A_92 : i32
    %dma_start3A_94 = arith.constant 200 : i32
    %dma_start3A_95 = arith.constant 0 : i32
    %dma_start3A_96 = tpu.memref_slice %arg10[%dma_start3A_94, %dma_start3A_95] : memref<800x64xf32, #tpu.memory_space<vmem>> -> memref<50x64xf32, #tpu.memory_space<vmem>>
    %dma_start3A_97 = arith.constant 0 : i32
    %dma_start3A_98 = arith.constant 0 : i32
    %dma_start3A_99 = tpu.memref_slice %arg4[%add3A_93, %dma_start3A_97, %dma_start3A_98] : memref<16384x56x128xf32, #tpu.memory_space<hbm>> -> memref<1x50x64xf32, #tpu.memory_space<hbm>>
    %dma_start3A_100 = tpu.memref_squeeze %dma_start3A_99 : memref<1x50x64xf32, #tpu.memory_space<hbm>> -> memref<50x64xf32, #tpu.memory_space<hbm>>
    %dma_start3A_101 = arith.constant 0 : i32
    %dma_start3A_102 = arith.constant 0 : i32
    %dma_start3A_103 = tpu.memref_slice %arg4[%add3A_93, %dma_start3A_101, %dma_start3A_102] : memref<16384x56x128xf32, #tpu.memory_space<hbm>> -> memref<1x50x64xf32, #tpu.memory_space<hbm>>
    %dma_start3A_104 = tpu.memref_squeeze %dma_start3A_103 : memref<1x50x64xf32, #tpu.memory_space<hbm>> -> memref<50x64xf32, #tpu.memory_space<hbm>>
    %dma_start3A_105 = arith.constant 200 : i32
    %dma_start3A_106 = arith.constant 0 : i32
    %dma_start3A_107 = tpu.memref_slice %arg10[%dma_start3A_105, %dma_start3A_106] : memref<800x64xf32, #tpu.memory_space<vmem>> -> memref<50x64xf32, #tpu.memory_space<vmem>>
    tpu.enqueue_dma source(%dma_start3A_107 : memref<50x64xf32, #tpu.memory_space<vmem>>) target(%dma_start3A_104 : memref<50x64xf32, #tpu.memory_space<hbm>>) target_semaphore(%arg18 : memref<!tpu.dma_semaphore, #tpu.memory_space<semaphore_mem>>)
    %add3A_108 = arith.constant 5 : i32
    %add3A_109 = arith.addi %add3A_27, %add3A_108 : i32
    %dma_start3A_110 = arith.constant 250 : i32
    %dma_start3A_111 = arith.constant 0 : i32
    %dma_start3A_112 = tpu.memref_slice %arg10[%dma_start3A_110, %dma_start3A_111] : memref<800x64xf32, #tpu.memory_space<vmem>> -> memref<50x64xf32, #tpu.memory_space<vmem>>
    %dma_start3A_113 = arith.constant 0 : i32
    %dma_start3A_114 = arith.constant 0 : i32
    %dma_start3A_115 = tpu.memref_slice %arg4[%add3A_109, %dma_start3A_113, %dma_start3A_114] : memref<16384x56x128xf32, #tpu.memory_space<hbm>> -> memref<1x50x64xf32, #tpu.memory_space<hbm>>
    %dma_start3A_116 = tpu.memref_squeeze %dma_start3A_115 : memref<1x50x64xf32, #tpu.memory_space<hbm>> -> memref<50x64xf32, #tpu.memory_space<hbm>>
    %dma_start3A_117 = arith.constant 0 : i32
    %dma_start3A_118 = arith.constant 0 : i32
    %dma_start3A_119 = tpu.memref_slice %arg4[%add3A_109, %dma_start3A_117, %dma_start3A_118] : memref<16384x56x128xf32, #tpu.memory_space<hbm>> -> memref<1x50x64xf32, #tpu.memory_space<hbm>>
    %dma_start3A_120 = tpu.memref_squeeze %dma_start3A_119 : memref<1x50x64xf32, #tpu.memory_space<hbm>> -> memref<50x64xf32, #tpu.memory_space<hbm>>
    %dma_start3A_121 = arith.constant 250 : i32
    %dma_start3A_122 = arith.constant 0 : i32
    %dma_start3A_123 = tpu.memref_slice %arg10[%dma_start3A_121, %dma_start3A_122] : memref<800x64xf32, #tpu.memory_space<vmem>> -> memref<50x64xf32, #tpu.memory_space<vmem>>
    tpu.enqueue_dma source(%dma_start3A_123 : memref<50x64xf32, #tpu.memory_space<vmem>>) target(%dma_start3A_120 : memref<50x64xf32, #tpu.memory_space<hbm>>) target_semaphore(%arg18 : memref<!tpu.dma_semaphore, #tpu.memory_space<semaphore_mem>>)
    %add3A_124 = arith.constant 6 : i32
    %add3A_125 = arith.addi %add3A_27, %add3A_124 : i32
    %dma_start3A_126 = arith.constant 300 : i32
    %dma_start3A_127 = arith.constant 0 : i32
    %dma_start3A_128 = tpu.memref_slice %arg10[%dma_start3A_126, %dma_start3A_127] : memref<800x64xf32, #tpu.memory_space<vmem>> -> memref<50x64xf32, #tpu.memory_space<vmem>>
    %dma_start3A_129 = arith.constant 0 : i32
    %dma_start3A_130 = arith.constant 0 : i32
    %dma_start3A_131 = tpu.memref_slice %arg4[%add3A_125, %dma_start3A_129, %dma_start3A_130] : memref<16384x56x128xf32, #tpu.memory_space<hbm>> -> memref<1x50x64xf32, #tpu.memory_space<hbm>>
    %dma_start3A_132 = tpu.memref_squeeze %dma_start3A_131 : memref<1x50x64xf32, #tpu.memory_space<hbm>> -> memref<50x64xf32, #tpu.memory_space<hbm>>
    %dma_start3A_133 = arith.constant 0 : i32
    %dma_start3A_134 = arith.constant 0 : i32
    %dma_start3A_135 = tpu.memref_slice %arg4[%add3A_125, %dma_start3A_133, %dma_start3A_134] : memref<16384x56x128xf32, #tpu.memory_space<hbm>> -> memref<1x50x64xf32, #tpu.memory_space<hbm>>
    %dma_start3A_136 = tpu.memref_squeeze %dma_start3A_135 : memref<1x50x64xf32, #tpu.memory_space<hbm>> -> memref<50x64xf32, #tpu.memory_space<hbm>>
    %dma_start3A_137 = arith.constant 300 : i32
    %dma_start3A_138 = arith.constant 0 : i32
    %dma_start3A_139 = tpu.memref_slice %arg10[%dma_start3A_137, %dma_start3A_138] : memref<800x64xf32, #tpu.memory_space<vmem>> -> memref<50x64xf32, #tpu.memory_space<vmem>>
    tpu.enqueue_dma source(%dma_start3A_139 : memref<50x64xf32, #tpu.memory_space<vmem>>) target(%dma_start3A_136 : memref<50x64xf32, #tpu.memory_space<hbm>>) target_semaphore(%arg18 : memref<!tpu.dma_semaphore, #tpu.memory_space<semaphore_mem>>)
    %add3A_140 = arith.constant 7 : i32
    %add3A_141 = arith.addi %add3A_27, %add3A_140 : i32
    %dma_start3A_142 = arith.constant 350 : i32
    %dma_start3A_143 = arith.constant 0 : i32
    %dma_start3A_144 = tpu.memref_slice %arg10[%dma_start3A_142, %dma_start3A_143] : memref<800x64xf32, #tpu.memory_space<vmem>> -> memref<50x64xf32, #tpu.memory_space<vmem>>
    %dma_start3A_145 = arith.constant 0 : i32
    %dma_start3A_146 = arith.constant 0 : i32
    %dma_start3A_147 = tpu.memref_slice %arg4[%add3A_141, %dma_start3A_145, %dma_start3A_146] : memref<16384x56x128xf32, #tpu.memory_space<hbm>> -> memref<1x50x64xf32, #tpu.memory_space<hbm>>
    %dma_start3A_148 = tpu.memref_squeeze %dma_start3A_147 : memref<1x50x64xf32, #tpu.memory_space<hbm>> -> memref<50x64xf32, #tpu.memory_space<hbm>>
    %dma_start3A_149 = arith.constant 0 : i32
    %dma_start3A_150 = arith.constant 0 : i32
    %dma_start3A_151 = tpu.memref_slice %arg4[%add3A_141, %dma_start3A_149, %dma_start3A_150] : memref<16384x56x128xf32, #tpu.memory_space<hbm>> -> memref<1x50x64xf32, #tpu.memory_space<hbm>>
    %dma_start3A_152 = tpu.memref_squeeze %dma_start3A_151 : memref<1x50x64xf32, #tpu.memory_space<hbm>> -> memref<50x64xf32, #tpu.memory_space<hbm>>
    %dma_start3A_153 = arith.constant 350 : i32
    %dma_start3A_154 = arith.constant 0 : i32
    %dma_start3A_155 = tpu.memref_slice %arg10[%dma_start3A_153, %dma_start3A_154] : memref<800x64xf32, #tpu.memory_space<vmem>> -> memref<50x64xf32, #tpu.memory_space<vmem>>
    tpu.enqueue_dma source(%dma_start3A_155 : memref<50x64xf32, #tpu.memory_space<vmem>>) target(%dma_start3A_152 : memref<50x64xf32, #tpu.memory_space<hbm>>) target_semaphore(%arg18 : memref<!tpu.dma_semaphore, #tpu.memory_space<semaphore_mem>>)
    %add3A_156 = arith.constant 8 : i32
    %add3A_157 = arith.addi %add3A_27, %add3A_156 : i32
    %dma_start3A_158 = arith.constant 400 : i32
    %dma_start3A_159 = arith.constant 0 : i32
    %dma_start3A_160 = tpu.memref_slice %arg10[%dma_start3A_158, %dma_start3A_159] : memref<800x64xf32, #tpu.memory_space<vmem>> -> memref<50x64xf32, #tpu.memory_space<vmem>>
    %dma_start3A_161 = arith.constant 0 : i32
    %dma_start3A_162 = arith.constant 0 : i32
    %dma_start3A_163 = tpu.memref_slice %arg4[%add3A_157, %dma_start3A_161, %dma_start3A_162] : memref<16384x56x128xf32, #tpu.memory_space<hbm>> -> memref<1x50x64xf32, #tpu.memory_space<hbm>>
    %dma_start3A_164 = tpu.memref_squeeze %dma_start3A_163 : memref<1x50x64xf32, #tpu.memory_space<hbm>> -> memref<50x64xf32, #tpu.memory_space<hbm>>
    %dma_start3A_165 = arith.constant 0 : i32
    %dma_start3A_166 = arith.constant 0 : i32
    %dma_start3A_167 = tpu.memref_slice %arg4[%add3A_157, %dma_start3A_165, %dma_start3A_166] : memref<16384x56x128xf32, #tpu.memory_space<hbm>> -> memref<1x50x64xf32, #tpu.memory_space<hbm>>
    %dma_start3A_168 = tpu.memref_squeeze %dma_start3A_167 : memref<1x50x64xf32, #tpu.memory_space<hbm>> -> memref<50x64xf32, #tpu.memory_space<hbm>>
    %dma_start3A_169 = arith.constant 400 : i32
    %dma_start3A_170 = arith.constant 0 : i32
    %dma_start3A_171 = tpu.memref_slice %arg10[%dma_start3A_169, %dma_start3A_170] : memref<800x64xf32, #tpu.memory_space<vmem>> -> memref<50x64xf32, #tpu.memory_space<vmem>>
    tpu.enqueue_dma source(%dma_start3A_171 : memref<50x64xf32, #tpu.memory_space<vmem>>) target(%dma_start3A_168 : memref<50x64xf32, #tpu.memory_space<hbm>>) target_semaphore(%arg18 : memref<!tpu.dma_semaphore, #tpu.memory_space<semaphore_mem>>)
    %add3A_172 = arith.constant 9 : i32
    %add3A_173 = arith.addi %add3A_27, %add3A_172 : i32
    %dma_start3A_174 = arith.constant 450 : i32
    %dma_start3A_175 = arith.constant 0 : i32
    %dma_start3A_176 = tpu.memref_slice %arg10[%dma_start3A_174, %dma_start3A_175] : memref<800x64xf32, #tpu.memory_space<vmem>> -> memref<50x64xf32, #tpu.memory_space<vmem>>
    %dma_start3A_177 = arith.constant 0 : i32
    %dma_start3A_178 = arith.constant 0 : i32
    %dma_start3A_179 = tpu.memref_slice %arg4[%add3A_173, %dma_start3A_177, %dma_start3A_178] : memref<16384x56x128xf32, #tpu.memory_space<hbm>> -> memref<1x50x64xf32, #tpu.memory_space<hbm>>
    %dma_start3A_180 = tpu.memref_squeeze %dma_start3A_179 : memref<1x50x64xf32, #tpu.memory_space<hbm>> -> memref<50x64xf32, #tpu.memory_space<hbm>>
    %dma_start3A_181 = arith.constant 0 : i32
    %dma_start3A_182 = arith.constant 0 : i32
    %dma_start3A_183 = tpu.memref_slice %arg4[%add3A_173, %dma_start3A_181, %dma_start3A_182] : memref<16384x56x128xf32, #tpu.memory_space<hbm>> -> memref<1x50x64xf32, #tpu.memory_space<hbm>>
    %dma_start3A_184 = tpu.memref_squeeze %dma_start3A_183 : memref<1x50x64xf32, #tpu.memory_space<hbm>> -> memref<50x64xf32, #tpu.memory_space<hbm>>
    %dma_start3A_185 = arith.constant 450 : i32
    %dma_start3A_186 = arith.constant 0 : i32
    %dma_start3A_187 = tpu.memref_slice %arg10[%dma_start3A_185, %dma_start3A_186] : memref<800x64xf32, #tpu.memory_space<vmem>> -> memref<50x64xf32, #tpu.memory_space<vmem>>
    tpu.enqueue_dma source(%dma_start3A_187 : memref<50x64xf32, #tpu.memory_space<vmem>>) target(%dma_start3A_184 : memref<50x64xf32, #tpu.memory_space<hbm>>) target_semaphore(%arg18 : memref<!tpu.dma_semaphore, #tpu.memory_space<semaphore_mem>>)
    %add3A_188 = arith.constant 10 : i32
    %add3A_189 = arith.addi %add3A_27, %add3A_188 : i32
    %dma_start3A_190 = arith.constant 500 : i32
    %dma_start3A_191 = arith.constant 0 : i32
    %dma_start3A_192 = tpu.memref_slice %arg10[%dma_start3A_190, %dma_start3A_191] : memref<800x64xf32, #tpu.memory_space<vmem>> -> memref<50x64xf32, #tpu.memory_space<vmem>>
    %dma_start3A_193 = arith.constant 0 : i32
    %dma_start3A_194 = arith.constant 0 : i32
    %dma_start3A_195 = tpu.memref_slice %arg4[%add3A_189, %dma_start3A_193, %dma_start3A_194] : memref<16384x56x128xf32, #tpu.memory_space<hbm>> -> memref<1x50x64xf32, #tpu.memory_space<hbm>>
    %dma_start3A_196 = tpu.memref_squeeze %dma_start3A_195 : memref<1x50x64xf32, #tpu.memory_space<hbm>> -> memref<50x64xf32, #tpu.memory_space<hbm>>
    %dma_start3A_197 = arith.constant 0 : i32
    %dma_start3A_198 = arith.constant 0 : i32
    %dma_start3A_199 = tpu.memref_slice %arg4[%add3A_189, %dma_start3A_197, %dma_start3A_198] : memref<16384x56x128xf32, #tpu.memory_space<hbm>> -> memref<1x50x64xf32, #tpu.memory_space<hbm>>
    %dma_start3A_200 = tpu.memref_squeeze %dma_start3A_199 : memref<1x50x64xf32, #tpu.memory_space<hbm>> -> memref<50x64xf32, #tpu.memory_space<hbm>>
    %dma_start3A_201 = arith.constant 500 : i32
    %dma_start3A_202 = arith.constant 0 : i32
    %dma_start3A_203 = tpu.memref_slice %arg10[%dma_start3A_201, %dma_start3A_202] : memref<800x64xf32, #tpu.memory_space<vmem>> -> memref<50x64xf32, #tpu.memory_space<vmem>>
    tpu.enqueue_dma source(%dma_start3A_203 : memref<50x64xf32, #tpu.memory_space<vmem>>) target(%dma_start3A_200 : memref<50x64xf32, #tpu.memory_space<hbm>>) target_semaphore(%arg18 : memref<!tpu.dma_semaphore, #tpu.memory_space<semaphore_mem>>)
    %add3A_204 = arith.constant 11 : i32
    %add3A_205 = arith.addi %add3A_27, %add3A_204 : i32
    %dma_start3A_206 = arith.constant 550 : i32
    %dma_start3A_207 = arith.constant 0 : i32
    %dma_start3A_208 = tpu.memref_slice %arg10[%dma_start3A_206, %dma_start3A_207] : memref<800x64xf32, #tpu.memory_space<vmem>> -> memref<50x64xf32, #tpu.memory_space<vmem>>
    %dma_start3A_209 = arith.constant 0 : i32
    %dma_start3A_210 = arith.constant 0 : i32
    %dma_start3A_211 = tpu.memref_slice %arg4[%add3A_205, %dma_start3A_209, %dma_start3A_210] : memref<16384x56x128xf32, #tpu.memory_space<hbm>> -> memref<1x50x64xf32, #tpu.memory_space<hbm>>
    %dma_start3A_212 = tpu.memref_squeeze %dma_start3A_211 : memref<1x50x64xf32, #tpu.memory_space<hbm>> -> memref<50x64xf32, #tpu.memory_space<hbm>>
    %dma_start3A_213 = arith.constant 0 : i32
    %dma_start3A_214 = arith.constant 0 : i32
    %dma_start3A_215 = tpu.memref_slice %arg4[%add3A_205, %dma_start3A_213, %dma_start3A_214] : memref<16384x56x128xf32, #tpu.memory_space<hbm>> -> memref<1x50x64xf32, #tpu.memory_space<hbm>>
    %dma_start3A_216 = tpu.memref_squeeze %dma_start3A_215 : memref<1x50x64xf32, #tpu.memory_space<hbm>> -> memref<50x64xf32, #tpu.memory_space<hbm>>
    %dma_start3A_217 = arith.constant 550 : i32
    %dma_start3A_218 = arith.constant 0 : i32
    %dma_start3A_219 = tpu.memref_slice %arg10[%dma_start3A_217, %dma_start3A_218] : memref<800x64xf32, #tpu.memory_space<vmem>> -> memref<50x64xf32, #tpu.memory_space<vmem>>
    tpu.enqueue_dma source(%dma_start3A_219 : memref<50x64xf32, #tpu.memory_space<vmem>>) target(%dma_start3A_216 : memref<50x64xf32, #tpu.memory_space<hbm>>) target_semaphore(%arg18 : memref<!tpu.dma_semaphore, #tpu.memory_space<semaphore_mem>>)
    %add3A_220 = arith.constant 12 : i32
    %add3A_221 = arith.addi %add3A_27, %add3A_220 : i32
    %dma_start3A_222 = arith.constant 600 : i32
    %dma_start3A_223 = arith.constant 0 : i32
    %dma_start3A_224 = tpu.memref_slice %arg10[%dma_start3A_222, %dma_start3A_223] : memref<800x64xf32, #tpu.memory_space<vmem>> -> memref<50x64xf32, #tpu.memory_space<vmem>>
    %dma_start3A_225 = arith.constant 0 : i32
    %dma_start3A_226 = arith.constant 0 : i32
    %dma_start3A_227 = tpu.memref_slice %arg4[%add3A_221, %dma_start3A_225, %dma_start3A_226] : memref<16384x56x128xf32, #tpu.memory_space<hbm>> -> memref<1x50x64xf32, #tpu.memory_space<hbm>>
    %dma_start3A_228 = tpu.memref_squeeze %dma_start3A_227 : memref<1x50x64xf32, #tpu.memory_space<hbm>> -> memref<50x64xf32, #tpu.memory_space<hbm>>
    %dma_start3A_229 = arith.constant 0 : i32
    %dma_start3A_230 = arith.constant 0 : i32
    %dma_start3A_231 = tpu.memref_slice %arg4[%add3A_221, %dma_start3A_229, %dma_start3A_230] : memref<16384x56x128xf32, #tpu.memory_space<hbm>> -> memref<1x50x64xf32, #tpu.memory_space<hbm>>
    %dma_start3A_232 = tpu.memref_squeeze %dma_start3A_231 : memref<1x50x64xf32, #tpu.memory_space<hbm>> -> memref<50x64xf32, #tpu.memory_space<hbm>>
    %dma_start3A_233 = arith.constant 600 : i32
    %dma_start3A_234 = arith.constant 0 : i32
    %dma_start3A_235 = tpu.memref_slice %arg10[%dma_start3A_233, %dma_start3A_234] : memref<800x64xf32, #tpu.memory_space<vmem>> -> memref<50x64xf32, #tpu.memory_space<vmem>>
    tpu.enqueue_dma source(%dma_start3A_235 : memref<50x64xf32, #tpu.memory_space<vmem>>) target(%dma_start3A_232 : memref<50x64xf32, #tpu.memory_space<hbm>>) target_semaphore(%arg18 : memref<!tpu.dma_semaphore, #tpu.memory_space<semaphore_mem>>)
    %add3A_236 = arith.constant 13 : i32
    %add3A_237 = arith.addi %add3A_27, %add3A_236 : i32
    %dma_start3A_238 = arith.constant 650 : i32
    %dma_start3A_239 = arith.constant 0 : i32
    %dma_start3A_240 = tpu.memref_slice %arg10[%dma_start3A_238, %dma_start3A_239] : memref<800x64xf32, #tpu.memory_space<vmem>> -> memref<50x64xf32, #tpu.memory_space<vmem>>
    %dma_start3A_241 = arith.constant 0 : i32
    %dma_start3A_242 = arith.constant 0 : i32
    %dma_start3A_243 = tpu.memref_slice %arg4[%add3A_237, %dma_start3A_241, %dma_start3A_242] : memref<16384x56x128xf32, #tpu.memory_space<hbm>> -> memref<1x50x64xf32, #tpu.memory_space<hbm>>
    %dma_start3A_244 = tpu.memref_squeeze %dma_start3A_243 : memref<1x50x64xf32, #tpu.memory_space<hbm>> -> memref<50x64xf32, #tpu.memory_space<hbm>>
    %dma_start3A_245 = arith.constant 0 : i32
    %dma_start3A_246 = arith.constant 0 : i32
    %dma_start3A_247 = tpu.memref_slice %arg4[%add3A_237, %dma_start3A_245, %dma_start3A_246] : memref<16384x56x128xf32, #tpu.memory_space<hbm>> -> memref<1x50x64xf32, #tpu.memory_space<hbm>>
    %dma_start3A_248 = tpu.memref_squeeze %dma_start3A_247 : memref<1x50x64xf32, #tpu.memory_space<hbm>> -> memref<50x64xf32, #tpu.memory_space<hbm>>
    %dma_start3A_249 = arith.constant 650 : i32
    %dma_start3A_250 = arith.constant 0 : i32
    %dma_start3A_251 = tpu.memref_slice %arg10[%dma_start3A_249, %dma_start3A_250] : memref<800x64xf32, #tpu.memory_space<vmem>> -> memref<50x64xf32, #tpu.memory_space<vmem>>
    tpu.enqueue_dma source(%dma_start3A_251 : memref<50x64xf32, #tpu.memory_space<vmem>>) target(%dma_start3A_248 : memref<50x64xf32, #tpu.memory_space<hbm>>) target_semaphore(%arg18 : memref<!tpu.dma_semaphore, #tpu.memory_space<semaphore_mem>>)
    %add3A_252 = arith.constant 14 : i32
    %add3A_253 = arith.addi %add3A_27, %add3A_252 : i32
    %dma_start3A_254 = arith.constant 700 : i32
    %dma_start3A_255 = arith.constant 0 : i32
    %dma_start3A_256 = tpu.memref_slice %arg10[%dma_start3A_254, %dma_start3A_255] : memref<800x64xf32, #tpu.memory_space<vmem>> -> memref<50x64xf32, #tpu.memory_space<vmem>>
    %dma_start3A_257 = arith.constant 0 : i32
    %dma_start3A_258 = arith.constant 0 : i32
    %dma_start3A_259 = tpu.memref_slice %arg4[%add3A_253, %dma_start3A_257, %dma_start3A_258] : memref<16384x56x128xf32, #tpu.memory_space<hbm>> -> memref<1x50x64xf32, #tpu.memory_space<hbm>>
    %dma_start3A_260 = tpu.memref_squeeze %dma_start3A_259 : memref<1x50x64xf32, #tpu.memory_space<hbm>> -> memref<50x64xf32, #tpu.memory_space<hbm>>
    %dma_start3A_261 = arith.constant 0 : i32
    %dma_start3A_262 = arith.constant 0 : i32
    %dma_start3A_263 = tpu.memref_slice %arg4[%add3A_253, %dma_start3A_261, %dma_start3A_262] : memref<16384x56x128xf32, #tpu.memory_space<hbm>> -> memref<1x50x64xf32, #tpu.memory_space<hbm>>
    %dma_start3A_264 = tpu.memref_squeeze %dma_start3A_263 : memref<1x50x64xf32, #tpu.memory_space<hbm>> -> memref<50x64xf32, #tpu.memory_space<hbm>>
    %dma_start3A_265 = arith.constant 700 : i32
    %dma_start3A_266 = arith.constant 0 : i32
    %dma_start3A_267 = tpu.memref_slice %arg10[%dma_start3A_265, %dma_start3A_266] : memref<800x64xf32, #tpu.memory_space<vmem>> -> memref<50x64xf32, #tpu.memory_space<vmem>>
    tpu.enqueue_dma source(%dma_start3A_267 : memref<50x64xf32, #tpu.memory_space<vmem>>) target(%dma_start3A_264 : memref<50x64xf32, #tpu.memory_space<hbm>>) target_semaphore(%arg18 : memref<!tpu.dma_semaphore, #tpu.memory_space<semaphore_mem>>)
    %add3A_268 = arith.constant 15 : i32
    %add3A_269 = arith.addi %add3A_27, %add3A_268 : i32
    %dma_start3A_270 = arith.constant 750 : i32
    %dma_start3A_271 = arith.constant 0 : i32
    %dma_start3A_272 = tpu.memref_slice %arg10[%dma_start3A_270, %dma_start3A_271] : memref<800x64xf32, #tpu.memory_space<vmem>> -> memref<50x64xf32, #tpu.memory_space<vmem>>
    %dma_start3A_273 = arith.constant 0 : i32
    %dma_start3A_274 = arith.constant 0 : i32
    %dma_start3A_275 = tpu.memref_slice %arg4[%add3A_269, %dma_start3A_273, %dma_start3A_274] : memref<16384x56x128xf32, #tpu.memory_space<hbm>> -> memref<1x50x64xf32, #tpu.memory_space<hbm>>
    %dma_start3A_276 = tpu.memref_squeeze %dma_start3A_275 : memref<1x50x64xf32, #tpu.memory_space<hbm>> -> memref<50x64xf32, #tpu.memory_space<hbm>>
    %dma_start3A_277 = arith.constant 0 : i32
    %dma_start3A_278 = arith.constant 0 : i32
    %dma_start3A_279 = tpu.memref_slice %arg4[%add3A_269, %dma_start3A_277, %dma_start3A_278] : memref<16384x56x128xf32, #tpu.memory_space<hbm>> -> memref<1x50x64xf32, #tpu.memory_space<hbm>>
    %dma_start3A_280 = tpu.memref_squeeze %dma_start3A_279 : memref<1x50x64xf32, #tpu.memory_space<hbm>> -> memref<50x64xf32, #tpu.memory_space<hbm>>
    %dma_start3A_281 = arith.constant 750 : i32
    %dma_start3A_282 = arith.constant 0 : i32
    %dma_start3A_283 = tpu.memref_slice %arg10[%dma_start3A_281, %dma_start3A_282] : memref<800x64xf32, #tpu.memory_space<vmem>> -> memref<50x64xf32, #tpu.memory_space<vmem>>
    tpu.enqueue_dma source(%dma_start3A_283 : memref<50x64xf32, #tpu.memory_space<vmem>>) target(%dma_start3A_280 : memref<50x64xf32, #tpu.memory_space<hbm>>) target_semaphore(%arg18 : memref<!tpu.dma_semaphore, #tpu.memory_space<semaphore_mem>>)
    %dma_wait3A_284 = arith.constant 0 : i32
    %dma_wait3A_285 = arith.constant 0 : i32
    %dma_wait3A_286 = arith.constant 0 : i32
    %dma_wait3A_287 = tpu.memref_slice %arg9[%dma_wait3A_285, %dma_wait3A_286] : memref<800x64xf32, #tpu.memory_space<vmem>> -> memref<50x64xf32, #tpu.memory_space<vmem>>
    %dma_wait3A_288 = arith.constant 0 : i32
    %dma_wait3A_289 = arith.constant 0 : i32
    %dma_wait3A_290 = tpu.memref_slice %arg4[%dma_wait3A_284, %dma_wait3A_288, %dma_wait3A_289] : memref<16384x56x128xf32, #tpu.memory_space<hbm>> -> memref<1x50x64xf32, #tpu.memory_space<hbm>>
    %dma_wait3A_291 = tpu.memref_squeeze %dma_wait3A_290 : memref<1x50x64xf32, #tpu.memory_space<hbm>> -> memref<50x64xf32, #tpu.memory_space<hbm>>
    %dma_wait3A_292 = arith.constant 0 : i32
    %dma_wait3A_293 = arith.constant 0 : i32
    %dma_wait3A_294 = tpu.memref_slice %arg4[%dma_wait3A_284, %dma_wait3A_292, %dma_wait3A_293] : memref<16384x56x128xf32, #tpu.memory_space<hbm>> -> memref<1x50x64xf32, #tpu.memory_space<hbm>>
    %dma_wait3A_295 = tpu.memref_squeeze %dma_wait3A_294 : memref<1x50x64xf32, #tpu.memory_space<hbm>> -> memref<50x64xf32, #tpu.memory_space<hbm>>
    %dma_wait3A_296 = arith.constant 0 : i32
    %dma_wait3A_297 = arith.constant 0 : i32
    %dma_wait3A_298 = tpu.memref_slice %arg9[%dma_wait3A_296, %dma_wait3A_297] : memref<800x64xf32, #tpu.memory_space<vmem>> -> memref<50x64xf32, #tpu.memory_space<vmem>>
    tpu.wait_dma2 semaphore(%arg17 : memref<!tpu.dma_semaphore, #tpu.memory_space<semaphore_mem>>) src(%dma_wait3A_298 : memref<50x64xf32, #tpu.memory_space<vmem>>) dst(%dma_wait3A_295 : memref<50x64xf32, #tpu.memory_space<hbm>>)
    %dma_wait3A_299 = arith.constant 0 : i32
    %dma_wait3A_300 = arith.constant 0 : i32
    %dma_wait3A_301 = arith.constant 0 : i32
    %dma_wait3A_302 = tpu.memref_slice %arg9[%dma_wait3A_300, %dma_wait3A_301] : memref<800x64xf32, #tpu.memory_space<vmem>> -> memref<50x64xf32, #tpu.memory_space<vmem>>
    %dma_wait3A_303 = arith.constant 0 : i32
    %dma_wait3A_304 = arith.constant 0 : i32
    %dma_wait3A_305 = tpu.memref_slice %arg4[%dma_wait3A_299, %dma_wait3A_303, %dma_wait3A_304] : memref<16384x56x128xf32, #tpu.memory_space<hbm>> -> memref<1x50x64xf32, #tpu.memory_space<hbm>>
    %dma_wait3A_306 = tpu.memref_squeeze %dma_wait3A_305 : memref<1x50x64xf32, #tpu.memory_space<hbm>> -> memref<50x64xf32, #tpu.memory_space<hbm>>
    %dma_wait3A_307 = arith.constant 0 : i32
    %dma_wait3A_308 = arith.constant 0 : i32
    %dma_wait3A_309 = tpu.memref_slice %arg4[%dma_wait3A_299, %dma_wait3A_307, %dma_wait3A_308] : memref<16384x56x128xf32, #tpu.memory_space<hbm>> -> memref<1x50x64xf32, #tpu.memory_space<hbm>>
    %dma_wait3A_310 = tpu.memref_squeeze %dma_wait3A_309 : memref<1x50x64xf32, #tpu.memory_space<hbm>> -> memref<50x64xf32, #tpu.memory_space<hbm>>
    %dma_wait3A_311 = arith.constant 0 : i32
    %dma_wait3A_312 = arith.constant 0 : i32
    %dma_wait3A_313 = tpu.memref_slice %arg9[%dma_wait3A_311, %dma_wait3A_312] : memref<800x64xf32, #tpu.memory_space<vmem>> -> memref<50x64xf32, #tpu.memory_space<vmem>>
    tpu.wait_dma2 semaphore(%arg17 : memref<!tpu.dma_semaphore, #tpu.memory_space<semaphore_mem>>) src(%dma_wait3A_313 : memref<50x64xf32, #tpu.memory_space<vmem>>) dst(%dma_wait3A_310 : memref<50x64xf32, #tpu.memory_space<hbm>>)
    %dma_wait3A_314 = arith.constant 0 : i32
    %dma_wait3A_315 = arith.constant 0 : i32
    %dma_wait3A_316 = arith.constant 0 : i32
    %dma_wait3A_317 = tpu.memref_slice %arg9[%dma_wait3A_315, %dma_wait3A_316] : memref<800x64xf32, #tpu.memory_space<vmem>> -> memref<50x64xf32, #tpu.memory_space<vmem>>
    %dma_wait3A_318 = arith.constant 0 : i32
    %dma_wait3A_319 = arith.constant 0 : i32
    %dma_wait3A_320 = tpu.memref_slice %arg4[%dma_wait3A_314, %dma_wait3A_318, %dma_wait3A_319] : memref<16384x56x128xf32, #tpu.memory_space<hbm>> -> memref<1x50x64xf32, #tpu.memory_space<hbm>>
    %dma_wait3A_321 = tpu.memref_squeeze %dma_wait3A_320 : memref<1x50x64xf32, #tpu.memory_space<hbm>> -> memref<50x64xf32, #tpu.memory_space<hbm>>
    %dma_wait3A_322 = arith.constant 0 : i32
    %dma_wait3A_323 = arith.constant 0 : i32
    %dma_wait3A_324 = tpu.memref_slice %arg4[%dma_wait3A_314, %dma_wait3A_322, %dma_wait3A_323] : memref<16384x56x128xf32, #tpu.memory_space<hbm>> -> memref<1x50x64xf32, #tpu.memory_space<hbm>>
    %dma_wait3A_325 = tpu.memref_squeeze %dma_wait3A_324 : memref<1x50x64xf32, #tpu.memory_space<hbm>> -> memref<50x64xf32, #tpu.memory_space<hbm>>
    %dma_wait3A_326 = arith.constant 0 : i32
    %dma_wait3A_327 = arith.constant 0 : i32
    %dma_wait3A_328 = tpu.memref_slice %arg9[%dma_wait3A_326, %dma_wait3A_327] : memref<800x64xf32, #tpu.memory_space<vmem>> -> memref<50x64xf32, #tpu.memory_space<vmem>>
    tpu.wait_dma2 semaphore(%arg17 : memref<!tpu.dma_semaphore, #tpu.memory_space<semaphore_mem>>) src(%dma_wait3A_328 : memref<50x64xf32, #tpu.memory_space<vmem>>) dst(%dma_wait3A_325 : memref<50x64xf32, #tpu.memory_space<hbm>>)
    %dma_wait3A_329 = arith.constant 0 : i32
    %dma_wait3A_330 = arith.constant 0 : i32
    %dma_wait3A_331 = arith.constant 0 : i32
    %dma_wait3A_332 = tpu.memref_slice %arg9[%dma_wait3A_330, %dma_wait3A_331] : memref<800x64xf32, #tpu.memory_space<vmem>> -> memref<50x64xf32, #tpu.memory_space<vmem>>
    %dma_wait3A_333 = arith.constant 0 : i32
    %dma_wait3A_334 = arith.constant 0 : i32
    %dma_wait3A_335 = tpu.memref_slice %arg4[%dma_wait3A_329, %dma_wait3A_333, %dma_wait3A_334] : memref<16384x56x128xf32, #tpu.memory_space<hbm>> -> memref<1x50x64xf32, #tpu.memory_space<hbm>>
    %dma_wait3A_336 = tpu.memref_squeeze %dma_wait3A_335 : memref<1x50x64xf32, #tpu.memory_space<hbm>> -> memref<50x64xf32, #tpu.memory_space<hbm>>
    %dma_wait3A_337 = arith.constant 0 : i32
    %dma_wait3A_338 = arith.constant 0 : i32
    %dma_wait3A_339 = tpu.memref_slice %arg4[%dma_wait3A_329, %dma_wait3A_337, %dma_wait3A_338] : memref<16384x56x128xf32, #tpu.memory_space<hbm>> -> memref<1x50x64xf32, #tpu.memory_space<hbm>>
    %dma_wait3A_340 = tpu.memref_squeeze %dma_wait3A_339 : memref<1x50x64xf32, #tpu.memory_space<hbm>> -> memref<50x64xf32, #tpu.memory_space<hbm>>
    %dma_wait3A_341 = arith.constant 0 : i32
    %dma_wait3A_342 = arith.constant 0 : i32
    %dma_wait3A_343 = tpu.memref_slice %arg9[%dma_wait3A_341, %dma_wait3A_342] : memref<800x64xf32, #tpu.memory_space<vmem>> -> memref<50x64xf32, #tpu.memory_space<vmem>>
    tpu.wait_dma2 semaphore(%arg17 : memref<!tpu.dma_semaphore, #tpu.memory_space<semaphore_mem>>) src(%dma_wait3A_343 : memref<50x64xf32, #tpu.memory_space<vmem>>) dst(%dma_wait3A_340 : memref<50x64xf32, #tpu.memory_space<hbm>>)
    %dma_wait3A_344 = arith.constant 0 : i32
    %dma_wait3A_345 = arith.constant 0 : i32
    %dma_wait3A_346 = arith.constant 0 : i32
    %dma_wait3A_347 = tpu.memref_slice %arg9[%dma_wait3A_345, %dma_wait3A_346] : memref<800x64xf32, #tpu.memory_space<vmem>> -> memref<50x64xf32, #tpu.memory_space<vmem>>
    %dma_wait3A_348 = arith.constant 0 : i32
    %dma_wait3A_349 = arith.constant 0 : i32
    %dma_wait3A_350 = tpu.memref_slice %arg4[%dma_wait3A_344, %dma_wait3A_348, %dma_wait3A_349] : memref<16384x56x128xf32, #tpu.memory_space<hbm>> -> memref<1x50x64xf32, #tpu.memory_space<hbm>>
    %dma_wait3A_351 = tpu.memref_squeeze %dma_wait3A_350 : memref<1x50x64xf32, #tpu.memory_space<hbm>> -> memref<50x64xf32, #tpu.memory_space<hbm>>
    %dma_wait3A_352 = arith.constant 0 : i32
    %dma_wait3A_353 = arith.constant 0 : i32
    %dma_wait3A_354 = tpu.memref_slice %arg4[%dma_wait3A_344, %dma_wait3A_352, %dma_wait3A_353] : memref<16384x56x128xf32, #tpu.memory_space<hbm>> -> memref<1x50x64xf32, #tpu.memory_space<hbm>>
    %dma_wait3A_355 = tpu.memref_squeeze %dma_wait3A_354 : memref<1x50x64xf32, #tpu.memory_space<hbm>> -> memref<50x64xf32, #tpu.memory_space<hbm>>
    %dma_wait3A_356 = arith.constant 0 : i32
    %dma_wait3A_357 = arith.constant 0 : i32
    %dma_wait3A_358 = tpu.memref_slice %arg9[%dma_wait3A_356, %dma_wait3A_357] : memref<800x64xf32, #tpu.memory_space<vmem>> -> memref<50x64xf32, #tpu.memory_space<vmem>>
    tpu.wait_dma2 semaphore(%arg17 : memref<!tpu.dma_semaphore, #tpu.memory_space<semaphore_mem>>) src(%dma_wait3A_358 : memref<50x64xf32, #tpu.memory_space<vmem>>) dst(%dma_wait3A_355 : memref<50x64xf32, #tpu.memory_space<hbm>>)
    %dma_wait3A_359 = arith.constant 0 : i32
    %dma_wait3A_360 = arith.constant 0 : i32
    %dma_wait3A_361 = arith.constant 0 : i32
    %dma_wait3A_362 = tpu.memref_slice %arg9[%dma_wait3A_360, %dma_wait3A_361] : memref<800x64xf32, #tpu.memory_space<vmem>> -> memref<50x64xf32, #tpu.memory_space<vmem>>
    %dma_wait3A_363 = arith.constant 0 : i32
    %dma_wait3A_364 = arith.constant 0 : i32
    %dma_wait3A_365 = tpu.memref_slice %arg4[%dma_wait3A_359, %dma_wait3A_363, %dma_wait3A_364] : memref<16384x56x128xf32, #tpu.memory_space<hbm>> -> memref<1x50x64xf32, #tpu.memory_space<hbm>>
    %dma_wait3A_366 = tpu.memref_squeeze %dma_wait3A_365 : memref<1x50x64xf32, #tpu.memory_space<hbm>> -> memref<50x64xf32, #tpu.memory_space<hbm>>
    %dma_wait3A_367 = arith.constant 0 : i32
    %dma_wait3A_368 = arith.constant 0 : i32
    %dma_wait3A_369 = tpu.memref_slice %arg4[%dma_wait3A_359, %dma_wait3A_367, %dma_wait3A_368] : memref<16384x56x128xf32, #tpu.memory_space<hbm>> -> memref<1x50x64xf32, #tpu.memory_space<hbm>>
    %dma_wait3A_370 = tpu.memref_squeeze %dma_wait3A_369 : memref<1x50x64xf32, #tpu.memory_space<hbm>> -> memref<50x64xf32, #tpu.memory_space<hbm>>
    %dma_wait3A_371 = arith.constant 0 : i32
    %dma_wait3A_372 = arith.constant 0 : i32
    %dma_wait3A_373 = tpu.memref_slice %arg9[%dma_wait3A_371, %dma_wait3A_372] : memref<800x64xf32, #tpu.memory_space<vmem>> -> memref<50x64xf32, #tpu.memory_space<vmem>>
    tpu.wait_dma2 semaphore(%arg17 : memref<!tpu.dma_semaphore, #tpu.memory_space<semaphore_mem>>) src(%dma_wait3A_373 : memref<50x64xf32, #tpu.memory_space<vmem>>) dst(%dma_wait3A_370 : memref<50x64xf32, #tpu.memory_space<hbm>>)
    %dma_wait3A_374 = arith.constant 0 : i32
    %dma_wait3A_375 = arith.constant 0 : i32
    %dma_wait3A_376 = arith.constant 0 : i32
    %dma_wait3A_377 = tpu.memref_slice %arg9[%dma_wait3A_375, %dma_wait3A_376] : memref<800x64xf32, #tpu.memory_space<vmem>> -> memref<50x64xf32, #tpu.memory_space<vmem>>
    %dma_wait3A_378 = arith.constant 0 : i32
    %dma_wait3A_379 = arith.constant 0 : i32
    %dma_wait3A_380 = tpu.memref_slice %arg4[%dma_wait3A_374, %dma_wait3A_378, %dma_wait3A_379] : memref<16384x56x128xf32, #tpu.memory_space<hbm>> -> memref<1x50x64xf32, #tpu.memory_space<hbm>>
    %dma_wait3A_381 = tpu.memref_squeeze %dma_wait3A_380 : memref<1x50x64xf32, #tpu.memory_space<hbm>> -> memref<50x64xf32, #tpu.memory_space<hbm>>
    %dma_wait3A_382 = arith.constant 0 : i32
    %dma_wait3A_383 = arith.constant 0 : i32
    %dma_wait3A_384 = tpu.memref_slice %arg4[%dma_wait3A_374, %dma_wait3A_382, %dma_wait3A_383] : memref<16384x56x128xf32, #tpu.memory_space<hbm>> -> memref<1x50x64xf32, #tpu.memory_space<hbm>>
    %dma_wait3A_385 = tpu.memref_squeeze %dma_wait3A_384 : memref<1x50x64xf32, #tpu.memory_space<hbm>> -> memref<50x64xf32, #tpu.memory_space<hbm>>
    %dma_wait3A_386 = arith.constant 0 : i32
    %dma_wait3A_387 = arith.constant 0 : i32
    %dma_wait3A_388 = tpu.memref_slice %arg9[%dma_wait3A_386, %dma_wait3A_387] : memref<800x64xf32, #tpu.memory_space<vmem>> -> memref<50x64xf32, #tpu.memory_space<vmem>>
    tpu.wait_dma2 semaphore(%arg17 : memref<!tpu.dma_semaphore, #tpu.memory_space<semaphore_mem>>) src(%dma_wait3A_388 : memref<50x64xf32, #tpu.memory_space<vmem>>) dst(%dma_wait3A_385 : memref<50x64xf32, #tpu.memory_space<hbm>>)
    %dma_wait3A_389 = arith.constant 0 : i32
    %dma_wait3A_390 = arith.constant 0 : i32
    %dma_wait3A_391 = arith.constant 0 : i32
    %dma_wait3A_392 = tpu.memref_slice %arg9[%dma_wait3A_390, %dma_wait3A_391] : memref<800x64xf32, #tpu.memory_space<vmem>> -> memref<50x64xf32, #tpu.memory_space<vmem>>
    %dma_wait3A_393 = arith.constant 0 : i32
    %dma_wait3A_394 = arith.constant 0 : i32
    %dma_wait3A_395 = tpu.memref_slice %arg4[%dma_wait3A_389, %dma_wait3A_393, %dma_wait3A_394] : memref<16384x56x128xf32, #tpu.memory_space<hbm>> -> memref<1x50x64xf32, #tpu.memory_space<hbm>>
    %dma_wait3A_396 = tpu.memref_squeeze %dma_wait3A_395 : memref<1x50x64xf32, #tpu.memory_space<hbm>> -> memref<50x64xf32, #tpu.memory_space<hbm>>
    %dma_wait3A_397 = arith.constant 0 : i32
    %dma_wait3A_398 = arith.constant 0 : i32
    %dma_wait3A_399 = tpu.memref_slice %arg4[%dma_wait3A_389, %dma_wait3A_397, %dma_wait3A_398] : memref<16384x56x128xf32, #tpu.memory_space<hbm>> -> memref<1x50x64xf32, #tpu.memory_space<hbm>>
    %dma_wait3A_400 = tpu.memref_squeeze %dma_wait3A_399 : memref<1x50x64xf32, #tpu.memory_space<hbm>> -> memref<50x64xf32, #tpu.memory_space<hbm>>
    %dma_wait3A_401 = arith.constant 0 : i32
    %dma_wait3A_402 = arith.constant 0 : i32
    %dma_wait3A_403 = tpu.memref_slice %arg9[%dma_wait3A_401, %dma_wait3A_402] : memref<800x64xf32, #tpu.memory_space<vmem>> -> memref<50x64xf32, #tpu.memory_space<vmem>>
    tpu.wait_dma2 semaphore(%arg17 : memref<!tpu.dma_semaphore, #tpu.memory_space<semaphore_mem>>) src(%dma_wait3A_403 : memref<50x64xf32, #tpu.memory_space<vmem>>) dst(%dma_wait3A_400 : memref<50x64xf32, #tpu.memory_space<hbm>>)
    %dma_wait3A_404 = arith.constant 0 : i32
    %dma_wait3A_405 = arith.constant 0 : i32
    %dma_wait3A_406 = arith.constant 0 : i32
    %dma_wait3A_407 = tpu.memref_slice %arg9[%dma_wait3A_405, %dma_wait3A_406] : memref<800x64xf32, #tpu.memory_space<vmem>> -> memref<50x64xf32, #tpu.memory_space<vmem>>
    %dma_wait3A_408 = arith.constant 0 : i32
    %dma_wait3A_409 = arith.constant 0 : i32
    %dma_wait3A_410 = tpu.memref_slice %arg4[%dma_wait3A_404, %dma_wait3A_408, %dma_wait3A_409] : memref<16384x56x128xf32, #tpu.memory_space<hbm>> -> memref<1x50x64xf32, #tpu.memory_space<hbm>>
    %dma_wait3A_411 = tpu.memref_squeeze %dma_wait3A_410 : memref<1x50x64xf32, #tpu.memory_space<hbm>> -> memref<50x64xf32, #tpu.memory_space<hbm>>
    %dma_wait3A_412 = arith.constant 0 : i32
    %dma_wait3A_413 = arith.constant 0 : i32
    %dma_wait3A_414 = tpu.memref_slice %arg4[%dma_wait3A_404, %dma_wait3A_412, %dma_wait3A_413] : memref<16384x56x128xf32, #tpu.memory_space<hbm>> -> memref<1x50x64xf32, #tpu.memory_space<hbm>>
    %dma_wait3A_415 = tpu.memref_squeeze %dma_wait3A_414 : memref<1x50x64xf32, #tpu.memory_space<hbm>> -> memref<50x64xf32, #tpu.memory_space<hbm>>
    %dma_wait3A_416 = arith.constant 0 : i32
    %dma_wait3A_417 = arith.constant 0 : i32
    %dma_wait3A_418 = tpu.memref_slice %arg9[%dma_wait3A_416, %dma_wait3A_417] : memref<800x64xf32, #tpu.memory_space<vmem>> -> memref<50x64xf32, #tpu.memory_space<vmem>>
    tpu.wait_dma2 semaphore(%arg17 : memref<!tpu.dma_semaphore, #tpu.memory_space<semaphore_mem>>) src(%dma_wait3A_418 : memref<50x64xf32, #tpu.memory_space<vmem>>) dst(%dma_wait3A_415 : memref<50x64xf32, #tpu.memory_space<hbm>>)
    %dma_wait3A_419 = arith.constant 0 : i32
    %dma_wait3A_420 = arith.constant 0 : i32
    %dma_wait3A_421 = arith.constant 0 : i32
    %dma_wait3A_422 = tpu.memref_slice %arg9[%dma_wait3A_420, %dma_wait3A_421] : memref<800x64xf32, #tpu.memory_space<vmem>> -> memref<50x64xf32, #tpu.memory_space<vmem>>
    %dma_wait3A_423 = arith.constant 0 : i32
    %dma_wait3A_424 = arith.constant 0 : i32
    %dma_wait3A_425 = tpu.memref_slice %arg4[%dma_wait3A_419, %dma_wait3A_423, %dma_wait3A_424] : memref<16384x56x128xf32, #tpu.memory_space<hbm>> -> memref<1x50x64xf32, #tpu.memory_space<hbm>>
    %dma_wait3A_426 = tpu.memref_squeeze %dma_wait3A_425 : memref<1x50x64xf32, #tpu.memory_space<hbm>> -> memref<50x64xf32, #tpu.memory_space<hbm>>
    %dma_wait3A_427 = arith.constant 0 : i32
    %dma_wait3A_428 = arith.constant 0 : i32
    %dma_wait3A_429 = tpu.memref_slice %arg4[%dma_wait3A_419, %dma_wait3A_427, %dma_wait3A_428] : memref<16384x56x128xf32, #tpu.memory_space<hbm>> -> memref<1x50x64xf32, #tpu.memory_space<hbm>>
    %dma_wait3A_430 = tpu.memref_squeeze %dma_wait3A_429 : memref<1x50x64xf32, #tpu.memory_space<hbm>> -> memref<50x64xf32, #tpu.memory_space<hbm>>
    %dma_wait3A_431 = arith.constant 0 : i32
    %dma_wait3A_432 = arith.constant 0 : i32
    %dma_wait3A_433 = tpu.memref_slice %arg9[%dma_wait3A_431, %dma_wait3A_432] : memref<800x64xf32, #tpu.memory_space<vmem>> -> memref<50x64xf32, #tpu.memory_space<vmem>>
    tpu.wait_dma2 semaphore(%arg17 : memref<!tpu.dma_semaphore, #tpu.memory_space<semaphore_mem>>) src(%dma_wait3A_433 : memref<50x64xf32, #tpu.memory_space<vmem>>) dst(%dma_wait3A_430 : memref<50x64xf32, #tpu.memory_space<hbm>>)
    %dma_wait3A_434 = arith.constant 0 : i32
    %dma_wait3A_435 = arith.constant 0 : i32
    %dma_wait3A_436 = arith.constant 0 : i32
    %dma_wait3A_437 = tpu.memref_slice %arg9[%dma_wait3A_435, %dma_wait3A_436] : memref<800x64xf32, #tpu.memory_space<vmem>> -> memref<50x64xf32, #tpu.memory_space<vmem>>
    %dma_wait3A_438 = arith.constant 0 : i32
    %dma_wait3A_439 = arith.constant 0 : i32
    %dma_wait3A_440 = tpu.memref_slice %arg4[%dma_wait3A_434, %dma_wait3A_438, %dma_wait3A_439] : memref<16384x56x128xf32, #tpu.memory_space<hbm>> -> memref<1x50x64xf32, #tpu.memory_space<hbm>>
    %dma_wait3A_441 = tpu.memref_squeeze %dma_wait3A_440 : memref<1x50x64xf32, #tpu.memory_space<hbm>> -> memref<50x64xf32, #tpu.memory_space<hbm>>
    %dma_wait3A_442 = arith.constant 0 : i32
    %dma_wait3A_443 = arith.constant 0 : i32
    %dma_wait3A_444 = tpu.memref_slice %arg4[%dma_wait3A_434, %dma_wait3A_442, %dma_wait3A_443] : memref<16384x56x128xf32, #tpu.memory_space<hbm>> -> memref<1x50x64xf32, #tpu.memory_space<hbm>>
    %dma_wait3A_445 = tpu.memref_squeeze %dma_wait3A_444 : memref<1x50x64xf32, #tpu.memory_space<hbm>> -> memref<50x64xf32, #tpu.memory_space<hbm>>
    %dma_wait3A_446 = arith.constant 0 : i32
    %dma_wait3A_447 = arith.constant 0 : i32
    %dma_wait3A_448 = tpu.memref_slice %arg9[%dma_wait3A_446, %dma_wait3A_447] : memref<800x64xf32, #tpu.memory_space<vmem>> -> memref<50x64xf32, #tpu.memory_space<vmem>>
    tpu.wait_dma2 semaphore(%arg17 : memref<!tpu.dma_semaphore, #tpu.memory_space<semaphore_mem>>) src(%dma_wait3A_448 : memref<50x64xf32, #tpu.memory_space<vmem>>) dst(%dma_wait3A_445 : memref<50x64xf32, #tpu.memory_space<hbm>>)
    %dma_wait3A_449 = arith.constant 0 : i32
    %dma_wait3A_450 = arith.constant 0 : i32
    %dma_wait3A_451 = arith.constant 0 : i32
    %dma_wait3A_452 = tpu.memref_slice %arg9[%dma_wait3A_450, %dma_wait3A_451] : memref<800x64xf32, #tpu.memory_space<vmem>> -> memref<50x64xf32, #tpu.memory_space<vmem>>
    %dma_wait3A_453 = arith.constant 0 : i32
    %dma_wait3A_454 = arith.constant 0 : i32
    %dma_wait3A_455 = tpu.memref_slice %arg4[%dma_wait3A_449, %dma_wait3A_453, %dma_wait3A_454] : memref<16384x56x128xf32, #tpu.memory_space<hbm>> -> memref<1x50x64xf32, #tpu.memory_space<hbm>>
    %dma_wait3A_456 = tpu.memref_squeeze %dma_wait3A_455 : memref<1x50x64xf32, #tpu.memory_space<hbm>> -> memref<50x64xf32, #tpu.memory_space<hbm>>
    %dma_wait3A_457 = arith.constant 0 : i32
    %dma_wait3A_458 = arith.constant 0 : i32
    %dma_wait3A_459 = tpu.memref_slice %arg4[%dma_wait3A_449, %dma_wait3A_457, %dma_wait3A_458] : memref<16384x56x128xf32, #tpu.memory_space<hbm>> -> memref<1x50x64xf32, #tpu.memory_space<hbm>>
    %dma_wait3A_460 = tpu.memref_squeeze %dma_wait3A_459 : memref<1x50x64xf32, #tpu.memory_space<hbm>> -> memref<50x64xf32, #tpu.memory_space<hbm>>
    %dma_wait3A_461 = arith.constant 0 : i32
    %dma_wait3A_462 = arith.constant 0 : i32
    %dma_wait3A_463 = tpu.memref_slice %arg9[%dma_wait3A_461, %dma_wait3A_462] : memref<800x64xf32, #tpu.memory_space<vmem>> -> memref<50x64xf32, #tpu.memory_space<vmem>>
    tpu.wait_dma2 semaphore(%arg17 : memref<!tpu.dma_semaphore, #tpu.memory_space<semaphore_mem>>) src(%dma_wait3A_463 : memref<50x64xf32, #tpu.memory_space<vmem>>) dst(%dma_wait3A_460 : memref<50x64xf32, #tpu.memory_space<hbm>>)
    %dma_wait3A_464 = arith.constant 0 : i32
    %dma_wait3A_465 = arith.constant 0 : i32
    %dma_wait3A_466 = arith.constant 0 : i32
    %dma_wait3A_467 = tpu.memref_slice %arg9[%dma_wait3A_465, %dma_wait3A_466] : memref<800x64xf32, #tpu.memory_space<vmem>> -> memref<50x64xf32, #tpu.memory_space<vmem>>
    %dma_wait3A_468 = arith.constant 0 : i32
    %dma_wait3A_469 = arith.constant 0 : i32
    %dma_wait3A_470 = tpu.memref_slice %arg4[%dma_wait3A_464, %dma_wait3A_468, %dma_wait3A_469] : memref<16384x56x128xf32, #tpu.memory_space<hbm>> -> memref<1x50x64xf32, #tpu.memory_space<hbm>>
    %dma_wait3A_471 = tpu.memref_squeeze %dma_wait3A_470 : memref<1x50x64xf32, #tpu.memory_space<hbm>> -> memref<50x64xf32, #tpu.memory_space<hbm>>
    %dma_wait3A_472 = arith.constant 0 : i32
    %dma_wait3A_473 = arith.constant 0 : i32
    %dma_wait3A_474 = tpu.memref_slice %arg4[%dma_wait3A_464, %dma_wait3A_472, %dma_wait3A_473] : memref<16384x56x128xf32, #tpu.memory_space<hbm>> -> memref<1x50x64xf32, #tpu.memory_space<hbm>>
    %dma_wait3A_475 = tpu.memref_squeeze %dma_wait3A_474 : memref<1x50x64xf32, #tpu.memory_space<hbm>> -> memref<50x64xf32, #tpu.memory_space<hbm>>
    %dma_wait3A_476 = arith.constant 0 : i32
    %dma_wait3A_477 = arith.constant 0 : i32
    %dma_wait3A_478 = tpu.memref_slice %arg9[%dma_wait3A_476, %dma_wait3A_477] : memref<800x64xf32, #tpu.memory_space<vmem>> -> memref<50x64xf32, #tpu.memory_space<vmem>>
    tpu.wait_dma2 semaphore(%arg17 : memref<!tpu.dma_semaphore, #tpu.memory_space<semaphore_mem>>) src(%dma_wait3A_478 : memref<50x64xf32, #tpu.memory_space<vmem>>) dst(%dma_wait3A_475 : memref<50x64xf32, #tpu.memory_space<hbm>>)
    %dma_wait3A_479 = arith.constant 0 : i32
    %dma_wait3A_480 = arith.constant 0 : i32
    %dma_wait3A_481 = arith.constant 0 : i32
    %dma_wait3A_482 = tpu.memref_slice %arg9[%dma_wait3A_480, %dma_wait3A_481] : memref<800x64xf32, #tpu.memory_space<vmem>> -> memref<50x64xf32, #tpu.memory_space<vmem>>
    %dma_wait3A_483 = arith.constant 0 : i32
    %dma_wait3A_484 = arith.constant 0 : i32
    %dma_wait3A_485 = tpu.memref_slice %arg4[%dma_wait3A_479, %dma_wait3A_483, %dma_wait3A_484] : memref<16384x56x128xf32, #tpu.memory_space<hbm>> -> memref<1x50x64xf32, #tpu.memory_space<hbm>>
    %dma_wait3A_486 = tpu.memref_squeeze %dma_wait3A_485 : memref<1x50x64xf32, #tpu.memory_space<hbm>> -> memref<50x64xf32, #tpu.memory_space<hbm>>
    %dma_wait3A_487 = arith.constant 0 : i32
    %dma_wait3A_488 = arith.constant 0 : i32
    %dma_wait3A_489 = tpu.memref_slice %arg4[%dma_wait3A_479, %dma_wait3A_487, %dma_wait3A_488] : memref<16384x56x128xf32, #tpu.memory_space<hbm>> -> memref<1x50x64xf32, #tpu.memory_space<hbm>>
    %dma_wait3A_490 = tpu.memref_squeeze %dma_wait3A_489 : memref<1x50x64xf32, #tpu.memory_space<hbm>> -> memref<50x64xf32, #tpu.memory_space<hbm>>
    %dma_wait3A_491 = arith.constant 0 : i32
    %dma_wait3A_492 = arith.constant 0 : i32
    %dma_wait3A_493 = tpu.memref_slice %arg9[%dma_wait3A_491, %dma_wait3A_492] : memref<800x64xf32, #tpu.memory_space<vmem>> -> memref<50x64xf32, #tpu.memory_space<vmem>>
    tpu.wait_dma2 semaphore(%arg17 : memref<!tpu.dma_semaphore, #tpu.memory_space<semaphore_mem>>) src(%dma_wait3A_493 : memref<50x64xf32, #tpu.memory_space<vmem>>) dst(%dma_wait3A_490 : memref<50x64xf32, #tpu.memory_space<hbm>>)
    %dma_wait3A_494 = arith.constant 0 : i32
    %dma_wait3A_495 = arith.constant 0 : i32
    %dma_wait3A_496 = arith.constant 0 : i32
    %dma_wait3A_497 = tpu.memref_slice %arg9[%dma_wait3A_495, %dma_wait3A_496] : memref<800x64xf32, #tpu.memory_space<vmem>> -> memref<50x64xf32, #tpu.memory_space<vmem>>
    %dma_wait3A_498 = arith.constant 0 : i32
    %dma_wait3A_499 = arith.constant 0 : i32
    %dma_wait3A_500 = tpu.memref_slice %arg4[%dma_wait3A_494, %dma_wait3A_498, %dma_wait3A_499] : memref<16384x56x128xf32, #tpu.memory_space<hbm>> -> memref<1x50x64xf32, #tpu.memory_space<hbm>>
    %dma_wait3A_501 = tpu.memref_squeeze %dma_wait3A_500 : memref<1x50x64xf32, #tpu.memory_space<hbm>> -> memref<50x64xf32, #tpu.memory_space<hbm>>
    %dma_wait3A_502 = arith.constant 0 : i32
    %dma_wait3A_503 = arith.constant 0 : i32
    %dma_wait3A_504 = tpu.memref_slice %arg4[%dma_wait3A_494, %dma_wait3A_502, %dma_wait3A_503] : memref<16384x56x128xf32, #tpu.memory_space<hbm>> -> memref<1x50x64xf32, #tpu.memory_space<hbm>>
    %dma_wait3A_505 = tpu.memref_squeeze %dma_wait3A_504 : memref<1x50x64xf32, #tpu.memory_space<hbm>> -> memref<50x64xf32, #tpu.memory_space<hbm>>
    %dma_wait3A_506 = arith.constant 0 : i32
    %dma_wait3A_507 = arith.constant 0 : i32
    %dma_wait3A_508 = tpu.memref_slice %arg9[%dma_wait3A_506, %dma_wait3A_507] : memref<800x64xf32, #tpu.memory_space<vmem>> -> memref<50x64xf32, #tpu.memory_space<vmem>>
    tpu.wait_dma2 semaphore(%arg17 : memref<!tpu.dma_semaphore, #tpu.memory_space<semaphore_mem>>) src(%dma_wait3A_508 : memref<50x64xf32, #tpu.memory_space<vmem>>) dst(%dma_wait3A_505 : memref<50x64xf32, #tpu.memory_space<hbm>>)
    %dma_wait3A_509 = arith.constant 0 : i32
    %dma_wait3A_510 = arith.constant 0 : i32
    %dma_wait3A_511 = arith.constant 0 : i32
    %dma_wait3A_512 = tpu.memref_slice %arg9[%dma_wait3A_510, %dma_wait3A_511] : memref<800x64xf32, #tpu.memory_space<vmem>> -> memref<50x64xf32, #tpu.memory_space<vmem>>
    %dma_wait3A_513 = arith.constant 0 : i32
    %dma_wait3A_514 = arith.constant 0 : i32
    %dma_wait3A_515 = tpu.memref_slice %arg4[%dma_wait3A_509, %dma_wait3A_513, %dma_wait3A_514] : memref<16384x56x128xf32, #tpu.memory_space<hbm>> -> memref<1x50x64xf32, #tpu.memory_space<hbm>>
    %dma_wait3A_516 = tpu.memref_squeeze %dma_wait3A_515 : memref<1x50x64xf32, #tpu.memory_space<hbm>> -> memref<50x64xf32, #tpu.memory_space<hbm>>
    %dma_wait3A_517 = arith.constant 0 : i32
    %dma_wait3A_518 = arith.constant 0 : i32
    %dma_wait3A_519 = tpu.memref_slice %arg4[%dma_wait3A_509, %dma_wait3A_517, %dma_wait3A_518] : memref<16384x56x128xf32, #tpu.memory_space<hbm>> -> memref<1x50x64xf32, #tpu.memory_space<hbm>>
    %dma_wait3A_520 = tpu.memref_squeeze %dma_wait3A_519 : memref<1x50x64xf32, #tpu.memory_space<hbm>> -> memref<50x64xf32, #tpu.memory_space<hbm>>
    %dma_wait3A_521 = arith.constant 0 : i32
    %dma_wait3A_522 = arith.constant 0 : i32
    %dma_wait3A_523 = tpu.memref_slice %arg9[%dma_wait3A_521, %dma_wait3A_522] : memref<800x64xf32, #tpu.memory_space<vmem>> -> memref<50x64xf32, #tpu.memory_space<vmem>>
    tpu.wait_dma2 semaphore(%arg17 : memref<!tpu.dma_semaphore, #tpu.memory_space<semaphore_mem>>) src(%dma_wait3A_523 : memref<50x64xf32, #tpu.memory_space<vmem>>) dst(%dma_wait3A_520 : memref<50x64xf32, #tpu.memory_space<hbm>>)
    %dma_wait3A_524 = arith.constant 0 : i32
    %dma_wait3A_525 = arith.constant 0 : i32
    %dma_wait3A_526 = arith.constant 0 : i32
    %dma_wait3A_527 = tpu.memref_slice %arg10[%dma_wait3A_525, %dma_wait3A_526] : memref<800x64xf32, #tpu.memory_space<vmem>> -> memref<50x64xf32, #tpu.memory_space<vmem>>
    %dma_wait3A_528 = arith.constant 0 : i32
    %dma_wait3A_529 = arith.constant 0 : i32
    %dma_wait3A_530 = tpu.memref_slice %arg4[%dma_wait3A_524, %dma_wait3A_528, %dma_wait3A_529] : memref<16384x56x128xf32, #tpu.memory_space<hbm>> -> memref<1x50x64xf32, #tpu.memory_space<hbm>>
    %dma_wait3A_531 = tpu.memref_squeeze %dma_wait3A_530 : memref<1x50x64xf32, #tpu.memory_space<hbm>> -> memref<50x64xf32, #tpu.memory_space<hbm>>
    %dma_wait3A_532 = arith.constant 0 : i32
    %dma_wait3A_533 = arith.constant 0 : i32
    %dma_wait3A_534 = tpu.memref_slice %arg4[%dma_wait3A_524, %dma_wait3A_532, %dma_wait3A_533] : memref<16384x56x128xf32, #tpu.memory_space<hbm>> -> memref<1x50x64xf32, #tpu.memory_space<hbm>>
    %dma_wait3A_535 = tpu.memref_squeeze %dma_wait3A_534 : memref<1x50x64xf32, #tpu.memory_space<hbm>> -> memref<50x64xf32, #tpu.memory_space<hbm>>
    %dma_wait3A_536 = arith.constant 0 : i32
    %dma_wait3A_537 = arith.constant 0 : i32
    %dma_wait3A_538 = tpu.memref_slice %arg10[%dma_wait3A_536, %dma_wait3A_537] : memref<800x64xf32, #tpu.memory_space<vmem>> -> memref<50x64xf32, #tpu.memory_space<vmem>>
    tpu.wait_dma2 semaphore(%arg18 : memref<!tpu.dma_semaphore, #tpu.memory_space<semaphore_mem>>) src(%dma_wait3A_538 : memref<50x64xf32, #tpu.memory_space<vmem>>) dst(%dma_wait3A_535 : memref<50x64xf32, #tpu.memory_space<hbm>>)
    %dma_wait3A_539 = arith.constant 0 : i32
    %dma_wait3A_540 = arith.constant 0 : i32
    %dma_wait3A_541 = arith.constant 0 : i32
    %dma_wait3A_542 = tpu.memref_slice %arg10[%dma_wait3A_540, %dma_wait3A_541] : memref<800x64xf32, #tpu.memory_space<vmem>> -> memref<50x64xf32, #tpu.memory_space<vmem>>
    %dma_wait3A_543 = arith.constant 0 : i32
    %dma_wait3A_544 = arith.constant 0 : i32
    %dma_wait3A_545 = tpu.memref_slice %arg4[%dma_wait3A_539, %dma_wait3A_543, %dma_wait3A_544] : memref<16384x56x128xf32, #tpu.memory_space<hbm>> -> memref<1x50x64xf32, #tpu.memory_space<hbm>>
    %dma_wait3A_546 = tpu.memref_squeeze %dma_wait3A_545 : memref<1x50x64xf32, #tpu.memory_space<hbm>> -> memref<50x64xf32, #tpu.memory_space<hbm>>
    %dma_wait3A_547 = arith.constant 0 : i32
    %dma_wait3A_548 = arith.constant 0 : i32
    %dma_wait3A_549 = tpu.memref_slice %arg4[%dma_wait3A_539, %dma_wait3A_547, %dma_wait3A_548] : memref<16384x56x128xf32, #tpu.memory_space<hbm>> -> memref<1x50x64xf32, #tpu.memory_space<hbm>>
    %dma_wait3A_550 = tpu.memref_squeeze %dma_wait3A_549 : memref<1x50x64xf32, #tpu.memory_space<hbm>> -> memref<50x64xf32, #tpu.memory_space<hbm>>
    %dma_wait3A_551 = arith.constant 0 : i32
    %dma_wait3A_552 = arith.constant 0 : i32
    %dma_wait3A_553 = tpu.memref_slice %arg10[%dma_wait3A_551, %dma_wait3A_552] : memref<800x64xf32, #tpu.memory_space<vmem>> -> memref<50x64xf32, #tpu.memory_space<vmem>>
    tpu.wait_dma2 semaphore(%arg18 : memref<!tpu.dma_semaphore, #tpu.memory_space<semaphore_mem>>) src(%dma_wait3A_553 : memref<50x64xf32, #tpu.memory_space<vmem>>) dst(%dma_wait3A_550 : memref<50x64xf32, #tpu.memory_space<hbm>>)
    %dma_wait3A_554 = arith.constant 0 : i32
    %dma_wait3A_555 = arith.constant 0 : i32
    %dma_wait3A_556 = arith.constant 0 : i32
    %dma_wait3A_557 = tpu.memref_slice %arg10[%dma_wait3A_555, %dma_wait3A_556] : memref<800x64xf32, #tpu.memory_space<vmem>> -> memref<50x64xf32, #tpu.memory_space<vmem>>
    %dma_wait3A_558 = arith.constant 0 : i32
    %dma_wait3A_559 = arith.constant 0 : i32
    %dma_wait3A_560 = tpu.memref_slice %arg4[%dma_wait3A_554, %dma_wait3A_558, %dma_wait3A_559] : memref<16384x56x128xf32, #tpu.memory_space<hbm>> -> memref<1x50x64xf32, #tpu.memory_space<hbm>>
    %dma_wait3A_561 = tpu.memref_squeeze %dma_wait3A_560 : memref<1x50x64xf32, #tpu.memory_space<hbm>> -> memref<50x64xf32, #tpu.memory_space<hbm>>
    %dma_wait3A_562 = arith.constant 0 : i32
    %dma_wait3A_563 = arith.constant 0 : i32
    %dma_wait3A_564 = tpu.memref_slice %arg4[%dma_wait3A_554, %dma_wait3A_562, %dma_wait3A_563] : memref<16384x56x128xf32, #tpu.memory_space<hbm>> -> memref<1x50x64xf32, #tpu.memory_space<hbm>>
    %dma_wait3A_565 = tpu.memref_squeeze %dma_wait3A_564 : memref<1x50x64xf32, #tpu.memory_space<hbm>> -> memref<50x64xf32, #tpu.memory_space<hbm>>
    %dma_wait3A_566 = arith.constant 0 : i32
    %dma_wait3A_567 = arith.constant 0 : i32
    %dma_wait3A_568 = tpu.memref_slice %arg10[%dma_wait3A_566, %dma_wait3A_567] : memref<800x64xf32, #tpu.memory_space<vmem>> -> memref<50x64xf32, #tpu.memory_space<vmem>>
    tpu.wait_dma2 semaphore(%arg18 : memref<!tpu.dma_semaphore, #tpu.memory_space<semaphore_mem>>) src(%dma_wait3A_568 : memref<50x64xf32, #tpu.memory_space<vmem>>) dst(%dma_wait3A_565 : memref<50x64xf32, #tpu.memory_space<hbm>>)
    %dma_wait3A_569 = arith.constant 0 : i32
    %dma_wait3A_570 = arith.constant 0 : i32
    %dma_wait3A_571 = arith.constant 0 : i32
    %dma_wait3A_572 = tpu.memref_slice %arg10[%dma_wait3A_570, %dma_wait3A_571] : memref<800x64xf32, #tpu.memory_space<vmem>> -> memref<50x64xf32, #tpu.memory_space<vmem>>
    %dma_wait3A_573 = arith.constant 0 : i32
    %dma_wait3A_574 = arith.constant 0 : i32
    %dma_wait3A_575 = tpu.memref_slice %arg4[%dma_wait3A_569, %dma_wait3A_573, %dma_wait3A_574] : memref<16384x56x128xf32, #tpu.memory_space<hbm>> -> memref<1x50x64xf32, #tpu.memory_space<hbm>>
    %dma_wait3A_576 = tpu.memref_squeeze %dma_wait3A_575 : memref<1x50x64xf32, #tpu.memory_space<hbm>> -> memref<50x64xf32, #tpu.memory_space<hbm>>
    %dma_wait3A_577 = arith.constant 0 : i32
    %dma_wait3A_578 = arith.constant 0 : i32
    %dma_wait3A_579 = tpu.memref_slice %arg4[%dma_wait3A_569, %dma_wait3A_577, %dma_wait3A_578] : memref<16384x56x128xf32, #tpu.memory_space<hbm>> -> memref<1x50x64xf32, #tpu.memory_space<hbm>>
    %dma_wait3A_580 = tpu.memref_squeeze %dma_wait3A_579 : memref<1x50x64xf32, #tpu.memory_space<hbm>> -> memref<50x64xf32, #tpu.memory_space<hbm>>
    %dma_wait3A_581 = arith.constant 0 : i32
    %dma_wait3A_582 = arith.constant 0 : i32
    %dma_wait3A_583 = tpu.memref_slice %arg10[%dma_wait3A_581, %dma_wait3A_582] : memref<800x64xf32, #tpu.memory_space<vmem>> -> memref<50x64xf32, #tpu.memory_space<vmem>>
    tpu.wait_dma2 semaphore(%arg18 : memref<!tpu.dma_semaphore, #tpu.memory_space<semaphore_mem>>) src(%dma_wait3A_583 : memref<50x64xf32, #tpu.memory_space<vmem>>) dst(%dma_wait3A_580 : memref<50x64xf32, #tpu.memory_space<hbm>>)
    %dma_wait3A_584 = arith.constant 0 : i32
    %dma_wait3A_585 = arith.constant 0 : i32
    %dma_wait3A_586 = arith.constant 0 : i32
    %dma_wait3A_587 = tpu.memref_slice %arg10[%dma_wait3A_585, %dma_wait3A_586] : memref<800x64xf32, #tpu.memory_space<vmem>> -> memref<50x64xf32, #tpu.memory_space<vmem>>
    %dma_wait3A_588 = arith.constant 0 : i32
    %dma_wait3A_589 = arith.constant 0 : i32
    %dma_wait3A_590 = tpu.memref_slice %arg4[%dma_wait3A_584, %dma_wait3A_588, %dma_wait3A_589] : memref<16384x56x128xf32, #tpu.memory_space<hbm>> -> memref<1x50x64xf32, #tpu.memory_space<hbm>>
    %dma_wait3A_591 = tpu.memref_squeeze %dma_wait3A_590 : memref<1x50x64xf32, #tpu.memory_space<hbm>> -> memref<50x64xf32, #tpu.memory_space<hbm>>
    %dma_wait3A_592 = arith.constant 0 : i32
    %dma_wait3A_593 = arith.constant 0 : i32
    %dma_wait3A_594 = tpu.memref_slice %arg4[%dma_wait3A_584, %dma_wait3A_592, %dma_wait3A_593] : memref<16384x56x128xf32, #tpu.memory_space<hbm>> -> memref<1x50x64xf32, #tpu.memory_space<hbm>>
    %dma_wait3A_595 = tpu.memref_squeeze %dma_wait3A_594 : memref<1x50x64xf32, #tpu.memory_space<hbm>> -> memref<50x64xf32, #tpu.memory_space<hbm>>
    %dma_wait3A_596 = arith.constant 0 : i32
    %dma_wait3A_597 = arith.constant 0 : i32
    %dma_wait3A_598 = tpu.memref_slice %arg10[%dma_wait3A_596, %dma_wait3A_597] : memref<800x64xf32, #tpu.memory_space<vmem>> -> memref<50x64xf32, #tpu.memory_space<vmem>>
    tpu.wait_dma2 semaphore(%arg18 : memref<!tpu.dma_semaphore, #tpu.memory_space<semaphore_mem>>) src(%dma_wait3A_598 : memref<50x64xf32, #tpu.memory_space<vmem>>) dst(%dma_wait3A_595 : memref<50x64xf32, #tpu.memory_space<hbm>>)
    %dma_wait3A_599 = arith.constant 0 : i32
    %dma_wait3A_600 = arith.constant 0 : i32
    %dma_wait3A_601 = arith.constant 0 : i32
    %dma_wait3A_602 = tpu.memref_slice %arg10[%dma_wait3A_600, %dma_wait3A_601] : memref<800x64xf32, #tpu.memory_space<vmem>> -> memref<50x64xf32, #tpu.memory_space<vmem>>
    %dma_wait3A_603 = arith.constant 0 : i32
    %dma_wait3A_604 = arith.constant 0 : i32
    %dma_wait3A_605 = tpu.memref_slice %arg4[%dma_wait3A_599, %dma_wait3A_603, %dma_wait3A_604] : memref<16384x56x128xf32, #tpu.memory_space<hbm>> -> memref<1x50x64xf32, #tpu.memory_space<hbm>>
    %dma_wait3A_606 = tpu.memref_squeeze %dma_wait3A_605 : memref<1x50x64xf32, #tpu.memory_space<hbm>> -> memref<50x64xf32, #tpu.memory_space<hbm>>
    %dma_wait3A_607 = arith.constant 0 : i32
    %dma_wait3A_608 = arith.constant 0 : i32
    %dma_wait3A_609 = tpu.memref_slice %arg4[%dma_wait3A_599, %dma_wait3A_607, %dma_wait3A_608] : memref<16384x56x128xf32, #tpu.memory_space<hbm>> -> memref<1x50x64xf32, #tpu.memory_space<hbm>>
    %dma_wait3A_610 = tpu.memref_squeeze %dma_wait3A_609 : memref<1x50x64xf32, #tpu.memory_space<hbm>> -> memref<50x64xf32, #tpu.memory_space<hbm>>
    %dma_wait3A_611 = arith.constant 0 : i32
    %dma_wait3A_612 = arith.constant 0 : i32
    %dma_wait3A_613 = tpu.memref_slice %arg10[%dma_wait3A_611, %dma_wait3A_612] : memref<800x64xf32, #tpu.memory_space<vmem>> -> memref<50x64xf32, #tpu.memory_space<vmem>>
    tpu.wait_dma2 semaphore(%arg18 : memref<!tpu.dma_semaphore, #tpu.memory_space<semaphore_mem>>) src(%dma_wait3A_613 : memref<50x64xf32, #tpu.memory_space<vmem>>) dst(%dma_wait3A_610 : memref<50x64xf32, #tpu.memory_space<hbm>>)
    %dma_wait3A_614 = arith.constant 0 : i32
    %dma_wait3A_615 = arith.constant 0 : i32
    %dma_wait3A_616 = arith.constant 0 : i32
    %dma_wait3A_617 = tpu.memref_slice %arg10[%dma_wait3A_615, %dma_wait3A_616] : memref<800x64xf32, #tpu.memory_space<vmem>> -> memref<50x64xf32, #tpu.memory_space<vmem>>
    %dma_wait3A_618 = arith.constant 0 : i32
    %dma_wait3A_619 = arith.constant 0 : i32
    %dma_wait3A_620 = tpu.memref_slice %arg4[%dma_wait3A_614, %dma_wait3A_618, %dma_wait3A_619] : memref<16384x56x128xf32, #tpu.memory_space<hbm>> -> memref<1x50x64xf32, #tpu.memory_space<hbm>>
    %dma_wait3A_621 = tpu.memref_squeeze %dma_wait3A_620 : memref<1x50x64xf32, #tpu.memory_space<hbm>> -> memref<50x64xf32, #tpu.memory_space<hbm>>
    %dma_wait3A_622 = arith.constant 0 : i32
    %dma_wait3A_623 = arith.constant 0 : i32
    %dma_wait3A_624 = tpu.memref_slice %arg4[%dma_wait3A_614, %dma_wait3A_622, %dma_wait3A_623] : memref<16384x56x128xf32, #tpu.memory_space<hbm>> -> memref<1x50x64xf32, #tpu.memory_space<hbm>>
    %dma_wait3A_625 = tpu.memref_squeeze %dma_wait3A_624 : memref<1x50x64xf32, #tpu.memory_space<hbm>> -> memref<50x64xf32, #tpu.memory_space<hbm>>
    %dma_wait3A_626 = arith.constant 0 : i32
    %dma_wait3A_627 = arith.constant 0 : i32
    %dma_wait3A_628 = tpu.memref_slice %arg10[%dma_wait3A_626, %dma_wait3A_627] : memref<800x64xf32, #tpu.memory_space<vmem>> -> memref<50x64xf32, #tpu.memory_space<vmem>>
    tpu.wait_dma2 semaphore(%arg18 : memref<!tpu.dma_semaphore, #tpu.memory_space<semaphore_mem>>) src(%dma_wait3A_628 : memref<50x64xf32, #tpu.memory_space<vmem>>) dst(%dma_wait3A_625 : memref<50x64xf32, #tpu.memory_space<hbm>>)
    %dma_wait3A_629 = arith.constant 0 : i32
    %dma_wait3A_630 = arith.constant 0 : i32
    %dma_wait3A_631 = arith.constant 0 : i32
    %dma_wait3A_632 = tpu.memref_slice %arg10[%dma_wait3A_630, %dma_wait3A_631] : memref<800x64xf32, #tpu.memory_space<vmem>> -> memref<50x64xf32, #tpu.memory_space<vmem>>
    %dma_wait3A_633 = arith.constant 0 : i32
    %dma_wait3A_634 = arith.constant 0 : i32
    %dma_wait3A_635 = tpu.memref_slice %arg4[%dma_wait3A_629, %dma_wait3A_633, %dma_wait3A_634] : memref<16384x56x128xf32, #tpu.memory_space<hbm>> -> memref<1x50x64xf32, #tpu.memory_space<hbm>>
    %dma_wait3A_636 = tpu.memref_squeeze %dma_wait3A_635 : memref<1x50x64xf32, #tpu.memory_space<hbm>> -> memref<50x64xf32, #tpu.memory_space<hbm>>
    %dma_wait3A_637 = arith.constant 0 : i32
    %dma_wait3A_638 = arith.constant 0 : i32
    %dma_wait3A_639 = tpu.memref_slice %arg4[%dma_wait3A_629, %dma_wait3A_637, %dma_wait3A_638] : memref<16384x56x128xf32, #tpu.memory_space<hbm>> -> memref<1x50x64xf32, #tpu.memory_space<hbm>>
    %dma_wait3A_640 = tpu.memref_squeeze %dma_wait3A_639 : memref<1x50x64xf32, #tpu.memory_space<hbm>> -> memref<50x64xf32, #tpu.memory_space<hbm>>
    %dma_wait3A_641 = arith.constant 0 : i32
    %dma_wait3A_642 = arith.constant 0 : i32
    %dma_wait3A_643 = tpu.memref_slice %arg10[%dma_wait3A_641, %dma_wait3A_642] : memref<800x64xf32, #tpu.memory_space<vmem>> -> memref<50x64xf32, #tpu.memory_space<vmem>>
    tpu.wait_dma2 semaphore(%arg18 : memref<!tpu.dma_semaphore, #tpu.memory_space<semaphore_mem>>) src(%dma_wait3A_643 : memref<50x64xf32, #tpu.memory_space<vmem>>) dst(%dma_wait3A_640 : memref<50x64xf32, #tpu.memory_space<hbm>>)
    %dma_wait3A_644 = arith.constant 0 : i32
    %dma_wait3A_645 = arith.constant 0 : i32
    %dma_wait3A_646 = arith.constant 0 : i32
    %dma_wait3A_647 = tpu.memref_slice %arg10[%dma_wait3A_645, %dma_wait3A_646] : memref<800x64xf32, #tpu.memory_space<vmem>> -> memref<50x64xf32, #tpu.memory_space<vmem>>
    %dma_wait3A_648 = arith.constant 0 : i32
    %dma_wait3A_649 = arith.constant 0 : i32
    %dma_wait3A_650 = tpu.memref_slice %arg4[%dma_wait3A_644, %dma_wait3A_648, %dma_wait3A_649] : memref<16384x56x128xf32, #tpu.memory_space<hbm>> -> memref<1x50x64xf32, #tpu.memory_space<hbm>>
    %dma_wait3A_651 = tpu.memref_squeeze %dma_wait3A_650 : memref<1x50x64xf32, #tpu.memory_space<hbm>> -> memref<50x64xf32, #tpu.memory_space<hbm>>
    %dma_wait3A_652 = arith.constant 0 : i32
    %dma_wait3A_653 = arith.constant 0 : i32
    %dma_wait3A_654 = tpu.memref_slice %arg4[%dma_wait3A_644, %dma_wait3A_652, %dma_wait3A_653] : memref<16384x56x128xf32, #tpu.memory_space<hbm>> -> memref<1x50x64xf32, #tpu.memory_space<hbm>>
    %dma_wait3A_655 = tpu.memref_squeeze %dma_wait3A_654 : memref<1x50x64xf32, #tpu.memory_space<hbm>> -> memref<50x64xf32, #tpu.memory_space<hbm>>
    %dma_wait3A_656 = arith.constant 0 : i32
    %dma_wait3A_657 = arith.constant 0 : i32
    %dma_wait3A_658 = tpu.memref_slice %arg10[%dma_wait3A_656, %dma_wait3A_657] : memref<800x64xf32, #tpu.memory_space<vmem>> -> memref<50x64xf32, #tpu.memory_space<vmem>>
    tpu.wait_dma2 semaphore(%arg18 : memref<!tpu.dma_semaphore, #tpu.memory_space<semaphore_mem>>) src(%dma_wait3A_658 : memref<50x64xf32, #tpu.memory_space<vmem>>) dst(%dma_wait3A_655 : memref<50x64xf32, #tpu.memory_space<hbm>>)
    %dma_wait3A_659 = arith.constant 0 : i32
    %dma_wait3A_660 = arith.constant 0 : i32
    %dma_wait3A_661 = arith.constant 0 : i32
    %dma_wait3A_662 = tpu.memref_slice %arg10[%dma_wait3A_660, %dma_wait3A_661] : memref<800x64xf32, #tpu.memory_space<vmem>> -> memref<50x64xf32, #tpu.memory_space<vmem>>
    %dma_wait3A_663 = arith.constant 0 : i32
    %dma_wait3A_664 = arith.constant 0 : i32
    %dma_wait3A_665 = tpu.memref_slice %arg4[%dma_wait3A_659, %dma_wait3A_663, %dma_wait3A_664] : memref<16384x56x128xf32, #tpu.memory_space<hbm>> -> memref<1x50x64xf32, #tpu.memory_space<hbm>>
    %dma_wait3A_666 = tpu.memref_squeeze %dma_wait3A_665 : memref<1x50x64xf32, #tpu.memory_space<hbm>> -> memref<50x64xf32, #tpu.memory_space<hbm>>
    %dma_wait3A_667 = arith.constant 0 : i32
    %dma_wait3A_668 = arith.constant 0 : i32
    %dma_wait3A_669 = tpu.memref_slice %arg4[%dma_wait3A_659, %dma_wait3A_667, %dma_wait3A_668] : memref<16384x56x128xf32, #tpu.memory_space<hbm>> -> memref<1x50x64xf32, #tpu.memory_space<hbm>>
    %dma_wait3A_670 = tpu.memref_squeeze %dma_wait3A_669 : memref<1x50x64xf32, #tpu.memory_space<hbm>> -> memref<50x64xf32, #tpu.memory_space<hbm>>
    %dma_wait3A_671 = arith.constant 0 : i32
    %dma_wait3A_672 = arith.constant 0 : i32
    %dma_wait3A_673 = tpu.memref_slice %arg10[%dma_wait3A_671, %dma_wait3A_672] : memref<800x64xf32, #tpu.memory_space<vmem>> -> memref<50x64xf32, #tpu.memory_space<vmem>>
    tpu.wait_dma2 semaphore(%arg18 : memref<!tpu.dma_semaphore, #tpu.memory_space<semaphore_mem>>) src(%dma_wait3A_673 : memref<50x64xf32, #tpu.memory_space<vmem>>) dst(%dma_wait3A_670 : memref<50x64xf32, #tpu.memory_space<hbm>>)
    %dma_wait3A_674 = arith.constant 0 : i32
    %dma_wait3A_675 = arith.constant 0 : i32
    %dma_wait3A_676 = arith.constant 0 : i32
    %dma_wait3A_677 = tpu.memref_slice %arg10[%dma_wait3A_675, %dma_wait3A_676] : memref<800x64xf32, #tpu.memory_space<vmem>> -> memref<50x64xf32, #tpu.memory_space<vmem>>
    %dma_wait3A_678 = arith.constant 0 : i32
    %dma_wait3A_679 = arith.constant 0 : i32
    %dma_wait3A_680 = tpu.memref_slice %arg4[%dma_wait3A_674, %dma_wait3A_678, %dma_wait3A_679] : memref<16384x56x128xf32, #tpu.memory_space<hbm>> -> memref<1x50x64xf32, #tpu.memory_space<hbm>>
    %dma_wait3A_681 = tpu.memref_squeeze %dma_wait3A_680 : memref<1x50x64xf32, #tpu.memory_space<hbm>> -> memref<50x64xf32, #tpu.memory_space<hbm>>
    %dma_wait3A_682 = arith.constant 0 : i32
    %dma_wait3A_683 = arith.constant 0 : i32
    %dma_wait3A_684 = tpu.memref_slice %arg4[%dma_wait3A_674, %dma_wait3A_682, %dma_wait3A_683] : memref<16384x56x128xf32, #tpu.memory_space<hbm>> -> memref<1x50x64xf32, #tpu.memory_space<hbm>>
    %dma_wait3A_685 = tpu.memref_squeeze %dma_wait3A_684 : memref<1x50x64xf32, #tpu.memory_space<hbm>> -> memref<50x64xf32, #tpu.memory_space<hbm>>
    %dma_wait3A_686 = arith.constant 0 : i32
    %dma_wait3A_687 = arith.constant 0 : i32
    %dma_wait3A_688 = tpu.memref_slice %arg10[%dma_wait3A_686, %dma_wait3A_687] : memref<800x64xf32, #tpu.memory_space<vmem>> -> memref<50x64xf32, #tpu.memory_space<vmem>>
    tpu.wait_dma2 semaphore(%arg18 : memref<!tpu.dma_semaphore, #tpu.memory_space<semaphore_mem>>) src(%dma_wait3A_688 : memref<50x64xf32, #tpu.memory_space<vmem>>) dst(%dma_wait3A_685 : memref<50x64xf32, #tpu.memory_space<hbm>>)
    %dma_wait3A_689 = arith.constant 0 : i32
    %dma_wait3A_690 = arith.constant 0 : i32
    %dma_wait3A_691 = arith.constant 0 : i32
    %dma_wait3A_692 = tpu.memref_slice %arg10[%dma_wait3A_690, %dma_wait3A_691] : memref<800x64xf32, #tpu.memory_space<vmem>> -> memref<50x64xf32, #tpu.memory_space<vmem>>
    %dma_wait3A_693 = arith.constant 0 : i32
    %dma_wait3A_694 = arith.constant 0 : i32
    %dma_wait3A_695 = tpu.memref_slice %arg4[%dma_wait3A_689, %dma_wait3A_693, %dma_wait3A_694] : memref<16384x56x128xf32, #tpu.memory_space<hbm>> -> memref<1x50x64xf32, #tpu.memory_space<hbm>>
    %dma_wait3A_696 = tpu.memref_squeeze %dma_wait3A_695 : memref<1x50x64xf32, #tpu.memory_space<hbm>> -> memref<50x64xf32, #tpu.memory_space<hbm>>
    %dma_wait3A_697 = arith.constant 0 : i32
    %dma_wait3A_698 = arith.constant 0 : i32
    %dma_wait3A_699 = tpu.memref_slice %arg4[%dma_wait3A_689, %dma_wait3A_697, %dma_wait3A_698] : memref<16384x56x128xf32, #tpu.memory_space<hbm>> -> memref<1x50x64xf32, #tpu.memory_space<hbm>>
    %dma_wait3A_700 = tpu.memref_squeeze %dma_wait3A_699 : memref<1x50x64xf32, #tpu.memory_space<hbm>> -> memref<50x64xf32, #tpu.memory_space<hbm>>
    %dma_wait3A_701 = arith.constant 0 : i32
    %dma_wait3A_702 = arith.constant 0 : i32
    %dma_wait3A_703 = tpu.memref_slice %arg10[%dma_wait3A_701, %dma_wait3A_702] : memref<800x64xf32, #tpu.memory_space<vmem>> -> memref<50x64xf32, #tpu.memory_space<vmem>>
    tpu.wait_dma2 semaphore(%arg18 : memref<!tpu.dma_semaphore, #tpu.memory_space<semaphore_mem>>) src(%dma_wait3A_703 : memref<50x64xf32, #tpu.memory_space<vmem>>) dst(%dma_wait3A_700 : memref<50x64xf32, #tpu.memory_space<hbm>>)
    %dma_wait3A_704 = arith.constant 0 : i32
    %dma_wait3A_705 = arith.constant 0 : i32
    %dma_wait3A_706 = arith.constant 0 : i32
    %dma_wait3A_707 = tpu.memref_slice %arg10[%dma_wait3A_705, %dma_wait3A_706] : memref<800x64xf32, #tpu.memory_space<vmem>> -> memref<50x64xf32, #tpu.memory_space<vmem>>
    %dma_wait3A_708 = arith.constant 0 : i32
    %dma_wait3A_709 = arith.constant 0 : i32
    %dma_wait3A_710 = tpu.memref_slice %arg4[%dma_wait3A_704, %dma_wait3A_708, %dma_wait3A_709] : memref<16384x56x128xf32, #tpu.memory_space<hbm>> -> memref<1x50x64xf32, #tpu.memory_space<hbm>>
    %dma_wait3A_711 = tpu.memref_squeeze %dma_wait3A_710 : memref<1x50x64xf32, #tpu.memory_space<hbm>> -> memref<50x64xf32, #tpu.memory_space<hbm>>
    %dma_wait3A_712 = arith.constant 0 : i32
    %dma_wait3A_713 = arith.constant 0 : i32
    %dma_wait3A_714 = tpu.memref_slice %arg4[%dma_wait3A_704, %dma_wait3A_712, %dma_wait3A_713] : memref<16384x56x128xf32, #tpu.memory_space<hbm>> -> memref<1x50x64xf32, #tpu.memory_space<hbm>>
    %dma_wait3A_715 = tpu.memref_squeeze %dma_wait3A_714 : memref<1x50x64xf32, #tpu.memory_space<hbm>> -> memref<50x64xf32, #tpu.memory_space<hbm>>
    %dma_wait3A_716 = arith.constant 0 : i32
    %dma_wait3A_717 = arith.constant 0 : i32
    %dma_wait3A_718 = tpu.memref_slice %arg10[%dma_wait3A_716, %dma_wait3A_717] : memref<800x64xf32, #tpu.memory_space<vmem>> -> memref<50x64xf32, #tpu.memory_space<vmem>>
    tpu.wait_dma2 semaphore(%arg18 : memref<!tpu.dma_semaphore, #tpu.memory_space<semaphore_mem>>) src(%dma_wait3A_718 : memref<50x64xf32, #tpu.memory_space<vmem>>) dst(%dma_wait3A_715 : memref<50x64xf32, #tpu.memory_space<hbm>>)
    %dma_wait3A_719 = arith.constant 0 : i32
    %dma_wait3A_720 = arith.constant 0 : i32
    %dma_wait3A_721 = arith.constant 0 : i32
    %dma_wait3A_722 = tpu.memref_slice %arg10[%dma_wait3A_720, %dma_wait3A_721] : memref<800x64xf32, #tpu.memory_space<vmem>> -> memref<50x64xf32, #tpu.memory_space<vmem>>
    %dma_wait3A_723 = arith.constant 0 : i32
    %dma_wait3A_724 = arith.constant 0 : i32
    %dma_wait3A_725 = tpu.memref_slice %arg4[%dma_wait3A_719, %dma_wait3A_723, %dma_wait3A_724] : memref<16384x56x128xf32, #tpu.memory_space<hbm>> -> memref<1x50x64xf32, #tpu.memory_space<hbm>>
    %dma_wait3A_726 = tpu.memref_squeeze %dma_wait3A_725 : memref<1x50x64xf32, #tpu.memory_space<hbm>> -> memref<50x64xf32, #tpu.memory_space<hbm>>
    %dma_wait3A_727 = arith.constant 0 : i32
    %dma_wait3A_728 = arith.constant 0 : i32
    %dma_wait3A_729 = tpu.memref_slice %arg4[%dma_wait3A_719, %dma_wait3A_727, %dma_wait3A_728] : memref<16384x56x128xf32, #tpu.memory_space<hbm>> -> memref<1x50x64xf32, #tpu.memory_space<hbm>>
    %dma_wait3A_730 = tpu.memref_squeeze %dma_wait3A_729 : memref<1x50x64xf32, #tpu.memory_space<hbm>> -> memref<50x64xf32, #tpu.memory_space<hbm>>
    %dma_wait3A_731 = arith.constant 0 : i32
    %dma_wait3A_732 = arith.constant 0 : i32
    %dma_wait3A_733 = tpu.memref_slice %arg10[%dma_wait3A_731, %dma_wait3A_732] : memref<800x64xf32, #tpu.memory_space<vmem>> -> memref<50x64xf32, #tpu.memory_space<vmem>>
    tpu.wait_dma2 semaphore(%arg18 : memref<!tpu.dma_semaphore, #tpu.memory_space<semaphore_mem>>) src(%dma_wait3A_733 : memref<50x64xf32, #tpu.memory_space<vmem>>) dst(%dma_wait3A_730 : memref<50x64xf32, #tpu.memory_space<hbm>>)
    %dma_wait3A_734 = arith.constant 0 : i32
    %dma_wait3A_735 = arith.constant 0 : i32
    %dma_wait3A_736 = arith.constant 0 : i32
    %dma_wait3A_737 = tpu.memref_slice %arg10[%dma_wait3A_735, %dma_wait3A_736] : memref<800x64xf32, #tpu.memory_space<vmem>> -> memref<50x64xf32, #tpu.memory_space<vmem>>
    %dma_wait3A_738 = arith.constant 0 : i32
    %dma_wait3A_739 = arith.constant 0 : i32
    %dma_wait3A_740 = tpu.memref_slice %arg4[%dma_wait3A_734, %dma_wait3A_738, %dma_wait3A_739] : memref<16384x56x128xf32, #tpu.memory_space<hbm>> -> memref<1x50x64xf32, #tpu.memory_space<hbm>>
    %dma_wait3A_741 = tpu.memref_squeeze %dma_wait3A_740 : memref<1x50x64xf32, #tpu.memory_space<hbm>> -> memref<50x64xf32, #tpu.memory_space<hbm>>
    %dma_wait3A_742 = arith.constant 0 : i32
    %dma_wait3A_743 = arith.constant 0 : i32
    %dma_wait3A_744 = tpu.memref_slice %arg4[%dma_wait3A_734, %dma_wait3A_742, %dma_wait3A_743] : memref<16384x56x128xf32, #tpu.memory_space<hbm>> -> memref<1x50x64xf32, #tpu.memory_space<hbm>>
    %dma_wait3A_745 = tpu.memref_squeeze %dma_wait3A_744 : memref<1x50x64xf32, #tpu.memory_space<hbm>> -> memref<50x64xf32, #tpu.memory_space<hbm>>
    %dma_wait3A_746 = arith.constant 0 : i32
    %dma_wait3A_747 = arith.constant 0 : i32
    %dma_wait3A_748 = tpu.memref_slice %arg10[%dma_wait3A_746, %dma_wait3A_747] : memref<800x64xf32, #tpu.memory_space<vmem>> -> memref<50x64xf32, #tpu.memory_space<vmem>>
    tpu.wait_dma2 semaphore(%arg18 : memref<!tpu.dma_semaphore, #tpu.memory_space<semaphore_mem>>) src(%dma_wait3A_748 : memref<50x64xf32, #tpu.memory_space<vmem>>) dst(%dma_wait3A_745 : memref<50x64xf32, #tpu.memory_space<hbm>>)
    %dma_wait3A_749 = arith.constant 0 : i32
    %dma_wait3A_750 = arith.constant 0 : i32
    %dma_wait3A_751 = arith.constant 0 : i32
    %dma_wait3A_752 = tpu.memref_slice %arg10[%dma_wait3A_750, %dma_wait3A_751] : memref<800x64xf32, #tpu.memory_space<vmem>> -> memref<50x64xf32, #tpu.memory_space<vmem>>
    %dma_wait3A_753 = arith.constant 0 : i32
    %dma_wait3A_754 = arith.constant 0 : i32
    %dma_wait3A_755 = tpu.memref_slice %arg4[%dma_wait3A_749, %dma_wait3A_753, %dma_wait3A_754] : memref<16384x56x128xf32, #tpu.memory_space<hbm>> -> memref<1x50x64xf32, #tpu.memory_space<hbm>>
    %dma_wait3A_756 = tpu.memref_squeeze %dma_wait3A_755 : memref<1x50x64xf32, #tpu.memory_space<hbm>> -> memref<50x64xf32, #tpu.memory_space<hbm>>
    %dma_wait3A_757 = arith.constant 0 : i32
    %dma_wait3A_758 = arith.constant 0 : i32
    %dma_wait3A_759 = tpu.memref_slice %arg4[%dma_wait3A_749, %dma_wait3A_757, %dma_wait3A_758] : memref<16384x56x128xf32, #tpu.memory_space<hbm>> -> memref<1x50x64xf32, #tpu.memory_space<hbm>>
    %dma_wait3A_760 = tpu.memref_squeeze %dma_wait3A_759 : memref<1x50x64xf32, #tpu.memory_space<hbm>> -> memref<50x64xf32, #tpu.memory_space<hbm>>
    %dma_wait3A_761 = arith.constant 0 : i32
    %dma_wait3A_762 = arith.constant 0 : i32
    %dma_wait3A_763 = tpu.memref_slice %arg10[%dma_wait3A_761, %dma_wait3A_762] : memref<800x64xf32, #tpu.memory_space<vmem>> -> memref<50x64xf32, #tpu.memory_space<vmem>>
    tpu.wait_dma2 semaphore(%arg18 : memref<!tpu.dma_semaphore, #tpu.memory_space<semaphore_mem>>) src(%dma_wait3A_763 : memref<50x64xf32, #tpu.memory_space<vmem>>) dst(%dma_wait3A_760 : memref<50x64xf32, #tpu.memory_space<hbm>>)
    return
  }
}

</mosaic_0001>

<sc_bundles>
// kernel: _embedding_gather.3.cloned.1.call-start
scs
__scs_entry_jumppad:
0x0: {  	(pc) =	sbr.rel $0x88, $3  }
0x1: {  	(tag) =	ssettag $0x0;
	lr =	simm.s32 $0x1  }
0x2: {  	[smem:$0x3F9F] =	sst lr;
	_ =	strace $0xD0000000  }
0x3: {  	_ = 	snop  }
0x4: {  	_ = 	snop  }
0x5: {  	_ = 	snop  }
0x6: {  	_ = 	snop  }
0x7: {  	_ = 	snop  }
__scs_overlays_trampoline_lowered:
0x8: {  	[smem:$0x3FAE] =	sst s0  }
0x9: {  	[smem:$0x3FAF] =	sst s1  }
0xa: {  	[smem:$0x3FB0] =	sst s2  }
0xb: {  	[smem:$0x3FB1] =	sst s3  }
0xc: {  	[smem:$0x3FB2] =	sst s4  }
0xd: {  	[smem:$0x3FB3] =	sst s5  }
0xe: {  	[smem:$0x3FB4] =	sst s6  }
0xf: {  	[smem:$0x3FB5] =	sst s7  }
0x10: {  	[smem:$0x3FB6] =	sst s8  }
0x11: {  	[smem:$0x3FB7] =	sst s9;
	s0 =	simm.s32 @!p0 $0x0  }
0x12: {  	s1 =	sld [smem:$0x3F9D];
	s0 =	simm.s32 @p0 $0x1  }
0x13: {  	[smem:$0x3FB8] =	sst s0;
	s0 =	simm.s32 @!p1 $0x0  }
0x14: {  	s2 =	sld [smem:$0x3F9C];
	s0 =	simm.s32 @p1 $0x1  }
0x15: {  	[smem:$0x3FB9] =	sst s0;
	s0 =	simm.s32 @!p2 $0x0  }
0x16: {  	s3 =	sld [smem:$0x3FDB];
	s0 =	simm.s32 @p2 $0x1  }
0x17: {  	s4 =	simm.s32 $0x1BF5;
	[smem:$0x3FBB] =	sst s0  }
0x18: {  	s0 =	sld [smem:$0x3F9E];
	_ =	swait.ge [sflag:s4], $0x0  }
0x19: {  	s7 =	sld [smem:$0x3F9F]  }
0x1a: {  	s8 =	sadd.s32 $0xFFFFE003, lr  }
0x1b: {  	s9 =	sadd.s32 $0xFFFFFEF7, lr;
	s5 =	simm.s32 $0xFFFFFFFF;
	p2 =	slt.u32 s8, $0xFFFFF086  }
0x1c: {  	p1 =	slt.u32 s9, $0xF7A;
	s5 =	simm.s32 @!p2 $0x0  }
0x1d: {  	s5 =	simm.s32 @p1 $0x1;
	p0 =	seq.s32 s7, s2  }
0x1e: {  	s7 =	smul.u32 @!p0 $0xF7A, s2;
	p2 =	seq.s32 @!p0 s5, $0x0  }
0x1f: {  	s9 =	smul.u32 $0xF7A, s1;
	s8 =	simm.s32 @!p0 $0x1BF5;
	p2 =	por !p2, p0  }
0x20: {  	[sflag:s8] =	ssyncset.s32 @!p0 $0xFFFFF086;
	s6 =	sadd.s32 @!p0 s3, s7;
	s7 =	simm.s32 @!p0 $0x108  }
0x21: {  	s3 =	sadd.s32 s3, s9;
	s6 =	sadd.s32 @!p0 $0x88, s6;
	s7 =	simm.s32 @p2 $0x1082  }
0x22: {  	[simem:s7], [sflag:s8] =	dma.local @!p0 [hbm:s6], $0xF7A  }
0x23: {  	s9 =	sor.u32 $0xD0000000, s2;
	s6 =	simm.s32 $0x108;
	_ =	swait.ge @!p0 [sflag:s8], $0x0  }
0x24: {  	s3 =	sadd.s32 $0x88, s3;
	s6 =	simm.s32 @!p1 $0x1082;
	[sflag:s4] =	ssyncset.s32 $0xFFFFF086  }
0x25: {  	[simem:s6], [sflag:s4] =	dma.local [hbm:s3], $0xF7A  }
0x26: {  	[smem:$0x3F9F] =	sst s1;
	(tag) =	ssettag s2;
	_ =	strace s9  }
0x27: {  	s1 =	sld [smem:$0x3FAF]  }
0x28: {  	s2 =	sld [smem:$0x3FB0]  }
0x29: {  	s4 =	sld [smem:$0x3FB2]  }
0x2a: {  	p0 =	seq.s32 s5, $0x0;
	s5 =	sld [smem:$0x3FB3]  }
0x2b: {  	s6 =	sld [smem:$0x3FB4]  }
0x2c: {  	s7 =	sld [smem:$0x3FB5]  }
0x2d: {  	s3 =	simm.s32 $0x108;
	s8 =	sld [smem:$0x3FB6]  }
0x2e: {  	s3 =	simm.s32 @!p0 $0x1082;
	s9 =	sld [smem:$0x3FB7]  }
0x2f: {  	lr =	sadd.s32 s0, s3;
	s0 =	sld [smem:$0x3FAE]  }
0x30: {  	s3 =	sld [smem:$0x3FB1]  }
0x31: {  	[smem:$0x3FBA] =	sst s10  }
0x32: {  	s10 =	sld [smem:$0x3FB8];
	_ =	sdelay $0x3  }
0x33: {  	p0 =	seq.s32 s10, $0x1;
	s10 =	sld [smem:$0x3FBA];
	_ =	sdelay $0x3  }
0x34: {  	[smem:$0x3FBA] =	sst s10  }
0x35: {  	s10 =	sld [smem:$0x3FB9];
	_ =	sdelay $0x3  }
0x36: {  	p1 =	seq.s32 s10, $0x1;
	s10 =	sld [smem:$0x3FBA];
	_ =	sdelay $0x3  }
0x37: {  	[smem:$0x3FBA] =	sst s10  }
0x38: {  	s10 =	sld [smem:$0x3FBB]  }
0x39: {  	_ = 	snop;
	(pc) =	sbr.ind lr, $3  }
0x3a: {  	_ = 	snop  }
0x3b: {  	_ = 	snop  }
0x3c: {  	p2 =	seq.s32 s10, $0x1;
	s10 =	sld [smem:$0x3FBA]  }
0x3d: {  	_ =	shalt  }
0x3e: {  	_ =	shalt  }
0x3f: {  	_ =	shalt  }
0x40: {  	_ =	shalt  }
0x41: {  	_ =	shalt  }
0x42: {  	_ =	shalt  }
0x43: {  	_ =	shalt  }
0x44: {  	_ =	shalt  }
0x45: {  	_ =	shalt  }
0x46: {  	_ =	shalt  }
0x47: {  	_ =	shalt  }
0x48: {  	_ =	shalt  }
0x49: {  	_ =	shalt  }
0x4a: {  	_ =	shalt  }
0x4b: {  	_ =	shalt  }
0x4c: {  	_ =	shalt  }
0x4d: {  	_ =	shalt  }
0x4e: {  	_ =	shalt  }
0x4f: {  	_ =	shalt  }
0x50: {  	_ =	shalt  }
0x51: {  	_ =	shalt  }
0x52: {  	_ =	shalt  }
0x53: {  	_ =	shalt  }
0x54: {  	_ =	shalt  }
0x55: {  	_ =	shalt  }
0x56: {  	_ =	shalt  }
0x57: {  	_ =	shalt  }
0x58: {  	_ =	shalt  }
0x59: {  	_ =	shalt  }
0x5a: {  	_ =	shalt  }
0x5b: {  	_ =	shalt  }
0x5c: {  	_ =	shalt  }
0x5d: {  	_ =	shalt  }
0x5e: {  	_ =	shalt  }
0x5f: {  	_ =	shalt  }
0x60: {  	_ =	shalt  }
0x61: {  	_ =	shalt  }
0x62: {  	_ =	shalt  }
0x63: {  	_ =	shalt  }
0x64: {  	_ =	shalt  }
0x65: {  	_ =	shalt  }
0x66: {  	_ =	shalt  }
0x67: {  	_ =	shalt  }
0x68: {  	_ =	shalt  }
0x69: {  	_ =	shalt  }
0x6a: {  	_ =	shalt  }
0x6b: {  	_ =	shalt  }
0x6c: {  	_ =	shalt  }
0x6d: {  	_ =	shalt  }
0x6e: {  	_ =	shalt  }
0x6f: {  	_ =	shalt  }
0x70: {  	_ =	shalt  }
0x71: {  	_ =	shalt  }
0x72: {  	_ =	shalt  }
0x73: {  	_ =	shalt  }
0x74: {  	_ =	shalt  }
0x75: {  	_ =	shalt  }
0x76: {  	_ =	shalt  }
0x77: {  	_ =	shalt  }
0x78: {  	_ =	shalt  }
0x79: {  	_ =	shalt  }
0x7a: {  	_ =	shalt  }
0x7b: {  	_ =	shalt  }
0x7c: {  	_ =	shalt  }
0x7d: {  	_ =	shalt  }
0x7e: {  	_ =	shalt  }
0x7f: {  	_ =	shalt  }
0x80: {  	_ =	shalt  }
0x81: {  	_ =	shalt  }
0x82: {  	_ =	shalt  }
0x83: {  	_ =	shalt  }
0x84: {  	_ =	shalt  }
0x85: {  	_ =	shalt  }
0x86: {  	_ =	shalt  }
0x87: {  	_ =	shalt  }
.Lfunc_end0:
.L_simem_size_0:
called_computation_lowered:
.L_overlay_start_0:
0x88: {  	s2 =	sld [smem:$0x3FD9]  }
0x89: {  	s3 =	sld [smem:$0x3FFE];
	_ =	sdelay $0x1  }
0x8a: {  	s1 =	srdreg.scid  }
0x8b: {  	s0 =	sand.u32 $0x1, s1  }
0x8c: {  	s17 =	sshll.u32 s0, $0xA;
	s2 =	sadd.s32 s3, s2  }
0x8d: {  	s2 =	sadd.s32 s2, s17  }
0x8e: {  	[smem:$0x3FC6] =	sst s2  }
0x8f: {  	_ = 	snop  }
0x90: {  	s2 =	sld [smem:$0x3FC9]  }
0x91: {  	s18 =	sld [smem:$0x3FD0];
	(tm) =	ssettm $0x1  }
0x92: {  	s4 =	sld [smem:$0x3FFB];
	_ =	sdelay $0x3  }
0x93: {  	_ =	strace s4  }
0x94: {  	s4 =	sld [smem:$0x3FFC];
	_ =	sdelay $0x3  }
0x95: {  	_ =	strace s4  }
0x96: {  	s4 =	sld [smem:$0x3FFD];
	_ =	sdelay $0x3  }
0x97: {  	_ =	strace s4  }
0x98: {  	_ =	strace $0x8FFFFFFF  }
0x99: {  	s19 =	sld [smem:$0x3FDB];
	_ =	sdelay $0x1  }
0x9a: {  	s5 =	simm.s32 $_scs_section_size  }
0x9b: {  	s6 =	simm.s32 $_size__tile_overlayer_lowered;
	s7 =	simm.s32 $_tile_overlayer_lowered  }
0x9c: {  	s22 =	simm.s32 $0x1BFF;
	s21 =	sshll.u32 s7, $0x1;
	s4 =	sadd.s32 s5, s19  }
0x9d: {  	s8 =	simm.s32 $0x0;
	s20 =	sshll.u32 s6, $0x1;
	s6 =	sadd.s32 s21, s4  }
0x9e: {  	[timem:s8], [sflag:s22] =	dma.local [hbm:s6], s20  }
0x9f: {  	_ =	swait.ge [sflag:s22], s20  }
0xa0: {  	s5 =	ssub.s32 $0x0, s20;
	[sflag:s22] =	ssyncset.done $0x0  }
0xa1: {  	[sflag:s22] =	ssyncadd.s32 s5;
	_ =	sdelay $0x1  }
0xa2: {  	s23 =	simm.s32 $0x1B8B  }
0xa3: {  	_ =	swait.ge [sflag:s23], $0x1  }
0xa4: {  	[sflag:s23] =	ssyncset.done $0x0  }
0xa5: {  	s25 =	simm.s32 $0x1B8E;
	s24 =	sld [smem:$0x3FFE];
	[sflag:s23] =	ssyncadd.s32 $0xFFFFFFFF  }
0xa6: {  	s26 =	simm.s32 $execute0_lowered;
	[smem:$0x3FD2] =	sst s25  }
0xa7: {  	s6 =	sshll.u32 s26, $0x1;
	_ =	strace $0x80000046;
	[dreg:$0x1] =	wrdreg $0xFFFFFFFF  }
0xa8: {  	s28 =	simm.s32 $_size_execute0_lowered;
	s4 =	sadd.s32 s4, s6;
	[dreg:$0x0] =	wrdreg $0x0  }
0xa9: {  	s6 =	sshll.u32 s28, $0x1;
	[dreg:$0x2] =	wrdreg s4  }
0xaa: {  	[dreg:$0x3] =	wrdreg s6  }
0xab: {  	[dreg:$0x4] =	wrdreg $0xC0  }
0xac: {  	_ =	task [dreg:s8], $0x5FFFF  }
0xad: {  	[dreg:$0x1] =	wrdreg $0xFFFFFFFF  }
0xae: {  	[dreg:$0x0] =	wrdreg $0x60  }
0xaf: {  	[dreg:$0x2] =	wrdreg s2  }
0xb0: {  	[dreg:$0x3] =	wrdreg s24  }
0xb1: {  	[dreg:$0x4] =	wrdreg s18  }
0xb2: {  	[dreg:$0x5] =	wrdreg $0x9  }
0xb3: {  	_ =	task.clear_ibuf [dreg:s8], $0x6FFFF;
	_ =	strace $0x90000046  }
0xb4: {  	s29 =	simm.s32 $0x9;
	_ =	strace $0x80000048  }
0xb5: {  	_ =	swait.ge [sflag:s29], $0x1  }
0xb6: {  	[sflag:s29] =	ssyncadd.s32 $0xFFFFFFFF  }
0xb7: {  	_ =	strace $0x90000048  }
0xb8: {  	_ =	sfence  }
0xb9: {  	s30 =	sld [smem:$0x0];
	_ =	sdelay $0x2  }
0xba: {  	s31 =	sshll.u32 s1, $0xD;
	s1 =	sshrl.u32 s1, $0x2  }
0xbb: {  	s3 =	sand.u32 $0x4000, s31;
	s1 =	sadd.s32 s1, s30  }
0xbc: {  	s0 =	sor.u32 s3, s0;
	s1 =	sshll.u32 s1, $0x11  }
0xbd: {  	s0 =	sor.u32 s1, s0  }
0xbe: {  	s0 =	sadd.s32 $0x8F2B, s0  }
0xbf: {  	[sflag:s0] =	ssyncadd.remote.s32 $0x1  }
0xc0: {  	_ =	sfence.sel $0xFFFF  }
0xc1: {  	[dreg:$0x0] =	wrdreg $0xFFFFFFFF;
	(pc) =	sbr.abs _section_cstart, $3  }
0xc2: {  	[dreg:$0x1] =	wrdreg $0xFFFFFFFF  }
0xc3: {  	_ =	task.clear_ibuf [dreg:s8], $0x2FFFF;
	_ =	strace $0x9FFFFFFF  }
0xc4: {  	(tm) =	ssettm $0x7FFFFFFF  }
0xc5: {  	_ =	shalt  }
tec
execute0_lowered:
.L_overlay_start_1:
0x0: {  	(tag) =	ssettag $0x1  }
0x1: {  	s11 =	rddreg [dreg:$0x0]  }
0x2: {  	s0 =	rddreg [dreg:$0x1];
	s1 =	srdreg.scid  }
0x3: {  	s4 =	stileid.u32;
	s3 =	rddreg [dreg:$0x2];
	s23 =	simm.s32 $0x0  }
0x4: {  	s1 =	sand.u32 $0x1, s1;
	s2 =	sshll.u32 s4, $0x1;
	s17 =	smul.u32 $0xC800, s4  }
0x5: {  	[smem:$0x7FF] =	sst s23;
	s2 =	sor.u32 s1, s2;
	s20 =	smul.u32 $0x6400, s1  }
0x6: {  	s5 =	sadd.s32 $0xF42800, s0;
	s7 =	ssub.s32 $0x2, s1;
	s6 =	smul.u32 $0x380000, s2  }
0x7: {  	s8 =	smul.u32 $0x6400, s2;
	s31 =	sshrl.u32 s7, $0x1;
	s2 =	sshll.u32 s2, $0x9  }
0x8: {  	_ =	strace $0x80000047;
	s0 =	ssub.s32 s7, s31;
	[dreg:$0x4] =	wrdreg s2  }
0x9: {  	s2 =	sadd.s32 s20, s17;
	s6 =	sshrl.u32 s6, $0x3;
	s0 =	smax.u32 s0, $0x1  }
0xa: {  	s8 =	sshrl.u32 s8, $0x3;
	s17 =	sadd.s32 $0xC80, s2;
	[dreg:$0x18] =	wrdreg s0  }
0xb: {  	s6 =	sadd.s32 s3, s6;
	s12 =	sadd.s32 s11, s8;
	[dreg:$0x1b] =	wrdreg s17  }
0xc: {  	s9 =	sadd.s32 $0x6C800, s6;
	[dreg:$0x5] =	wrdreg s12  }
0xd: {  	s10 =	sadd.s32 $0x6CB80, s6;
	[dreg:$0x6] =	wrdreg s9  }
0xe: {  	s13 =	sadd.s32 $0x6CF00, s6;
	[dreg:$0x7] =	wrdreg s10  }
0xf: {  	s14 =	sadd.s32 $0x6D280, s6;
	[dreg:$0x8] =	wrdreg s13  }
0x10: {  	s29 =	simm.s32 $0x7;
	s15 =	sadd.s32 $0x6D600, s6;
	[dreg:$0x9] =	wrdreg s14  }
0x11: {  	s28 =	simm.s32 $0x6;
	s16 =	sadd.s32 $0x6D980, s6;
	[dreg:$0xa] =	wrdreg s15  }
0x12: {  	s24 =	smul.u32 $0x700000, s4;
	s18 =	sadd.s32 $0x6DD00, s6;
	[dreg:$0xb] =	wrdreg s16  }
0x13: {  	s30 =	sadd.s32 $0x380, s3;
	s19 =	sadd.s32 $0x6E080, s6;
	[dreg:$0xc] =	wrdreg s18  }
0x14: {  	s17 =	simm.s32 $0x11300;
	s21 =	sadd.s32 $0x6E400, s6;
	[dreg:$0xd] =	wrdreg s19  }
0x15: {  	s22 =	sadd.s32 $0x6E780, s6;
	s25 =	sadd.s32 $0x6EB00, s6;
	[dreg:$0xe] =	wrdreg s21  }
0x16: {  	s31 =	sadd.s32 $0x6EE80, s6;
	s7 =	sadd.s32 $0x6F580, s6;
	[dreg:$0xf] =	wrdreg s22  }
0x17: {  	s8 =	sadd.s32 $0x6F900, s6;
	s20 =	sadd.s32 $0x12C, s12;
	[dreg:$0x10] =	wrdreg s25  }
0x18: {  	s9 =	sshll.u32 s4, $0xA;
	s10 =	sshll.u32 s1, $0x9;
	[dreg:$0x12] =	wrdreg s31  }
0x19: {  	s1 =	smul.u32 $0x380000, s1;
	s4 =	sadd.s32 $0x6F200, s6;
	[dreg:$0x15] =	wrdreg s7  }
0x1a: {  	[dreg:$0x16] =	wrdreg s8;
	s13 =	sadd.s32 $0xFA0, s2;
	s14 =	sadd.s32 $0x960, s2  }
0x1b: {  	s18 =	sadd.s32 $0x64, s12;
	s19 =	sadd.s32 $0xC8, s12;
	[dreg:$0x1f] =	wrdreg s20  }
0x1c: {  	s25 =	sadd.s32 $0x1180, s3;
	s21 =	sadd.s32 $0xA80, s3;
	s22 =	sadd.s32 $0xE00, s3  }
0x1d: {  	s31 =	sadd.s32 $0x1F80, s3;
	s8 =	simm.s32 $0x960;
	[dreg:$0x14] =	wrdreg s4  }
0x1e: {  	s7 =	simm.s32 $0x8;
	s20 =	simm.s32 $0x0;
	[dreg:$0x1d] =	wrdreg s18  }
0x1f: {  	s26 =	sor.u32 s10, s9;
	s9 =	sadd.s32 $0x6FC80, s6;
	[dreg:$0x1e] =	wrdreg s19  }
0x20: {  	s10 =	sadd.s32 $0x12C0, s2;
	s16 =	sshrl.u32 s14, $0x3;
	[smem:$0x7F7] =	sst s21  }
0x21: {  	s6 =	smov.u32 s5;
	s14 =	sadd.s32 $0x1500, s3;
	[smem:$0x7F8] =	sst s22  }
0x22: {  	[smem:$0x7FB] =	sst s31;
	s4 =	simm.s32 $0x640;
	s2 =	simm.s32 $0x40  }
0x23: {  	s18 =	simm.s32 $0x11F80;
	s19 =	simm.s32 $0x12C00;
	[smem:$0x7FC] =	sst s25  }
0x24: {  	s22 =	simm.s32 $0x14500;
	[dreg:$0x11] =	wrdreg s26;
	s1 =	sadd.s32 s1, s24  }
0x25: {  	[dreg:$0x17] =	wrdreg s9;
	s0 =	sshrl.u32 s10, $0x3;
	s10 =	sadd.s32 $0x700, s3  }
0x26: {  	s24 =	sadd.s32 $0x1880, s3;
	s26 =	sadd.s32 $0x1C00, s3;
	[smem:$0x7FD] =	sst s14  }
0x27: {  	s9 =	simm.s32 $0xED80;
	[dreg:$0x13] =	wrdreg s1;
	s1 =	sshrl.u32 s13, $0x3  }
.Ltmp0:
0x28: {  	s0 =	sadd.s32 s0, s11;
	[smem:$0x7F9] =	sst s24;
	(pc) =	sbr.rel .LBB2_1-.Ltmp0, $4  }
0x29: {  	[smem:$0x7FA] =	sst s26;
	s13 =	simm.s32 $0xC80;
	s26 =	simm.s32 $0x15180  }
0x2a: {  	[dreg:$0x19] =	wrdreg s0;
	s15 =	sadd.s32 s1, s11;
	s0 =	sadd.s32 s16, s11  }
0x2b: {  	s16 =	simm.s32 $0x10680;
	s11 =	simm.s32 $0x13880;
	[dreg:$0x1a] =	wrdreg s15  }
0x2c: {  	[dreg:$0x1c] =	wrdreg s0;
	s0 =	simm.s32 $0x80;
	s15 =	simm.s32 $0xFA00  }
.LBB2_7:
0x2d: {  	s1 =	simm.s32 $0x6  }
0x2e: {  	_ =	swait.ge [sflag:s1], $0xC800  }
0x2f: {  	[sflag:s1] =	ssyncset.done $0x0  }
0x30: {  	s12 =	simm.s32 $0xD480;
	s14 =	rddreg [dreg:$0x6];
	[sflag:s1] =	ssyncadd.s32 $0xFFFF3800  }
0x31: {  	[hbm4b:s14+s2] =	stream.strided.scatter [tilespmem:s12], [sflag:$0x8], $0xC80, s0, s2, $0x38;
	[tilespmem:$0x19C80] =	vst v63  }
0x32: {  	s5 =	simm.s32 $0xE100;
	s24 =	rddreg [dreg:$0x7]  }
0x33: {  	[hbm4b:s24+s2] =	stream.strided.scatter [tilespmem:s5], [sflag:$0x8], $0xC80, s0, s2, $0x38;
	[tilespmem:$0x19C80] =	vst v63  }
0x34: {  	s25 =	rddreg [dreg:$0x8]  }
0x35: {  	[hbm4b:s25+s2] =	stream.strided.scatter [tilespmem:s9], [sflag:$0x8], $0xC80, s0, s2, $0x38;
	[tilespmem:$0x19C80] =	vst v63  }
0x36: {  	s31 =	rddreg [dreg:$0x9]  }
0x37: {  	[hbm4b:s31+s2] =	stream.strided.scatter [tilespmem:s15], [sflag:$0x8], $0xC80, s0, s2, $0x38;
	[tilespmem:$0x19C80] =	vst v63  }
0x38: {  	s5 =	rddreg [dreg:$0xa]  }
0x39: {  	[hbm4b:s5+s2] =	stream.strided.scatter [tilespmem:s16], [sflag:$0x8], $0xC80, s0, s2, $0x38;
	[tilespmem:$0x19C80] =	vst v63  }
0x3a: {  	s12 =	rddreg [dreg:$0xb]  }
0x3b: {  	[hbm4b:s12+s2] =	stream.strided.scatter [tilespmem:s17], [sflag:$0x8], $0xC80, s0, s2, $0x38;
	[tilespmem:$0x19C80] =	vst v63  }
0x3c: {  	s14 =	rddreg [dreg:$0xc]  }
0x3d: {  	[hbm4b:s14+s2] =	stream.strided.scatter [tilespmem:s18], [sflag:$0x8], $0xC80, s0, s2, $0x38;
	[tilespmem:$0x19C80] =	vst v63  }
0x3e: {  	s24 =	rddreg [dreg:$0xd]  }
0x3f: {  	[hbm4b:s24+s2] =	stream.strided.scatter [tilespmem:s19], [sflag:$0x8], $0xC80, s0, s2, $0x38;
	[tilespmem:$0x19C80] =	vst v63  }
0x40: {  	s25 =	rddreg [dreg:$0xe]  }
0x41: {  	[hbm4b:s25+s2] =	stream.strided.scatter [tilespmem:s11], [sflag:$0x8], $0xC80, s0, s2, $0x38;
	[tilespmem:$0x19C80] =	vst v63  }
0x42: {  	s31 =	rddreg [dreg:$0xf]  }
0x43: {  	[hbm4b:s31+s2] =	stream.strided.scatter [tilespmem:s22], [sflag:$0x8], $0xC80, s0, s2, $0x38;
	[tilespmem:$0x19C80] =	vst v63  }
0x44: {  	s5 =	rddreg [dreg:$0x10]  }
0x45: {  	[hbm4b:s5+s2] =	stream.strided.scatter [tilespmem:s26], [sflag:$0x8], $0xC80, s0, s2, $0x38;
	[tilespmem:$0x19C80] =	vst v63  }
0x46: {  	s4 =	simm.s32 $0x15E00;
	s12 =	rddreg [dreg:$0x12]  }
0x47: {  	[hbm4b:s12+s2] =	stream.strided.scatter [tilespmem:s4], [sflag:$0x8], $0xC80, s0, s2, $0x38;
	[tilespmem:$0x19C80] =	vst v63  }
0x48: {  	s14 =	rddreg [dreg:$0x14]  }
0x49: {  	[hbm4b:s14+s2] =	stream.strided.scatter [tilespmem:s20], [sflag:$0x8], $0xC80, s0, s2, $0x38;
	[tilespmem:$0x19C80] =	vst v63  }
0x4a: {  	s20 =	rddreg [dreg:$0x15]  }
0x4b: {  	[hbm4b:s20+s2] =	stream.strided.scatter [tilespmem:s21], [sflag:$0x8], $0xC80, s0, s2, $0x38;
	[tilespmem:$0x19C80] =	vst v63  }
0x4c: {  	s21 =	rddreg [dreg:$0x16]  }
0x4d: {  	[hbm4b:s21+s2] =	stream.strided.scatter [tilespmem:s23], [sflag:$0x8], $0xC80, s0, s2, $0x38;
	[tilespmem:$0x19C80] =	vst v63  }
0x4e: {  	s24 =	rddreg [dreg:$0x17]  }
0x4f: {  	[hbm4b:s24+s2] =	stream.strided.scatter [tilespmem:s28], [sflag:$0x8], $0xC80, s0, s2, $0x38;
	[tilespmem:$0x19C80] =	vst v63  }
0x50: {  	_ =	swait.ge [sflag:s29], $0xC80  }
0x51: {  	[sflag:s29] =	ssyncset.done $0x0  }
0x52: {  	[sflag:s29] =	ssyncadd.s32 $0xFFFFF380  }
0x53: {  	_ =	swait.ge [sflag:s29], $0xC80  }
0x54: {  	[sflag:s29] =	ssyncset.done $0x0  }
0x55: {  	[sflag:s29] =	ssyncadd.s32 $0xFFFFF380  }
0x56: {  	_ =	swait.ge [sflag:s29], $0xC80  }
0x57: {  	[sflag:s29] =	ssyncset.done $0x0  }
0x58: {  	[sflag:s29] =	ssyncadd.s32 $0xFFFFF380  }
0x59: {  	_ =	swait.ge [sflag:s29], $0xC80  }
0x5a: {  	[sflag:s29] =	ssyncset.done $0x0  }
0x5b: {  	[sflag:s29] =	ssyncadd.s32 $0xFFFFF380  }
0x5c: {  	_ =	swait.ge [sflag:s29], $0xC80  }
0x5d: {  	[sflag:s29] =	ssyncset.done $0x0  }
0x5e: {  	[sflag:s29] =	ssyncadd.s32 $0xFFFFF380  }
0x5f: {  	_ =	swait.ge [sflag:s29], $0xC80  }
0x60: {  	[sflag:s29] =	ssyncset.done $0x0  }
0x61: {  	[sflag:s29] =	ssyncadd.s32 $0xFFFFF380  }
0x62: {  	_ =	swait.ge [sflag:s29], $0xC80  }
0x63: {  	[sflag:s29] =	ssyncset.done $0x0  }
0x64: {  	[sflag:s29] =	ssyncadd.s32 $0xFFFFF380  }
0x65: {  	_ =	swait.ge [sflag:s29], $0xC80  }
0x66: {  	[sflag:s29] =	ssyncset.done $0x0  }
0x67: {  	[sflag:s29] =	ssyncadd.s32 $0xFFFFF380  }
0x68: {  	_ =	swait.ge [sflag:s29], $0xC80  }
0x69: {  	[sflag:s29] =	ssyncset.done $0x0  }
0x6a: {  	[sflag:s29] =	ssyncadd.s32 $0xFFFFF380  }
0x6b: {  	_ =	swait.ge [sflag:s29], $0xC80  }
0x6c: {  	[sflag:s29] =	ssyncset.done $0x0  }
0x6d: {  	[sflag:s29] =	ssyncadd.s32 $0xFFFFF380  }
0x6e: {  	_ =	swait.ge [sflag:s29], $0xC80  }
0x6f: {  	[sflag:s29] =	ssyncset.done $0x0  }
0x70: {  	[sflag:s29] =	ssyncadd.s32 $0xFFFFF380  }
0x71: {  	_ =	swait.ge [sflag:s29], $0xC80  }
0x72: {  	[sflag:s29] =	ssyncset.done $0x0  }
0x73: {  	[sflag:s29] =	ssyncadd.s32 $0xFFFFF380  }
0x74: {  	_ =	swait.ge [sflag:s29], $0xC80  }
0x75: {  	[sflag:s29] =	ssyncset.done $0x0  }
0x76: {  	[sflag:s29] =	ssyncadd.s32 $0xFFFFF380  }
0x77: {  	_ =	swait.ge [sflag:s29], $0xC80  }
0x78: {  	[sflag:s29] =	ssyncset.done $0x0  }
0x79: {  	[sflag:s29] =	ssyncadd.s32 $0xFFFFF380  }
0x7a: {  	_ =	swait.ge [sflag:s29], $0xC80  }
0x7b: {  	[sflag:s29] =	ssyncset.done $0x0  }
0x7c: {  	[sflag:s29] =	ssyncadd.s32 $0xFFFFF380  }
0x7d: {  	_ =	swait.ge [sflag:s29], $0xC80  }
0x7e: {  	[sflag:s29] =	ssyncset.done $0x0  }
0x7f: {  	[sflag:s29] =	ssyncadd.s32 $0xFFFFF380  }
0x80: {  	_ =	swait.ge [sflag:s7], $0xC80  }
0x81: {  	[sflag:s7] =	ssyncset.done $0x0  }
0x82: {  	[sflag:s7] =	ssyncadd.s32 $0xFFFFF380  }
0x83: {  	_ =	swait.ge [sflag:s7], $0xC80  }
0x84: {  	[sflag:s7] =	ssyncset.done $0x0  }
0x85: {  	[sflag:s7] =	ssyncadd.s32 $0xFFFFF380  }
0x86: {  	_ =	swait.ge [sflag:s7], $0xC80  }
0x87: {  	[sflag:s7] =	ssyncset.done $0x0  }
0x88: {  	[sflag:s7] =	ssyncadd.s32 $0xFFFFF380  }
0x89: {  	_ =	swait.ge [sflag:s7], $0xC80  }
0x8a: {  	[sflag:s7] =	ssyncset.done $0x0  }
0x8b: {  	[sflag:s7] =	ssyncadd.s32 $0xFFFFF380  }
0x8c: {  	_ =	swait.ge [sflag:s7], $0xC80  }
0x8d: {  	[sflag:s7] =	ssyncset.done $0x0  }
0x8e: {  	[sflag:s7] =	ssyncadd.s32 $0xFFFFF380  }
0x8f: {  	_ =	swait.ge [sflag:s7], $0xC80  }
0x90: {  	[sflag:s7] =	ssyncset.done $0x0  }
0x91: {  	[sflag:s7] =	ssyncadd.s32 $0xFFFFF380  }
0x92: {  	_ =	swait.ge [sflag:s7], $0xC80  }
0x93: {  	[sflag:s7] =	ssyncset.done $0x0  }
0x94: {  	[sflag:s7] =	ssyncadd.s32 $0xFFFFF380  }
0x95: {  	_ =	swait.ge [sflag:s7], $0xC80  }
0x96: {  	[sflag:s7] =	ssyncset.done $0x0  }
0x97: {  	[sflag:s7] =	ssyncadd.s32 $0xFFFFF380  }
0x98: {  	_ =	swait.ge [sflag:s7], $0xC80  }
0x99: {  	[sflag:s7] =	ssyncset.done $0x0  }
0x9a: {  	[sflag:s7] =	ssyncadd.s32 $0xFFFFF380  }
0x9b: {  	_ =	swait.ge [sflag:s7], $0xC80  }
0x9c: {  	[sflag:s7] =	ssyncset.done $0x0  }
0x9d: {  	[sflag:s7] =	ssyncadd.s32 $0xFFFFF380  }
0x9e: {  	_ =	swait.ge [sflag:s7], $0xC80  }
0x9f: {  	[sflag:s7] =	ssyncset.done $0x0  }
0xa0: {  	[sflag:s7] =	ssyncadd.s32 $0xFFFFF380  }
0xa1: {  	_ =	swait.ge [sflag:s7], $0xC80  }
0xa2: {  	[sflag:s7] =	ssyncset.done $0x0  }
0xa3: {  	[sflag:s7] =	ssyncadd.s32 $0xFFFFF380  }
0xa4: {  	_ =	swait.ge [sflag:s7], $0xC80  }
0xa5: {  	[sflag:s7] =	ssyncset.done $0x0  }
0xa6: {  	[sflag:s7] =	ssyncadd.s32 $0xFFFFF380  }
0xa7: {  	_ =	swait.ge [sflag:s7], $0xC80  }
0xa8: {  	[sflag:s7] =	ssyncset.done $0x0  }
0xa9: {  	[sflag:s7] =	ssyncadd.s32 $0xFFFFF380  }
0xaa: {  	_ =	swait.ge [sflag:s7], $0xC80  }
0xab: {  	[sflag:s7] =	ssyncset.done $0x0  }
0xac: {  	[sflag:s7] =	ssyncadd.s32 $0xFFFFF380  }
0xad: {  	_ =	swait.ge [sflag:s7], $0xC80  }
0xae: {  	s25 =	sld [smem:$0x7F4];
	_ =	sdelay $0x2  }
0xaf: {  	s31 =	rddreg [dreg:$0x18];
	s20 =	sadd.s32 $0x1, s25  }
0xb0: {  	p0 =	sne.s32 s20, s31  }
.Ltmp1:
0xb1: {  	_ = 	snop;
	(pc) =	sbr.rel @!p0 .LBB2_8-.Ltmp1, $4  }
0xb2: {  	_ = 	snop  }
0xb3: {  	s4 =	simm.s32 $0x640  }
0xb4: {  	s23 =	simm.s32 $0x0;
	[sflag:s7] =	ssyncset.done $0x0;
	s14 =	sld [smem:$0x7FD]  }
0xb5: {  	s28 =	simm.s32 $0x6;
	[sflag:s7] =	ssyncadd.s32 $0xFFFFF380;
	s25 =	sld [smem:$0x7FC]  }
.LBB2_1:
0xb6: {  	[smem:$0x7F4] =	sst s20  }
0xb7: {  	s1 =	rddreg [dreg:$0x5]  }
0xb8: {  	s24 =	rddreg [dreg:$0x1d]  }
0xb9: {  	s20 =	rddreg [dreg:$0x1f]  }
0xba: {  	s21 =	rddreg [dreg:$0x11]  }
0xbb: {  	s31 =	rddreg [dreg:$0x1b]  }
0xbc: {  	[tilespmem:s23], [sflag:$0x1] =	stream.linear.gather [hbm4b:s1+s23], $0x320, $0x38;
	[tilespmem:$0x19C80] =	vst v63  }
0xbd: {  	s12 =	simm.s32 $0x320;
	[smem:$0x7F5] =	sst s21  }
0xbe: {  	[tilespmem:s12], [sflag:$0x2] =	stream.linear.gather [hbm4b:s24+s23], $0x320, $0x38;
	[tilespmem:$0x19C80] =	vst v63  }
0xbf: {  	s12 =	rddreg [dreg:$0x1e]  }
0xc0: {  	s24 =	rddreg [dreg:$0x1a]  }
0xc1: {  	[smem:$0x7F6] =	sst s24  }
0xc2: {  	[tilespmem:s4], [sflag:$0x3] =	stream.linear.gather [hbm4b:s12+s23], $0x320, $0x38;
	[tilespmem:$0x19C80] =	vst v63  }
0xc3: {  	s5 =	simm.s32 $0xE100;
	s24 =	rddreg [dreg:$0x19]  }
0xc4: {  	[tilespmem:s8], [sflag:$0x4] =	stream.linear.gather [hbm4b:s20+s23], $0x320, $0x38;
	[tilespmem:$0x19C80] =	vst v63  }
0xc5: {  	s1 =	simm.s32 $0x15E00;
	s12 =	simm.s32 $0x0;
	s8 =	rddreg [dreg:$0x1c]  }
.LBB2_2:
0xc6: {  	p0 =	sne.s32 s12, $0x0  }
.Ltmp2:
0xc7: {  	[smem:$0x7F1] =	sst s24;
	(pc) =	sbr.rel @!p0 .LBB2_3-.Ltmp2, $4  }
0xc8: {  	[smem:$0x7F2] =	sst s31;
	s4 =	simm.s32 $0x1  }
0xc9: {  	_ =	swait.ge [sflag:s4], $0x320  }
0xca: {  	[sflag:s4] =	ssyncset.done $0x0  }
0xcb: {  	[smem:$0x7F3] =	sst s8;
	[sflag:s4] =	ssyncadd.s32 $0xFFFFFCE0  }
0xcc: {  	_ =	swait.ge [sflag:s29], $0xC80  }
0xcd: {  	[sflag:s29] =	ssyncset.done $0x0  }
0xce: {  	[sflag:s29] =	ssyncadd.s32 $0xFFFFF380  }
0xcf: {  	_ =	swait.ge [sflag:s29], $0xC80  }
0xd0: {  	[sflag:s29] =	ssyncset.done $0x0  }
0xd1: {  	[sflag:s29] =	ssyncadd.s32 $0xFFFFF380  }
0xd2: {  	_ =	swait.ge [sflag:s29], $0xC80  }
0xd3: {  	[sflag:s29] =	ssyncset.done $0x0  }
0xd4: {  	[sflag:s29] =	ssyncadd.s32 $0xFFFFF380  }
0xd5: {  	_ =	swait.ge [sflag:s29], $0xC80  }
0xd6: {  	[sflag:s29] =	ssyncset.done $0x0  }
0xd7: {  	[sflag:s29] =	ssyncadd.s32 $0xFFFFF380  }
0xd8: {  	_ =	swait.ge [sflag:s29], $0xC80  }
0xd9: {  	[sflag:s29] =	ssyncset.done $0x0  }
0xda: {  	[sflag:s29] =	ssyncadd.s32 $0xFFFFF380  }
0xdb: {  	_ =	swait.ge [sflag:s29], $0xC80  }
0xdc: {  	[sflag:s29] =	ssyncset.done $0x0  }
0xdd: {  	[sflag:s29] =	ssyncadd.s32 $0xFFFFF380  }
0xde: {  	_ =	swait.ge [sflag:s29], $0xC80  }
0xdf: {  	[sflag:s29] =	ssyncset.done $0x0  }
0xe0: {  	[sflag:s29] =	ssyncadd.s32 $0xFFFFF380  }
0xe1: {  	_ =	swait.ge [sflag:s29], $0xC80  }
0xe2: {  	[sflag:s29] =	ssyncset.done $0x0  }
0xe3: {  	[sflag:s29] =	ssyncadd.s32 $0xFFFFF380  }
0xe4: {  	_ =	swait.ge [sflag:s29], $0xC80  }
0xe5: {  	[sflag:s29] =	ssyncset.done $0x0  }
0xe6: {  	[sflag:s29] =	ssyncadd.s32 $0xFFFFF380  }
0xe7: {  	_ =	swait.ge [sflag:s29], $0xC80  }
0xe8: {  	[sflag:s29] =	ssyncset.done $0x0  }
0xe9: {  	[sflag:s29] =	ssyncadd.s32 $0xFFFFF380  }
0xea: {  	_ =	swait.ge [sflag:s29], $0xC80  }
0xeb: {  	[sflag:s29] =	ssyncset.done $0x0  }
0xec: {  	[sflag:s29] =	ssyncadd.s32 $0xFFFFF380  }
0xed: {  	_ =	swait.ge [sflag:s29], $0xC80  }
0xee: {  	[sflag:s29] =	ssyncset.done $0x0  }
0xef: {  	[sflag:s29] =	ssyncadd.s32 $0xFFFFF380  }
0xf0: {  	_ =	swait.ge [sflag:s29], $0xC80  }
0xf1: {  	[sflag:s29] =	ssyncset.done $0x0  }
0xf2: {  	[sflag:s29] =	ssyncadd.s32 $0xFFFFF380  }
0xf3: {  	_ =	swait.ge [sflag:s29], $0xC80  }
0xf4: {  	[sflag:s29] =	ssyncset.done $0x0  }
0xf5: {  	[sflag:s29] =	ssyncadd.s32 $0xFFFFF380  }
0xf6: {  	_ =	swait.ge [sflag:s29], $0xC80  }
0xf7: {  	[sflag:s29] =	ssyncset.done $0x0  }
0xf8: {  	[sflag:s29] =	ssyncadd.s32 $0xFFFFF380  }
0xf9: {  	_ =	swait.ge [sflag:s29], $0xC80  }
0xfa: {  	[sflag:s29] =	ssyncset.done $0x0;
	s31 =	rddreg [dreg:$0x13]  }
0xfb: {  	s4 =	simm.s32 $0x320;
	[sflag:s29] =	ssyncadd.s32 $0xFFFFF380;
	s20 =	sadd.s32 s12, s31  }
0xfc: {  	[tilespmem:s13], [sflag:$0x5] =	stream.indirect.gather [hbm4b:s6+s4], $0x40, s23, s4, $0xb8;
	[tilespmem:$0x19C80] =	vst v63  }
0xfd: {  	s21 =	sadd.s32 $0xFFFE4000, s20;
	_ =	swait.ge [sflag:s28], $0xC800  }
0xfe: {  	s21 =	sshrl.u32 s21, $0x3;
	[sflag:s28] =	ssyncset.done $0x0  }
0xff: {  	s4 =	simm.s32 $0xD480;
	[sflag:s28] =	ssyncadd.s32 $0xFFFF3800;
	s28 =	sadd.s32 s3, s21  }
0x100: {  	[hbm4b:s28+s2] =	stream.strided.scatter [tilespmem:s4], [sflag:$0x8], $0xC80, s0, s2, $0x38;
	[tilespmem:$0x19C80] =	vst v63  }
0x101: {  	s4 =	sadd.s32 s21, s30  }
0x102: {  	[hbm4b:s4+s2] =	stream.strided.scatter [tilespmem:s5], [sflag:$0x8], $0xC80, s0, s2, $0x38;
	[tilespmem:$0x19C80] =	vst v63  }
0x103: {  	s5 =	sadd.s32 s21, s10  }
0x104: {  	[hbm4b:s5+s2] =	stream.strided.scatter [tilespmem:s9], [sflag:$0x8], $0xC80, s0, s2, $0x38;
	[tilespmem:$0x19C80] =	vst v63  }
0x105: {  	s9 =	sadd.s32 $0xFFFE9400, s20  }
0x106: {  	s28 =	sshrl.u32 s9, $0x3  }
0x107: {  	s28 =	sadd.s32 s3, s28  }
0x108: {  	[hbm4b:s28+s2] =	stream.strided.scatter [tilespmem:s15], [sflag:$0x8], $0xC80, s0, s2, $0x38;
	[tilespmem:$0x19C80] =	vst v63  }
0x109: {  	s15 =	sadd.s32 $0xFFFEB000, s20  }
0x10a: {  	s28 =	sshrl.u32 s15, $0x3  }
0x10b: {  	s28 =	sadd.s32 s3, s28  }
0x10c: {  	[hbm4b:s28+s2] =	stream.strided.scatter [tilespmem:s16], [sflag:$0x8], $0xC80, s0, s2, $0x38;
	[tilespmem:$0x19C80] =	vst v63  }
0x10d: {  	s4 =	sadd.s32 s21, s25  }
0x10e: {  	[hbm4b:s4+s2] =	stream.strided.scatter [tilespmem:s17], [sflag:$0x8], $0xC80, s0, s2, $0x38;
	[tilespmem:$0x19C80] =	vst v63  }
0x10f: {  	s21 =	sadd.s32 s21, s14;
	s5 =	sadd.s32 $0xFFFF0400, s20  }
0x110: {  	[hbm4b:s21+s2] =	stream.strided.scatter [tilespmem:s18], [sflag:$0x8], $0xC80, s0, s2, $0x38;
	[tilespmem:$0x19C80] =	vst v63  }
0x111: {  	s21 =	sshrl.u32 s5, $0x3  }
0x112: {  	s9 =	sadd.s32 $0xFFFF2000, s20;
	s21 =	sadd.s32 s3, s21  }
0x113: {  	[hbm4b:s21+s2] =	stream.strided.scatter [tilespmem:s19], [sflag:$0x8], $0xC80, s0, s2, $0x38;
	[tilespmem:$0x19C80] =	vst v63  }
0x114: {  	s21 =	sshrl.u32 s9, $0x3  }
0x115: {  	s15 =	sadd.s32 $0xFFFF3C00, s20;
	s21 =	sadd.s32 s3, s21  }
0x116: {  	[hbm4b:s21+s2] =	stream.strided.scatter [tilespmem:s11], [sflag:$0x8], $0xC80, s0, s2, $0x38;
	[tilespmem:$0x19C80] =	vst v63  }
0x117: {  	s21 =	sshrl.u32 s15, $0x3  }
0x118: {  	s16 =	sadd.s32 $0xFFFF5800, s20;
	s21 =	sadd.s32 s3, s21  }
0x119: {  	[hbm4b:s21+s2] =	stream.strided.scatter [tilespmem:s22], [sflag:$0x8], $0xC80, s0, s2, $0x38;
	[tilespmem:$0x19C80] =	vst v63  }
0x11a: {  	s21 =	sshrl.u32 s16, $0x3  }
0x11b: {  	s17 =	sadd.s32 $0xFFFF7400, s20;
	s21 =	sadd.s32 s3, s21  }
0x11c: {  	[hbm4b:s21+s2] =	stream.strided.scatter [tilespmem:s26], [sflag:$0x8], $0xC80, s0, s2, $0x38;
	[tilespmem:$0x19C80] =	vst v63  }
0x11d: {  	s21 =	sshrl.u32 s17, $0x3  }
0x11e: {  	s18 =	sadd.s32 $0xFFFF9000, s20;
	s21 =	sadd.s32 s3, s21  }
0x11f: {  	[hbm4b:s21+s2] =	stream.strided.scatter [tilespmem:s1], [sflag:$0x8], $0xC80, s0, s2, $0x38;
	[tilespmem:$0x19C80] =	vst v63  }
0x120: {  	s21 =	sshrl.u32 s18, $0x3  }
0x121: {  	s24 =	simm.s32 $0x16A80;
	s19 =	sadd.s32 $0xFFFFAC00, s20;
	s21 =	sadd.s32 s3, s21  }
0x122: {  	[hbm4b:s21+s2] =	stream.strided.scatter [tilespmem:s24], [sflag:$0x8], $0xC80, s0, s2, $0x38;
	[tilespmem:$0x19C80] =	vst v63  }
0x123: {  	s21 =	sshrl.u32 s19, $0x3  }
0x124: {  	s31 =	simm.s32 $0x17700;
	s22 =	sadd.s32 $0xFFFFC800, s20;
	s21 =	sadd.s32 s3, s21  }
0x125: {  	[hbm4b:s21+s2] =	stream.strided.scatter [tilespmem:s31], [sflag:$0x8], $0xC80, s0, s2, $0x38;
	[tilespmem:$0x19C80] =	vst v63  }
0x126: {  	s20 =	sadd.s32 $0xFFFFE400, s20;
	s21 =	sshrl.u32 s22, $0x3  }
0x127: {  	s20 =	sshrl.u32 s20, $0x3;
	s24 =	simm.s32 $0x18380;
	s21 =	sadd.s32 s3, s21  }
0x128: {  	[hbm4b:s21+s2] =	stream.strided.scatter [tilespmem:s24], [sflag:$0x8], $0xC80, s0, s2, $0x38;
	[tilespmem:$0x19C80] =	vst v63  }
0x129: {  	s20 =	sadd.s32 s3, s20;
	s26 =	simm.s32 $0x19000  }
0x12a: {  	[hbm4b:s20+s2] =	stream.strided.scatter [tilespmem:s26], [sflag:$0x8], $0xC80, s0, s2, $0x38;
	[tilespmem:$0x19C80] =	vst v63  }
0x12b: {  	s28 =	simm.s32 $0x960;
	s31 =	simm.s32 $0x2  }
0x12c: {  	[tilespmem:s28], [sflag:$0x4] =	stream.linear.gather [hbm4b:s8+s23], $0x320, $0x38;
	[tilespmem:$0x19C80] =	vst v63  }
0x12d: {  	_ =	swait.ge [sflag:s31], $0x320  }
0x12e: {  	[sflag:s31] =	ssyncset.done $0x0  }
0x12f: {  	[sflag:s31] =	ssyncadd.s32 $0xFFFFFCE0  }
0x130: {  	_ =	swait.ge [sflag:s7], $0xC80  }
0x131: {  	[sflag:s7] =	ssyncset.done $0x0  }
0x132: {  	[sflag:s7] =	ssyncadd.s32 $0xFFFFF380  }
0x133: {  	_ =	swait.ge [sflag:s7], $0xC80  }
0x134: {  	[sflag:s7] =	ssyncset.done $0x0  }
0x135: {  	[sflag:s7] =	ssyncadd.s32 $0xFFFFF380  }
0x136: {  	_ =	swait.ge [sflag:s7], $0xC80  }
0x137: {  	[sflag:s7] =	ssyncset.done $0x0  }
0x138: {  	[sflag:s7] =	ssyncadd.s32 $0xFFFFF380  }
0x139: {  	_ =	swait.ge [sflag:s7], $0xC80  }
0x13a: {  	[sflag:s7] =	ssyncset.done $0x0  }
0x13b: {  	[sflag:s7] =	ssyncadd.s32 $0xFFFFF380  }
0x13c: {  	_ =	swait.ge [sflag:s7], $0xC80  }
0x13d: {  	[sflag:s7] =	ssyncset.done $0x0  }
0x13e: {  	[sflag:s7] =	ssyncadd.s32 $0xFFFFF380  }
0x13f: {  	_ =	swait.ge [sflag:s7], $0xC80  }
0x140: {  	[sflag:s7] =	ssyncset.done $0x0  }
0x141: {  	[sflag:s7] =	ssyncadd.s32 $0xFFFFF380  }
0x142: {  	_ =	swait.ge [sflag:s7], $0xC80  }
0x143: {  	[sflag:s7] =	ssyncset.done $0x0  }
0x144: {  	[sflag:s7] =	ssyncadd.s32 $0xFFFFF380  }
0x145: {  	_ =	swait.ge [sflag:s7], $0xC80  }
0x146: {  	[sflag:s7] =	ssyncset.done $0x0  }
0x147: {  	[sflag:s7] =	ssyncadd.s32 $0xFFFFF380  }
0x148: {  	_ =	swait.ge [sflag:s7], $0xC80  }
0x149: {  	[sflag:s7] =	ssyncset.done $0x0  }
0x14a: {  	[sflag:s7] =	ssyncadd.s32 $0xFFFFF380  }
0x14b: {  	_ =	swait.ge [sflag:s7], $0xC80  }
0x14c: {  	[sflag:s7] =	ssyncset.done $0x0  }
0x14d: {  	[sflag:s7] =	ssyncadd.s32 $0xFFFFF380  }
0x14e: {  	_ =	swait.ge [sflag:s7], $0xC80  }
0x14f: {  	[sflag:s7] =	ssyncset.done $0x0  }
0x150: {  	[sflag:s7] =	ssyncadd.s32 $0xFFFFF380  }
0x151: {  	_ =	swait.ge [sflag:s7], $0xC80  }
0x152: {  	[sflag:s7] =	ssyncset.done $0x0  }
0x153: {  	[sflag:s7] =	ssyncadd.s32 $0xFFFFF380  }
0x154: {  	_ =	swait.ge [sflag:s7], $0xC80  }
0x155: {  	[sflag:s7] =	ssyncset.done $0x0  }
0x156: {  	[sflag:s7] =	ssyncadd.s32 $0xFFFFF380  }
0x157: {  	_ =	swait.ge [sflag:s7], $0xC80  }
0x158: {  	[sflag:s7] =	ssyncset.done $0x0  }
0x159: {  	s4 =	smov.u32 s14;
	[sflag:s7] =	ssyncadd.s32 $0xFFFFF380  }
0x15a: {  	s5 =	simm.s32 $0x6;
	s11 =	simm.s32 $0x12C00;
	_ =	swait.ge [sflag:s7], $0xC80  }
.Ltmp3:
0x15b: {  	s15 =	simm.s32 $0xE100;
	[sflag:s7] =	ssyncset.done $0x0;
	(pc) =	sbr.rel .LBB2_5-.Ltmp3, $4  }
0x15c: {  	s16 =	simm.s32 $0x13880;
	s17 =	simm.s32 $0xED80;
	[sflag:s7] =	ssyncadd.s32 $0xFFFFF380  }
0x15d: {  	s1 =	simm.s32 $0x14500;
	s18 =	simm.s32 $0x11F80;
	_ =	swait.ge [sflag:s7], $0xC80  }
0x15e: {  	s19 =	simm.s32 $0xFA00;
	s22 =	simm.s32 $0x10680;
	[sflag:s7] =	ssyncset.done $0x0  }
0x15f: {  	s26 =	simm.s32 $0x11300;
	s21 =	sld [smem:$0x7F5];
	[sflag:s7] =	ssyncadd.s32 $0xFFFFF380  }
.LBB2_3:
0x160: {  	s1 =	simm.s32 $0x320;
	s4 =	simm.s32 $0x2  }
0x161: {  	s5 =	simm.s32 $0x6;
	s22 =	simm.s32 $0x10680;
	s26 =	simm.s32 $0x11300  }
0x162: {  	s17 =	simm.s32 $0xED80;
	s18 =	simm.s32 $0x11F80;
	s16 =	simm.s32 $0x13880  }
0x163: {  	[tilespmem:s13], [sflag:$0x5] =	stream.indirect.gather [hbm4b:s6+s1], $0x40, s23, s1, $0xb8;
	[tilespmem:$0x19C80] =	vst v63  }
0x164: {  	s11 =	simm.s32 $0x12C00;
	s19 =	simm.s32 $0xFA00;
	_ =	swait.ge [sflag:s4], $0x320  }
0x165: {  	s15 =	simm.s32 $0xE100;
	s1 =	simm.s32 $0x14500;
	[sflag:s4] =	ssyncset.done $0x0  }
0x166: {  	s21 =	rddreg [dreg:$0x4];
	[sflag:s4] =	ssyncadd.s32 $0xFFFFFCE0;
	s4 =	smov.u32 s14  }
.LBB2_5:
0x167: {  	s14 =	simm.s32 $0xD480;
	s9 =	simm.s32 $0x320  }
0x168: {  	[tilespmem:s14], [sflag:$0x6] =	stream.indirect.gather [hbm4b:s6+s9], $0x40, s9, s9, $0xb8;
	[tilespmem:$0x19C80] =	vst v63  }
0x169: {  	s9 =	simm.s32 $0x5  }
0x16a: {  	_ =	swait.ge [sflag:s9], $0xC800;
	s20 =	smul.u32 $0x380, s21  }
0x16b: {  	[sflag:s9] =	ssyncset.done $0x0  }
0x16c: {  	[sflag:s9] =	ssyncadd.s32 $0xFFFF3800;
	s28 =	sadd.s32 s3, s20  }
0x16d: {  	[hbm4b:s28+s2] =	stream.strided.scatter [tilespmem:s13], [sflag:$0x7], $0xC80, s0, s2, $0x38;
	[tilespmem:$0x19C80] =	vst v63  }
0x16e: {  	s8 =	simm.s32 $0x1900;
	s28 =	sadd.s32 s20, s30  }
0x16f: {  	[hbm4b:s28+s2] =	stream.strided.scatter [tilespmem:s8], [sflag:$0x7], $0xC80, s0, s2, $0x38;
	[tilespmem:$0x19C80] =	vst v63  }
0x170: {  	s14 =	simm.s32 $0x2580;
	s28 =	sadd.s32 s20, s10  }
0x171: {  	[hbm4b:s28+s2] =	stream.strided.scatter [tilespmem:s14], [sflag:$0x7], $0xC80, s0, s2, $0x38;
	[tilespmem:$0x19C80] =	vst v63  }
0x172: {  	s14 =	sld [smem:$0x7F7];
	_ =	sdelay $0x2  }
0x173: {  	s24 =	simm.s32 $0x3200;
	s28 =	sadd.s32 s20, s14  }
0x174: {  	[hbm4b:s28+s2] =	stream.strided.scatter [tilespmem:s24], [sflag:$0x7], $0xC80, s0, s2, $0x38;
	[tilespmem:$0x19C80] =	vst v63  }
0x175: {  	s24 =	sld [smem:$0x7F8];
	_ =	sdelay $0x2  }
0x176: {  	s8 =	simm.s32 $0x3E80;
	s28 =	sadd.s32 s20, s24  }
0x177: {  	[hbm4b:s28+s2] =	stream.strided.scatter [tilespmem:s8], [sflag:$0x7], $0xC80, s0, s2, $0x38;
	[tilespmem:$0x19C80] =	vst v63  }
0x178: {  	s28 =	sadd.s32 s20, s25;
	s8 =	simm.s32 $0x4B00  }
0x179: {  	[hbm4b:s28+s2] =	stream.strided.scatter [tilespmem:s8], [sflag:$0x7], $0xC80, s0, s2, $0x38;
	[tilespmem:$0x19C80] =	vst v63  }
0x17a: {  	s8 =	sld [smem:$0x7F9]  }
0x17b: {  	s25 =	simm.s32 $0x5780;
	s28 =	sadd.s32 s20, s4  }
0x17c: {  	[hbm4b:s28+s2] =	stream.strided.scatter [tilespmem:s25], [sflag:$0x7], $0xC80, s0, s2, $0x38;
	[tilespmem:$0x19C80] =	vst v63  }
0x17d: {  	s28 =	sadd.s32 s20, s8;
	s8 =	sld [smem:$0x7FA]  }
0x17e: {  	s25 =	simm.s32 $0x6400  }
0x17f: {  	[hbm4b:s28+s2] =	stream.strided.scatter [tilespmem:s25], [sflag:$0x7], $0xC80, s0, s2, $0x38;
	[tilespmem:$0x19C80] =	vst v63  }
0x180: {  	s25 =	simm.s32 $0x7080;
	s28 =	sadd.s32 s20, s8;
	s8 =	sld [smem:$0x7FB]  }
0x181: {  	[hbm4b:s28+s2] =	stream.strided.scatter [tilespmem:s25], [sflag:$0x7], $0xC80, s0, s2, $0x38;
	[tilespmem:$0x19C80] =	vst v63  }
0x182: {  	s28 =	smul.u32 $0x1C00, s21;
	_ =	sdelay $0x1  }
0x183: {  	s25 =	simm.s32 $0x7D00;
	s20 =	sadd.s32 s20, s8;
	s8 =	sshrl.u32 s28, $0x3  }
0x184: {  	[hbm4b:s20+s2] =	stream.strided.scatter [tilespmem:s25], [sflag:$0x7], $0xC80, s0, s2, $0x38;
	[tilespmem:$0x19C80] =	vst v63  }
0x185: {  	s20 =	sadd.s32 s3, s8  }
0x186: {  	s25 =	simm.s32 $0x8980;
	s28 =	sadd.s32 $0x2300, s20  }
0x187: {  	[hbm4b:s28+s2] =	stream.strided.scatter [tilespmem:s25], [sflag:$0x7], $0xC80, s0, s2, $0x38;
	[tilespmem:$0x19C80] =	vst v63  }
0x188: {  	s8 =	simm.s32 $0x9600;
	s28 =	sadd.s32 $0x2680, s20  }
0x189: {  	[hbm4b:s28+s2] =	stream.strided.scatter [tilespmem:s8], [sflag:$0x7], $0xC80, s0, s2, $0x38;
	[tilespmem:$0x19C80] =	vst v63  }
0x18a: {  	s25 =	simm.s32 $0xA280;
	s28 =	sadd.s32 $0x2A00, s20  }
0x18b: {  	[hbm4b:s28+s2] =	stream.strided.scatter [tilespmem:s25], [sflag:$0x7], $0xC80, s0, s2, $0x38;
	[tilespmem:$0x19C80] =	vst v63  }
0x18c: {  	s8 =	simm.s32 $0xAF00;
	s28 =	sadd.s32 $0x2D80, s20  }
0x18d: {  	[hbm4b:s28+s2] =	stream.strided.scatter [tilespmem:s8], [sflag:$0x7], $0xC80, s0, s2, $0x38;
	[tilespmem:$0x19C80] =	vst v63  }
0x18e: {  	s31 =	sld [smem:$0x7F2];
	s25 =	simm.s32 $0xBB80;
	s28 =	sadd.s32 $0x3100, s20  }
0x18f: {  	[hbm4b:s28+s2] =	stream.strided.scatter [tilespmem:s25], [sflag:$0x7], $0xC80, s0, s2, $0x38;
	[tilespmem:$0x19C80] =	vst v63  }
0x190: {  	p0 =	seq.s32 s12, $0x310000;
	s20 =	sadd.s32 $0x3480, s20;
	s8 =	simm.s32 $0xC800  }
0x191: {  	[hbm4b:s20+s2] =	stream.strided.scatter [tilespmem:s8], [sflag:$0x7], $0xC80, s0, s2, $0x38;
	[tilespmem:$0x19C80] =	vst v63  }
0x192: {  	s4 =	rddreg [dreg:$0x0];
	s20 =	sshrl.u32 @!p0 s31, $0x3  }
0x193: {  	s25 =	simm.s32 $0x3;
	s28 =	sadd.s32 @!p0 s4, s20;
	s20 =	simm.s32 @!p0 $0x0  }
0x194: {  	[tilespmem:s20], [sflag:$0x1] =	stream.linear.gather @!p0 [hbm4b:s28+s20], $0x320, $0x38;
	[tilespmem:$0x19C80] =	vst v63  }
0x195: {  	_ =	swait.ge [sflag:s25], $0x320  }
0x196: {  	[sflag:s25] =	ssyncset.done $0x0  }
0x197: {  	[sflag:s25] =	ssyncadd.s32 $0xFFFFFCE0  }
0x198: {  	_ =	swait.ge [sflag:s29], $0xC80  }
0x199: {  	[sflag:s29] =	ssyncset.done $0x0  }
0x19a: {  	[sflag:s29] =	ssyncadd.s32 $0xFFFFF380  }
0x19b: {  	_ =	swait.ge [sflag:s29], $0xC80  }
0x19c: {  	[sflag:s29] =	ssyncset.done $0x0  }
0x19d: {  	[sflag:s29] =	ssyncadd.s32 $0xFFFFF380  }
0x19e: {  	_ =	swait.ge [sflag:s29], $0xC80  }
0x19f: {  	[sflag:s29] =	ssyncset.done $0x0  }
0x1a0: {  	[sflag:s29] =	ssyncadd.s32 $0xFFFFF380  }
0x1a1: {  	_ =	swait.ge [sflag:s29], $0xC80  }
0x1a2: {  	[sflag:s29] =	ssyncset.done $0x0  }
0x1a3: {  	[sflag:s29] =	ssyncadd.s32 $0xFFFFF380  }
0x1a4: {  	_ =	swait.ge [sflag:s29], $0xC80  }
0x1a5: {  	[sflag:s29] =	ssyncset.done $0x0  }
0x1a6: {  	[sflag:s29] =	ssyncadd.s32 $0xFFFFF380  }
0x1a7: {  	_ =	swait.ge [sflag:s29], $0xC80  }
0x1a8: {  	[sflag:s29] =	ssyncset.done $0x0  }
0x1a9: {  	[sflag:s29] =	ssyncadd.s32 $0xFFFFF380  }
0x1aa: {  	_ =	swait.ge [sflag:s29], $0xC80  }
0x1ab: {  	[sflag:s29] =	ssyncset.done $0x0  }
0x1ac: {  	[sflag:s29] =	ssyncadd.s32 $0xFFFFF380  }
0x1ad: {  	_ =	swait.ge [sflag:s29], $0xC80  }
0x1ae: {  	[sflag:s29] =	ssyncset.done $0x0  }
0x1af: {  	[sflag:s29] =	ssyncadd.s32 $0xFFFFF380  }
0x1b0: {  	_ =	swait.ge [sflag:s29], $0xC80  }
0x1b1: {  	[sflag:s29] =	ssyncset.done $0x0  }
0x1b2: {  	[sflag:s29] =	ssyncadd.s32 $0xFFFFF380  }
0x1b3: {  	_ =	swait.ge [sflag:s29], $0xC80  }
0x1b4: {  	[sflag:s29] =	ssyncset.done $0x0  }
0x1b5: {  	[sflag:s29] =	ssyncadd.s32 $0xFFFFF380  }
0x1b6: {  	_ =	swait.ge [sflag:s29], $0xC80  }
0x1b7: {  	[sflag:s29] =	ssyncset.done $0x0  }
0x1b8: {  	[sflag:s29] =	ssyncadd.s32 $0xFFFFF380  }
0x1b9: {  	_ =	swait.ge [sflag:s29], $0xC80  }
0x1ba: {  	[sflag:s29] =	ssyncset.done $0x0  }
0x1bb: {  	[sflag:s29] =	ssyncadd.s32 $0xFFFFF380  }
0x1bc: {  	_ =	swait.ge [sflag:s29], $0xC80  }
0x1bd: {  	[sflag:s29] =	ssyncset.done $0x0  }
0x1be: {  	[sflag:s29] =	ssyncadd.s32 $0xFFFFF380  }
0x1bf: {  	_ =	swait.ge [sflag:s29], $0xC80  }
0x1c0: {  	[sflag:s29] =	ssyncset.done $0x0  }
0x1c1: {  	[sflag:s29] =	ssyncadd.s32 $0xFFFFF380  }
0x1c2: {  	_ =	swait.ge [sflag:s29], $0xC80  }
0x1c3: {  	[sflag:s29] =	ssyncset.done $0x0  }
0x1c4: {  	[sflag:s29] =	ssyncadd.s32 $0xFFFFF380  }
0x1c5: {  	_ =	swait.ge [sflag:s29], $0xC80  }
0x1c6: {  	s23 =	simm.s32 $0xC80;
	s13 =	simm.s32 $0x320;
	[sflag:s29] =	ssyncset.done $0x0  }
0x1c7: {  	s28 =	sor.u32 $0x10, s21;
	s25 =	simm.s32 $0x640;
	[sflag:s29] =	ssyncadd.s32 $0xFFFFF380  }
0x1c8: {  	[tilespmem:s23], [sflag:$0x5] =	stream.indirect.gather [hbm4b:s6+s13], $0x40, s25, s13, $0xb8;
	[tilespmem:$0x19C80] =	vst v63  }
0x1c9: {  	s4 =	smul.u32 $0x380, s28;
	_ =	swait.ge [sflag:s5], $0xC800  }
0x1ca: {  	[sflag:s5] =	ssyncset.done $0x0  }
0x1cb: {  	s8 =	simm.s32 $0xD480;
	[sflag:s5] =	ssyncadd.s32 $0xFFFF3800;
	s5 =	sadd.s32 s3, s4  }
0x1cc: {  	[hbm4b:s5+s2] =	stream.strided.scatter [tilespmem:s8], [sflag:$0x8], $0xC80, s0, s2, $0x38;
	[tilespmem:$0x19C80] =	vst v63  }
0x1cd: {  	s5 =	sadd.s32 s4, s30  }
0x1ce: {  	[hbm4b:s5+s2] =	stream.strided.scatter [tilespmem:s15], [sflag:$0x8], $0xC80, s0, s2, $0x38;
	[tilespmem:$0x19C80] =	vst v63  }
0x1cf: {  	s4 =	sadd.s32 s4, s10;
	s5 =	smul.u32 $0x1C00, s28  }
0x1d0: {  	[hbm4b:s4+s2] =	stream.strided.scatter [tilespmem:s17], [sflag:$0x8], $0xC80, s0, s2, $0x38;
	[tilespmem:$0x19C80] =	vst v63  }
0x1d1: {  	s15 =	sshrl.u32 s5, $0x3  }
0x1d2: {  	s4 =	sadd.s32 s3, s15  }
0x1d3: {  	s17 =	sadd.s32 $0xA80, s4  }
0x1d4: {  	[hbm4b:s17+s2] =	stream.strided.scatter [tilespmem:s19], [sflag:$0x8], $0xC80, s0, s2, $0x38;
	[tilespmem:$0x19C80] =	vst v63  }
0x1d5: {  	s19 =	sadd.s32 $0xE00, s4  }
0x1d6: {  	[hbm4b:s19+s2] =	stream.strided.scatter [tilespmem:s22], [sflag:$0x8], $0xC80, s0, s2, $0x38;
	[tilespmem:$0x19C80] =	vst v63  }
0x1d7: {  	s22 =	sadd.s32 $0x1180, s4  }
0x1d8: {  	[hbm4b:s22+s2] =	stream.strided.scatter [tilespmem:s26], [sflag:$0x8], $0xC80, s0, s2, $0x38;
	[tilespmem:$0x19C80] =	vst v63  }
0x1d9: {  	s26 =	sadd.s32 $0x1500, s4  }
0x1da: {  	[hbm4b:s26+s2] =	stream.strided.scatter [tilespmem:s18], [sflag:$0x8], $0xC80, s0, s2, $0x38;
	[tilespmem:$0x19C80] =	vst v63  }
0x1db: {  	s5 =	sadd.s32 $0x1880, s4  }
0x1dc: {  	[hbm4b:s5+s2] =	stream.strided.scatter [tilespmem:s11], [sflag:$0x8], $0xC80, s0, s2, $0x38;
	[tilespmem:$0x19C80] =	vst v63  }
0x1dd: {  	s15 =	sadd.s32 $0x1C00, s4  }
0x1de: {  	[hbm4b:s15+s2] =	stream.strided.scatter [tilespmem:s16], [sflag:$0x8], $0xC80, s0, s2, $0x38;
	[tilespmem:$0x19C80] =	vst v63  }
0x1df: {  	s17 =	sadd.s32 $0x1F80, s4  }
0x1e0: {  	[hbm4b:s17+s2] =	stream.strided.scatter [tilespmem:s1], [sflag:$0x8], $0xC80, s0, s2, $0x38;
	[tilespmem:$0x19C80] =	vst v63  }
0x1e1: {  	s19 =	simm.s32 $0x15180;
	s18 =	sadd.s32 $0x2300, s4  }
0x1e2: {  	[hbm4b:s18+s2] =	stream.strided.scatter [tilespmem:s19], [sflag:$0x8], $0xC80, s0, s2, $0x38;
	[tilespmem:$0x19C80] =	vst v63  }
0x1e3: {  	s22 =	sadd.s32 $0x2680, s4;
	s26 =	simm.s32 $0x15E00  }
0x1e4: {  	[hbm4b:s22+s2] =	stream.strided.scatter [tilespmem:s26], [sflag:$0x8], $0xC80, s0, s2, $0x38;
	[tilespmem:$0x19C80] =	vst v63  }
0x1e5: {  	s5 =	sadd.s32 $0x2A00, s4;
	s11 =	simm.s32 $0x16A80  }
0x1e6: {  	[hbm4b:s5+s2] =	stream.strided.scatter [tilespmem:s11], [sflag:$0x8], $0xC80, s0, s2, $0x38;
	[tilespmem:$0x19C80] =	vst v63  }
0x1e7: {  	s15 =	sadd.s32 $0x2D80, s4;
	s16 =	simm.s32 $0x17700  }
0x1e8: {  	[hbm4b:s15+s2] =	stream.strided.scatter [tilespmem:s16], [sflag:$0x8], $0xC80, s0, s2, $0x38;
	[tilespmem:$0x19C80] =	vst v63  }
0x1e9: {  	s17 =	sadd.s32 $0x3100, s4;
	s18 =	simm.s32 $0x18380  }
0x1ea: {  	[hbm4b:s17+s2] =	stream.strided.scatter [tilespmem:s18], [sflag:$0x8], $0xC80, s0, s2, $0x38;
	[tilespmem:$0x19C80] =	vst v63  }
0x1eb: {  	s4 =	sadd.s32 $0x3480, s4;
	s19 =	simm.s32 $0x19000;
	s5 =	sld [smem:$0x7F6]  }
0x1ec: {  	[hbm4b:s4+s2] =	stream.strided.scatter [tilespmem:s19], [sflag:$0x8], $0xC80, s0, s2, $0x38;
	[tilespmem:$0x19C80] =	vst v63  }
0x1ed: {  	s4 =	simm.s32 @!p0 $0x320  }
0x1ee: {  	[tilespmem:s4], [sflag:$0x2] =	stream.linear.gather @!p0 [hbm4b:s5+s20], $0x320, $0x38;
	[tilespmem:$0x19C80] =	vst v63  }
0x1ef: {  	s20 =	simm.s32 $0x4  }
0x1f0: {  	_ =	swait.ge [sflag:s20], $0x320  }
0x1f1: {  	[sflag:s20] =	ssyncset.done $0x0  }
0x1f2: {  	[sflag:s20] =	ssyncadd.s32 $0xFFFFFCE0  }
0x1f3: {  	_ =	swait.ge [sflag:s7], $0xC80  }
0x1f4: {  	[sflag:s7] =	ssyncset.done $0x0  }
0x1f5: {  	[sflag:s7] =	ssyncadd.s32 $0xFFFFF380  }
0x1f6: {  	_ =	swait.ge [sflag:s7], $0xC80  }
0x1f7: {  	[sflag:s7] =	ssyncset.done $0x0  }
0x1f8: {  	[sflag:s7] =	ssyncadd.s32 $0xFFFFF380  }
0x1f9: {  	_ =	swait.ge [sflag:s7], $0xC80  }
0x1fa: {  	[sflag:s7] =	ssyncset.done $0x0  }
0x1fb: {  	[sflag:s7] =	ssyncadd.s32 $0xFFFFF380  }
0x1fc: {  	_ =	swait.ge [sflag:s7], $0xC80  }
0x1fd: {  	[sflag:s7] =	ssyncset.done $0x0  }
0x1fe: {  	[sflag:s7] =	ssyncadd.s32 $0xFFFFF380  }
0x1ff: {  	_ =	swait.ge [sflag:s7], $0xC80  }
0x200: {  	[sflag:s7] =	ssyncset.done $0x0  }
0x201: {  	[sflag:s7] =	ssyncadd.s32 $0xFFFFF380  }
0x202: {  	_ =	swait.ge [sflag:s7], $0xC80  }
0x203: {  	[sflag:s7] =	ssyncset.done $0x0  }
0x204: {  	[sflag:s7] =	ssyncadd.s32 $0xFFFFF380  }
0x205: {  	_ =	swait.ge [sflag:s7], $0xC80  }
0x206: {  	[sflag:s7] =	ssyncset.done $0x0  }
0x207: {  	[sflag:s7] =	ssyncadd.s32 $0xFFFFF380  }
0x208: {  	_ =	swait.ge [sflag:s7], $0xC80  }
0x209: {  	[sflag:s7] =	ssyncset.done $0x0  }
0x20a: {  	[sflag:s7] =	ssyncadd.s32 $0xFFFFF380  }
0x20b: {  	_ =	swait.ge [sflag:s7], $0xC80  }
0x20c: {  	[sflag:s7] =	ssyncset.done $0x0  }
0x20d: {  	[sflag:s7] =	ssyncadd.s32 $0xFFFFF380  }
0x20e: {  	_ =	swait.ge [sflag:s7], $0xC80  }
0x20f: {  	[sflag:s7] =	ssyncset.done $0x0  }
0x210: {  	[sflag:s7] =	ssyncadd.s32 $0xFFFFF380  }
0x211: {  	_ =	swait.ge [sflag:s7], $0xC80  }
0x212: {  	[sflag:s7] =	ssyncset.done $0x0  }
0x213: {  	[sflag:s7] =	ssyncadd.s32 $0xFFFFF380  }
0x214: {  	_ =	swait.ge [sflag:s7], $0xC80  }
0x215: {  	[sflag:s7] =	ssyncset.done $0x0  }
0x216: {  	[sflag:s7] =	ssyncadd.s32 $0xFFFFF380  }
0x217: {  	_ =	swait.ge [sflag:s7], $0xC80  }
0x218: {  	[sflag:s7] =	ssyncset.done $0x0  }
0x219: {  	[sflag:s7] =	ssyncadd.s32 $0xFFFFF380  }
0x21a: {  	_ =	swait.ge [sflag:s7], $0xC80  }
0x21b: {  	[sflag:s7] =	ssyncset.done $0x0  }
0x21c: {  	[sflag:s7] =	ssyncadd.s32 $0xFFFFF380  }
0x21d: {  	_ =	swait.ge [sflag:s7], $0xC80  }
0x21e: {  	[sflag:s7] =	ssyncset.done $0x0  }
0x21f: {  	[sflag:s7] =	ssyncadd.s32 $0xFFFFF380  }
0x220: {  	_ =	swait.ge [sflag:s7], $0xC80  }
0x221: {  	[sflag:s7] =	ssyncset.done $0x0  }
0x222: {  	s23 =	sor.u32 $0x20, s21;
	s22 =	simm.s32 $0x960;
	[sflag:s7] =	ssyncadd.s32 $0xFFFFF380  }
0x223: {  	[tilespmem:s8], [sflag:$0x6] =	stream.indirect.gather [hbm4b:s6+s13], $0x40, s22, s13, $0xb8;
	[tilespmem:$0x19C80] =	vst v63  }
0x224: {  	s26 =	smul.u32 $0x380, s23;
	_ =	swait.ge [sflag:s9], $0xC800  }
0x225: {  	s21 =	simm.s32 $0x4B00;
	s28 =	simm.s32 $0x19000;
	[sflag:s9] =	ssyncset.done $0x0  }
0x226: {  	s1 =	sadd.s32 s3, s26;
	s13 =	simm.s32 $0xC80;
	[sflag:s9] =	ssyncadd.s32 $0xFFFF3800  }
0x227: {  	[hbm4b:s1+s2] =	stream.strided.scatter [tilespmem:s13], [sflag:$0x7], $0xC80, s0, s2, $0x38;
	[tilespmem:$0x19C80] =	vst v63  }
0x228: {  	s11 =	sadd.s32 s26, s10;
	s8 =	sadd.s32 s26, s30;
	s9 =	simm.s32 $0x1900  }
0x229: {  	[hbm4b:s8+s2] =	stream.strided.scatter [tilespmem:s9], [sflag:$0x7], $0xC80, s0, s2, $0x38;
	[tilespmem:$0x19C80] =	vst v63  }
0x22a: {  	s15 =	simm.s32 $0x2580;
	s16 =	sadd.s32 s26, s14;
	s4 =	smul.u32 $0x1C00, s23  }
0x22b: {  	[hbm4b:s11+s2] =	stream.strided.scatter [tilespmem:s15], [sflag:$0x7], $0xC80, s0, s2, $0x38;
	[tilespmem:$0x19C80] =	vst v63  }
0x22c: {  	s17 =	simm.s32 $0x3200;
	s18 =	simm.s32 $0x3E80;
	s4 =	sshrl.u32 s4, $0x3  }
0x22d: {  	[hbm4b:s16+s2] =	stream.strided.scatter [tilespmem:s17], [sflag:$0x7], $0xC80, s0, s2, $0x38;
	[tilespmem:$0x19C80] =	vst v63  }
0x22e: {  	s23 =	simm.s32 $0x5780;
	s20 =	sadd.s32 s26, s24;
	s4 =	sadd.s32 s3, s4  }
0x22f: {  	[hbm4b:s20+s2] =	stream.strided.scatter [tilespmem:s18], [sflag:$0x7], $0xC80, s0, s2, $0x38;
	[tilespmem:$0x19C80] =	vst v63  }
0x230: {  	s19 =	sadd.s32 $0x1180, s4;
	s24 =	sadd.s32 $0x1880, s4;
	s14 =	sadd.s32 $0x2300, s4  }
0x231: {  	[hbm4b:s19+s2] =	stream.strided.scatter [tilespmem:s21], [sflag:$0x7], $0xC80, s0, s2, $0x38;
	[tilespmem:$0x19C80] =	vst v63  }
0x232: {  	s22 =	sadd.s32 $0x1500, s4;
	s26 =	simm.s32 $0x6400;
	s1 =	sadd.s32 $0x1C00, s4  }
0x233: {  	[hbm4b:s22+s2] =	stream.strided.scatter [tilespmem:s23], [sflag:$0x7], $0xC80, s0, s2, $0x38;
	[tilespmem:$0x19C80] =	vst v63  }
0x234: {  	s8 =	simm.s32 $0x7080;
	s9 =	sadd.s32 $0x1F80, s4;
	s11 =	simm.s32 $0x7D00  }
0x235: {  	[hbm4b:s24+s2] =	stream.strided.scatter [tilespmem:s26], [sflag:$0x7], $0xC80, s0, s2, $0x38;
	[tilespmem:$0x19C80] =	vst v63  }
0x236: {  	s15 =	simm.s32 $0x8980;
	s16 =	sadd.s32 $0x2680, s4;
	s17 =	simm.s32 $0x9600  }
0x237: {  	[hbm4b:s1+s2] =	stream.strided.scatter [tilespmem:s8], [sflag:$0x7], $0xC80, s0, s2, $0x38;
	[tilespmem:$0x19C80] =	vst v63  }
0x238: {  	s18 =	sadd.s32 $0x2A00, s4;
	s20 =	simm.s32 $0x16A80;
	s19 =	simm.s32 $0xA280  }
0x239: {  	[hbm4b:s9+s2] =	stream.strided.scatter [tilespmem:s11], [sflag:$0x7], $0xC80, s0, s2, $0x38;
	[tilespmem:$0x19C80] =	vst v63  }
0x23a: {  	s21 =	sadd.s32 $0x2D80, s4;
	s22 =	simm.s32 $0xAF00;
	s23 =	sadd.s32 $0x3100, s4  }
0x23b: {  	[hbm4b:s14+s2] =	stream.strided.scatter [tilespmem:s15], [sflag:$0x7], $0xC80, s0, s2, $0x38;
	[tilespmem:$0x19C80] =	vst v63  }
0x23c: {  	s4 =	sadd.s32 $0x3480, s4;
	s24 =	simm.s32 $0xBB80;
	s26 =	simm.s32 $0xC800  }
0x23d: {  	[hbm4b:s16+s2] =	stream.strided.scatter [tilespmem:s17], [sflag:$0x7], $0xC80, s0, s2, $0x38;
	[tilespmem:$0x19C80] =	vst v63  }
0x23e: {  	s8 =	simm.s32 $0x960;
	s1 =	simm.s32 $0x15E00;
	s9 =	simm.s32 $0xED80  }
0x23f: {  	[hbm4b:s18+s2] =	stream.strided.scatter [tilespmem:s19], [sflag:$0x7], $0xC80, s0, s2, $0x38;
	[tilespmem:$0x19C80] =	vst v63  }
0x240: {  	s11 =	simm.s32 $0x13880;
	s15 =	simm.s32 $0xFA00;
	s16 =	simm.s32 $0x10680  }
0x241: {  	[hbm4b:s21+s2] =	stream.strided.scatter [tilespmem:s22], [sflag:$0x7], $0xC80, s0, s2, $0x38;
	[tilespmem:$0x19C80] =	vst v63  }
.Ltmp4:
0x242: {  	s17 =	simm.s32 $0x11300;
	s18 =	simm.s32 $0x11F80;
	(pc) =	sbr.rel @p0 .LBB2_7-.Ltmp4, $4  }
0x243: {  	[hbm4b:s23+s2] =	stream.strided.scatter [tilespmem:s24], [sflag:$0x7], $0xC80, s0, s2, $0x38;
	[tilespmem:$0x19C80] =	vst v63  }
0x244: {  	s19 =	simm.s32 $0x12C00;
	s22 =	simm.s32 $0x14500;
	s21 =	simm.s32 $0x17700  }
0x245: {  	[hbm4b:s4+s2] =	stream.strided.scatter [tilespmem:s26], [sflag:$0x7], $0xC80, s0, s2, $0x38;
	[tilespmem:$0x19C80] =	vst v63  }
0x246: {  	s23 =	simm.s32 $0x18380;
	s24 =	sld [smem:$0x7F1];
	s26 =	simm.s32 $0x15180  }
0x247: {  	s4 =	sld [smem:$0x7F5]  }
0x248: {  	s23 =	simm.s32 $0x0;
	s5 =	sadd.s32 $0x190, s5;
	s8 =	sld [smem:$0x7F3]  }
.Ltmp5:
0x249: {  	s31 =	sadd.s32 $0xC80, s31;
	s14 =	sld [smem:$0x7FD];
	(pc) =	sbr.rel .LBB2_2-.Ltmp5, $4  }
0x24a: {  	s12 =	sadd.s32 $0x70000, s12;
	s28 =	simm.s32 $0x6;
	[smem:$0x7F6] =	sst s5  }
0x24b: {  	[tilespmem:s25], [sflag:$0x3] =	stream.linear.gather [hbm4b:s24+s23], $0x320, $0x38;
	[tilespmem:$0x19C80] =	vst v63  }
0x24c: {  	s5 =	simm.s32 $0xE100;
	s25 =	sld [smem:$0x7FC];
	s4 =	sadd.s32 $0x40, s4  }
0x24d: {  	s24 =	sadd.s32 $0x190, s24;
	s8 =	sadd.s32 $0x190, s8;
	[smem:$0x7F5] =	sst s4  }
.LBB2_8:
0x24e: {  	_ =	sfence.sel $0x180000  }
0x24f: {  	[bflag:$0x0] =	sbarrier.arrive $0xFFFF  }
0x250: {  	_ =	strace $0x90000047  }
0x251: {  	s0 =	stileid.u32;
	[bflag:$0x2] =	sbarrier.arrive $0xFFFF  }
0x252: {  	p0 =	sne.s32 s0, $0x0;
	s0 =	rddreg [dreg:$0x3]  }
0x253: {  	s0 =	sadd.s32 @!p0 $0x100000, s0  }
0x254: {  	[sflag:s0] =	ssyncadd.tile.s32 @!p0 $0x1;
	_ =	shalt  }
.Lfunc_end2:
_tile_overlayer_lowered:
.L_overlay_start_2:
0x255: {  	(tag) =	ssettag $0x2  }
0x256: {  	s0 =	rddreg [dreg:$0x0];
	s2 =	stileid.u32  }
0x257: {  	s1 =	rddreg [dreg:$0x1];
	p0 =	sne.s32 s2, $0x0  }
0x258: {  	s3 =	rddreg [dreg:$0x2];
	[bflag:$0x3] =	sbarrier.arrive $0xFFFF;
	s2 =	simm.s32 @!p0 $0x1C09  }
0x259: {  	[timem:s3], [sflag:s2] =	dma.local @!p0 [hbm:s0], s1  }
0x25a: {  	s0 =	simm.s32 @!p0 $0x9  }
0x25b: {  	_ =	swait.ge @!p0 [sflag:s0], s1  }
0x25c: {  	s1 =	ssub.s32 @!p0 $0x0, s1;
	[sflag:s0] =	ssyncset.done @!p0 $0x0  }
0x25d: {  	[sflag:s0] =	ssyncadd.s32 @!p0 s1  }
0x25e: {  	[bflag:$0x3] =	sbarrier.arrive $0xFFFF  }
0x25f: {  	_ =	shalt  }

</sc_bundles>
